<compile_context>
chip_gen: v7x
topology: tpu7x:2x2x1
jax: 0.10.2.dev20260603
libtpu: 0.0.44.dev20260713+nightly
codegen_flags: <defaults>
</compile_context>

<pallas_src>
import functools

import jax
import jax.numpy as jnp
from jax import lax
from jax.experimental import pallas as pl
from jax.experimental.pallas import tpu as pltpu
from jax.experimental.pallas import tpu_sc as plsc

N, E, D, H, DE, A, B = 10000, 320000, 128, 128, 16, 32, 8
NC, NS, L = 2, 16, 16
NW = NC * NS
EPW = E // NW
CH = 80
NCHUNK = EPW // CH
RPT = 640
RZB = 80


def _leaky(x):
    return jnp.where(x >= 0, x, 0.01 * x)


NSLOT = 4


@functools.cache
def _get_sc_aggregate():
    mesh = plsc.VectorSubcoreMesh(core_axis_name="c", subcore_axis_name="s",
                                  num_cores=NC, num_subcores=NS)
    return functools.partial(
        pl.kernel,
        out_type=jax.ShapeDtypeStruct((NC, N, D), jnp.float32),
        mesh=mesh,
        scratch_types=(
            [pltpu.VMEM((CH,), jnp.int32) for _ in range(NSLOT)]
            + [pltpu.VMEM((CH,), jnp.int32) for _ in range(NSLOT)]
            + [pltpu.VMEM((CH, D), jnp.float32) for _ in range(NSLOT)]
            + [pltpu.VMEM_SHARED((N, D), jnp.float32)]
            + [pltpu.SemaphoreType.DMA for _ in range(4 * NSLOT)]
        ),
    )(_sc_aggregate_body)


def _sc_aggregate_body(h_hbm, src_hbm, dst_hbm, e_hbm, out_hbm, *scr):
    sidx = scr[0:NSLOT]
    didx = scr[NSLOT:2 * NSLOT]
    ebuf = scr[2 * NSLOT:3 * NSLOT]
    accum = scr[3 * NSLOT]
    sems = scr[3 * NSLOT + 1:]
    zbuf = ebuf[0]
    semio = sems[0:NSLOT]
    seme = sems[NSLOT:2 * NSLOT]
    semg = sems[2 * NSLOT:3 * NSLOT]
    semsc = sems[3 * NSLOT:4 * NSLOT]

    cid = lax.axis_index("c")
    sid = lax.axis_index("s")
    wid = cid * NS + sid

    def _zrow(i, c):
        for j in range(D // L):
            zbuf[i, pl.ds(j * L, L)] = jnp.zeros((L,), jnp.float32)
        return c
    lax.fori_loop(0, RZB, _zrow, 0)
    row0 = sid * RPT
    nblk = jnp.where(sid == NS - 1, 5, RPT // RZB)

    def _zcopy(k, c):
        pltpu.sync_copy(zbuf, accum.at[pl.ds(row0 + k * RZB, RZB)])
        return c
    lax.fori_loop(0, nblk, _zcopy, 0)
    plsc.subcore_barrier()

    base_w = wid * EPW

    def _idx_descs(c, s):
        base = base_w + c * CH
        return (
            pltpu.make_async_copy(src_hbm.at[pl.ds(base, CH)], sidx[s], semio[s]),
            pltpu.make_async_copy(dst_hbm.at[pl.ds(base, CH)], didx[s], semio[s]),
        )

    def _e_desc(c, s):
        base = base_w + c * CH
        return pltpu.make_async_copy(e_hbm.at[pl.ds(base, CH)], ebuf[s], seme[s])

    def _gadd_desc(s):
        return pltpu.make_async_copy(h_hbm.at[sidx[s]], ebuf[s], semg[s])

    def _sc_desc(s):
        return pltpu.make_async_copy(ebuf[s], accum.at[didx[s]], semsc[s])

    for c in (0, 1):
        for d_ in _idx_descs(c, c):
            d_.start()
        _e_desc(c, c).start()
    for d_ in _idx_descs(0, 0):
        d_.wait()
    _e_desc(0, 0).wait()
    _gadd_desc(0).start(add=True)

    def _half(i, j):
        @pl.when(i <= NCHUNK - 1)
        def _():
            s1 = (j + 1) % NSLOT
            s2 = (j + 2) % NSLOT

            @pl.when(i >= 2)
            def _():
                _sc_desc(s2).wait()

            @pl.when(i + 2 <= NCHUNK - 1)
            def _():
                for d_ in _idx_descs(i + 2, s2):
                    d_.start()
                _e_desc(i + 2, s2).start()

            @pl.when(i + 1 <= NCHUNK - 1)
            def _():
                for d_ in _idx_descs(i + 1, s1):
                    d_.wait()
                _e_desc(i + 1, s1).wait()
                _gadd_desc(s1).start(add=True)

            _gadd_desc(j).wait()

            @plsc.parallel_loop(0, CH, step=1, unroll=4)
            def _row(r):
                for jj in range(D // L):
                    sl = pl.ds(jj * L, L)
                    ebuf[j][r, sl] = jnp.maximum(ebuf[j][r, sl], 0.0)

            _sc_desc(j).start(add=True)

    def _quad(k, c):
        for j in range(NSLOT):
            _half(NSLOT * k + j, j)
        return c
    lax.fori_loop(0, (NCHUNK + NSLOT - 1) // NSLOT, _quad, 0)
    _sc_desc((NCHUNK - 2) % NSLOT).wait()
    _sc_desc((NCHUNK - 1) % NSLOT).wait()
    plsc.subcore_barrier()

    def _wcopy(k, c):
        r = row0 + k * RZB
        pltpu.sync_copy(accum.at[pl.ds(r, RZB)], zbuf)
        pltpu.sync_copy(zbuf, out_hbm.at[cid, pl.ds(r, RZB)])
        return c
    lax.fori_loop(0, nblk, _wcopy, 0)


_EBLK = 6400


def _edge_emb(edge_attr, We1, be1, We2, be2):
    def body(a_ref, w1_ref, b1_ref, w2_ref, b2_ref, o1_ref, o2_ref):
        a = a_ref[...]
        o1_ref[...] = jnp.dot(a, w1_ref[...],
                              preferred_element_type=jnp.float32) + b1_ref[...]
        o2_ref[...] = jnp.dot(a, w2_ref[...],
                              preferred_element_type=jnp.float32) + b2_ref[...]

    return pl.pallas_call(
        body,
        grid=(E // _EBLK,),
        in_specs=[
            pl.BlockSpec((_EBLK, DE), lambda i: (i, 0)),
            pl.BlockSpec((DE, D), lambda i: (0, 0)),
            pl.BlockSpec((1, D), lambda i: (0, 0)),
            pl.BlockSpec((DE, D), lambda i: (0, 0)),
            pl.BlockSpec((1, D), lambda i: (0, 0)),
        ],
        out_specs=[pl.BlockSpec((_EBLK, D), lambda i: (i, 0))] * 2,
        out_shape=[jax.ShapeDtypeStruct((E, D), jnp.float32)] * 2,
    )(edge_attr, We1, be1.reshape(1, D), We2, be2.reshape(1, D))


def _node_mlp(h, p0, p1, Wa, ba, Wb, bb, final_relu):
    def body(h_ref, p0_ref, p1_ref, wa_ref, ba_ref, wb_ref, bb_ref, o_ref):
        u = h_ref[...] + p0_ref[...] + p1_ref[...]
        u = _leaky(jnp.dot(u, wa_ref[...],
                           preferred_element_type=jnp.float32) + ba_ref[...])
        u = _leaky(jnp.dot(u, wb_ref[...],
                           preferred_element_type=jnp.float32) + bb_ref[...])
        if final_relu:
            u = jnp.maximum(u, 0.0)
        o_ref[...] = u

    return pl.pallas_call(
        body,
        out_shape=jax.ShapeDtypeStruct((N, D), jnp.float32),
    )(h, p0, p1, Wa, ba.reshape(1, D), Wb, bb.reshape(1, D))


def _tail(h1, q0, q1, W2a, b2a, W2b, b2b, Wa1, ba1, Wa2, ba2,
          Wn1, bn1, Wn2, bn2, Wn3, bn3):
    def body(h_ref, q0_ref, q1_ref, w2a_ref, b2a_ref, w2b_ref, b2b_ref,
             wa1_ref, ba1_ref, wa2_ref, ba2_ref,
             wn1_ref, bn1_ref, wn2_ref, bn2_ref, wn3_ref, bn3_ref,
             act_ref, s_ref):
        u = h_ref[...] + q0_ref[...] + q1_ref[...]
        u = _leaky(jnp.dot(u, w2a_ref[...],
                           preferred_element_type=jnp.float32) + b2a_ref[...])
        h2 = _leaky(jnp.dot(u, w2b_ref[...],
                            preferred_element_type=jnp.float32) + b2b_ref[...])

        grp = lax.broadcasted_iota(jnp.int32, (B, N), 0)
        row = lax.broadcasted_iota(jnp.int32, (B, N), 1) // (N // B)
        sel = jnp.where(grp == row, 1.0 / (N // B), 0.0)
        xm = jnp.dot(sel, h2, preferred_element_type=jnp.float32)

        a = _leaky(jnp.dot(xm, wa1_ref[...],
                           preferred_element_type=jnp.float32) + ba1_ref[...])
        lg = _leaky(jnp.dot(a, wa2_ref[...],
                            preferred_element_type=jnp.float32) + ba2_ref[...])
        z = lg - jnp.max(lg, axis=1, keepdims=True)
        ez = jnp.exp(z)
        act_ref[...] = ez / jnp.sum(ez, axis=1, keepdims=True)

        v = _leaky(jnp.dot(h2, wn1_ref[...],
                           preferred_element_type=jnp.float32) + bn1_ref[...])
        v = _leaky(jnp.dot(v, wn2_ref[...],
                           preferred_element_type=jnp.float32) + bn2_ref[...])
        r = jnp.sum(v * wn3_ref[...], axis=1, keepdims=True) + bn3_ref[...]
        s_ref[...] = 1.0 / (1.0 + jnp.exp(-r))

    return pl.pallas_call(
        body,
        out_shape=[jax.ShapeDtypeStruct((B, A), jnp.float32),
                   jax.ShapeDtypeStruct((N, 1), jnp.float32)],
    )(h1, q0, q1, W2a, b2a.reshape(1, D), W2b, b2b.reshape(1, D),
      Wa1, ba1.reshape(1, H), Wa2, ba2.reshape(1, A),
      Wn1, bn1.reshape(1, H), Wn2, bn2.reshape(1, H),
      Wn3.reshape(1, H), bn3.reshape(1, 1))


def kernel(x, edge_index, edge_attr, We1, be1, W1a, b1a, W1b, b1b,
           We2, be2, W2a, b2a, W2b, b2b, Wa1, ba1, Wa2, ba2,
           Wn1, bn1, Wn2, bn2, Wn3, bn3):
    src = edge_index[0]
    dst = edge_index[1]
    e1, e2 = _edge_emb(edge_attr, We1, be1, We2, be2)

    p = _get_sc_aggregate()(x, src, dst, e1)
    h1 = _node_mlp(x, p[0], p[1], W1a, b1a, W1b, b1b, final_relu=True)
    q = _get_sc_aggregate()(h1, src, dst, e2)

    action_prob, s = _tail(h1, q[0], q[1], W2a, b2a, W2b, b2b,
                           Wa1, ba1, Wa2, ba2, Wn1, bn1, Wn2, bn2, Wn3, bn3)
    node_scores = s[:, 0].reshape(N // B, B).T
    return (action_prob, node_scores)

# --- scband reference (transcript-rebuilt; emitter-appended) ---
"""Pipeline reference for scband-action-model-43954695307986 (READ-ONLY COPY).

The authoritative reference and input builder live on the scoring server;
editing this copy changes nothing except your own understanding.
"""

import jax, jax.numpy as jnp
import numpy as np

N, E, D, H, DE, A, B = 10000, 320000, 128, 128, 16, 32, 8

def _leaky(x):
    return jax.nn.leaky_relu(x, negative_slope=0.01)

def setup_inputs(seed: int = 0) -> dict:
    key = jax.random.key(seed)
    ks = jax.random.split(key, 30)
    def p(k, shape):
        return jax.random.normal(k, shape, dtype=jnp.float32) * 0.05
    inp = {}
    inp['x'] = jax.random.normal(ks[0], (N, D), dtype=jnp.float32)
    inp['edge_index'] = jax.random.randint(ks[1], (2, E), 0, N, dtype=jnp.int32)
    inp['edge_attr'] = jax.random.normal(ks[2], (E, DE), dtype=jnp.float32)
    # GINEConv 1: edge lin (DE->D) + nn: Linear(D,H), LeakyReLU, Linear(H,H), LeakyReLU
    inp['We1'] = p(ks[3], (DE, D)); inp['be1'] = p(ks[4], (D,))
    inp['W1a'] = p(ks[5], (D, H)); inp['b1a'] = p(ks[6], (H,))
    inp['W1b'] = p(ks[7], (H, H)); inp['b1b'] = p(ks[8], (H,))
    # GINEConv 2: edge lin (DE->H) + nn: Linear(H,H), LeakyReLU, Linear(H,H), LeakyReLU
    inp['We2'] = p(ks[9], (DE, H)); inp['be2'] = p(ks[10], (H,))
    inp['W2a'] = p(ks[11], (H, H)); inp['b2a'] = p(ks[12], (H,))
    inp['W2b'] = p(ks[13], (H, H)); inp['b2b'] = p(ks[14], (H,))
    # action head: Linear(H,H), LeakyReLU, Linear(H,A), LeakyReLU -> softmax
    inp['Wa1'] = p(ks[15], (H, H)); inp['ba1'] = p(ks[16], (H,))
    inp['Wa2'] = p(ks[17], (H, A)); inp['ba2'] = p(ks[18], (A,))
    # node head: Linear(H,H), LeakyReLU, Linear(H,H), LeakyReLU, Linear(H,1) -> sigmoid
    inp['Wn1'] = p(ks[19], (H, H)); inp['bn1'] = p(ks[20], (H,))
    inp['Wn2'] = p(ks[21], (H, H)); inp['bn2'] = p(ks[22], (H,))
    inp['Wn3'] = p(ks[23], (H, 1)); inp['bn3'] = p(ks[24], (1,))
    return inp

def reference(x, edge_index, edge_attr, We1, be1, W1a, b1a, W1b, b1b, We2, be2, W2a, b2a, W2b, b2b, Wa1, ba1, Wa2, ba2, Wn1, bn1, Wn2, bn2, Wn3, bn3):
    src = edge_index[0]
    dst = edge_index[1]
    def gine(h, We, be, Wa, ba, Wb, bb):
        # message = ReLU(x_j + lin(edge_attr)); sum-aggregate at dst; nn((1+eps)*x + aggr), eps=0
        m = jax.nn.relu(h[src] + edge_attr @ We + be)
        aggr = jax.ops.segment_sum(m, dst, num_segments=h.shape[0])
        out = h + aggr
        out = _leaky(out @ Wa + ba)
        out = _leaky(out @ Wb + bb)
        return out
    h = jax.nn.relu(gine(x, We1, be1, W1a, b1a, W1b, b1b))
    # dropout is identity in eval mode
    h = gine(h, We2, be2, W2a, b2a, W2b, b2b)
    hg = h.reshape(B, -1, H)
    xm = jnp.mean(hg, axis=1)
    logits = _leaky(_leaky(xm @ Wa1 + ba1) @ Wa2 + ba2)
    action_prob = jax.nn.softmax(logits, axis=1)
    hn = h.reshape(-1, B, H)
    s = _leaky(hn @ Wn1 + bn1)
    s = _leaky(s @ Wn2 + bn2)
    s = jax.nn.sigmoid(s @ Wn3 + bn3)
    node_scores = jnp.squeeze(s, -1).T
    return (action_prob, node_scores)

if __name__ == "__main__":
    import jax
    _d = setup_inputs()
    print(jax.jit(kernel)(*tuple(_d.values())))

</pallas_src>

<mosaic_0001>
#map = affine_map<(d0, d1) -> (0, 0)>
#map1 = affine_map<(d0, d1) -> (0)>
#map2 = affine_map<(d0, d1) -> (0, 0, 0)>
module attributes {stable_mosaic.version = 14 : i64} {
  func.func @_sc_aggregate_body(%arg0: i32, %arg1: i32, %arg2: memref<10000x128xf32, #tpu.memory_space<hbm>>, %arg3: memref<320000xi32, #tpu.memory_space<hbm>>, %arg4: memref<320000xi32, #tpu.memory_space<hbm>>, %arg5: memref<320000x128xf32, #tpu.memory_space<hbm>>, %arg6: memref<2x10000x128xf32, #tpu.memory_space<hbm>>, %arg7: memref<80xi32, #tpu.memory_space<vmem>>, %arg8: memref<80xi32, #tpu.memory_space<vmem>>, %arg9: memref<80xi32, #tpu.memory_space<vmem>>, %arg10: memref<80xi32, #tpu.memory_space<vmem>>, %arg11: memref<80xi32, #tpu.memory_space<vmem>>, %arg12: memref<80xi32, #tpu.memory_space<vmem>>, %arg13: memref<80xi32, #tpu.memory_space<vmem>>, %arg14: memref<80xi32, #tpu.memory_space<vmem>>, %arg15: memref<80x128xf32, #tpu.memory_space<vmem>>, %arg16: memref<80x128xf32, #tpu.memory_space<vmem>>, %arg17: memref<80x128xf32, #tpu.memory_space<vmem>>, %arg18: memref<80x128xf32, #tpu.memory_space<vmem>>, %arg19: memref<10000x128xf32, #tpu.memory_space<vmem_shared>>, %arg20: memref<!tpu.dma_semaphore, #tpu.memory_space<semaphore_mem>>, %arg21: memref<!tpu.dma_semaphore, #tpu.memory_space<semaphore_mem>>, %arg22: memref<!tpu.dma_semaphore, #tpu.memory_space<semaphore_mem>>, %arg23: memref<!tpu.dma_semaphore, #tpu.memory_space<semaphore_mem>>, %arg24: memref<!tpu.dma_semaphore, #tpu.memory_space<semaphore_mem>>, %arg25: memref<!tpu.dma_semaphore, #tpu.memory_space<semaphore_mem>>, %arg26: memref<!tpu.dma_semaphore, #tpu.memory_space<semaphore_mem>>, %arg27: memref<!tpu.dma_semaphore, #tpu.memory_space<semaphore_mem>>, %arg28: memref<!tpu.dma_semaphore, #tpu.memory_space<semaphore_mem>>, %arg29: memref<!tpu.dma_semaphore, #tpu.memory_space<semaphore_mem>>, %arg30: memref<!tpu.dma_semaphore, #tpu.memory_space<semaphore_mem>>, %arg31: memref<!tpu.dma_semaphore, #tpu.memory_space<semaphore_mem>>, %arg32: memref<!tpu.dma_semaphore, #tpu.memory_space<semaphore_mem>>, %arg33: memref<!tpu.dma_semaphore, #tpu.memory_space<semaphore_mem>>, %arg34: memref<!tpu.dma_semaphore, #tpu.memory_space<semaphore_mem>>, %arg35: memref<!tpu.dma_semaphore, #tpu.memory_space<semaphore_mem>>) attributes {dimension_semantics = [#tpu.dimension_semantics<core_parallel>, #tpu.dimension_semantics<subcore_parallel>], iteration_bounds = array<i64: 2, 16>, scalar_prefetch = 0 : i64, scratch_operands = 29 : i64, tpu.core_type = #tpu.core_type<sc_vector_subcore>, window_params = [{transform_indices = #map}, {transform_indices = #map1}, {transform_indices = #map1}, {transform_indices = #map}, {transform_indices = #map2}]} {
    %mul3A = arith.constant 16 : i32
    %mul3A_0 = arith.muli %arg0, %mul3A : i32
    %add3A = arith.addi %mul3A_0, %arg1 : i32
    %scan3A = arith.constant 0 : i32
    %scan3A_1 = arith.constant 0 : i32
    %scan3A_2 = arith.constant 80 : i32
    %scan3A_3 = arith.addi %scan3A_1, %scan3A_2 : i32
    %scan3A_4 = arith.constant 1 : i32
    scf.for %scan3A_81 = %scan3A_1 to %scan3A_3 step %scan3A_4  : i32 {
      %broadcast_in_dim3A = arith.constant 0.000000e+00 : f32
      %broadcast_in_dim3A_82 = vector.broadcast %broadcast_in_dim3A : f32 to vector<16xf32>
      %swap3A = arith.index_cast %scan3A_81 : i32 to index
      %swap3A_83 = arith.constant 0 : index
      %swap3A_84 = tpu.vector_load %arg15[%swap3A, %swap3A_83] {strides = array<i32>} : memref<80x128xf32, #tpu.memory_space<vmem>>, vector<1x16xf32>,
      %swap3A_85 = vector.shape_cast %swap3A_84 : vector<1x16xf32> to vector<16xf32>
      %swap3A_86 = vector.shape_cast %broadcast_in_dim3A_82 : vector<16xf32> to vector<1x16xf32>
      tpu.vector_store %arg15[%swap3A, %swap3A_83], %swap3A_86 {strides = array<i32>} : memref<80x128xf32, #tpu.memory_space<vmem>>, vector<1x16xf32>,
      %broadcast_in_dim3A_87 = arith.constant 0.000000e+00 : f32
      %broadcast_in_dim3A_88 = vector.broadcast %broadcast_in_dim3A_87 : f32 to vector<16xf32>
      %swap3A_89 = arith.index_cast %scan3A_81 : i32 to index
      %swap3A_90 = arith.constant 16 : index
      %swap3A_91 = tpu.vector_load %arg15[%swap3A_89, %swap3A_90] {strides = array<i32>} : memref<80x128xf32, #tpu.memory_space<vmem>>, vector<1x16xf32>,
      %swap3A_92 = vector.shape_cast %swap3A_91 : vector<1x16xf32> to vector<16xf32>
      %swap3A_93 = vector.shape_cast %broadcast_in_dim3A_88 : vector<16xf32> to vector<1x16xf32>
      tpu.vector_store %arg15[%swap3A_89, %swap3A_90], %swap3A_93 {strides = array<i32>} : memref<80x128xf32, #tpu.memory_space<vmem>>, vector<1x16xf32>,
      %broadcast_in_dim3A_94 = arith.constant 0.000000e+00 : f32
      %broadcast_in_dim3A_95 = vector.broadcast %broadcast_in_dim3A_94 : f32 to vector<16xf32>
      %swap3A_96 = arith.index_cast %scan3A_81 : i32 to index
      %swap3A_97 = arith.constant 32 : index
      %swap3A_98 = tpu.vector_load %arg15[%swap3A_96, %swap3A_97] {strides = array<i32>} : memref<80x128xf32, #tpu.memory_space<vmem>>, vector<1x16xf32>,
      %swap3A_99 = vector.shape_cast %swap3A_98 : vector<1x16xf32> to vector<16xf32>
      %swap3A_100 = vector.shape_cast %broadcast_in_dim3A_95 : vector<16xf32> to vector<1x16xf32>
      tpu.vector_store %arg15[%swap3A_96, %swap3A_97], %swap3A_100 {strides = array<i32>} : memref<80x128xf32, #tpu.memory_space<vmem>>, vector<1x16xf32>,
      %broadcast_in_dim3A_101 = arith.constant 0.000000e+00 : f32
      %broadcast_in_dim3A_102 = vector.broadcast %broadcast_in_dim3A_101 : f32 to vector<16xf32>
      %swap3A_103 = arith.index_cast %scan3A_81 : i32 to index
      %swap3A_104 = arith.constant 48 : index
      %swap3A_105 = tpu.vector_load %arg15[%swap3A_103, %swap3A_104] {strides = array<i32>} : memref<80x128xf32, #tpu.memory_space<vmem>>, vector<1x16xf32>,
      %swap3A_106 = vector.shape_cast %swap3A_105 : vector<1x16xf32> to vector<16xf32>
      %swap3A_107 = vector.shape_cast %broadcast_in_dim3A_102 : vector<16xf32> to vector<1x16xf32>
      tpu.vector_store %arg15[%swap3A_103, %swap3A_104], %swap3A_107 {strides = array<i32>} : memref<80x128xf32, #tpu.memory_space<vmem>>, vector<1x16xf32>,
      %broadcast_in_dim3A_108 = arith.constant 0.000000e+00 : f32
      %broadcast_in_dim3A_109 = vector.broadcast %broadcast_in_dim3A_108 : f32 to vector<16xf32>
      %swap3A_110 = arith.index_cast %scan3A_81 : i32 to index
      %swap3A_111 = arith.constant 64 : index
      %swap3A_112 = tpu.vector_load %arg15[%swap3A_110, %swap3A_111] {strides = array<i32>} : memref<80x128xf32, #tpu.memory_space<vmem>>, vector<1x16xf32>,
      %swap3A_113 = vector.shape_cast %swap3A_112 : vector<1x16xf32> to vector<16xf32>
      %swap3A_114 = vector.shape_cast %broadcast_in_dim3A_109 : vector<16xf32> to vector<1x16xf32>
      tpu.vector_store %arg15[%swap3A_110, %swap3A_111], %swap3A_114 {strides = array<i32>} : memref<80x128xf32, #tpu.memory_space<vmem>>, vector<1x16xf32>,
      %broadcast_in_dim3A_115 = arith.constant 0.000000e+00 : f32
      %broadcast_in_dim3A_116 = vector.broadcast %broadcast_in_dim3A_115 : f32 to vector<16xf32>
      %swap3A_117 = arith.index_cast %scan3A_81 : i32 to index
      %swap3A_118 = arith.constant 80 : index
      %swap3A_119 = tpu.vector_load %arg15[%swap3A_117, %swap3A_118] {strides = array<i32>} : memref<80x128xf32, #tpu.memory_space<vmem>>, vector<1x16xf32>,
      %swap3A_120 = vector.shape_cast %swap3A_119 : vector<1x16xf32> to vector<16xf32>
      %swap3A_121 = vector.shape_cast %broadcast_in_dim3A_116 : vector<16xf32> to vector<1x16xf32>
      tpu.vector_store %arg15[%swap3A_117, %swap3A_118], %swap3A_121 {strides = array<i32>} : memref<80x128xf32, #tpu.memory_space<vmem>>, vector<1x16xf32>,
      %broadcast_in_dim3A_122 = arith.constant 0.000000e+00 : f32
      %broadcast_in_dim3A_123 = vector.broadcast %broadcast_in_dim3A_122 : f32 to vector<16xf32>
      %swap3A_124 = arith.index_cast %scan3A_81 : i32 to index
      %swap3A_125 = arith.constant 96 : index
      %swap3A_126 = tpu.vector_load %arg15[%swap3A_124, %swap3A_125] {strides = array<i32>} : memref<80x128xf32, #tpu.memory_space<vmem>>, vector<1x16xf32>,
      %swap3A_127 = vector.shape_cast %swap3A_126 : vector<1x16xf32> to vector<16xf32>
      %swap3A_128 = vector.shape_cast %broadcast_in_dim3A_123 : vector<16xf32> to vector<1x16xf32>
      tpu.vector_store %arg15[%swap3A_124, %swap3A_125], %swap3A_128 {strides = array<i32>} : memref<80x128xf32, #tpu.memory_space<vmem>>, vector<1x16xf32>,
      %broadcast_in_dim3A_129 = arith.constant 0.000000e+00 : f32
      %broadcast_in_dim3A_130 = vector.broadcast %broadcast_in_dim3A_129 : f32 to vector<16xf32>
      %swap3A_131 = arith.index_cast %scan3A_81 : i32 to index
      %swap3A_132 = arith.constant 112 : index
      %swap3A_133 = tpu.vector_load %arg15[%swap3A_131, %swap3A_132] {strides = array<i32>} : memref<80x128xf32, #tpu.memory_space<vmem>>, vector<1x16xf32>,
      %swap3A_134 = vector.shape_cast %swap3A_133 : vector<1x16xf32> to vector<16xf32>
      %swap3A_135 = vector.shape_cast %broadcast_in_dim3A_130 : vector<16xf32> to vector<1x16xf32>
      tpu.vector_store %arg15[%swap3A_131, %swap3A_132], %swap3A_135 {strides = array<i32>} : memref<80x128xf32, #tpu.memory_space<vmem>>, vector<1x16xf32>,
    }
    %scan3A_5 = arith.constant 80 : i32
    %mul3A_6 = arith.constant 640 : i32
    %mul3A_7 = arith.muli %arg1, %mul3A_6 : i32
    %eq3A = arith.constant 15 : i32
    %eq3A_8 = arith.cmpi eq, %arg1, %eq3A : i32
    %jit3A = arith.constant 5 : i32
    %jit3A_9 = arith.constant 8 : i32
    %select_n3A = arith.select %eq3A_8, %jit3A, %jit3A_9 : i32
    %while3A = arith.constant 0 : i32
    %while3A_10 = arith.constant 0 : i32
    %while3A_11 = arith.subi %select_n3A, %while3A_10 : i32
    %while3A_12 = arith.addi %while3A_10, %while3A_11 : i32
    %while3A_13 = arith.constant 1 : i32
    %while3A_14 = arith.divsi %while3A_11, %while3A_13 : i32
    %while3A_15 = arith.muli %while3A_14, %while3A_13 : i32
    %while3A_16 = arith.addi %while3A_10, %while3A_15 : i32
    %while3A_17 = arith.constant 1 : i32
    scf.for %while3A_81 = %while3A_10 to %while3A_16 step %while3A_17  : i32 {
      %mul3A_82 = arith.constant 80 : i32
      %mul3A_83 = arith.muli %while3A_81, %mul3A_82 : i32
      %add3A_84 = arith.addi %mul3A_7, %mul3A_83 : i32
      "tpu.region"() ({
        %run_scoped3A = tpu.sem_alloc : memref<!tpu.dma_semaphore, #tpu.memory_space<semaphore_mem>>
        %dma_start3A_85 = arith.constant 0 : i32
        %dma_start3A_86 = tpu.memref_slice %arg19[%add3A_84, %dma_start3A_85] : memref<10000x128xf32, #tpu.memory_space<vmem_shared>> -> memref<80x128xf32, #tpu.memory_space<vmem_shared>>
        %dma_start3A_87 = arith.constant 0 : i32
        %dma_start3A_88 = tpu.memref_slice %arg19[%add3A_84, %dma_start3A_87] : memref<10000x128xf32, #tpu.memory_space<vmem_shared>> -> memref<80x128xf32, #tpu.memory_space<vmem_shared>>
        tpu.enqueue_dma source(%arg15 : memref<80x128xf32, #tpu.memory_space<vmem>>) target(%dma_start3A_88 : memref<80x128xf32, #tpu.memory_space<vmem_shared>>) target_semaphore(%run_scoped3A : memref<!tpu.dma_semaphore, #tpu.memory_space<semaphore_mem>>)
        %dma_wait3A_89 = arith.constant 0 : i32
        %dma_wait3A_90 = tpu.memref_slice %arg19[%add3A_84, %dma_wait3A_89] : memref<10000x128xf32, #tpu.memory_space<vmem_shared>> -> memref<80x128xf32, #tpu.memory_space<vmem_shared>>
        %dma_wait3A_91 = arith.constant 0 : i32
        %dma_wait3A_92 = tpu.memref_slice %arg19[%add3A_84, %dma_wait3A_91] : memref<10000x128xf32, #tpu.memory_space<vmem_shared>> -> memref<80x128xf32, #tpu.memory_space<vmem_shared>>
        tpu.wait_dma2 semaphore(%run_scoped3A : memref<!tpu.dma_semaphore, #tpu.memory_space<semaphore_mem>>) src(%arg15 : memref<80x128xf32, #tpu.memory_space<vmem>>) dst(%dma_wait3A_92 : memref<80x128xf32, #tpu.memory_space<vmem_shared>>)
        tpu.yield
      }) : () -> ()
    }
    %while3A_18 = arith.constant 1 : i32
    scf.for %while3A_81 = %while3A_16 to %while3A_12 step %while3A_18  : i32 {
      %mul3A_82 = arith.constant 80 : i32
      %mul3A_83 = arith.muli %while3A_81, %mul3A_82 : i32
      %add3A_84 = arith.addi %mul3A_7, %mul3A_83 : i32
      "tpu.region"() ({
        %run_scoped3A = tpu.sem_alloc : memref<!tpu.dma_semaphore, #tpu.memory_space<semaphore_mem>>
        %dma_start3A_85 = arith.constant 0 : i32
        %dma_start3A_86 = tpu.memref_slice %arg19[%add3A_84, %dma_start3A_85] : memref<10000x128xf32, #tpu.memory_space<vmem_shared>> -> memref<80x128xf32, #tpu.memory_space<vmem_shared>>
        %dma_start3A_87 = arith.constant 0 : i32
        %dma_start3A_88 = tpu.memref_slice %arg19[%add3A_84, %dma_start3A_87] : memref<10000x128xf32, #tpu.memory_space<vmem_shared>> -> memref<80x128xf32, #tpu.memory_space<vmem_shared>>
        tpu.enqueue_dma source(%arg15 : memref<80x128xf32, #tpu.memory_space<vmem>>) target(%dma_start3A_88 : memref<80x128xf32, #tpu.memory_space<vmem_shared>>) target_semaphore(%run_scoped3A : memref<!tpu.dma_semaphore, #tpu.memory_space<semaphore_mem>>)
        %dma_wait3A_89 = arith.constant 0 : i32
        %dma_wait3A_90 = tpu.memref_slice %arg19[%add3A_84, %dma_wait3A_89] : memref<10000x128xf32, #tpu.memory_space<vmem_shared>> -> memref<80x128xf32, #tpu.memory_space<vmem_shared>>
        %dma_wait3A_91 = arith.constant 0 : i32
        %dma_wait3A_92 = tpu.memref_slice %arg19[%add3A_84, %dma_wait3A_91] : memref<10000x128xf32, #tpu.memory_space<vmem_shared>> -> memref<80x128xf32, #tpu.memory_space<vmem_shared>>
        tpu.wait_dma2 semaphore(%run_scoped3A : memref<!tpu.dma_semaphore, #tpu.memory_space<semaphore_mem>>) src(%arg15 : memref<80x128xf32, #tpu.memory_space<vmem>>) dst(%dma_wait3A_92 : memref<80x128xf32, #tpu.memory_space<vmem_shared>>)
        tpu.yield
      }) : () -> ()
    }
    %barrier3A = arith.constant 0 : index
    tpu.barrier barrier_id(%barrier3A)
    %mul3A_19 = arith.constant 10000 : i32
    %mul3A_20 = arith.muli %add3A, %mul3A_19 : i32
    %add3A_21 = arith.constant 0 : i32
    %add3A_22 = arith.addi %mul3A_20, %add3A_21 : i32
    %dma_start3A = tpu.memref_slice %arg3[%add3A_22] : memref<320000xi32, #tpu.memory_space<hbm>> -> memref<80xi32, #tpu.memory_space<hbm>>
    %dma_start3A_23 = tpu.memref_slice %arg3[%add3A_22] : memref<320000xi32, #tpu.memory_space<hbm>> -> memref<80xi32, #tpu.memory_space<hbm>>
    tpu.enqueue_dma source(%dma_start3A_23 : memref<80xi32, #tpu.memory_space<hbm>>) target(%arg7 : memref<80xi32, #tpu.memory_space<vmem>>) target_semaphore(%arg20 : memref<!tpu.dma_semaphore, #tpu.memory_space<semaphore_mem>>)
    %dma_start3A_24 = tpu.memref_slice %arg4[%add3A_22] : memref<320000xi32, #tpu.memory_space<hbm>> -> memref<80xi32, #tpu.memory_space<hbm>>
    %dma_start3A_25 = tpu.memref_slice %arg4[%add3A_22] : memref<320000xi32, #tpu.memory_space<hbm>> -> memref<80xi32, #tpu.memory_space<hbm>>
    tpu.enqueue_dma source(%dma_start3A_25 : memref<80xi32, #tpu.memory_space<hbm>>) target(%arg11 : memref<80xi32, #tpu.memory_space<vmem>>) target_semaphore(%arg20 : memref<!tpu.dma_semaphore, #tpu.memory_space<semaphore_mem>>)
    %add3A_26 = arith.constant 0 : i32
    %add3A_27 = arith.addi %mul3A_20, %add3A_26 : i32
    %dma_start3A_28 = arith.constant 0 : i32
    %dma_start3A_29 = tpu.memref_slice %arg5[%add3A_27, %dma_start3A_28] : memref<320000x128xf32, #tpu.memory_space<hbm>> -> memref<80x128xf32, #tpu.memory_space<hbm>>
    %dma_start3A_30 = arith.constant 0 : i32
    %dma_start3A_31 = tpu.memref_slice %arg5[%add3A_27, %dma_start3A_30] : memref<320000x128xf32, #tpu.memory_space<hbm>> -> memref<80x128xf32, #tpu.memory_space<hbm>>
    tpu.enqueue_dma source(%dma_start3A_31 : memref<80x128xf32, #tpu.memory_space<hbm>>) target(%arg15 : memref<80x128xf32, #tpu.memory_space<vmem>>) target_semaphore(%arg24 : memref<!tpu.dma_semaphore, #tpu.memory_space<semaphore_mem>>)
    %add3A_32 = arith.constant 80 : i32
    %add3A_33 = arith.addi %mul3A_20, %add3A_32 : i32
    %dma_start3A_34 = tpu.memref_slice %arg3[%add3A_33] : memref<320000xi32, #tpu.memory_space<hbm>> -> memref<80xi32, #tpu.memory_space<hbm>>
    %dma_start3A_35 = tpu.memref_slice %arg3[%add3A_33] : memref<320000xi32, #tpu.memory_space<hbm>> -> memref<80xi32, #tpu.memory_space<hbm>>
    tpu.enqueue_dma source(%dma_start3A_35 : memref<80xi32, #tpu.memory_space<hbm>>) target(%arg8 : memref<80xi32, #tpu.memory_space<vmem>>) target_semaphore(%arg21 : memref<!tpu.dma_semaphore, #tpu.memory_space<semaphore_mem>>)
    %dma_start3A_36 = tpu.memref_slice %arg4[%add3A_33] : memref<320000xi32, #tpu.memory_space<hbm>> -> memref<80xi32, #tpu.memory_space<hbm>>
    %dma_start3A_37 = tpu.memref_slice %arg4[%add3A_33] : memref<320000xi32, #tpu.memory_space<hbm>> -> memref<80xi32, #tpu.memory_space<hbm>>
    tpu.enqueue_dma source(%dma_start3A_37 : memref<80xi32, #tpu.memory_space<hbm>>) target(%arg12 : memref<80xi32, #tpu.memory_space<vmem>>) target_semaphore(%arg21 : memref<!tpu.dma_semaphore, #tpu.memory_space<semaphore_mem>>)
    %add3A_38 = arith.constant 80 : i32
    %add3A_39 = arith.addi %mul3A_20, %add3A_38 : i32
    %dma_start3A_40 = arith.constant 0 : i32
    %dma_start3A_41 = tpu.memref_slice %arg5[%add3A_39, %dma_start3A_40] : memref<320000x128xf32, #tpu.memory_space<hbm>> -> memref<80x128xf32, #tpu.memory_space<hbm>>
    %dma_start3A_42 = arith.constant 0 : i32
    %dma_start3A_43 = tpu.memref_slice %arg5[%add3A_39, %dma_start3A_42] : memref<320000x128xf32, #tpu.memory_space<hbm>> -> memref<80x128xf32, #tpu.memory_space<hbm>>
    tpu.enqueue_dma source(%dma_start3A_43 : memref<80x128xf32, #tpu.memory_space<hbm>>) target(%arg16 : memref<80x128xf32, #tpu.memory_space<vmem>>) target_semaphore(%arg25 : memref<!tpu.dma_semaphore, #tpu.memory_space<semaphore_mem>>)
    %add3A_44 = arith.constant 0 : i32
    %add3A_45 = arith.addi %mul3A_20, %add3A_44 : i32
    %dma_wait3A = tpu.memref_slice %arg3[%add3A_45] : memref<320000xi32, #tpu.memory_space<hbm>> -> memref<80xi32, #tpu.memory_space<hbm>>
    %dma_wait3A_46 = tpu.memref_slice %arg3[%add3A_45] : memref<320000xi32, #tpu.memory_space<hbm>> -> memref<80xi32, #tpu.memory_space<hbm>>
    tpu.wait_dma2 semaphore(%arg20 : memref<!tpu.dma_semaphore, #tpu.memory_space<semaphore_mem>>) src(%dma_wait3A_46 : memref<80xi32, #tpu.memory_space<hbm>>) dst(%arg7 : memref<80xi32, #tpu.memory_space<vmem>>)
    %dma_wait3A_47 = tpu.memref_slice %arg4[%add3A_45] : memref<320000xi32, #tpu.memory_space<hbm>> -> memref<80xi32, #tpu.memory_space<hbm>>
    %dma_wait3A_48 = tpu.memref_slice %arg4[%add3A_45] : memref<320000xi32, #tpu.memory_space<hbm>> -> memref<80xi32, #tpu.memory_space<hbm>>
    tpu.wait_dma2 semaphore(%arg20 : memref<!tpu.dma_semaphore, #tpu.memory_space<semaphore_mem>>) src(%dma_wait3A_48 : memref<80xi32, #tpu.memory_space<hbm>>) dst(%arg11 : memref<80xi32, #tpu.memory_space<vmem>>)
    %add3A_49 = arith.constant 0 : i32
    %add3A_50 = arith.addi %mul3A_20, %add3A_49 : i32
    %dma_wait3A_51 = arith.constant 0 : i32
    %dma_wait3A_52 = tpu.memref_slice %arg5[%add3A_50, %dma_wait3A_51] : memref<320000x128xf32, #tpu.memory_space<hbm>> -> memref<80x128xf32, #tpu.memory_space<hbm>>
    %dma_wait3A_53 = arith.constant 0 : i32
    %dma_wait3A_54 = tpu.memref_slice %arg5[%add3A_50, %dma_wait3A_53] : memref<320000x128xf32, #tpu.memory_space<hbm>> -> memref<80x128xf32, #tpu.memory_space<hbm>>
    tpu.wait_dma2 semaphore(%arg24 : memref<!tpu.dma_semaphore, #tpu.memory_space<semaphore_mem>>) src(%dma_wait3A_54 : memref<80x128xf32, #tpu.memory_space<hbm>>) dst(%arg15 : memref<80x128xf32, #tpu.memory_space<vmem>>)
    %dma_start3A_55 = arith.constant 0 : i32
    %dma_start3A_56 = arith.constant 0 : i32
    %dma_start3A_57 = tpu.memref_slice %arg2[%dma_start3A_55, %dma_start3A_56] : memref<10000x128xf32, #tpu.memory_space<hbm>> -> memref<10000x128xf32, #tpu.memory_space<hbm>>
    tpu.enqueue_indirect_dma source(%dma_start3A_57 : memref<10000x128xf32, #tpu.memory_space<hbm>>) target(%arg15 : memref<80x128xf32, #tpu.memory_space<vmem>>) offsets(%arg7 : memref<80xi32, #tpu.memory_space<vmem>>) semaphore(%arg28 : memref<!tpu.dma_semaphore, #tpu.memory_space<semaphore_mem>>) {add = true}
    %scan3A_58 = arith.constant 0 : i32
    %scan3A_59 = arith.constant 0 : i32
    %scan3A_60 = arith.constant 32 : i32
    %scan3A_61 = arith.addi %scan3A_59, %scan3A_60 : i32
    %scan3A_62 = arith.constant 1 : i32
    scf.for %scan3A_81 = %scan3A_59 to %scan3A_61 step %scan3A_62  : i32 {
      %mul3A_82 = arith.constant 4 : i32
      %mul3A_83 = arith.muli %mul3A_82, %scan3A_81 : i32
      %add3A_84 = arith.constant 0 : i32
      %add3A_85 = arith.addi %mul3A_83, %add3A_84 : i32
      %le3A = arith.constant 124 : i32
      %le3A_86 = arith.cmpi sle, %add3A_85, %le3A : i32
      %convert_element_type3A = arith.extui %le3A_86 : i1 to i32
      %cond3A = arith.constant 0 : i32
      %cond3A_87 = arith.cmpi ne, %convert_element_type3A, %cond3A : i32
      scf.if %cond3A_87 {
        %ge3A = arith.constant 2 : i32
        %ge3A_115 = arith.cmpi sge, %add3A_85, %ge3A : i32
        %convert_element_type3A_116 = arith.extui %ge3A_115 : i1 to i32
        %cond3A_117 = arith.constant 0 : i32
        %cond3A_118 = arith.cmpi ne, %convert_element_type3A_116, %cond3A_117 : i32
        scf.if %cond3A_118 {
          %dma_wait3A_141 = arith.constant 0 : i32
          %dma_wait3A_142 = arith.constant 0 : i32
          %dma_wait3A_143 = tpu.memref_slice %arg19[%dma_wait3A_141, %dma_wait3A_142] : memref<10000x128xf32, #tpu.memory_space<vmem_shared>> -> memref<10000x128xf32, #tpu.memory_space<vmem_shared>>
          tpu.wait_indirect_dma semaphore(%arg34 : memref<!tpu.dma_semaphore, #tpu.memory_space<semaphore_mem>>) src(%arg17 : memref<80x128xf32, #tpu.memory_space<vmem>>) dst(%dma_wait3A_143 : memref<10000x128xf32, #tpu.memory_space<vmem_shared>>)
        } else {
        }
        %add3A_119 = arith.constant 2 : i32
        %add3A_120 = arith.addi %add3A_85, %add3A_119 : i32
        %le3A_121 = arith.constant 124 : i32
        %le3A_122 = arith.cmpi sle, %add3A_120, %le3A_121 : i32
        %convert_element_type3A_123 = arith.extui %le3A_122 : i1 to i32
        %cond3A_124 = arith.constant 0 : i32
        %cond3A_125 = arith.cmpi ne, %convert_element_type3A_123, %cond3A_124 : i32
        scf.if %cond3A_125 {
          %add3A_141 = arith.constant 2 : i32
          %add3A_142 = arith.addi %add3A_85, %add3A_141 : i32
          %mul3A_143 = arith.constant 80 : i32
          %mul3A_144 = arith.muli %add3A_142, %mul3A_143 : i32
          %add3A_145 = arith.addi %mul3A_20, %mul3A_144 : i32
          %dma_start3A_146 = tpu.memref_slice %arg3[%add3A_145] : memref<320000xi32, #tpu.memory_space<hbm>> -> memref<80xi32, #tpu.memory_space<hbm>>
          %dma_start3A_147 = tpu.memref_slice %arg3[%add3A_145] : memref<320000xi32, #tpu.memory_space<hbm>> -> memref<80xi32, #tpu.memory_space<hbm>>
          tpu.enqueue_dma source(%dma_start3A_147 : memref<80xi32, #tpu.memory_space<hbm>>) target(%arg9 : memref<80xi32, #tpu.memory_space<vmem>>) target_semaphore(%arg22 : memref<!tpu.dma_semaphore, #tpu.memory_space<semaphore_mem>>)
          %dma_start3A_148 = tpu.memref_slice %arg4[%add3A_145] : memref<320000xi32, #tpu.memory_space<hbm>> -> memref<80xi32, #tpu.memory_space<hbm>>
          %dma_start3A_149 = tpu.memref_slice %arg4[%add3A_145] : memref<320000xi32, #tpu.memory_space<hbm>> -> memref<80xi32, #tpu.memory_space<hbm>>
          tpu.enqueue_dma source(%dma_start3A_149 : memref<80xi32, #tpu.memory_space<hbm>>) target(%arg13 : memref<80xi32, #tpu.memory_space<vmem>>) target_semaphore(%arg22 : memref<!tpu.dma_semaphore, #tpu.memory_space<semaphore_mem>>)
          %add3A_150 = arith.constant 2 : i32
          %add3A_151 = arith.addi %add3A_85, %add3A_150 : i32
          %mul3A_152 = arith.constant 80 : i32
          %mul3A_153 = arith.muli %add3A_151, %mul3A_152 : i32
          %add3A_154 = arith.addi %mul3A_20, %mul3A_153 : i32
          %dma_start3A_155 = arith.constant 0 : i32
          %dma_start3A_156 = tpu.memref_slice %arg5[%add3A_154, %dma_start3A_155] : memref<320000x128xf32, #tpu.memory_space<hbm>> -> memref<80x128xf32, #tpu.memory_space<hbm>>
          %dma_start3A_157 = arith.constant 0 : i32
          %dma_start3A_158 = tpu.memref_slice %arg5[%add3A_154, %dma_start3A_157] : memref<320000x128xf32, #tpu.memory_space<hbm>> -> memref<80x128xf32, #tpu.memory_space<hbm>>
          tpu.enqueue_dma source(%dma_start3A_158 : memref<80x128xf32, #tpu.memory_space<hbm>>) target(%arg17 : memref<80x128xf32, #tpu.memory_space<vmem>>) target_semaphore(%arg26 : memref<!tpu.dma_semaphore, #tpu.memory_space<semaphore_mem>>)
        } else {
        }
        %add3A_126 = arith.constant 1 : i32
        %add3A_127 = arith.addi %add3A_85, %add3A_126 : i32
        %le3A_128 = arith.constant 124 : i32
        %le3A_129 = arith.cmpi sle, %add3A_127, %le3A_128 : i32
        %convert_element_type3A_130 = arith.extui %le3A_129 : i1 to i32
        %cond3A_131 = arith.constant 0 : i32
        %cond3A_132 = arith.cmpi ne, %convert_element_type3A_130, %cond3A_131 : i32
        scf.if %cond3A_132 {
          %add3A_141 = arith.constant 1 : i32
          %add3A_142 = arith.addi %add3A_85, %add3A_141 : i32
          %mul3A_143 = arith.constant 80 : i32
          %mul3A_144 = arith.muli %add3A_142, %mul3A_143 : i32
          %add3A_145 = arith.addi %mul3A_20, %mul3A_144 : i32
          %dma_wait3A_146 = tpu.memref_slice %arg3[%add3A_145] : memref<320000xi32, #tpu.memory_space<hbm>> -> memref<80xi32, #tpu.memory_space<hbm>>
          %dma_wait3A_147 = tpu.memref_slice %arg3[%add3A_145] : memref<320000xi32, #tpu.memory_space<hbm>> -> memref<80xi32, #tpu.memory_space<hbm>>
          tpu.wait_dma2 semaphore(%arg21 : memref<!tpu.dma_semaphore, #tpu.memory_space<semaphore_mem>>) src(%dma_wait3A_147 : memref<80xi32, #tpu.memory_space<hbm>>) dst(%arg8 : memref<80xi32, #tpu.memory_space<vmem>>)
          %dma_wait3A_148 = tpu.memref_slice %arg4[%add3A_145] : memref<320000xi32, #tpu.memory_space<hbm>> -> memref<80xi32, #tpu.memory_space<hbm>>
          %dma_wait3A_149 = tpu.memref_slice %arg4[%add3A_145] : memref<320000xi32, #tpu.memory_space<hbm>> -> memref<80xi32, #tpu.memory_space<hbm>>
          tpu.wait_dma2 semaphore(%arg21 : memref<!tpu.dma_semaphore, #tpu.memory_space<semaphore_mem>>) src(%dma_wait3A_149 : memref<80xi32, #tpu.memory_space<hbm>>) dst(%arg12 : memref<80xi32, #tpu.memory_space<vmem>>)
          %add3A_150 = arith.constant 1 : i32
          %add3A_151 = arith.addi %add3A_85, %add3A_150 : i32
          %mul3A_152 = arith.constant 80 : i32
          %mul3A_153 = arith.muli %add3A_151, %mul3A_152 : i32
          %add3A_154 = arith.addi %mul3A_20, %mul3A_153 : i32
          %dma_wait3A_155 = arith.constant 0 : i32
          %dma_wait3A_156 = tpu.memref_slice %arg5[%add3A_154, %dma_wait3A_155] : memref<320000x128xf32, #tpu.memory_space<hbm>> -> memref<80x128xf32, #tpu.memory_space<hbm>>
          %dma_wait3A_157 = arith.constant 0 : i32
          %dma_wait3A_158 = tpu.memref_slice %arg5[%add3A_154, %dma_wait3A_157] : memref<320000x128xf32, #tpu.memory_space<hbm>> -> memref<80x128xf32, #tpu.memory_space<hbm>>
          tpu.wait_dma2 semaphore(%arg25 : memref<!tpu.dma_semaphore, #tpu.memory_space<semaphore_mem>>) src(%dma_wait3A_158 : memref<80x128xf32, #tpu.memory_space<hbm>>) dst(%arg16 : memref<80x128xf32, #tpu.memory_space<vmem>>)
          %dma_start3A_159 = arith.constant 0 : i32
          %dma_start3A_160 = arith.constant 0 : i32
          %dma_start3A_161 = tpu.memref_slice %arg2[%dma_start3A_159, %dma_start3A_160] : memref<10000x128xf32, #tpu.memory_space<hbm>> -> memref<10000x128xf32, #tpu.memory_space<hbm>>
          tpu.enqueue_indirect_dma source(%dma_start3A_161 : memref<10000x128xf32, #tpu.memory_space<hbm>>) target(%arg16 : memref<80x128xf32, #tpu.memory_space<vmem>>) offsets(%arg8 : memref<80xi32, #tpu.memory_space<vmem>>) semaphore(%arg29 : memref<!tpu.dma_semaphore, #tpu.memory_space<semaphore_mem>>) {add = true}
        } else {
        }
        %dma_wait3A_133 = arith.constant 0 : i32
        %dma_wait3A_134 = arith.constant 0 : i32
        %dma_wait3A_135 = tpu.memref_slice %arg2[%dma_wait3A_133, %dma_wait3A_134] : memref<10000x128xf32, #tpu.memory_space<hbm>> -> memref<10000x128xf32, #tpu.memory_space<hbm>>
        tpu.wait_indirect_dma semaphore(%arg28 : memref<!tpu.dma_semaphore, #tpu.memory_space<semaphore_mem>>) src(%dma_wait3A_135 : memref<10000x128xf32, #tpu.memory_space<hbm>>) dst(%arg15 : memref<80x128xf32, #tpu.memory_space<vmem>>)
        %parallel_loop3A = arith.constant 0 : i32
        %parallel_loop3A_136 = arith.constant 80 : i32
        %parallel_loop3A_137 = arith.constant 1 : i32
        scf.for %parallel_loop3A_141 = %parallel_loop3A to %parallel_loop3A_136 step %parallel_loop3A_137  : i32 {
          %parallel_loop3A_142 = arith.index_cast %parallel_loop3A_141 : i32 to index
          %parallel_loop3A_143 = arith.constant 0 : index
          %parallel_loop3A_144 = tpu.vector_load %arg15[%parallel_loop3A_142, %parallel_loop3A_143] {strides = array<i32>} : memref<80x128xf32, #tpu.memory_space<vmem>>, vector<1x16xf32>,
          %parallel_loop3A_145 = vector.shape_cast %parallel_loop3A_144 : vector<1x16xf32> to vector<16xf32>
          %parallel_loop3A_146 = arith.constant 0.000000e+00 : f32
          %parallel_loop3A_147 = vector.broadcast %parallel_loop3A_146 : f32 to vector<16xf32>
          %parallel_loop3A_148 = arith.maximumf %parallel_loop3A_145, %parallel_loop3A_147 : vector<16xf32>
          %parallel_loop3A_149 = arith.index_cast %parallel_loop3A_141 : i32 to index
          %parallel_loop3A_150 = arith.constant 0 : index
          %parallel_loop3A_151 = tpu.vector_load %arg15[%parallel_loop3A_149, %parallel_loop3A_150] {strides = array<i32>} : memref<80x128xf32, #tpu.memory_space<vmem>>, vector<1x16xf32>,
          %parallel_loop3A_152 = vector.shape_cast %parallel_loop3A_151 : vector<1x16xf32> to vector<16xf32>
          %parallel_loop3A_153 = vector.shape_cast %parallel_loop3A_148 : vector<16xf32> to vector<1x16xf32>
          tpu.vector_store %arg15[%parallel_loop3A_149, %parallel_loop3A_150], %parallel_loop3A_153 {strides = array<i32>} : memref<80x128xf32, #tpu.memory_space<vmem>>, vector<1x16xf32>,
          %parallel_loop3A_154 = arith.index_cast %parallel_loop3A_141 : i32 to index
          %parallel_loop3A_155 = arith.constant 16 : index
          %parallel_loop3A_156 = tpu.vector_load %arg15[%parallel_loop3A_154, %parallel_loop3A_155] {strides = array<i32>} : memref<80x128xf32, #tpu.memory_space<vmem>>, vector<1x16xf32>,
          %parallel_loop3A_157 = vector.shape_cast %parallel_loop3A_156 : vector<1x16xf32> to vector<16xf32>
          %parallel_loop3A_158 = arith.constant 0.000000e+00 : f32
          %parallel_loop3A_159 = vector.broadcast %parallel_loop3A_158 : f32 to vector<16xf32>
          %parallel_loop3A_160 = arith.maximumf %parallel_loop3A_157, %parallel_loop3A_159 : vector<16xf32>
          %parallel_loop3A_161 = arith.index_cast %parallel_loop3A_141 : i32 to index
          %parallel_loop3A_162 = arith.constant 16 : index
          %parallel_loop3A_163 = tpu.vector_load %arg15[%parallel_loop3A_161, %parallel_loop3A_162] {strides = array<i32>} : memref<80x128xf32, #tpu.memory_space<vmem>>, vector<1x16xf32>,
          %parallel_loop3A_164 = vector.shape_cast %parallel_loop3A_163 : vector<1x16xf32> to vector<16xf32>
          %parallel_loop3A_165 = vector.shape_cast %parallel_loop3A_160 : vector<16xf32> to vector<1x16xf32>
          tpu.vector_store %arg15[%parallel_loop3A_161, %parallel_loop3A_162], %parallel_loop3A_165 {strides = array<i32>} : memref<80x128xf32, #tpu.memory_space<vmem>>, vector<1x16xf32>,
          %parallel_loop3A_166 = arith.index_cast %parallel_loop3A_141 : i32 to index
          %parallel_loop3A_167 = arith.constant 32 : index
          %parallel_loop3A_168 = tpu.vector_load %arg15[%parallel_loop3A_166, %parallel_loop3A_167] {strides = array<i32>} : memref<80x128xf32, #tpu.memory_space<vmem>>, vector<1x16xf32>,
          %parallel_loop3A_169 = vector.shape_cast %parallel_loop3A_168 : vector<1x16xf32> to vector<16xf32>
          %parallel_loop3A_170 = arith.constant 0.000000e+00 : f32
          %parallel_loop3A_171 = vector.broadcast %parallel_loop3A_170 : f32 to vector<16xf32>
          %parallel_loop3A_172 = arith.maximumf %parallel_loop3A_169, %parallel_loop3A_171 : vector<16xf32>
          %parallel_loop3A_173 = arith.index_cast %parallel_loop3A_141 : i32 to index
          %parallel_loop3A_174 = arith.constant 32 : index
          %parallel_loop3A_175 = tpu.vector_load %arg15[%parallel_loop3A_173, %parallel_loop3A_174] {strides = array<i32>} : memref<80x128xf32, #tpu.memory_space<vmem>>, vector<1x16xf32>,
          %parallel_loop3A_176 = vector.shape_cast %parallel_loop3A_175 : vector<1x16xf32> to vector<16xf32>
          %parallel_loop3A_177 = vector.shape_cast %parallel_loop3A_172 : vector<16xf32> to vector<1x16xf32>
          tpu.vector_store %arg15[%parallel_loop3A_173, %parallel_loop3A_174], %parallel_loop3A_177 {strides = array<i32>} : memref<80x128xf32, #tpu.memory_space<vmem>>, vector<1x16xf32>,
          %parallel_loop3A_178 = arith.index_cast %parallel_loop3A_141 : i32 to index
          %parallel_loop3A_179 = arith.constant 48 : index
          %parallel_loop3A_180 = tpu.vector_load %arg15[%parallel_loop3A_178, %parallel_loop3A_179] {strides = array<i32>} : memref<80x128xf32, #tpu.memory_space<vmem>>, vector<1x16xf32>,
          %parallel_loop3A_181 = vector.shape_cast %parallel_loop3A_180 : vector<1x16xf32> to vector<16xf32>
          %parallel_loop3A_182 = arith.constant 0.000000e+00 : f32
          %parallel_loop3A_183 = vector.broadcast %parallel_loop3A_182 : f32 to vector<16xf32>
          %parallel_loop3A_184 = arith.maximumf %parallel_loop3A_181, %parallel_loop3A_183 : vector<16xf32>
          %parallel_loop3A_185 = arith.index_cast %parallel_loop3A_141 : i32 to index
          %parallel_loop3A_186 = arith.constant 48 : index
          %parallel_loop3A_187 = tpu.vector_load %arg15[%parallel_loop3A_185, %parallel_loop3A_186] {strides = array<i32>} : memref<80x128xf32, #tpu.memory_space<vmem>>, vector<1x16xf32>,
          %parallel_loop3A_188 = vector.shape_cast %parallel_loop3A_187 : vector<1x16xf32> to vector<16xf32>
          %parallel_loop3A_189 = vector.shape_cast %parallel_loop3A_184 : vector<16xf32> to vector<1x16xf32>
          tpu.vector_store %arg15[%parallel_loop3A_185, %parallel_loop3A_186], %parallel_loop3A_189 {strides = array<i32>} : memref<80x128xf32, #tpu.memory_space<vmem>>, vector<1x16xf32>,
          %parallel_loop3A_190 = arith.index_cast %parallel_loop3A_141 : i32 to index
          %parallel_loop3A_191 = arith.constant 64 : index
          %parallel_loop3A_192 = tpu.vector_load %arg15[%parallel_loop3A_190, %parallel_loop3A_191] {strides = array<i32>} : memref<80x128xf32, #tpu.memory_space<vmem>>, vector<1x16xf32>,
          %parallel_loop3A_193 = vector.shape_cast %parallel_loop3A_192 : vector<1x16xf32> to vector<16xf32>
          %parallel_loop3A_194 = arith.constant 0.000000e+00 : f32
          %parallel_loop3A_195 = vector.broadcast %parallel_loop3A_194 : f32 to vector<16xf32>
          %parallel_loop3A_196 = arith.maximumf %parallel_loop3A_193, %parallel_loop3A_195 : vector<16xf32>
          %parallel_loop3A_197 = arith.index_cast %parallel_loop3A_141 : i32 to index
          %parallel_loop3A_198 = arith.constant 64 : index
          %parallel_loop3A_199 = tpu.vector_load %arg15[%parallel_loop3A_197, %parallel_loop3A_198] {strides = array<i32>} : memref<80x128xf32, #tpu.memory_space<vmem>>, vector<1x16xf32>,
          %parallel_loop3A_200 = vector.shape_cast %parallel_loop3A_199 : vector<1x16xf32> to vector<16xf32>
          %parallel_loop3A_201 = vector.shape_cast %parallel_loop3A_196 : vector<16xf32> to vector<1x16xf32>
          tpu.vector_store %arg15[%parallel_loop3A_197, %parallel_loop3A_198], %parallel_loop3A_201 {strides = array<i32>} : memref<80x128xf32, #tpu.memory_space<vmem>>, vector<1x16xf32>,
          %parallel_loop3A_202 = arith.index_cast %parallel_loop3A_141 : i32 to index
          %parallel_loop3A_203 = arith.constant 80 : index
          %parallel_loop3A_204 = tpu.vector_load %arg15[%parallel_loop3A_202, %parallel_loop3A_203] {strides = array<i32>} : memref<80x128xf32, #tpu.memory_space<vmem>>, vector<1x16xf32>,
          %parallel_loop3A_205 = vector.shape_cast %parallel_loop3A_204 : vector<1x16xf32> to vector<16xf32>
          %parallel_loop3A_206 = arith.constant 0.000000e+00 : f32
          %parallel_loop3A_207 = vector.broadcast %parallel_loop3A_206 : f32 to vector<16xf32>
          %parallel_loop3A_208 = arith.maximumf %parallel_loop3A_205, %parallel_loop3A_207 : vector<16xf32>
          %parallel_loop3A_209 = arith.index_cast %parallel_loop3A_141 : i32 to index
          %parallel_loop3A_210 = arith.constant 80 : index
          %parallel_loop3A_211 = tpu.vector_load %arg15[%parallel_loop3A_209, %parallel_loop3A_210] {strides = array<i32>} : memref<80x128xf32, #tpu.memory_space<vmem>>, vector<1x16xf32>,
          %parallel_loop3A_212 = vector.shape_cast %parallel_loop3A_211 : vector<1x16xf32> to vector<16xf32>
          %parallel_loop3A_213 = vector.shape_cast %parallel_loop3A_208 : vector<16xf32> to vector<1x16xf32>
          tpu.vector_store %arg15[%parallel_loop3A_209, %parallel_loop3A_210], %parallel_loop3A_213 {strides = array<i32>} : memref<80x128xf32, #tpu.memory_space<vmem>>, vector<1x16xf32>,
          %parallel_loop3A_214 = arith.index_cast %parallel_loop3A_141 : i32 to index
          %parallel_loop3A_215 = arith.constant 96 : index
          %parallel_loop3A_216 = tpu.vector_load %arg15[%parallel_loop3A_214, %parallel_loop3A_215] {strides = array<i32>} : memref<80x128xf32, #tpu.memory_space<vmem>>, vector<1x16xf32>,
          %parallel_loop3A_217 = vector.shape_cast %parallel_loop3A_216 : vector<1x16xf32> to vector<16xf32>
          %parallel_loop3A_218 = arith.constant 0.000000e+00 : f32
          %parallel_loop3A_219 = vector.broadcast %parallel_loop3A_218 : f32 to vector<16xf32>
          %parallel_loop3A_220 = arith.maximumf %parallel_loop3A_217, %parallel_loop3A_219 : vector<16xf32>
          %parallel_loop3A_221 = arith.index_cast %parallel_loop3A_141 : i32 to index
          %parallel_loop3A_222 = arith.constant 96 : index
          %parallel_loop3A_223 = tpu.vector_load %arg15[%parallel_loop3A_221, %parallel_loop3A_222] {strides = array<i32>} : memref<80x128xf32, #tpu.memory_space<vmem>>, vector<1x16xf32>,
          %parallel_loop3A_224 = vector.shape_cast %parallel_loop3A_223 : vector<1x16xf32> to vector<16xf32>
          %parallel_loop3A_225 = vector.shape_cast %parallel_loop3A_220 : vector<16xf32> to vector<1x16xf32>
          tpu.vector_store %arg15[%parallel_loop3A_221, %parallel_loop3A_222], %parallel_loop3A_225 {strides = array<i32>} : memref<80x128xf32, #tpu.memory_space<vmem>>, vector<1x16xf32>,
          %parallel_loop3A_226 = arith.index_cast %parallel_loop3A_141 : i32 to index
          %parallel_loop3A_227 = arith.constant 112 : index
          %parallel_loop3A_228 = tpu.vector_load %arg15[%parallel_loop3A_226, %parallel_loop3A_227] {strides = array<i32>} : memref<80x128xf32, #tpu.memory_space<vmem>>, vector<1x16xf32>,
          %parallel_loop3A_229 = vector.shape_cast %parallel_loop3A_228 : vector<1x16xf32> to vector<16xf32>
          %parallel_loop3A_230 = arith.constant 0.000000e+00 : f32
          %parallel_loop3A_231 = vector.broadcast %parallel_loop3A_230 : f32 to vector<16xf32>
          %parallel_loop3A_232 = arith.maximumf %parallel_loop3A_229, %parallel_loop3A_231 : vector<16xf32>
          %parallel_loop3A_233 = arith.index_cast %parallel_loop3A_141 : i32 to index
          %parallel_loop3A_234 = arith.constant 112 : index
          %parallel_loop3A_235 = tpu.vector_load %arg15[%parallel_loop3A_233, %parallel_loop3A_234] {strides = array<i32>} : memref<80x128xf32, #tpu.memory_space<vmem>>, vector<1x16xf32>,
          %parallel_loop3A_236 = vector.shape_cast %parallel_loop3A_235 : vector<1x16xf32> to vector<16xf32>
          %parallel_loop3A_237 = vector.shape_cast %parallel_loop3A_232 : vector<16xf32> to vector<1x16xf32>
          tpu.vector_store %arg15[%parallel_loop3A_233, %parallel_loop3A_234], %parallel_loop3A_237 {strides = array<i32>} : memref<80x128xf32, #tpu.memory_space<vmem>>, vector<1x16xf32>,
        } {sc.loop_unroll_factor = 4 : i64, sc.parallel_access}
        %dma_start3A_138 = arith.constant 0 : i32
        %dma_start3A_139 = arith.constant 0 : i32
        %dma_start3A_140 = tpu.memref_slice %arg19[%dma_start3A_138, %dma_start3A_139] : memref<10000x128xf32, #tpu.memory_space<vmem_shared>> -> memref<10000x128xf32, #tpu.memory_space<vmem_shared>>
        tpu.enqueue_indirect_dma source(%arg15 : memref<80x128xf32, #tpu.memory_space<vmem>>) target(%dma_start3A_140 : memref<10000x128xf32, #tpu.memory_space<vmem_shared>>) offsets(%arg11 : memref<80xi32, #tpu.memory_space<vmem>>) semaphore(%arg32 : memref<!tpu.dma_semaphore, #tpu.memory_space<semaphore_mem>>) {add = true}
      } else {
      }
      %mul3A_88 = arith.constant 4 : i32
      %mul3A_89 = arith.muli %mul3A_88, %scan3A_81 : i32
      %add3A_90 = arith.constant 1 : i32
      %add3A_91 = arith.addi %mul3A_89, %add3A_90 : i32
      %le3A_92 = arith.constant 124 : i32
      %le3A_93 = arith.cmpi sle, %add3A_91, %le3A_92 : i32
      %convert_element_type3A_94 = arith.extui %le3A_93 : i1 to i32
      %cond3A_95 = arith.constant 0 : i32
      %cond3A_96 = arith.cmpi ne, %convert_element_type3A_94, %cond3A_95 : i32
      scf.if %cond3A_96 {
        %ge3A = arith.constant 2 : i32
        %ge3A_115 = arith.cmpi sge, %add3A_91, %ge3A : i32
        %convert_element_type3A_116 = arith.extui %ge3A_115 : i1 to i32
        %cond3A_117 = arith.constant 0 : i32
        %cond3A_118 = arith.cmpi ne, %convert_element_type3A_116, %cond3A_117 : i32
        scf.if %cond3A_118 {
          %dma_wait3A_141 = arith.constant 0 : i32
          %dma_wait3A_142 = arith.constant 0 : i32
          %dma_wait3A_143 = tpu.memref_slice %arg19[%dma_wait3A_141, %dma_wait3A_142] : memref<10000x128xf32, #tpu.memory_space<vmem_shared>> -> memref<10000x128xf32, #tpu.memory_space<vmem_shared>>
          tpu.wait_indirect_dma semaphore(%arg35 : memref<!tpu.dma_semaphore, #tpu.memory_space<semaphore_mem>>) src(%arg18 : memref<80x128xf32, #tpu.memory_space<vmem>>) dst(%dma_wait3A_143 : memref<10000x128xf32, #tpu.memory_space<vmem_shared>>)
        } else {
        }
        %add3A_119 = arith.constant 2 : i32
        %add3A_120 = arith.addi %add3A_91, %add3A_119 : i32
        %le3A_121 = arith.constant 124 : i32
        %le3A_122 = arith.cmpi sle, %add3A_120, %le3A_121 : i32
        %convert_element_type3A_123 = arith.extui %le3A_122 : i1 to i32
        %cond3A_124 = arith.constant 0 : i32
        %cond3A_125 = arith.cmpi ne, %convert_element_type3A_123, %cond3A_124 : i32
        scf.if %cond3A_125 {
          %add3A_141 = arith.constant 2 : i32
          %add3A_142 = arith.addi %add3A_91, %add3A_141 : i32
          %mul3A_143 = arith.constant 80 : i32
          %mul3A_144 = arith.muli %add3A_142, %mul3A_143 : i32
          %add3A_145 = arith.addi %mul3A_20, %mul3A_144 : i32
          %dma_start3A_146 = tpu.memref_slice %arg3[%add3A_145] : memref<320000xi32, #tpu.memory_space<hbm>> -> memref<80xi32, #tpu.memory_space<hbm>>
          %dma_start3A_147 = tpu.memref_slice %arg3[%add3A_145] : memref<320000xi32, #tpu.memory_space<hbm>> -> memref<80xi32, #tpu.memory_space<hbm>>
          tpu.enqueue_dma source(%dma_start3A_147 : memref<80xi32, #tpu.memory_space<hbm>>) target(%arg10 : memref<80xi32, #tpu.memory_space<vmem>>) target_semaphore(%arg23 : memref<!tpu.dma_semaphore, #tpu.memory_space<semaphore_mem>>)
          %dma_start3A_148 = tpu.memref_slice %arg4[%add3A_145] : memref<320000xi32, #tpu.memory_space<hbm>> -> memref<80xi32, #tpu.memory_space<hbm>>
          %dma_start3A_149 = tpu.memref_slice %arg4[%add3A_145] : memref<320000xi32, #tpu.memory_space<hbm>> -> memref<80xi32, #tpu.memory_space<hbm>>
          tpu.enqueue_dma source(%dma_start3A_149 : memref<80xi32, #tpu.memory_space<hbm>>) target(%arg14 : memref<80xi32, #tpu.memory_space<vmem>>) target_semaphore(%arg23 : memref<!tpu.dma_semaphore, #tpu.memory_space<semaphore_mem>>)
          %add3A_150 = arith.constant 2 : i32
          %add3A_151 = arith.addi %add3A_91, %add3A_150 : i32
          %mul3A_152 = arith.constant 80 : i32
          %mul3A_153 = arith.muli %add3A_151, %mul3A_152 : i32
          %add3A_154 = arith.addi %mul3A_20, %mul3A_153 : i32
          %dma_start3A_155 = arith.constant 0 : i32
          %dma_start3A_156 = tpu.memref_slice %arg5[%add3A_154, %dma_start3A_155] : memref<320000x128xf32, #tpu.memory_space<hbm>> -> memref<80x128xf32, #tpu.memory_space<hbm>>
          %dma_start3A_157 = arith.constant 0 : i32
          %dma_start3A_158 = tpu.memref_slice %arg5[%add3A_154, %dma_start3A_157] : memref<320000x128xf32, #tpu.memory_space<hbm>> -> memref<80x128xf32, #tpu.memory_space<hbm>>
          tpu.enqueue_dma source(%dma_start3A_158 : memref<80x128xf32, #tpu.memory_space<hbm>>) target(%arg18 : memref<80x128xf32, #tpu.memory_space<vmem>>) target_semaphore(%arg27 : memref<!tpu.dma_semaphore, #tpu.memory_space<semaphore_mem>>)
        } else {
        }
        %add3A_126 = arith.constant 1 : i32
        %add3A_127 = arith.addi %add3A_91, %add3A_126 : i32
        %le3A_128 = arith.constant 124 : i32
        %le3A_129 = arith.cmpi sle, %add3A_127, %le3A_128 : i32
        %convert_element_type3A_130 = arith.extui %le3A_129 : i1 to i32
        %cond3A_131 = arith.constant 0 : i32
        %cond3A_132 = arith.cmpi ne, %convert_element_type3A_130, %cond3A_131 : i32
        scf.if %cond3A_132 {
          %add3A_141 = arith.constant 1 : i32
          %add3A_142 = arith.addi %add3A_91, %add3A_141 : i32
          %mul3A_143 = arith.constant 80 : i32
          %mul3A_144 = arith.muli %add3A_142, %mul3A_143 : i32
          %add3A_145 = arith.addi %mul3A_20, %mul3A_144 : i32
          %dma_wait3A_146 = tpu.memref_slice %arg3[%add3A_145] : memref<320000xi32, #tpu.memory_space<hbm>> -> memref<80xi32, #tpu.memory_space<hbm>>
          %dma_wait3A_147 = tpu.memref_slice %arg3[%add3A_145] : memref<320000xi32, #tpu.memory_space<hbm>> -> memref<80xi32, #tpu.memory_space<hbm>>
          tpu.wait_dma2 semaphore(%arg22 : memref<!tpu.dma_semaphore, #tpu.memory_space<semaphore_mem>>) src(%dma_wait3A_147 : memref<80xi32, #tpu.memory_space<hbm>>) dst(%arg9 : memref<80xi32, #tpu.memory_space<vmem>>)
          %dma_wait3A_148 = tpu.memref_slice %arg4[%add3A_145] : memref<320000xi32, #tpu.memory_space<hbm>> -> memref<80xi32, #tpu.memory_space<hbm>>
          %dma_wait3A_149 = tpu.memref_slice %arg4[%add3A_145] : memref<320000xi32, #tpu.memory_space<hbm>> -> memref<80xi32, #tpu.memory_space<hbm>>
          tpu.wait_dma2 semaphore(%arg22 : memref<!tpu.dma_semaphore, #tpu.memory_space<semaphore_mem>>) src(%dma_wait3A_149 : memref<80xi32, #tpu.memory_space<hbm>>) dst(%arg13 : memref<80xi32, #tpu.memory_space<vmem>>)
          %add3A_150 = arith.constant 1 : i32
          %add3A_151 = arith.addi %add3A_91, %add3A_150 : i32
          %mul3A_152 = arith.constant 80 : i32
          %mul3A_153 = arith.muli %add3A_151, %mul3A_152 : i32
          %add3A_154 = arith.addi %mul3A_20, %mul3A_153 : i32
          %dma_wait3A_155 = arith.constant 0 : i32
          %dma_wait3A_156 = tpu.memref_slice %arg5[%add3A_154, %dma_wait3A_155] : memref<320000x128xf32, #tpu.memory_space<hbm>> -> memref<80x128xf32, #tpu.memory_space<hbm>>
          %dma_wait3A_157 = arith.constant 0 : i32
          %dma_wait3A_158 = tpu.memref_slice %arg5[%add3A_154, %dma_wait3A_157] : memref<320000x128xf32, #tpu.memory_space<hbm>> -> memref<80x128xf32, #tpu.memory_space<hbm>>
          tpu.wait_dma2 semaphore(%arg26 : memref<!tpu.dma_semaphore, #tpu.memory_space<semaphore_mem>>) src(%dma_wait3A_158 : memref<80x128xf32, #tpu.memory_space<hbm>>) dst(%arg17 : memref<80x128xf32, #tpu.memory_space<vmem>>)
          %dma_start3A_159 = arith.constant 0 : i32
          %dma_start3A_160 = arith.constant 0 : i32
          %dma_start3A_161 = tpu.memref_slice %arg2[%dma_start3A_159, %dma_start3A_160] : memref<10000x128xf32, #tpu.memory_space<hbm>> -> memref<10000x128xf32, #tpu.memory_space<hbm>>
          tpu.enqueue_indirect_dma source(%dma_start3A_161 : memref<10000x128xf32, #tpu.memory_space<hbm>>) target(%arg17 : memref<80x128xf32, #tpu.memory_space<vmem>>) offsets(%arg9 : memref<80xi32, #tpu.memory_space<vmem>>) semaphore(%arg30 : memref<!tpu.dma_semaphore, #tpu.memory_space<semaphore_mem>>) {add = true}
        } else {
        }
        %dma_wait3A_133 = arith.constant 0 : i32
        %dma_wait3A_134 = arith.constant 0 : i32
        %dma_wait3A_135 = tpu.memref_slice %arg2[%dma_wait3A_133, %dma_wait3A_134] : memref<10000x128xf32, #tpu.memory_space<hbm>> -> memref<10000x128xf32, #tpu.memory_space<hbm>>
        tpu.wait_indirect_dma semaphore(%arg29 : memref<!tpu.dma_semaphore, #tpu.memory_space<semaphore_mem>>) src(%dma_wait3A_135 : memref<10000x128xf32, #tpu.memory_space<hbm>>) dst(%arg16 : memref<80x128xf32, #tpu.memory_space<vmem>>)
        %parallel_loop3A = arith.constant 0 : i32
        %parallel_loop3A_136 = arith.constant 80 : i32
        %parallel_loop3A_137 = arith.constant 1 : i32
        scf.for %parallel_loop3A_141 = %parallel_loop3A to %parallel_loop3A_136 step %parallel_loop3A_137  : i32 {
          %parallel_loop3A_142 = arith.index_cast %parallel_loop3A_141 : i32 to index
          %parallel_loop3A_143 = arith.constant 0 : index
          %parallel_loop3A_144 = tpu.vector_load %arg16[%parallel_loop3A_142, %parallel_loop3A_143] {strides = array<i32>} : memref<80x128xf32, #tpu.memory_space<vmem>>, vector<1x16xf32>,
          %parallel_loop3A_145 = vector.shape_cast %parallel_loop3A_144 : vector<1x16xf32> to vector<16xf32>
          %parallel_loop3A_146 = arith.constant 0.000000e+00 : f32
          %parallel_loop3A_147 = vector.broadcast %parallel_loop3A_146 : f32 to vector<16xf32>
          %parallel_loop3A_148 = arith.maximumf %parallel_loop3A_145, %parallel_loop3A_147 : vector<16xf32>
          %parallel_loop3A_149 = arith.index_cast %parallel_loop3A_141 : i32 to index
          %parallel_loop3A_150 = arith.constant 0 : index
          %parallel_loop3A_151 = tpu.vector_load %arg16[%parallel_loop3A_149, %parallel_loop3A_150] {strides = array<i32>} : memref<80x128xf32, #tpu.memory_space<vmem>>, vector<1x16xf32>,
          %parallel_loop3A_152 = vector.shape_cast %parallel_loop3A_151 : vector<1x16xf32> to vector<16xf32>
          %parallel_loop3A_153 = vector.shape_cast %parallel_loop3A_148 : vector<16xf32> to vector<1x16xf32>
          tpu.vector_store %arg16[%parallel_loop3A_149, %parallel_loop3A_150], %parallel_loop3A_153 {strides = array<i32>} : memref<80x128xf32, #tpu.memory_space<vmem>>, vector<1x16xf32>,
          %parallel_loop3A_154 = arith.index_cast %parallel_loop3A_141 : i32 to index
          %parallel_loop3A_155 = arith.constant 16 : index
          %parallel_loop3A_156 = tpu.vector_load %arg16[%parallel_loop3A_154, %parallel_loop3A_155] {strides = array<i32>} : memref<80x128xf32, #tpu.memory_space<vmem>>, vector<1x16xf32>,
          %parallel_loop3A_157 = vector.shape_cast %parallel_loop3A_156 : vector<1x16xf32> to vector<16xf32>
          %parallel_loop3A_158 = arith.constant 0.000000e+00 : f32
          %parallel_loop3A_159 = vector.broadcast %parallel_loop3A_158 : f32 to vector<16xf32>
          %parallel_loop3A_160 = arith.maximumf %parallel_loop3A_157, %parallel_loop3A_159 : vector<16xf32>
          %parallel_loop3A_161 = arith.index_cast %parallel_loop3A_141 : i32 to index
          %parallel_loop3A_162 = arith.constant 16 : index
          %parallel_loop3A_163 = tpu.vector_load %arg16[%parallel_loop3A_161, %parallel_loop3A_162] {strides = array<i32>} : memref<80x128xf32, #tpu.memory_space<vmem>>, vector<1x16xf32>,
          %parallel_loop3A_164 = vector.shape_cast %parallel_loop3A_163 : vector<1x16xf32> to vector<16xf32>
          %parallel_loop3A_165 = vector.shape_cast %parallel_loop3A_160 : vector<16xf32> to vector<1x16xf32>
          tpu.vector_store %arg16[%parallel_loop3A_161, %parallel_loop3A_162], %parallel_loop3A_165 {strides = array<i32>} : memref<80x128xf32, #tpu.memory_space<vmem>>, vector<1x16xf32>,
          %parallel_loop3A_166 = arith.index_cast %parallel_loop3A_141 : i32 to index
          %parallel_loop3A_167 = arith.constant 32 : index
          %parallel_loop3A_168 = tpu.vector_load %arg16[%parallel_loop3A_166, %parallel_loop3A_167] {strides = array<i32>} : memref<80x128xf32, #tpu.memory_space<vmem>>, vector<1x16xf32>,
          %parallel_loop3A_169 = vector.shape_cast %parallel_loop3A_168 : vector<1x16xf32> to vector<16xf32>
          %parallel_loop3A_170 = arith.constant 0.000000e+00 : f32
          %parallel_loop3A_171 = vector.broadcast %parallel_loop3A_170 : f32 to vector<16xf32>
          %parallel_loop3A_172 = arith.maximumf %parallel_loop3A_169, %parallel_loop3A_171 : vector<16xf32>
          %parallel_loop3A_173 = arith.index_cast %parallel_loop3A_141 : i32 to index
          %parallel_loop3A_174 = arith.constant 32 : index
          %parallel_loop3A_175 = tpu.vector_load %arg16[%parallel_loop3A_173, %parallel_loop3A_174] {strides = array<i32>} : memref<80x128xf32, #tpu.memory_space<vmem>>, vector<1x16xf32>,
          %parallel_loop3A_176 = vector.shape_cast %parallel_loop3A_175 : vector<1x16xf32> to vector<16xf32>
          %parallel_loop3A_177 = vector.shape_cast %parallel_loop3A_172 : vector<16xf32> to vector<1x16xf32>
          tpu.vector_store %arg16[%parallel_loop3A_173, %parallel_loop3A_174], %parallel_loop3A_177 {strides = array<i32>} : memref<80x128xf32, #tpu.memory_space<vmem>>, vector<1x16xf32>,
          %parallel_loop3A_178 = arith.index_cast %parallel_loop3A_141 : i32 to index
          %parallel_loop3A_179 = arith.constant 48 : index
          %parallel_loop3A_180 = tpu.vector_load %arg16[%parallel_loop3A_178, %parallel_loop3A_179] {strides = array<i32>} : memref<80x128xf32, #tpu.memory_space<vmem>>, vector<1x16xf32>,
          %parallel_loop3A_181 = vector.shape_cast %parallel_loop3A_180 : vector<1x16xf32> to vector<16xf32>
          %parallel_loop3A_182 = arith.constant 0.000000e+00 : f32
          %parallel_loop3A_183 = vector.broadcast %parallel_loop3A_182 : f32 to vector<16xf32>
          %parallel_loop3A_184 = arith.maximumf %parallel_loop3A_181, %parallel_loop3A_183 : vector<16xf32>
          %parallel_loop3A_185 = arith.index_cast %parallel_loop3A_141 : i32 to index
          %parallel_loop3A_186 = arith.constant 48 : index
          %parallel_loop3A_187 = tpu.vector_load %arg16[%parallel_loop3A_185, %parallel_loop3A_186] {strides = array<i32>} : memref<80x128xf32, #tpu.memory_space<vmem>>, vector<1x16xf32>,
          %parallel_loop3A_188 = vector.shape_cast %parallel_loop3A_187 : vector<1x16xf32> to vector<16xf32>
          %parallel_loop3A_189 = vector.shape_cast %parallel_loop3A_184 : vector<16xf32> to vector<1x16xf32>
          tpu.vector_store %arg16[%parallel_loop3A_185, %parallel_loop3A_186], %parallel_loop3A_189 {strides = array<i32>} : memref<80x128xf32, #tpu.memory_space<vmem>>, vector<1x16xf32>,
          %parallel_loop3A_190 = arith.index_cast %parallel_loop3A_141 : i32 to index
          %parallel_loop3A_191 = arith.constant 64 : index
          %parallel_loop3A_192 = tpu.vector_load %arg16[%parallel_loop3A_190, %parallel_loop3A_191] {strides = array<i32>} : memref<80x128xf32, #tpu.memory_space<vmem>>, vector<1x16xf32>,
          %parallel_loop3A_193 = vector.shape_cast %parallel_loop3A_192 : vector<1x16xf32> to vector<16xf32>
          %parallel_loop3A_194 = arith.constant 0.000000e+00 : f32
          %parallel_loop3A_195 = vector.broadcast %parallel_loop3A_194 : f32 to vector<16xf32>
          %parallel_loop3A_196 = arith.maximumf %parallel_loop3A_193, %parallel_loop3A_195 : vector<16xf32>
          %parallel_loop3A_197 = arith.index_cast %parallel_loop3A_141 : i32 to index
          %parallel_loop3A_198 = arith.constant 64 : index
          %parallel_loop3A_199 = tpu.vector_load %arg16[%parallel_loop3A_197, %parallel_loop3A_198] {strides = array<i32>} : memref<80x128xf32, #tpu.memory_space<vmem>>, vector<1x16xf32>,
          %parallel_loop3A_200 = vector.shape_cast %parallel_loop3A_199 : vector<1x16xf32> to vector<16xf32>
          %parallel_loop3A_201 = vector.shape_cast %parallel_loop3A_196 : vector<16xf32> to vector<1x16xf32>
          tpu.vector_store %arg16[%parallel_loop3A_197, %parallel_loop3A_198], %parallel_loop3A_201 {strides = array<i32>} : memref<80x128xf32, #tpu.memory_space<vmem>>, vector<1x16xf32>,
          %parallel_loop3A_202 = arith.index_cast %parallel_loop3A_141 : i32 to index
          %parallel_loop3A_203 = arith.constant 80 : index
          %parallel_loop3A_204 = tpu.vector_load %arg16[%parallel_loop3A_202, %parallel_loop3A_203] {strides = array<i32>} : memref<80x128xf32, #tpu.memory_space<vmem>>, vector<1x16xf32>,
          %parallel_loop3A_205 = vector.shape_cast %parallel_loop3A_204 : vector<1x16xf32> to vector<16xf32>
          %parallel_loop3A_206 = arith.constant 0.000000e+00 : f32
          %parallel_loop3A_207 = vector.broadcast %parallel_loop3A_206 : f32 to vector<16xf32>
          %parallel_loop3A_208 = arith.maximumf %parallel_loop3A_205, %parallel_loop3A_207 : vector<16xf32>
          %parallel_loop3A_209 = arith.index_cast %parallel_loop3A_141 : i32 to index
          %parallel_loop3A_210 = arith.constant 80 : index
          %parallel_loop3A_211 = tpu.vector_load %arg16[%parallel_loop3A_209, %parallel_loop3A_210] {strides = array<i32>} : memref<80x128xf32, #tpu.memory_space<vmem>>, vector<1x16xf32>,
          %parallel_loop3A_212 = vector.shape_cast %parallel_loop3A_211 : vector<1x16xf32> to vector<16xf32>
          %parallel_loop3A_213 = vector.shape_cast %parallel_loop3A_208 : vector<16xf32> to vector<1x16xf32>
          tpu.vector_store %arg16[%parallel_loop3A_209, %parallel_loop3A_210], %parallel_loop3A_213 {strides = array<i32>} : memref<80x128xf32, #tpu.memory_space<vmem>>, vector<1x16xf32>,
          %parallel_loop3A_214 = arith.index_cast %parallel_loop3A_141 : i32 to index
          %parallel_loop3A_215 = arith.constant 96 : index
          %parallel_loop3A_216 = tpu.vector_load %arg16[%parallel_loop3A_214, %parallel_loop3A_215] {strides = array<i32>} : memref<80x128xf32, #tpu.memory_space<vmem>>, vector<1x16xf32>,
          %parallel_loop3A_217 = vector.shape_cast %parallel_loop3A_216 : vector<1x16xf32> to vector<16xf32>
          %parallel_loop3A_218 = arith.constant 0.000000e+00 : f32
          %parallel_loop3A_219 = vector.broadcast %parallel_loop3A_218 : f32 to vector<16xf32>
          %parallel_loop3A_220 = arith.maximumf %parallel_loop3A_217, %parallel_loop3A_219 : vector<16xf32>
          %parallel_loop3A_221 = arith.index_cast %parallel_loop3A_141 : i32 to index
          %parallel_loop3A_222 = arith.constant 96 : index
          %parallel_loop3A_223 = tpu.vector_load %arg16[%parallel_loop3A_221, %parallel_loop3A_222] {strides = array<i32>} : memref<80x128xf32, #tpu.memory_space<vmem>>, vector<1x16xf32>,
          %parallel_loop3A_224 = vector.shape_cast %parallel_loop3A_223 : vector<1x16xf32> to vector<16xf32>
          %parallel_loop3A_225 = vector.shape_cast %parallel_loop3A_220 : vector<16xf32> to vector<1x16xf32>
          tpu.vector_store %arg16[%parallel_loop3A_221, %parallel_loop3A_222], %parallel_loop3A_225 {strides = array<i32>} : memref<80x128xf32, #tpu.memory_space<vmem>>, vector<1x16xf32>,
          %parallel_loop3A_226 = arith.index_cast %parallel_loop3A_141 : i32 to index
          %parallel_loop3A_227 = arith.constant 112 : index
          %parallel_loop3A_228 = tpu.vector_load %arg16[%parallel_loop3A_226, %parallel_loop3A_227] {strides = array<i32>} : memref<80x128xf32, #tpu.memory_space<vmem>>, vector<1x16xf32>,
          %parallel_loop3A_229 = vector.shape_cast %parallel_loop3A_228 : vector<1x16xf32> to vector<16xf32>
          %parallel_loop3A_230 = arith.constant 0.000000e+00 : f32
          %parallel_loop3A_231 = vector.broadcast %parallel_loop3A_230 : f32 to vector<16xf32>
          %parallel_loop3A_232 = arith.maximumf %parallel_loop3A_229, %parallel_loop3A_231 : vector<16xf32>
          %parallel_loop3A_233 = arith.index_cast %parallel_loop3A_141 : i32 to index
          %parallel_loop3A_234 = arith.constant 112 : index
          %parallel_loop3A_235 = tpu.vector_load %arg16[%parallel_loop3A_233, %parallel_loop3A_234] {strides = array<i32>} : memref<80x128xf32, #tpu.memory_space<vmem>>, vector<1x16xf32>,
          %parallel_loop3A_236 = vector.shape_cast %parallel_loop3A_235 : vector<1x16xf32> to vector<16xf32>
          %parallel_loop3A_237 = vector.shape_cast %parallel_loop3A_232 : vector<16xf32> to vector<1x16xf32>
          tpu.vector_store %arg16[%parallel_loop3A_233, %parallel_loop3A_234], %parallel_loop3A_237 {strides = array<i32>} : memref<80x128xf32, #tpu.memory_space<vmem>>, vector<1x16xf32>,
        } {sc.loop_unroll_factor = 4 : i64, sc.parallel_access}
        %dma_start3A_138 = arith.constant 0 : i32
        %dma_start3A_139 = arith.constant 0 : i32
        %dma_start3A_140 = tpu.memref_slice %arg19[%dma_start3A_138, %dma_start3A_139] : memref<10000x128xf32, #tpu.memory_space<vmem_shared>> -> memref<10000x128xf32, #tpu.memory_space<vmem_shared>>
        tpu.enqueue_indirect_dma source(%arg16 : memref<80x128xf32, #tpu.memory_space<vmem>>) target(%dma_start3A_140 : memref<10000x128xf32, #tpu.memory_space<vmem_shared>>) offsets(%arg12 : memref<80xi32, #tpu.memory_space<vmem>>) semaphore(%arg33 : memref<!tpu.dma_semaphore, #tpu.memory_space<semaphore_mem>>) {add = true}
      } else {
      }
      %mul3A_97 = arith.constant 4 : i32
      %mul3A_98 = arith.muli %mul3A_97, %scan3A_81 : i32
      %add3A_99 = arith.constant 2 : i32
      %add3A_100 = arith.addi %mul3A_98, %add3A_99 : i32
      %le3A_101 = arith.constant 124 : i32
      %le3A_102 = arith.cmpi sle, %add3A_100, %le3A_101 : i32
      %convert_element_type3A_103 = arith.extui %le3A_102 : i1 to i32
      %cond3A_104 = arith.constant 0 : i32
      %cond3A_105 = arith.cmpi ne, %convert_element_type3A_103, %cond3A_104 : i32
      scf.if %cond3A_105 {
        %ge3A = arith.constant 2 : i32
        %ge3A_115 = arith.cmpi sge, %add3A_100, %ge3A : i32
        %convert_element_type3A_116 = arith.extui %ge3A_115 : i1 to i32
        %cond3A_117 = arith.constant 0 : i32
        %cond3A_118 = arith.cmpi ne, %convert_element_type3A_116, %cond3A_117 : i32
        scf.if %cond3A_118 {
          %dma_wait3A_141 = arith.constant 0 : i32
          %dma_wait3A_142 = arith.constant 0 : i32
          %dma_wait3A_143 = tpu.memref_slice %arg19[%dma_wait3A_141, %dma_wait3A_142] : memref<10000x128xf32, #tpu.memory_space<vmem_shared>> -> memref<10000x128xf32, #tpu.memory_space<vmem_shared>>
          tpu.wait_indirect_dma semaphore(%arg32 : memref<!tpu.dma_semaphore, #tpu.memory_space<semaphore_mem>>) src(%arg15 : memref<80x128xf32, #tpu.memory_space<vmem>>) dst(%dma_wait3A_143 : memref<10000x128xf32, #tpu.memory_space<vmem_shared>>)
        } else {
        }
        %add3A_119 = arith.constant 2 : i32
        %add3A_120 = arith.addi %add3A_100, %add3A_119 : i32
        %le3A_121 = arith.constant 124 : i32
        %le3A_122 = arith.cmpi sle, %add3A_120, %le3A_121 : i32
        %convert_element_type3A_123 = arith.extui %le3A_122 : i1 to i32
        %cond3A_124 = arith.constant 0 : i32
        %cond3A_125 = arith.cmpi ne, %convert_element_type3A_123, %cond3A_124 : i32
        scf.if %cond3A_125 {
          %add3A_141 = arith.constant 2 : i32
          %add3A_142 = arith.addi %add3A_100, %add3A_141 : i32
          %mul3A_143 = arith.constant 80 : i32
          %mul3A_144 = arith.muli %add3A_142, %mul3A_143 : i32
          %add3A_145 = arith.addi %mul3A_20, %mul3A_144 : i32
          %dma_start3A_146 = tpu.memref_slice %arg3[%add3A_145] : memref<320000xi32, #tpu.memory_space<hbm>> -> memref<80xi32, #tpu.memory_space<hbm>>
          %dma_start3A_147 = tpu.memref_slice %arg3[%add3A_145] : memref<320000xi32, #tpu.memory_space<hbm>> -> memref<80xi32, #tpu.memory_space<hbm>>
          tpu.enqueue_dma source(%dma_start3A_147 : memref<80xi32, #tpu.memory_space<hbm>>) target(%arg7 : memref<80xi32, #tpu.memory_space<vmem>>) target_semaphore(%arg20 : memref<!tpu.dma_semaphore, #tpu.memory_space<semaphore_mem>>)
          %dma_start3A_148 = tpu.memref_slice %arg4[%add3A_145] : memref<320000xi32, #tpu.memory_space<hbm>> -> memref<80xi32, #tpu.memory_space<hbm>>
          %dma_start3A_149 = tpu.memref_slice %arg4[%add3A_145] : memref<320000xi32, #tpu.memory_space<hbm>> -> memref<80xi32, #tpu.memory_space<hbm>>
          tpu.enqueue_dma source(%dma_start3A_149 : memref<80xi32, #tpu.memory_space<hbm>>) target(%arg11 : memref<80xi32, #tpu.memory_space<vmem>>) target_semaphore(%arg20 : memref<!tpu.dma_semaphore, #tpu.memory_space<semaphore_mem>>)
          %add3A_150 = arith.constant 2 : i32
          %add3A_151 = arith.addi %add3A_100, %add3A_150 : i32
          %mul3A_152 = arith.constant 80 : i32
          %mul3A_153 = arith.muli %add3A_151, %mul3A_152 : i32
          %add3A_154 = arith.addi %mul3A_20, %mul3A_153 : i32
          %dma_start3A_155 = arith.constant 0 : i32
          %dma_start3A_156 = tpu.memref_slice %arg5[%add3A_154, %dma_start3A_155] : memref<320000x128xf32, #tpu.memory_space<hbm>> -> memref<80x128xf32, #tpu.memory_space<hbm>>
          %dma_start3A_157 = arith.constant 0 : i32
          %dma_start3A_158 = tpu.memref_slice %arg5[%add3A_154, %dma_start3A_157] : memref<320000x128xf32, #tpu.memory_space<hbm>> -> memref<80x128xf32, #tpu.memory_space<hbm>>
          tpu.enqueue_dma source(%dma_start3A_158 : memref<80x128xf32, #tpu.memory_space<hbm>>) target(%arg15 : memref<80x128xf32, #tpu.memory_space<vmem>>) target_semaphore(%arg24 : memref<!tpu.dma_semaphore, #tpu.memory_space<semaphore_mem>>)
        } else {
        }
        %add3A_126 = arith.constant 1 : i32
        %add3A_127 = arith.addi %add3A_100, %add3A_126 : i32
        %le3A_128 = arith.constant 124 : i32
        %le3A_129 = arith.cmpi sle, %add3A_127, %le3A_128 : i32
        %convert_element_type3A_130 = arith.extui %le3A_129 : i1 to i32
        %cond3A_131 = arith.constant 0 : i32
        %cond3A_132 = arith.cmpi ne, %convert_element_type3A_130, %cond3A_131 : i32
        scf.if %cond3A_132 {
          %add3A_141 = arith.constant 1 : i32
          %add3A_142 = arith.addi %add3A_100, %add3A_141 : i32
          %mul3A_143 = arith.constant 80 : i32
          %mul3A_144 = arith.muli %add3A_142, %mul3A_143 : i32
          %add3A_145 = arith.addi %mul3A_20, %mul3A_144 : i32
          %dma_wait3A_146 = tpu.memref_slice %arg3[%add3A_145] : memref<320000xi32, #tpu.memory_space<hbm>> -> memref<80xi32, #tpu.memory_space<hbm>>
          %dma_wait3A_147 = tpu.memref_slice %arg3[%add3A_145] : memref<320000xi32, #tpu.memory_space<hbm>> -> memref<80xi32, #tpu.memory_space<hbm>>
          tpu.wait_dma2 semaphore(%arg23 : memref<!tpu.dma_semaphore, #tpu.memory_space<semaphore_mem>>) src(%dma_wait3A_147 : memref<80xi32, #tpu.memory_space<hbm>>) dst(%arg10 : memref<80xi32, #tpu.memory_space<vmem>>)
          %dma_wait3A_148 = tpu.memref_slice %arg4[%add3A_145] : memref<320000xi32, #tpu.memory_space<hbm>> -> memref<80xi32, #tpu.memory_space<hbm>>
          %dma_wait3A_149 = tpu.memref_slice %arg4[%add3A_145] : memref<320000xi32, #tpu.memory_space<hbm>> -> memref<80xi32, #tpu.memory_space<hbm>>
          tpu.wait_dma2 semaphore(%arg23 : memref<!tpu.dma_semaphore, #tpu.memory_space<semaphore_mem>>) src(%dma_wait3A_149 : memref<80xi32, #tpu.memory_space<hbm>>) dst(%arg14 : memref<80xi32, #tpu.memory_space<vmem>>)
          %add3A_150 = arith.constant 1 : i32
          %add3A_151 = arith.addi %add3A_100, %add3A_150 : i32
          %mul3A_152 = arith.constant 80 : i32
          %mul3A_153 = arith.muli %add3A_151, %mul3A_152 : i32
          %add3A_154 = arith.addi %mul3A_20, %mul3A_153 : i32
          %dma_wait3A_155 = arith.constant 0 : i32
          %dma_wait3A_156 = tpu.memref_slice %arg5[%add3A_154, %dma_wait3A_155] : memref<320000x128xf32, #tpu.memory_space<hbm>> -> memref<80x128xf32, #tpu.memory_space<hbm>>
          %dma_wait3A_157 = arith.constant 0 : i32
          %dma_wait3A_158 = tpu.memref_slice %arg5[%add3A_154, %dma_wait3A_157] : memref<320000x128xf32, #tpu.memory_space<hbm>> -> memref<80x128xf32, #tpu.memory_space<hbm>>
          tpu.wait_dma2 semaphore(%arg27 : memref<!tpu.dma_semaphore, #tpu.memory_space<semaphore_mem>>) src(%dma_wait3A_158 : memref<80x128xf32, #tpu.memory_space<hbm>>) dst(%arg18 : memref<80x128xf32, #tpu.memory_space<vmem>>)
          %dma_start3A_159 = arith.constant 0 : i32
          %dma_start3A_160 = arith.constant 0 : i32
          %dma_start3A_161 = tpu.memref_slice %arg2[%dma_start3A_159, %dma_start3A_160] : memref<10000x128xf32, #tpu.memory_space<hbm>> -> memref<10000x128xf32, #tpu.memory_space<hbm>>
          tpu.enqueue_indirect_dma source(%dma_start3A_161 : memref<10000x128xf32, #tpu.memory_space<hbm>>) target(%arg18 : memref<80x128xf32, #tpu.memory_space<vmem>>) offsets(%arg10 : memref<80xi32, #tpu.memory_space<vmem>>) semaphore(%arg31 : memref<!tpu.dma_semaphore, #tpu.memory_space<semaphore_mem>>) {add = true}
        } else {
        }
        %dma_wait3A_133 = arith.constant 0 : i32
        %dma_wait3A_134 = arith.constant 0 : i32
        %dma_wait3A_135 = tpu.memref_slice %arg2[%dma_wait3A_133, %dma_wait3A_134] : memref<10000x128xf32, #tpu.memory_space<hbm>> -> memref<10000x128xf32, #tpu.memory_space<hbm>>
        tpu.wait_indirect_dma semaphore(%arg30 : memref<!tpu.dma_semaphore, #tpu.memory_space<semaphore_mem>>) src(%dma_wait3A_135 : memref<10000x128xf32, #tpu.memory_space<hbm>>) dst(%arg17 : memref<80x128xf32, #tpu.memory_space<vmem>>)
        %parallel_loop3A = arith.constant 0 : i32
        %parallel_loop3A_136 = arith.constant 80 : i32
        %parallel_loop3A_137 = arith.constant 1 : i32
        scf.for %parallel_loop3A_141 = %parallel_loop3A to %parallel_loop3A_136 step %parallel_loop3A_137  : i32 {
          %parallel_loop3A_142 = arith.index_cast %parallel_loop3A_141 : i32 to index
          %parallel_loop3A_143 = arith.constant 0 : index
          %parallel_loop3A_144 = tpu.vector_load %arg17[%parallel_loop3A_142, %parallel_loop3A_143] {strides = array<i32>} : memref<80x128xf32, #tpu.memory_space<vmem>>, vector<1x16xf32>,
          %parallel_loop3A_145 = vector.shape_cast %parallel_loop3A_144 : vector<1x16xf32> to vector<16xf32>
          %parallel_loop3A_146 = arith.constant 0.000000e+00 : f32
          %parallel_loop3A_147 = vector.broadcast %parallel_loop3A_146 : f32 to vector<16xf32>
          %parallel_loop3A_148 = arith.maximumf %parallel_loop3A_145, %parallel_loop3A_147 : vector<16xf32>
          %parallel_loop3A_149 = arith.index_cast %parallel_loop3A_141 : i32 to index
          %parallel_loop3A_150 = arith.constant 0 : index
          %parallel_loop3A_151 = tpu.vector_load %arg17[%parallel_loop3A_149, %parallel_loop3A_150] {strides = array<i32>} : memref<80x128xf32, #tpu.memory_space<vmem>>, vector<1x16xf32>,
          %parallel_loop3A_152 = vector.shape_cast %parallel_loop3A_151 : vector<1x16xf32> to vector<16xf32>
          %parallel_loop3A_153 = vector.shape_cast %parallel_loop3A_148 : vector<16xf32> to vector<1x16xf32>
          tpu.vector_store %arg17[%parallel_loop3A_149, %parallel_loop3A_150], %parallel_loop3A_153 {strides = array<i32>} : memref<80x128xf32, #tpu.memory_space<vmem>>, vector<1x16xf32>,
          %parallel_loop3A_154 = arith.index_cast %parallel_loop3A_141 : i32 to index
          %parallel_loop3A_155 = arith.constant 16 : index
          %parallel_loop3A_156 = tpu.vector_load %arg17[%parallel_loop3A_154, %parallel_loop3A_155] {strides = array<i32>} : memref<80x128xf32, #tpu.memory_space<vmem>>, vector<1x16xf32>,
          %parallel_loop3A_157 = vector.shape_cast %parallel_loop3A_156 : vector<1x16xf32> to vector<16xf32>
          %parallel_loop3A_158 = arith.constant 0.000000e+00 : f32
          %parallel_loop3A_159 = vector.broadcast %parallel_loop3A_158 : f32 to vector<16xf32>
          %parallel_loop3A_160 = arith.maximumf %parallel_loop3A_157, %parallel_loop3A_159 : vector<16xf32>
          %parallel_loop3A_161 = arith.index_cast %parallel_loop3A_141 : i32 to index
          %parallel_loop3A_162 = arith.constant 16 : index
          %parallel_loop3A_163 = tpu.vector_load %arg17[%parallel_loop3A_161, %parallel_loop3A_162] {strides = array<i32>} : memref<80x128xf32, #tpu.memory_space<vmem>>, vector<1x16xf32>,
          %parallel_loop3A_164 = vector.shape_cast %parallel_loop3A_163 : vector<1x16xf32> to vector<16xf32>
          %parallel_loop3A_165 = vector.shape_cast %parallel_loop3A_160 : vector<16xf32> to vector<1x16xf32>
          tpu.vector_store %arg17[%parallel_loop3A_161, %parallel_loop3A_162], %parallel_loop3A_165 {strides = array<i32>} : memref<80x128xf32, #tpu.memory_space<vmem>>, vector<1x16xf32>,
          %parallel_loop3A_166 = arith.index_cast %parallel_loop3A_141 : i32 to index
          %parallel_loop3A_167 = arith.constant 32 : index
          %parallel_loop3A_168 = tpu.vector_load %arg17[%parallel_loop3A_166, %parallel_loop3A_167] {strides = array<i32>} : memref<80x128xf32, #tpu.memory_space<vmem>>, vector<1x16xf32>,
          %parallel_loop3A_169 = vector.shape_cast %parallel_loop3A_168 : vector<1x16xf32> to vector<16xf32>
          %parallel_loop3A_170 = arith.constant 0.000000e+00 : f32
          %parallel_loop3A_171 = vector.broadcast %parallel_loop3A_170 : f32 to vector<16xf32>
          %parallel_loop3A_172 = arith.maximumf %parallel_loop3A_169, %parallel_loop3A_171 : vector<16xf32>
          %parallel_loop3A_173 = arith.index_cast %parallel_loop3A_141 : i32 to index
          %parallel_loop3A_174 = arith.constant 32 : index
          %parallel_loop3A_175 = tpu.vector_load %arg17[%parallel_loop3A_173, %parallel_loop3A_174] {strides = array<i32>} : memref<80x128xf32, #tpu.memory_space<vmem>>, vector<1x16xf32>,
          %parallel_loop3A_176 = vector.shape_cast %parallel_loop3A_175 : vector<1x16xf32> to vector<16xf32>
          %parallel_loop3A_177 = vector.shape_cast %parallel_loop3A_172 : vector<16xf32> to vector<1x16xf32>
          tpu.vector_store %arg17[%parallel_loop3A_173, %parallel_loop3A_174], %parallel_loop3A_177 {strides = array<i32>} : memref<80x128xf32, #tpu.memory_space<vmem>>, vector<1x16xf32>,
          %parallel_loop3A_178 = arith.index_cast %parallel_loop3A_141 : i32 to index
          %parallel_loop3A_179 = arith.constant 48 : index
          %parallel_loop3A_180 = tpu.vector_load %arg17[%parallel_loop3A_178, %parallel_loop3A_179] {strides = array<i32>} : memref<80x128xf32, #tpu.memory_space<vmem>>, vector<1x16xf32>,
          %parallel_loop3A_181 = vector.shape_cast %parallel_loop3A_180 : vector<1x16xf32> to vector<16xf32>
          %parallel_loop3A_182 = arith.constant 0.000000e+00 : f32
          %parallel_loop3A_183 = vector.broadcast %parallel_loop3A_182 : f32 to vector<16xf32>
          %parallel_loop3A_184 = arith.maximumf %parallel_loop3A_181, %parallel_loop3A_183 : vector<16xf32>
          %parallel_loop3A_185 = arith.index_cast %parallel_loop3A_141 : i32 to index
          %parallel_loop3A_186 = arith.constant 48 : index
          %parallel_loop3A_187 = tpu.vector_load %arg17[%parallel_loop3A_185, %parallel_loop3A_186] {strides = array<i32>} : memref<80x128xf32, #tpu.memory_space<vmem>>, vector<1x16xf32>,
          %parallel_loop3A_188 = vector.shape_cast %parallel_loop3A_187 : vector<1x16xf32> to vector<16xf32>
          %parallel_loop3A_189 = vector.shape_cast %parallel_loop3A_184 : vector<16xf32> to vector<1x16xf32>
          tpu.vector_store %arg17[%parallel_loop3A_185, %parallel_loop3A_186], %parallel_loop3A_189 {strides = array<i32>} : memref<80x128xf32, #tpu.memory_space<vmem>>, vector<1x16xf32>,
          %parallel_loop3A_190 = arith.index_cast %parallel_loop3A_141 : i32 to index
          %parallel_loop3A_191 = arith.constant 64 : index
          %parallel_loop3A_192 = tpu.vector_load %arg17[%parallel_loop3A_190, %parallel_loop3A_191] {strides = array<i32>} : memref<80x128xf32, #tpu.memory_space<vmem>>, vector<1x16xf32>,
          %parallel_loop3A_193 = vector.shape_cast %parallel_loop3A_192 : vector<1x16xf32> to vector<16xf32>
          %parallel_loop3A_194 = arith.constant 0.000000e+00 : f32
          %parallel_loop3A_195 = vector.broadcast %parallel_loop3A_194 : f32 to vector<16xf32>
          %parallel_loop3A_196 = arith.maximumf %parallel_loop3A_193, %parallel_loop3A_195 : vector<16xf32>
          %parallel_loop3A_197 = arith.index_cast %parallel_loop3A_141 : i32 to index
          %parallel_loop3A_198 = arith.constant 64 : index
          %parallel_loop3A_199 = tpu.vector_load %arg17[%parallel_loop3A_197, %parallel_loop3A_198] {strides = array<i32>} : memref<80x128xf32, #tpu.memory_space<vmem>>, vector<1x16xf32>,
          %parallel_loop3A_200 = vector.shape_cast %parallel_loop3A_199 : vector<1x16xf32> to vector<16xf32>
          %parallel_loop3A_201 = vector.shape_cast %parallel_loop3A_196 : vector<16xf32> to vector<1x16xf32>
          tpu.vector_store %arg17[%parallel_loop3A_197, %parallel_loop3A_198], %parallel_loop3A_201 {strides = array<i32>} : memref<80x128xf32, #tpu.memory_space<vmem>>, vector<1x16xf32>,
          %parallel_loop3A_202 = arith.index_cast %parallel_loop3A_141 : i32 to index
          %parallel_loop3A_203 = arith.constant 80 : index
          %parallel_loop3A_204 = tpu.vector_load %arg17[%parallel_loop3A_202, %parallel_loop3A_203] {strides = array<i32>} : memref<80x128xf32, #tpu.memory_space<vmem>>, vector<1x16xf32>,
          %parallel_loop3A_205 = vector.shape_cast %parallel_loop3A_204 : vector<1x16xf32> to vector<16xf32>
          %parallel_loop3A_206 = arith.constant 0.000000e+00 : f32
          %parallel_loop3A_207 = vector.broadcast %parallel_loop3A_206 : f32 to vector<16xf32>
          %parallel_loop3A_208 = arith.maximumf %parallel_loop3A_205, %parallel_loop3A_207 : vector<16xf32>
          %parallel_loop3A_209 = arith.index_cast %parallel_loop3A_141 : i32 to index
          %parallel_loop3A_210 = arith.constant 80 : index
          %parallel_loop3A_211 = tpu.vector_load %arg17[%parallel_loop3A_209, %parallel_loop3A_210] {strides = array<i32>} : memref<80x128xf32, #tpu.memory_space<vmem>>, vector<1x16xf32>,
          %parallel_loop3A_212 = vector.shape_cast %parallel_loop3A_211 : vector<1x16xf32> to vector<16xf32>
          %parallel_loop3A_213 = vector.shape_cast %parallel_loop3A_208 : vector<16xf32> to vector<1x16xf32>
          tpu.vector_store %arg17[%parallel_loop3A_209, %parallel_loop3A_210], %parallel_loop3A_213 {strides = array<i32>} : memref<80x128xf32, #tpu.memory_space<vmem>>, vector<1x16xf32>,
          %parallel_loop3A_214 = arith.index_cast %parallel_loop3A_141 : i32 to index
          %parallel_loop3A_215 = arith.constant 96 : index
          %parallel_loop3A_216 = tpu.vector_load %arg17[%parallel_loop3A_214, %parallel_loop3A_215] {strides = array<i32>} : memref<80x128xf32, #tpu.memory_space<vmem>>, vector<1x16xf32>,
          %parallel_loop3A_217 = vector.shape_cast %parallel_loop3A_216 : vector<1x16xf32> to vector<16xf32>
          %parallel_loop3A_218 = arith.constant 0.000000e+00 : f32
          %parallel_loop3A_219 = vector.broadcast %parallel_loop3A_218 : f32 to vector<16xf32>
          %parallel_loop3A_220 = arith.maximumf %parallel_loop3A_217, %parallel_loop3A_219 : vector<16xf32>
          %parallel_loop3A_221 = arith.index_cast %parallel_loop3A_141 : i32 to index
          %parallel_loop3A_222 = arith.constant 96 : index
          %parallel_loop3A_223 = tpu.vector_load %arg17[%parallel_loop3A_221, %parallel_loop3A_222] {strides = array<i32>} : memref<80x128xf32, #tpu.memory_space<vmem>>, vector<1x16xf32>,
          %parallel_loop3A_224 = vector.shape_cast %parallel_loop3A_223 : vector<1x16xf32> to vector<16xf32>
          %parallel_loop3A_225 = vector.shape_cast %parallel_loop3A_220 : vector<16xf32> to vector<1x16xf32>
          tpu.vector_store %arg17[%parallel_loop3A_221, %parallel_loop3A_222], %parallel_loop3A_225 {strides = array<i32>} : memref<80x128xf32, #tpu.memory_space<vmem>>, vector<1x16xf32>,
          %parallel_loop3A_226 = arith.index_cast %parallel_loop3A_141 : i32 to index
          %parallel_loop3A_227 = arith.constant 112 : index
          %parallel_loop3A_228 = tpu.vector_load %arg17[%parallel_loop3A_226, %parallel_loop3A_227] {strides = array<i32>} : memref<80x128xf32, #tpu.memory_space<vmem>>, vector<1x16xf32>,
          %parallel_loop3A_229 = vector.shape_cast %parallel_loop3A_228 : vector<1x16xf32> to vector<16xf32>
          %parallel_loop3A_230 = arith.constant 0.000000e+00 : f32
          %parallel_loop3A_231 = vector.broadcast %parallel_loop3A_230 : f32 to vector<16xf32>
          %parallel_loop3A_232 = arith.maximumf %parallel_loop3A_229, %parallel_loop3A_231 : vector<16xf32>
          %parallel_loop3A_233 = arith.index_cast %parallel_loop3A_141 : i32 to index
          %parallel_loop3A_234 = arith.constant 112 : index
          %parallel_loop3A_235 = tpu.vector_load %arg17[%parallel_loop3A_233, %parallel_loop3A_234] {strides = array<i32>} : memref<80x128xf32, #tpu.memory_space<vmem>>, vector<1x16xf32>,
          %parallel_loop3A_236 = vector.shape_cast %parallel_loop3A_235 : vector<1x16xf32> to vector<16xf32>
          %parallel_loop3A_237 = vector.shape_cast %parallel_loop3A_232 : vector<16xf32> to vector<1x16xf32>
          tpu.vector_store %arg17[%parallel_loop3A_233, %parallel_loop3A_234], %parallel_loop3A_237 {strides = array<i32>} : memref<80x128xf32, #tpu.memory_space<vmem>>, vector<1x16xf32>,
        } {sc.loop_unroll_factor = 4 : i64, sc.parallel_access}
        %dma_start3A_138 = arith.constant 0 : i32
        %dma_start3A_139 = arith.constant 0 : i32
        %dma_start3A_140 = tpu.memref_slice %arg19[%dma_start3A_138, %dma_start3A_139] : memref<10000x128xf32, #tpu.memory_space<vmem_shared>> -> memref<10000x128xf32, #tpu.memory_space<vmem_shared>>
        tpu.enqueue_indirect_dma source(%arg17 : memref<80x128xf32, #tpu.memory_space<vmem>>) target(%dma_start3A_140 : memref<10000x128xf32, #tpu.memory_space<vmem_shared>>) offsets(%arg13 : memref<80xi32, #tpu.memory_space<vmem>>) semaphore(%arg34 : memref<!tpu.dma_semaphore, #tpu.memory_space<semaphore_mem>>) {add = true}
      } else {
      }
      %mul3A_106 = arith.constant 4 : i32
      %mul3A_107 = arith.muli %mul3A_106, %scan3A_81 : i32
      %add3A_108 = arith.constant 3 : i32
      %add3A_109 = arith.addi %mul3A_107, %add3A_108 : i32
      %le3A_110 = arith.constant 124 : i32
      %le3A_111 = arith.cmpi sle, %add3A_109, %le3A_110 : i32
      %convert_element_type3A_112 = arith.extui %le3A_111 : i1 to i32
      %cond3A_113 = arith.constant 0 : i32
      %cond3A_114 = arith.cmpi ne, %convert_element_type3A_112, %cond3A_113 : i32
      scf.if %cond3A_114 {
        %ge3A = arith.constant 2 : i32
        %ge3A_115 = arith.cmpi sge, %add3A_109, %ge3A : i32
        %convert_element_type3A_116 = arith.extui %ge3A_115 : i1 to i32
        %cond3A_117 = arith.constant 0 : i32
        %cond3A_118 = arith.cmpi ne, %convert_element_type3A_116, %cond3A_117 : i32
        scf.if %cond3A_118 {
          %dma_wait3A_141 = arith.constant 0 : i32
          %dma_wait3A_142 = arith.constant 0 : i32
          %dma_wait3A_143 = tpu.memref_slice %arg19[%dma_wait3A_141, %dma_wait3A_142] : memref<10000x128xf32, #tpu.memory_space<vmem_shared>> -> memref<10000x128xf32, #tpu.memory_space<vmem_shared>>
          tpu.wait_indirect_dma semaphore(%arg33 : memref<!tpu.dma_semaphore, #tpu.memory_space<semaphore_mem>>) src(%arg16 : memref<80x128xf32, #tpu.memory_space<vmem>>) dst(%dma_wait3A_143 : memref<10000x128xf32, #tpu.memory_space<vmem_shared>>)
        } else {
        }
        %add3A_119 = arith.constant 2 : i32
        %add3A_120 = arith.addi %add3A_109, %add3A_119 : i32
        %le3A_121 = arith.constant 124 : i32
        %le3A_122 = arith.cmpi sle, %add3A_120, %le3A_121 : i32
        %convert_element_type3A_123 = arith.extui %le3A_122 : i1 to i32
        %cond3A_124 = arith.constant 0 : i32
        %cond3A_125 = arith.cmpi ne, %convert_element_type3A_123, %cond3A_124 : i32
        scf.if %cond3A_125 {
          %add3A_141 = arith.constant 2 : i32
          %add3A_142 = arith.addi %add3A_109, %add3A_141 : i32
          %mul3A_143 = arith.constant 80 : i32
          %mul3A_144 = arith.muli %add3A_142, %mul3A_143 : i32
          %add3A_145 = arith.addi %mul3A_20, %mul3A_144 : i32
          %dma_start3A_146 = tpu.memref_slice %arg3[%add3A_145] : memref<320000xi32, #tpu.memory_space<hbm>> -> memref<80xi32, #tpu.memory_space<hbm>>
          %dma_start3A_147 = tpu.memref_slice %arg3[%add3A_145] : memref<320000xi32, #tpu.memory_space<hbm>> -> memref<80xi32, #tpu.memory_space<hbm>>
          tpu.enqueue_dma source(%dma_start3A_147 : memref<80xi32, #tpu.memory_space<hbm>>) target(%arg8 : memref<80xi32, #tpu.memory_space<vmem>>) target_semaphore(%arg21 : memref<!tpu.dma_semaphore, #tpu.memory_space<semaphore_mem>>)
          %dma_start3A_148 = tpu.memref_slice %arg4[%add3A_145] : memref<320000xi32, #tpu.memory_space<hbm>> -> memref<80xi32, #tpu.memory_space<hbm>>
          %dma_start3A_149 = tpu.memref_slice %arg4[%add3A_145] : memref<320000xi32, #tpu.memory_space<hbm>> -> memref<80xi32, #tpu.memory_space<hbm>>
          tpu.enqueue_dma source(%dma_start3A_149 : memref<80xi32, #tpu.memory_space<hbm>>) target(%arg12 : memref<80xi32, #tpu.memory_space<vmem>>) target_semaphore(%arg21 : memref<!tpu.dma_semaphore, #tpu.memory_space<semaphore_mem>>)
          %add3A_150 = arith.constant 2 : i32
          %add3A_151 = arith.addi %add3A_109, %add3A_150 : i32
          %mul3A_152 = arith.constant 80 : i32
          %mul3A_153 = arith.muli %add3A_151, %mul3A_152 : i32
          %add3A_154 = arith.addi %mul3A_20, %mul3A_153 : i32
          %dma_start3A_155 = arith.constant 0 : i32
          %dma_start3A_156 = tpu.memref_slice %arg5[%add3A_154, %dma_start3A_155] : memref<320000x128xf32, #tpu.memory_space<hbm>> -> memref<80x128xf32, #tpu.memory_space<hbm>>
          %dma_start3A_157 = arith.constant 0 : i32
          %dma_start3A_158 = tpu.memref_slice %arg5[%add3A_154, %dma_start3A_157] : memref<320000x128xf32, #tpu.memory_space<hbm>> -> memref<80x128xf32, #tpu.memory_space<hbm>>
          tpu.enqueue_dma source(%dma_start3A_158 : memref<80x128xf32, #tpu.memory_space<hbm>>) target(%arg16 : memref<80x128xf32, #tpu.memory_space<vmem>>) target_semaphore(%arg25 : memref<!tpu.dma_semaphore, #tpu.memory_space<semaphore_mem>>)
        } else {
        }
        %add3A_126 = arith.constant 1 : i32
        %add3A_127 = arith.addi %add3A_109, %add3A_126 : i32
        %le3A_128 = arith.constant 124 : i32
        %le3A_129 = arith.cmpi sle, %add3A_127, %le3A_128 : i32
        %convert_element_type3A_130 = arith.extui %le3A_129 : i1 to i32
        %cond3A_131 = arith.constant 0 : i32
        %cond3A_132 = arith.cmpi ne, %convert_element_type3A_130, %cond3A_131 : i32
        scf.if %cond3A_132 {
          %add3A_141 = arith.constant 1 : i32
          %add3A_142 = arith.addi %add3A_109, %add3A_141 : i32
          %mul3A_143 = arith.constant 80 : i32
          %mul3A_144 = arith.muli %add3A_142, %mul3A_143 : i32
          %add3A_145 = arith.addi %mul3A_20, %mul3A_144 : i32
          %dma_wait3A_146 = tpu.memref_slice %arg3[%add3A_145] : memref<320000xi32, #tpu.memory_space<hbm>> -> memref<80xi32, #tpu.memory_space<hbm>>
          %dma_wait3A_147 = tpu.memref_slice %arg3[%add3A_145] : memref<320000xi32, #tpu.memory_space<hbm>> -> memref<80xi32, #tpu.memory_space<hbm>>
          tpu.wait_dma2 semaphore(%arg20 : memref<!tpu.dma_semaphore, #tpu.memory_space<semaphore_mem>>) src(%dma_wait3A_147 : memref<80xi32, #tpu.memory_space<hbm>>) dst(%arg7 : memref<80xi32, #tpu.memory_space<vmem>>)
          %dma_wait3A_148 = tpu.memref_slice %arg4[%add3A_145] : memref<320000xi32, #tpu.memory_space<hbm>> -> memref<80xi32, #tpu.memory_space<hbm>>
          %dma_wait3A_149 = tpu.memref_slice %arg4[%add3A_145] : memref<320000xi32, #tpu.memory_space<hbm>> -> memref<80xi32, #tpu.memory_space<hbm>>
          tpu.wait_dma2 semaphore(%arg20 : memref<!tpu.dma_semaphore, #tpu.memory_space<semaphore_mem>>) src(%dma_wait3A_149 : memref<80xi32, #tpu.memory_space<hbm>>) dst(%arg11 : memref<80xi32, #tpu.memory_space<vmem>>)
          %add3A_150 = arith.constant 1 : i32
          %add3A_151 = arith.addi %add3A_109, %add3A_150 : i32
          %mul3A_152 = arith.constant 80 : i32
          %mul3A_153 = arith.muli %add3A_151, %mul3A_152 : i32
          %add3A_154 = arith.addi %mul3A_20, %mul3A_153 : i32
          %dma_wait3A_155 = arith.constant 0 : i32
          %dma_wait3A_156 = tpu.memref_slice %arg5[%add3A_154, %dma_wait3A_155] : memref<320000x128xf32, #tpu.memory_space<hbm>> -> memref<80x128xf32, #tpu.memory_space<hbm>>
          %dma_wait3A_157 = arith.constant 0 : i32
          %dma_wait3A_158 = tpu.memref_slice %arg5[%add3A_154, %dma_wait3A_157] : memref<320000x128xf32, #tpu.memory_space<hbm>> -> memref<80x128xf32, #tpu.memory_space<hbm>>
          tpu.wait_dma2 semaphore(%arg24 : memref<!tpu.dma_semaphore, #tpu.memory_space<semaphore_mem>>) src(%dma_wait3A_158 : memref<80x128xf32, #tpu.memory_space<hbm>>) dst(%arg15 : memref<80x128xf32, #tpu.memory_space<vmem>>)
          %dma_start3A_159 = arith.constant 0 : i32
          %dma_start3A_160 = arith.constant 0 : i32
          %dma_start3A_161 = tpu.memref_slice %arg2[%dma_start3A_159, %dma_start3A_160] : memref<10000x128xf32, #tpu.memory_space<hbm>> -> memref<10000x128xf32, #tpu.memory_space<hbm>>
          tpu.enqueue_indirect_dma source(%dma_start3A_161 : memref<10000x128xf32, #tpu.memory_space<hbm>>) target(%arg15 : memref<80x128xf32, #tpu.memory_space<vmem>>) offsets(%arg7 : memref<80xi32, #tpu.memory_space<vmem>>) semaphore(%arg28 : memref<!tpu.dma_semaphore, #tpu.memory_space<semaphore_mem>>) {add = true}
        } else {
        }
        %dma_wait3A_133 = arith.constant 0 : i32
        %dma_wait3A_134 = arith.constant 0 : i32
        %dma_wait3A_135 = tpu.memref_slice %arg2[%dma_wait3A_133, %dma_wait3A_134] : memref<10000x128xf32, #tpu.memory_space<hbm>> -> memref<10000x128xf32, #tpu.memory_space<hbm>>
        tpu.wait_indirect_dma semaphore(%arg31 : memref<!tpu.dma_semaphore, #tpu.memory_space<semaphore_mem>>) src(%dma_wait3A_135 : memref<10000x128xf32, #tpu.memory_space<hbm>>) dst(%arg18 : memref<80x128xf32, #tpu.memory_space<vmem>>)
        %parallel_loop3A = arith.constant 0 : i32
        %parallel_loop3A_136 = arith.constant 80 : i32
        %parallel_loop3A_137 = arith.constant 1 : i32
        scf.for %parallel_loop3A_141 = %parallel_loop3A to %parallel_loop3A_136 step %parallel_loop3A_137  : i32 {
          %parallel_loop3A_142 = arith.index_cast %parallel_loop3A_141 : i32 to index
          %parallel_loop3A_143 = arith.constant 0 : index
          %parallel_loop3A_144 = tpu.vector_load %arg18[%parallel_loop3A_142, %parallel_loop3A_143] {strides = array<i32>} : memref<80x128xf32, #tpu.memory_space<vmem>>, vector<1x16xf32>,
          %parallel_loop3A_145 = vector.shape_cast %parallel_loop3A_144 : vector<1x16xf32> to vector<16xf32>
          %parallel_loop3A_146 = arith.constant 0.000000e+00 : f32
          %parallel_loop3A_147 = vector.broadcast %parallel_loop3A_146 : f32 to vector<16xf32>
          %parallel_loop3A_148 = arith.maximumf %parallel_loop3A_145, %parallel_loop3A_147 : vector<16xf32>
          %parallel_loop3A_149 = arith.index_cast %parallel_loop3A_141 : i32 to index
          %parallel_loop3A_150 = arith.constant 0 : index
          %parallel_loop3A_151 = tpu.vector_load %arg18[%parallel_loop3A_149, %parallel_loop3A_150] {strides = array<i32>} : memref<80x128xf32, #tpu.memory_space<vmem>>, vector<1x16xf32>,
          %parallel_loop3A_152 = vector.shape_cast %parallel_loop3A_151 : vector<1x16xf32> to vector<16xf32>
          %parallel_loop3A_153 = vector.shape_cast %parallel_loop3A_148 : vector<16xf32> to vector<1x16xf32>
          tpu.vector_store %arg18[%parallel_loop3A_149, %parallel_loop3A_150], %parallel_loop3A_153 {strides = array<i32>} : memref<80x128xf32, #tpu.memory_space<vmem>>, vector<1x16xf32>,
          %parallel_loop3A_154 = arith.index_cast %parallel_loop3A_141 : i32 to index
          %parallel_loop3A_155 = arith.constant 16 : index
          %parallel_loop3A_156 = tpu.vector_load %arg18[%parallel_loop3A_154, %parallel_loop3A_155] {strides = array<i32>} : memref<80x128xf32, #tpu.memory_space<vmem>>, vector<1x16xf32>,
          %parallel_loop3A_157 = vector.shape_cast %parallel_loop3A_156 : vector<1x16xf32> to vector<16xf32>
          %parallel_loop3A_158 = arith.constant 0.000000e+00 : f32
          %parallel_loop3A_159 = vector.broadcast %parallel_loop3A_158 : f32 to vector<16xf32>
          %parallel_loop3A_160 = arith.maximumf %parallel_loop3A_157, %parallel_loop3A_159 : vector<16xf32>
          %parallel_loop3A_161 = arith.index_cast %parallel_loop3A_141 : i32 to index
          %parallel_loop3A_162 = arith.constant 16 : index
          %parallel_loop3A_163 = tpu.vector_load %arg18[%parallel_loop3A_161, %parallel_loop3A_162] {strides = array<i32>} : memref<80x128xf32, #tpu.memory_space<vmem>>, vector<1x16xf32>,
          %parallel_loop3A_164 = vector.shape_cast %parallel_loop3A_163 : vector<1x16xf32> to vector<16xf32>
          %parallel_loop3A_165 = vector.shape_cast %parallel_loop3A_160 : vector<16xf32> to vector<1x16xf32>
          tpu.vector_store %arg18[%parallel_loop3A_161, %parallel_loop3A_162], %parallel_loop3A_165 {strides = array<i32>} : memref<80x128xf32, #tpu.memory_space<vmem>>, vector<1x16xf32>,
          %parallel_loop3A_166 = arith.index_cast %parallel_loop3A_141 : i32 to index
          %parallel_loop3A_167 = arith.constant 32 : index
          %parallel_loop3A_168 = tpu.vector_load %arg18[%parallel_loop3A_166, %parallel_loop3A_167] {strides = array<i32>} : memref<80x128xf32, #tpu.memory_space<vmem>>, vector<1x16xf32>,
          %parallel_loop3A_169 = vector.shape_cast %parallel_loop3A_168 : vector<1x16xf32> to vector<16xf32>
          %parallel_loop3A_170 = arith.constant 0.000000e+00 : f32
          %parallel_loop3A_171 = vector.broadcast %parallel_loop3A_170 : f32 to vector<16xf32>
          %parallel_loop3A_172 = arith.maximumf %parallel_loop3A_169, %parallel_loop3A_171 : vector<16xf32>
          %parallel_loop3A_173 = arith.index_cast %parallel_loop3A_141 : i32 to index
          %parallel_loop3A_174 = arith.constant 32 : index
          %parallel_loop3A_175 = tpu.vector_load %arg18[%parallel_loop3A_173, %parallel_loop3A_174] {strides = array<i32>} : memref<80x128xf32, #tpu.memory_space<vmem>>, vector<1x16xf32>,
          %parallel_loop3A_176 = vector.shape_cast %parallel_loop3A_175 : vector<1x16xf32> to vector<16xf32>
          %parallel_loop3A_177 = vector.shape_cast %parallel_loop3A_172 : vector<16xf32> to vector<1x16xf32>
          tpu.vector_store %arg18[%parallel_loop3A_173, %parallel_loop3A_174], %parallel_loop3A_177 {strides = array<i32>} : memref<80x128xf32, #tpu.memory_space<vmem>>, vector<1x16xf32>,
          %parallel_loop3A_178 = arith.index_cast %parallel_loop3A_141 : i32 to index
          %parallel_loop3A_179 = arith.constant 48 : index
          %parallel_loop3A_180 = tpu.vector_load %arg18[%parallel_loop3A_178, %parallel_loop3A_179] {strides = array<i32>} : memref<80x128xf32, #tpu.memory_space<vmem>>, vector<1x16xf32>,
          %parallel_loop3A_181 = vector.shape_cast %parallel_loop3A_180 : vector<1x16xf32> to vector<16xf32>
          %parallel_loop3A_182 = arith.constant 0.000000e+00 : f32
          %parallel_loop3A_183 = vector.broadcast %parallel_loop3A_182 : f32 to vector<16xf32>
          %parallel_loop3A_184 = arith.maximumf %parallel_loop3A_181, %parallel_loop3A_183 : vector<16xf32>
          %parallel_loop3A_185 = arith.index_cast %parallel_loop3A_141 : i32 to index
          %parallel_loop3A_186 = arith.constant 48 : index
          %parallel_loop3A_187 = tpu.vector_load %arg18[%parallel_loop3A_185, %parallel_loop3A_186] {strides = array<i32>} : memref<80x128xf32, #tpu.memory_space<vmem>>, vector<1x16xf32>,
          %parallel_loop3A_188 = vector.shape_cast %parallel_loop3A_187 : vector<1x16xf32> to vector<16xf32>
          %parallel_loop3A_189 = vector.shape_cast %parallel_loop3A_184 : vector<16xf32> to vector<1x16xf32>
          tpu.vector_store %arg18[%parallel_loop3A_185, %parallel_loop3A_186], %parallel_loop3A_189 {strides = array<i32>} : memref<80x128xf32, #tpu.memory_space<vmem>>, vector<1x16xf32>,
          %parallel_loop3A_190 = arith.index_cast %parallel_loop3A_141 : i32 to index
          %parallel_loop3A_191 = arith.constant 64 : index
          %parallel_loop3A_192 = tpu.vector_load %arg18[%parallel_loop3A_190, %parallel_loop3A_191] {strides = array<i32>} : memref<80x128xf32, #tpu.memory_space<vmem>>, vector<1x16xf32>,
          %parallel_loop3A_193 = vector.shape_cast %parallel_loop3A_192 : vector<1x16xf32> to vector<16xf32>
          %parallel_loop3A_194 = arith.constant 0.000000e+00 : f32
          %parallel_loop3A_195 = vector.broadcast %parallel_loop3A_194 : f32 to vector<16xf32>
          %parallel_loop3A_196 = arith.maximumf %parallel_loop3A_193, %parallel_loop3A_195 : vector<16xf32>
          %parallel_loop3A_197 = arith.index_cast %parallel_loop3A_141 : i32 to index
          %parallel_loop3A_198 = arith.constant 64 : index
          %parallel_loop3A_199 = tpu.vector_load %arg18[%parallel_loop3A_197, %parallel_loop3A_198] {strides = array<i32>} : memref<80x128xf32, #tpu.memory_space<vmem>>, vector<1x16xf32>,
          %parallel_loop3A_200 = vector.shape_cast %parallel_loop3A_199 : vector<1x16xf32> to vector<16xf32>
          %parallel_loop3A_201 = vector.shape_cast %parallel_loop3A_196 : vector<16xf32> to vector<1x16xf32>
          tpu.vector_store %arg18[%parallel_loop3A_197, %parallel_loop3A_198], %parallel_loop3A_201 {strides = array<i32>} : memref<80x128xf32, #tpu.memory_space<vmem>>, vector<1x16xf32>,
          %parallel_loop3A_202 = arith.index_cast %parallel_loop3A_141 : i32 to index
          %parallel_loop3A_203 = arith.constant 80 : index
          %parallel_loop3A_204 = tpu.vector_load %arg18[%parallel_loop3A_202, %parallel_loop3A_203] {strides = array<i32>} : memref<80x128xf32, #tpu.memory_space<vmem>>, vector<1x16xf32>,
          %parallel_loop3A_205 = vector.shape_cast %parallel_loop3A_204 : vector<1x16xf32> to vector<16xf32>
          %parallel_loop3A_206 = arith.constant 0.000000e+00 : f32
          %parallel_loop3A_207 = vector.broadcast %parallel_loop3A_206 : f32 to vector<16xf32>
          %parallel_loop3A_208 = arith.maximumf %parallel_loop3A_205, %parallel_loop3A_207 : vector<16xf32>
          %parallel_loop3A_209 = arith.index_cast %parallel_loop3A_141 : i32 to index
          %parallel_loop3A_210 = arith.constant 80 : index
          %parallel_loop3A_211 = tpu.vector_load %arg18[%parallel_loop3A_209, %parallel_loop3A_210] {strides = array<i32>} : memref<80x128xf32, #tpu.memory_space<vmem>>, vector<1x16xf32>,
          %parallel_loop3A_212 = vector.shape_cast %parallel_loop3A_211 : vector<1x16xf32> to vector<16xf32>
          %parallel_loop3A_213 = vector.shape_cast %parallel_loop3A_208 : vector<16xf32> to vector<1x16xf32>
          tpu.vector_store %arg18[%parallel_loop3A_209, %parallel_loop3A_210], %parallel_loop3A_213 {strides = array<i32>} : memref<80x128xf32, #tpu.memory_space<vmem>>, vector<1x16xf32>,
          %parallel_loop3A_214 = arith.index_cast %parallel_loop3A_141 : i32 to index
          %parallel_loop3A_215 = arith.constant 96 : index
          %parallel_loop3A_216 = tpu.vector_load %arg18[%parallel_loop3A_214, %parallel_loop3A_215] {strides = array<i32>} : memref<80x128xf32, #tpu.memory_space<vmem>>, vector<1x16xf32>,
          %parallel_loop3A_217 = vector.shape_cast %parallel_loop3A_216 : vector<1x16xf32> to vector<16xf32>
          %parallel_loop3A_218 = arith.constant 0.000000e+00 : f32
          %parallel_loop3A_219 = vector.broadcast %parallel_loop3A_218 : f32 to vector<16xf32>
          %parallel_loop3A_220 = arith.maximumf %parallel_loop3A_217, %parallel_loop3A_219 : vector<16xf32>
          %parallel_loop3A_221 = arith.index_cast %parallel_loop3A_141 : i32 to index
          %parallel_loop3A_222 = arith.constant 96 : index
          %parallel_loop3A_223 = tpu.vector_load %arg18[%parallel_loop3A_221, %parallel_loop3A_222] {strides = array<i32>} : memref<80x128xf32, #tpu.memory_space<vmem>>, vector<1x16xf32>,
          %parallel_loop3A_224 = vector.shape_cast %parallel_loop3A_223 : vector<1x16xf32> to vector<16xf32>
          %parallel_loop3A_225 = vector.shape_cast %parallel_loop3A_220 : vector<16xf32> to vector<1x16xf32>
          tpu.vector_store %arg18[%parallel_loop3A_221, %parallel_loop3A_222], %parallel_loop3A_225 {strides = array<i32>} : memref<80x128xf32, #tpu.memory_space<vmem>>, vector<1x16xf32>,
          %parallel_loop3A_226 = arith.index_cast %parallel_loop3A_141 : i32 to index
          %parallel_loop3A_227 = arith.constant 112 : index
          %parallel_loop3A_228 = tpu.vector_load %arg18[%parallel_loop3A_226, %parallel_loop3A_227] {strides = array<i32>} : memref<80x128xf32, #tpu.memory_space<vmem>>, vector<1x16xf32>,
          %parallel_loop3A_229 = vector.shape_cast %parallel_loop3A_228 : vector<1x16xf32> to vector<16xf32>
          %parallel_loop3A_230 = arith.constant 0.000000e+00 : f32
          %parallel_loop3A_231 = vector.broadcast %parallel_loop3A_230 : f32 to vector<16xf32>
          %parallel_loop3A_232 = arith.maximumf %parallel_loop3A_229, %parallel_loop3A_231 : vector<16xf32>
          %parallel_loop3A_233 = arith.index_cast %parallel_loop3A_141 : i32 to index
          %parallel_loop3A_234 = arith.constant 112 : index
          %parallel_loop3A_235 = tpu.vector_load %arg18[%parallel_loop3A_233, %parallel_loop3A_234] {strides = array<i32>} : memref<80x128xf32, #tpu.memory_space<vmem>>, vector<1x16xf32>,
          %parallel_loop3A_236 = vector.shape_cast %parallel_loop3A_235 : vector<1x16xf32> to vector<16xf32>
          %parallel_loop3A_237 = vector.shape_cast %parallel_loop3A_232 : vector<16xf32> to vector<1x16xf32>
          tpu.vector_store %arg18[%parallel_loop3A_233, %parallel_loop3A_234], %parallel_loop3A_237 {strides = array<i32>} : memref<80x128xf32, #tpu.memory_space<vmem>>, vector<1x16xf32>,
        } {sc.loop_unroll_factor = 4 : i64, sc.parallel_access}
        %dma_start3A_138 = arith.constant 0 : i32
        %dma_start3A_139 = arith.constant 0 : i32
        %dma_start3A_140 = tpu.memref_slice %arg19[%dma_start3A_138, %dma_start3A_139] : memref<10000x128xf32, #tpu.memory_space<vmem_shared>> -> memref<10000x128xf32, #tpu.memory_space<vmem_shared>>
        tpu.enqueue_indirect_dma source(%arg18 : memref<80x128xf32, #tpu.memory_space<vmem>>) target(%dma_start3A_140 : memref<10000x128xf32, #tpu.memory_space<vmem_shared>>) offsets(%arg14 : memref<80xi32, #tpu.memory_space<vmem>>) semaphore(%arg35 : memref<!tpu.dma_semaphore, #tpu.memory_space<semaphore_mem>>) {add = true}
      } else {
      }
    }
    %scan3A_63 = arith.constant 32 : i32
    %dma_wait3A_64 = arith.constant 0 : i32
    %dma_wait3A_65 = arith.constant 0 : i32
    %dma_wait3A_66 = tpu.memref_slice %arg19[%dma_wait3A_64, %dma_wait3A_65] : memref<10000x128xf32, #tpu.memory_space<vmem_shared>> -> memref<10000x128xf32, #tpu.memory_space<vmem_shared>>
    tpu.wait_indirect_dma semaphore(%arg35 : memref<!tpu.dma_semaphore, #tpu.memory_space<semaphore_mem>>) src(%arg18 : memref<80x128xf32, #tpu.memory_space<vmem>>) dst(%dma_wait3A_66 : memref<10000x128xf32, #tpu.memory_space<vmem_shared>>)
    %dma_wait3A_67 = arith.constant 0 : i32
    %dma_wait3A_68 = arith.constant 0 : i32
    %dma_wait3A_69 = tpu.memref_slice %arg19[%dma_wait3A_67, %dma_wait3A_68] : memref<10000x128xf32, #tpu.memory_space<vmem_shared>> -> memref<10000x128xf32, #tpu.memory_space<vmem_shared>>
    tpu.wait_indirect_dma semaphore(%arg32 : memref<!tpu.dma_semaphore, #tpu.memory_space<semaphore_mem>>) src(%arg15 : memref<80x128xf32, #tpu.memory_space<vmem>>) dst(%dma_wait3A_69 : memref<10000x128xf32, #tpu.memory_space<vmem_shared>>)
    %barrier3A_70 = arith.constant 0 : index
    tpu.barrier barrier_id(%barrier3A_70)
    %while3A_71 = arith.constant 0 : i32
    %while3A_72 = arith.constant 0 : i32
    %while3A_73 = arith.subi %select_n3A, %while3A_72 : i32
    %while3A_74 = arith.addi %while3A_72, %while3A_73 : i32
    %while3A_75 = arith.constant 1 : i32
    %while3A_76 = arith.divsi %while3A_73, %while3A_75 : i32
    %while3A_77 = arith.muli %while3A_76, %while3A_75 : i32
    %while3A_78 = arith.addi %while3A_72, %while3A_77 : i32
    %while3A_79 = arith.constant 1 : i32
    scf.for %while3A_81 = %while3A_72 to %while3A_78 step %while3A_79  : i32 {
      %mul3A_82 = arith.constant 80 : i32
      %mul3A_83 = arith.muli %while3A_81, %mul3A_82 : i32
      %add3A_84 = arith.addi %mul3A_7, %mul3A_83 : i32
      "tpu.region"() ({
        %run_scoped3A = tpu.sem_alloc : memref<!tpu.dma_semaphore, #tpu.memory_space<semaphore_mem>>
        %dma_start3A_85 = arith.constant 0 : i32
        %dma_start3A_86 = tpu.memref_slice %arg19[%add3A_84, %dma_start3A_85] : memref<10000x128xf32, #tpu.memory_space<vmem_shared>> -> memref<80x128xf32, #tpu.memory_space<vmem_shared>>
        %dma_start3A_87 = arith.constant 0 : i32
        %dma_start3A_88 = tpu.memref_slice %arg19[%add3A_84, %dma_start3A_87] : memref<10000x128xf32, #tpu.memory_space<vmem_shared>> -> memref<80x128xf32, #tpu.memory_space<vmem_shared>>
        tpu.enqueue_dma source(%dma_start3A_88 : memref<80x128xf32, #tpu.memory_space<vmem_shared>>) target(%arg15 : memref<80x128xf32, #tpu.memory_space<vmem>>) target_semaphore(%run_scoped3A : memref<!tpu.dma_semaphore, #tpu.memory_space<semaphore_mem>>)
        %dma_wait3A_89 = arith.constant 0 : i32
        %dma_wait3A_90 = tpu.memref_slice %arg19[%add3A_84, %dma_wait3A_89] : memref<10000x128xf32, #tpu.memory_space<vmem_shared>> -> memref<80x128xf32, #tpu.memory_space<vmem_shared>>
        %dma_wait3A_91 = arith.constant 0 : i32
        %dma_wait3A_92 = tpu.memref_slice %arg19[%add3A_84, %dma_wait3A_91] : memref<10000x128xf32, #tpu.memory_space<vmem_shared>> -> memref<80x128xf32, #tpu.memory_space<vmem_shared>>
        tpu.wait_dma2 semaphore(%run_scoped3A : memref<!tpu.dma_semaphore, #tpu.memory_space<semaphore_mem>>) src(%dma_wait3A_92 : memref<80x128xf32, #tpu.memory_space<vmem_shared>>) dst(%arg15 : memref<80x128xf32, #tpu.memory_space<vmem>>)
        tpu.yield
      }) : () -> ()
      "tpu.region"() ({
        %run_scoped3A = tpu.sem_alloc : memref<!tpu.dma_semaphore, #tpu.memory_space<semaphore_mem>>
        %dma_start3A_85 = arith.constant 0 : i32
        %dma_start3A_86 = tpu.memref_slice %arg6[%arg0, %add3A_84, %dma_start3A_85] : memref<2x10000x128xf32, #tpu.memory_space<hbm>> -> memref<1x80x128xf32, #tpu.memory_space<hbm>>
        %dma_start3A_87 = tpu.memref_squeeze %dma_start3A_86 : memref<1x80x128xf32, #tpu.memory_space<hbm>> -> memref<80x128xf32, #tpu.memory_space<hbm>>
        %dma_start3A_88 = arith.constant 0 : i32
        %dma_start3A_89 = tpu.memref_slice %arg6[%arg0, %add3A_84, %dma_start3A_88] : memref<2x10000x128xf32, #tpu.memory_space<hbm>> -> memref<1x80x128xf32, #tpu.memory_space<hbm>>
        %dma_start3A_90 = tpu.memref_squeeze %dma_start3A_89 : memref<1x80x128xf32, #tpu.memory_space<hbm>> -> memref<80x128xf32, #tpu.memory_space<hbm>>
        tpu.enqueue_dma source(%arg15 : memref<80x128xf32, #tpu.memory_space<vmem>>) target(%dma_start3A_90 : memref<80x128xf32, #tpu.memory_space<hbm>>) target_semaphore(%run_scoped3A : memref<!tpu.dma_semaphore, #tpu.memory_space<semaphore_mem>>)
        %dma_wait3A_91 = arith.constant 0 : i32
        %dma_wait3A_92 = tpu.memref_slice %arg6[%arg0, %add3A_84, %dma_wait3A_91] : memref<2x10000x128xf32, #tpu.memory_space<hbm>> -> memref<1x80x128xf32, #tpu.memory_space<hbm>>
        %dma_wait3A_93 = tpu.memref_squeeze %dma_wait3A_92 : memref<1x80x128xf32, #tpu.memory_space<hbm>> -> memref<80x128xf32, #tpu.memory_space<hbm>>
        %dma_wait3A_94 = arith.constant 0 : i32
        %dma_wait3A_95 = tpu.memref_slice %arg6[%arg0, %add3A_84, %dma_wait3A_94] : memref<2x10000x128xf32, #tpu.memory_space<hbm>> -> memref<1x80x128xf32, #tpu.memory_space<hbm>>
        %dma_wait3A_96 = tpu.memref_squeeze %dma_wait3A_95 : memref<1x80x128xf32, #tpu.memory_space<hbm>> -> memref<80x128xf32, #tpu.memory_space<hbm>>
        tpu.wait_dma2 semaphore(%run_scoped3A : memref<!tpu.dma_semaphore, #tpu.memory_space<semaphore_mem>>) src(%arg15 : memref<80x128xf32, #tpu.memory_space<vmem>>) dst(%dma_wait3A_96 : memref<80x128xf32, #tpu.memory_space<hbm>>)
        tpu.yield
      }) : () -> ()
    }
    %while3A_80 = arith.constant 1 : i32
    scf.for %while3A_81 = %while3A_78 to %while3A_74 step %while3A_80  : i32 {
      %mul3A_82 = arith.constant 80 : i32
      %mul3A_83 = arith.muli %while3A_81, %mul3A_82 : i32
      %add3A_84 = arith.addi %mul3A_7, %mul3A_83 : i32
      "tpu.region"() ({
        %run_scoped3A = tpu.sem_alloc : memref<!tpu.dma_semaphore, #tpu.memory_space<semaphore_mem>>
        %dma_start3A_85 = arith.constant 0 : i32
        %dma_start3A_86 = tpu.memref_slice %arg19[%add3A_84, %dma_start3A_85] : memref<10000x128xf32, #tpu.memory_space<vmem_shared>> -> memref<80x128xf32, #tpu.memory_space<vmem_shared>>
        %dma_start3A_87 = arith.constant 0 : i32
        %dma_start3A_88 = tpu.memref_slice %arg19[%add3A_84, %dma_start3A_87] : memref<10000x128xf32, #tpu.memory_space<vmem_shared>> -> memref<80x128xf32, #tpu.memory_space<vmem_shared>>
        tpu.enqueue_dma source(%dma_start3A_88 : memref<80x128xf32, #tpu.memory_space<vmem_shared>>) target(%arg15 : memref<80x128xf32, #tpu.memory_space<vmem>>) target_semaphore(%run_scoped3A : memref<!tpu.dma_semaphore, #tpu.memory_space<semaphore_mem>>)
        %dma_wait3A_89 = arith.constant 0 : i32
        %dma_wait3A_90 = tpu.memref_slice %arg19[%add3A_84, %dma_wait3A_89] : memref<10000x128xf32, #tpu.memory_space<vmem_shared>> -> memref<80x128xf32, #tpu.memory_space<vmem_shared>>
        %dma_wait3A_91 = arith.constant 0 : i32
        %dma_wait3A_92 = tpu.memref_slice %arg19[%add3A_84, %dma_wait3A_91] : memref<10000x128xf32, #tpu.memory_space<vmem_shared>> -> memref<80x128xf32, #tpu.memory_space<vmem_shared>>
        tpu.wait_dma2 semaphore(%run_scoped3A : memref<!tpu.dma_semaphore, #tpu.memory_space<semaphore_mem>>) src(%dma_wait3A_92 : memref<80x128xf32, #tpu.memory_space<vmem_shared>>) dst(%arg15 : memref<80x128xf32, #tpu.memory_space<vmem>>)
        tpu.yield
      }) : () -> ()
      "tpu.region"() ({
        %run_scoped3A = tpu.sem_alloc : memref<!tpu.dma_semaphore, #tpu.memory_space<semaphore_mem>>
        %dma_start3A_85 = arith.constant 0 : i32
        %dma_start3A_86 = tpu.memref_slice %arg6[%arg0, %add3A_84, %dma_start3A_85] : memref<2x10000x128xf32, #tpu.memory_space<hbm>> -> memref<1x80x128xf32, #tpu.memory_space<hbm>>
        %dma_start3A_87 = tpu.memref_squeeze %dma_start3A_86 : memref<1x80x128xf32, #tpu.memory_space<hbm>> -> memref<80x128xf32, #tpu.memory_space<hbm>>
        %dma_start3A_88 = arith.constant 0 : i32
        %dma_start3A_89 = tpu.memref_slice %arg6[%arg0, %add3A_84, %dma_start3A_88] : memref<2x10000x128xf32, #tpu.memory_space<hbm>> -> memref<1x80x128xf32, #tpu.memory_space<hbm>>
        %dma_start3A_90 = tpu.memref_squeeze %dma_start3A_89 : memref<1x80x128xf32, #tpu.memory_space<hbm>> -> memref<80x128xf32, #tpu.memory_space<hbm>>
        tpu.enqueue_dma source(%arg15 : memref<80x128xf32, #tpu.memory_space<vmem>>) target(%dma_start3A_90 : memref<80x128xf32, #tpu.memory_space<hbm>>) target_semaphore(%run_scoped3A : memref<!tpu.dma_semaphore, #tpu.memory_space<semaphore_mem>>)
        %dma_wait3A_91 = arith.constant 0 : i32
        %dma_wait3A_92 = tpu.memref_slice %arg6[%arg0, %add3A_84, %dma_wait3A_91] : memref<2x10000x128xf32, #tpu.memory_space<hbm>> -> memref<1x80x128xf32, #tpu.memory_space<hbm>>
        %dma_wait3A_93 = tpu.memref_squeeze %dma_wait3A_92 : memref<1x80x128xf32, #tpu.memory_space<hbm>> -> memref<80x128xf32, #tpu.memory_space<hbm>>
        %dma_wait3A_94 = arith.constant 0 : i32
        %dma_wait3A_95 = tpu.memref_slice %arg6[%arg0, %add3A_84, %dma_wait3A_94] : memref<2x10000x128xf32, #tpu.memory_space<hbm>> -> memref<1x80x128xf32, #tpu.memory_space<hbm>>
        %dma_wait3A_96 = tpu.memref_squeeze %dma_wait3A_95 : memref<1x80x128xf32, #tpu.memory_space<hbm>> -> memref<80x128xf32, #tpu.memory_space<hbm>>
        tpu.wait_dma2 semaphore(%run_scoped3A : memref<!tpu.dma_semaphore, #tpu.memory_space<semaphore_mem>>) src(%arg15 : memref<80x128xf32, #tpu.memory_space<vmem>>) dst(%dma_wait3A_96 : memref<80x128xf32, #tpu.memory_space<hbm>>)
        tpu.yield
      }) : () -> ()
    }
    return
  }
}

#map = affine_map<(d0, d1) -> (0, 0)>
#map1 = affine_map<(d0, d1) -> (0)>
#map2 = affine_map<(d0, d1) -> (0, 0, 0)>
module attributes {stable_mosaic.version = 14 : i64} {
  func.func @_sc_aggregate_body(%arg0: i32, %arg1: i32, %arg2: memref<10000x128xf32, #tpu.memory_space<hbm>>, %arg3: memref<320000xi32, #tpu.memory_space<hbm>>, %arg4: memref<320000xi32, #tpu.memory_space<hbm>>, %arg5: memref<320000x128xf32, #tpu.memory_space<hbm>>, %arg6: memref<2x10000x128xf32, #tpu.memory_space<hbm>>, %arg7: memref<80xi32, #tpu.memory_space<vmem>>, %arg8: memref<80xi32, #tpu.memory_space<vmem>>, %arg9: memref<80xi32, #tpu.memory_space<vmem>>, %arg10: memref<80xi32, #tpu.memory_space<vmem>>, %arg11: memref<80xi32, #tpu.memory_space<vmem>>, %arg12: memref<80xi32, #tpu.memory_space<vmem>>, %arg13: memref<80xi32, #tpu.memory_space<vmem>>, %arg14: memref<80xi32, #tpu.memory_space<vmem>>, %arg15: memref<80x128xf32, #tpu.memory_space<vmem>>, %arg16: memref<80x128xf32, #tpu.memory_space<vmem>>, %arg17: memref<80x128xf32, #tpu.memory_space<vmem>>, %arg18: memref<80x128xf32, #tpu.memory_space<vmem>>, %arg19: memref<10000x128xf32, #tpu.memory_space<vmem_shared>>, %arg20: memref<!tpu.dma_semaphore, #tpu.memory_space<semaphore_mem>>, %arg21: memref<!tpu.dma_semaphore, #tpu.memory_space<semaphore_mem>>, %arg22: memref<!tpu.dma_semaphore, #tpu.memory_space<semaphore_mem>>, %arg23: memref<!tpu.dma_semaphore, #tpu.memory_space<semaphore_mem>>, %arg24: memref<!tpu.dma_semaphore, #tpu.memory_space<semaphore_mem>>, %arg25: memref<!tpu.dma_semaphore, #tpu.memory_space<semaphore_mem>>, %arg26: memref<!tpu.dma_semaphore, #tpu.memory_space<semaphore_mem>>, %arg27: memref<!tpu.dma_semaphore, #tpu.memory_space<semaphore_mem>>, %arg28: memref<!tpu.dma_semaphore, #tpu.memory_space<semaphore_mem>>, %arg29: memref<!tpu.dma_semaphore, #tpu.memory_space<semaphore_mem>>, %arg30: memref<!tpu.dma_semaphore, #tpu.memory_space<semaphore_mem>>, %arg31: memref<!tpu.dma_semaphore, #tpu.memory_space<semaphore_mem>>, %arg32: memref<!tpu.dma_semaphore, #tpu.memory_space<semaphore_mem>>, %arg33: memref<!tpu.dma_semaphore, #tpu.memory_space<semaphore_mem>>, %arg34: memref<!tpu.dma_semaphore, #tpu.memory_space<semaphore_mem>>, %arg35: memref<!tpu.dma_semaphore, #tpu.memory_space<semaphore_mem>>) attributes {dimension_semantics = [#tpu.dimension_semantics<core_parallel>, #tpu.dimension_semantics<subcore_parallel>], iteration_bounds = array<i64: 2, 16>, scalar_prefetch = 0 : i64, scratch_operands = 29 : i64, tpu.core_type = #tpu.core_type<sc_vector_subcore>, window_params = [{transform_indices = #map}, {transform_indices = #map1}, {transform_indices = #map1}, {transform_indices = #map}, {transform_indices = #map2}]} {
    %mul3A = arith.constant 16 : i32
    %mul3A_0 = arith.muli %arg0, %mul3A : i32
    %add3A = arith.addi %mul3A_0, %arg1 : i32
    %scan3A = arith.constant 0 : i32
    %scan3A_1 = arith.constant 0 : i32
    %scan3A_2 = arith.constant 80 : i32
    %scan3A_3 = arith.addi %scan3A_1, %scan3A_2 : i32
    %scan3A_4 = arith.constant 1 : i32
    scf.for %scan3A_81 = %scan3A_1 to %scan3A_3 step %scan3A_4  : i32 {
      %broadcast_in_dim3A = arith.constant 0.000000e+00 : f32
      %broadcast_in_dim3A_82 = vector.broadcast %broadcast_in_dim3A : f32 to vector<16xf32>
      %swap3A = arith.index_cast %scan3A_81 : i32 to index
      %swap3A_83 = arith.constant 0 : index
      %swap3A_84 = tpu.vector_load %arg15[%swap3A, %swap3A_83] {strides = array<i32>} : memref<80x128xf32, #tpu.memory_space<vmem>>, vector<1x16xf32>,
      %swap3A_85 = vector.shape_cast %swap3A_84 : vector<1x16xf32> to vector<16xf32>
      %swap3A_86 = vector.shape_cast %broadcast_in_dim3A_82 : vector<16xf32> to vector<1x16xf32>
      tpu.vector_store %arg15[%swap3A, %swap3A_83], %swap3A_86 {strides = array<i32>} : memref<80x128xf32, #tpu.memory_space<vmem>>, vector<1x16xf32>,
      %broadcast_in_dim3A_87 = arith.constant 0.000000e+00 : f32
      %broadcast_in_dim3A_88 = vector.broadcast %broadcast_in_dim3A_87 : f32 to vector<16xf32>
      %swap3A_89 = arith.index_cast %scan3A_81 : i32 to index
      %swap3A_90 = arith.constant 16 : index
      %swap3A_91 = tpu.vector_load %arg15[%swap3A_89, %swap3A_90] {strides = array<i32>} : memref<80x128xf32, #tpu.memory_space<vmem>>, vector<1x16xf32>,
      %swap3A_92 = vector.shape_cast %swap3A_91 : vector<1x16xf32> to vector<16xf32>
      %swap3A_93 = vector.shape_cast %broadcast_in_dim3A_88 : vector<16xf32> to vector<1x16xf32>
      tpu.vector_store %arg15[%swap3A_89, %swap3A_90], %swap3A_93 {strides = array<i32>} : memref<80x128xf32, #tpu.memory_space<vmem>>, vector<1x16xf32>,
      %broadcast_in_dim3A_94 = arith.constant 0.000000e+00 : f32
      %broadcast_in_dim3A_95 = vector.broadcast %broadcast_in_dim3A_94 : f32 to vector<16xf32>
      %swap3A_96 = arith.index_cast %scan3A_81 : i32 to index
      %swap3A_97 = arith.constant 32 : index
      %swap3A_98 = tpu.vector_load %arg15[%swap3A_96, %swap3A_97] {strides = array<i32>} : memref<80x128xf32, #tpu.memory_space<vmem>>, vector<1x16xf32>,
      %swap3A_99 = vector.shape_cast %swap3A_98 : vector<1x16xf32> to vector<16xf32>
      %swap3A_100 = vector.shape_cast %broadcast_in_dim3A_95 : vector<16xf32> to vector<1x16xf32>
      tpu.vector_store %arg15[%swap3A_96, %swap3A_97], %swap3A_100 {strides = array<i32>} : memref<80x128xf32, #tpu.memory_space<vmem>>, vector<1x16xf32>,
      %broadcast_in_dim3A_101 = arith.constant 0.000000e+00 : f32
      %broadcast_in_dim3A_102 = vector.broadcast %broadcast_in_dim3A_101 : f32 to vector<16xf32>
      %swap3A_103 = arith.index_cast %scan3A_81 : i32 to index
      %swap3A_104 = arith.constant 48 : index
      %swap3A_105 = tpu.vector_load %arg15[%swap3A_103, %swap3A_104] {strides = array<i32>} : memref<80x128xf32, #tpu.memory_space<vmem>>, vector<1x16xf32>,
      %swap3A_106 = vector.shape_cast %swap3A_105 : vector<1x16xf32> to vector<16xf32>
      %swap3A_107 = vector.shape_cast %broadcast_in_dim3A_102 : vector<16xf32> to vector<1x16xf32>
      tpu.vector_store %arg15[%swap3A_103, %swap3A_104], %swap3A_107 {strides = array<i32>} : memref<80x128xf32, #tpu.memory_space<vmem>>, vector<1x16xf32>,
      %broadcast_in_dim3A_108 = arith.constant 0.000000e+00 : f32
      %broadcast_in_dim3A_109 = vector.broadcast %broadcast_in_dim3A_108 : f32 to vector<16xf32>
      %swap3A_110 = arith.index_cast %scan3A_81 : i32 to index
      %swap3A_111 = arith.constant 64 : index
      %swap3A_112 = tpu.vector_load %arg15[%swap3A_110, %swap3A_111] {strides = array<i32>} : memref<80x128xf32, #tpu.memory_space<vmem>>, vector<1x16xf32>,
      %swap3A_113 = vector.shape_cast %swap3A_112 : vector<1x16xf32> to vector<16xf32>
      %swap3A_114 = vector.shape_cast %broadcast_in_dim3A_109 : vector<16xf32> to vector<1x16xf32>
      tpu.vector_store %arg15[%swap3A_110, %swap3A_111], %swap3A_114 {strides = array<i32>} : memref<80x128xf32, #tpu.memory_space<vmem>>, vector<1x16xf32>,
      %broadcast_in_dim3A_115 = arith.constant 0.000000e+00 : f32
      %broadcast_in_dim3A_116 = vector.broadcast %broadcast_in_dim3A_115 : f32 to vector<16xf32>
      %swap3A_117 = arith.index_cast %scan3A_81 : i32 to index
      %swap3A_118 = arith.constant 80 : index
      %swap3A_119 = tpu.vector_load %arg15[%swap3A_117, %swap3A_118] {strides = array<i32>} : memref<80x128xf32, #tpu.memory_space<vmem>>, vector<1x16xf32>,
      %swap3A_120 = vector.shape_cast %swap3A_119 : vector<1x16xf32> to vector<16xf32>
      %swap3A_121 = vector.shape_cast %broadcast_in_dim3A_116 : vector<16xf32> to vector<1x16xf32>
      tpu.vector_store %arg15[%swap3A_117, %swap3A_118], %swap3A_121 {strides = array<i32>} : memref<80x128xf32, #tpu.memory_space<vmem>>, vector<1x16xf32>,
      %broadcast_in_dim3A_122 = arith.constant 0.000000e+00 : f32
      %broadcast_in_dim3A_123 = vector.broadcast %broadcast_in_dim3A_122 : f32 to vector<16xf32>
      %swap3A_124 = arith.index_cast %scan3A_81 : i32 to index
      %swap3A_125 = arith.constant 96 : index
      %swap3A_126 = tpu.vector_load %arg15[%swap3A_124, %swap3A_125] {strides = array<i32>} : memref<80x128xf32, #tpu.memory_space<vmem>>, vector<1x16xf32>,
      %swap3A_127 = vector.shape_cast %swap3A_126 : vector<1x16xf32> to vector<16xf32>
      %swap3A_128 = vector.shape_cast %broadcast_in_dim3A_123 : vector<16xf32> to vector<1x16xf32>
      tpu.vector_store %arg15[%swap3A_124, %swap3A_125], %swap3A_128 {strides = array<i32>} : memref<80x128xf32, #tpu.memory_space<vmem>>, vector<1x16xf32>,
      %broadcast_in_dim3A_129 = arith.constant 0.000000e+00 : f32
      %broadcast_in_dim3A_130 = vector.broadcast %broadcast_in_dim3A_129 : f32 to vector<16xf32>
      %swap3A_131 = arith.index_cast %scan3A_81 : i32 to index
      %swap3A_132 = arith.constant 112 : index
      %swap3A_133 = tpu.vector_load %arg15[%swap3A_131, %swap3A_132] {strides = array<i32>} : memref<80x128xf32, #tpu.memory_space<vmem>>, vector<1x16xf32>,
      %swap3A_134 = vector.shape_cast %swap3A_133 : vector<1x16xf32> to vector<16xf32>
      %swap3A_135 = vector.shape_cast %broadcast_in_dim3A_130 : vector<16xf32> to vector<1x16xf32>
      tpu.vector_store %arg15[%swap3A_131, %swap3A_132], %swap3A_135 {strides = array<i32>} : memref<80x128xf32, #tpu.memory_space<vmem>>, vector<1x16xf32>,
    }
    %scan3A_5 = arith.constant 80 : i32
    %mul3A_6 = arith.constant 640 : i32
    %mul3A_7 = arith.muli %arg1, %mul3A_6 : i32
    %eq3A = arith.constant 15 : i32
    %eq3A_8 = arith.cmpi eq, %arg1, %eq3A : i32
    %jit3A = arith.constant 5 : i32
    %jit3A_9 = arith.constant 8 : i32
    %select_n3A = arith.select %eq3A_8, %jit3A, %jit3A_9 : i32
    %while3A = arith.constant 0 : i32
    %while3A_10 = arith.constant 0 : i32
    %while3A_11 = arith.subi %select_n3A, %while3A_10 : i32
    %while3A_12 = arith.addi %while3A_10, %while3A_11 : i32
    %while3A_13 = arith.constant 1 : i32
    %while3A_14 = arith.divsi %while3A_11, %while3A_13 : i32
    %while3A_15 = arith.muli %while3A_14, %while3A_13 : i32
    %while3A_16 = arith.addi %while3A_10, %while3A_15 : i32
    %while3A_17 = arith.constant 1 : i32
    scf.for %while3A_81 = %while3A_10 to %while3A_16 step %while3A_17  : i32 {
      %mul3A_82 = arith.constant 80 : i32
      %mul3A_83 = arith.muli %while3A_81, %mul3A_82 : i32
      %add3A_84 = arith.addi %mul3A_7, %mul3A_83 : i32
      "tpu.region"() ({
        %run_scoped3A = tpu.sem_alloc : memref<!tpu.dma_semaphore, #tpu.memory_space<semaphore_mem>>
        %dma_start3A_85 = arith.constant 0 : i32
        %dma_start3A_86 = tpu.memref_slice %arg19[%add3A_84, %dma_start3A_85] : memref<10000x128xf32, #tpu.memory_space<vmem_shared>> -> memref<80x128xf32, #tpu.memory_space<vmem_shared>>
        %dma_start3A_87 = arith.constant 0 : i32
        %dma_start3A_88 = tpu.memref_slice %arg19[%add3A_84, %dma_start3A_87] : memref<10000x128xf32, #tpu.memory_space<vmem_shared>> -> memref<80x128xf32, #tpu.memory_space<vmem_shared>>
        tpu.enqueue_dma source(%arg15 : memref<80x128xf32, #tpu.memory_space<vmem>>) target(%dma_start3A_88 : memref<80x128xf32, #tpu.memory_space<vmem_shared>>) target_semaphore(%run_scoped3A : memref<!tpu.dma_semaphore, #tpu.memory_space<semaphore_mem>>)
        %dma_wait3A_89 = arith.constant 0 : i32
        %dma_wait3A_90 = tpu.memref_slice %arg19[%add3A_84, %dma_wait3A_89] : memref<10000x128xf32, #tpu.memory_space<vmem_shared>> -> memref<80x128xf32, #tpu.memory_space<vmem_shared>>
        %dma_wait3A_91 = arith.constant 0 : i32
        %dma_wait3A_92 = tpu.memref_slice %arg19[%add3A_84, %dma_wait3A_91] : memref<10000x128xf32, #tpu.memory_space<vmem_shared>> -> memref<80x128xf32, #tpu.memory_space<vmem_shared>>
        tpu.wait_dma2 semaphore(%run_scoped3A : memref<!tpu.dma_semaphore, #tpu.memory_space<semaphore_mem>>) src(%arg15 : memref<80x128xf32, #tpu.memory_space<vmem>>) dst(%dma_wait3A_92 : memref<80x128xf32, #tpu.memory_space<vmem_shared>>)
        tpu.yield
      }) : () -> ()
    }
    %while3A_18 = arith.constant 1 : i32
    scf.for %while3A_81 = %while3A_16 to %while3A_12 step %while3A_18  : i32 {
      %mul3A_82 = arith.constant 80 : i32
      %mul3A_83 = arith.muli %while3A_81, %mul3A_82 : i32
      %add3A_84 = arith.addi %mul3A_7, %mul3A_83 : i32
      "tpu.region"() ({
        %run_scoped3A = tpu.sem_alloc : memref<!tpu.dma_semaphore, #tpu.memory_space<semaphore_mem>>
        %dma_start3A_85 = arith.constant 0 : i32
        %dma_start3A_86 = tpu.memref_slice %arg19[%add3A_84, %dma_start3A_85] : memref<10000x128xf32, #tpu.memory_space<vmem_shared>> -> memref<80x128xf32, #tpu.memory_space<vmem_shared>>
        %dma_start3A_87 = arith.constant 0 : i32
        %dma_start3A_88 = tpu.memref_slice %arg19[%add3A_84, %dma_start3A_87] : memref<10000x128xf32, #tpu.memory_space<vmem_shared>> -> memref<80x128xf32, #tpu.memory_space<vmem_shared>>
        tpu.enqueue_dma source(%arg15 : memref<80x128xf32, #tpu.memory_space<vmem>>) target(%dma_start3A_88 : memref<80x128xf32, #tpu.memory_space<vmem_shared>>) target_semaphore(%run_scoped3A : memref<!tpu.dma_semaphore, #tpu.memory_space<semaphore_mem>>)
        %dma_wait3A_89 = arith.constant 0 : i32
        %dma_wait3A_90 = tpu.memref_slice %arg19[%add3A_84, %dma_wait3A_89] : memref<10000x128xf32, #tpu.memory_space<vmem_shared>> -> memref<80x128xf32, #tpu.memory_space<vmem_shared>>
        %dma_wait3A_91 = arith.constant 0 : i32
        %dma_wait3A_92 = tpu.memref_slice %arg19[%add3A_84, %dma_wait3A_91] : memref<10000x128xf32, #tpu.memory_space<vmem_shared>> -> memref<80x128xf32, #tpu.memory_space<vmem_shared>>
        tpu.wait_dma2 semaphore(%run_scoped3A : memref<!tpu.dma_semaphore, #tpu.memory_space<semaphore_mem>>) src(%arg15 : memref<80x128xf32, #tpu.memory_space<vmem>>) dst(%dma_wait3A_92 : memref<80x128xf32, #tpu.memory_space<vmem_shared>>)
        tpu.yield
      }) : () -> ()
    }
    %barrier3A = arith.constant 0 : index
    tpu.barrier barrier_id(%barrier3A)
    %mul3A_19 = arith.constant 10000 : i32
    %mul3A_20 = arith.muli %add3A, %mul3A_19 : i32
    %add3A_21 = arith.constant 0 : i32
    %add3A_22 = arith.addi %mul3A_20, %add3A_21 : i32
    %dma_start3A = tpu.memref_slice %arg3[%add3A_22] : memref<320000xi32, #tpu.memory_space<hbm>> -> memref<80xi32, #tpu.memory_space<hbm>>
    %dma_start3A_23 = tpu.memref_slice %arg3[%add3A_22] : memref<320000xi32, #tpu.memory_space<hbm>> -> memref<80xi32, #tpu.memory_space<hbm>>
    tpu.enqueue_dma source(%dma_start3A_23 : memref<80xi32, #tpu.memory_space<hbm>>) target(%arg7 : memref<80xi32, #tpu.memory_space<vmem>>) target_semaphore(%arg20 : memref<!tpu.dma_semaphore, #tpu.memory_space<semaphore_mem>>)
    %dma_start3A_24 = tpu.memref_slice %arg4[%add3A_22] : memref<320000xi32, #tpu.memory_space<hbm>> -> memref<80xi32, #tpu.memory_space<hbm>>
    %dma_start3A_25 = tpu.memref_slice %arg4[%add3A_22] : memref<320000xi32, #tpu.memory_space<hbm>> -> memref<80xi32, #tpu.memory_space<hbm>>
    tpu.enqueue_dma source(%dma_start3A_25 : memref<80xi32, #tpu.memory_space<hbm>>) target(%arg11 : memref<80xi32, #tpu.memory_space<vmem>>) target_semaphore(%arg20 : memref<!tpu.dma_semaphore, #tpu.memory_space<semaphore_mem>>)
    %add3A_26 = arith.constant 0 : i32
    %add3A_27 = arith.addi %mul3A_20, %add3A_26 : i32
    %dma_start3A_28 = arith.constant 0 : i32
    %dma_start3A_29 = tpu.memref_slice %arg5[%add3A_27, %dma_start3A_28] : memref<320000x128xf32, #tpu.memory_space<hbm>> -> memref<80x128xf32, #tpu.memory_space<hbm>>
    %dma_start3A_30 = arith.constant 0 : i32
    %dma_start3A_31 = tpu.memref_slice %arg5[%add3A_27, %dma_start3A_30] : memref<320000x128xf32, #tpu.memory_space<hbm>> -> memref<80x128xf32, #tpu.memory_space<hbm>>
    tpu.enqueue_dma source(%dma_start3A_31 : memref<80x128xf32, #tpu.memory_space<hbm>>) target(%arg15 : memref<80x128xf32, #tpu.memory_space<vmem>>) target_semaphore(%arg24 : memref<!tpu.dma_semaphore, #tpu.memory_space<semaphore_mem>>)
    %add3A_32 = arith.constant 80 : i32
    %add3A_33 = arith.addi %mul3A_20, %add3A_32 : i32
    %dma_start3A_34 = tpu.memref_slice %arg3[%add3A_33] : memref<320000xi32, #tpu.memory_space<hbm>> -> memref<80xi32, #tpu.memory_space<hbm>>
    %dma_start3A_35 = tpu.memref_slice %arg3[%add3A_33] : memref<320000xi32, #tpu.memory_space<hbm>> -> memref<80xi32, #tpu.memory_space<hbm>>
    tpu.enqueue_dma source(%dma_start3A_35 : memref<80xi32, #tpu.memory_space<hbm>>) target(%arg8 : memref<80xi32, #tpu.memory_space<vmem>>) target_semaphore(%arg21 : memref<!tpu.dma_semaphore, #tpu.memory_space<semaphore_mem>>)
    %dma_start3A_36 = tpu.memref_slice %arg4[%add3A_33] : memref<320000xi32, #tpu.memory_space<hbm>> -> memref<80xi32, #tpu.memory_space<hbm>>
    %dma_start3A_37 = tpu.memref_slice %arg4[%add3A_33] : memref<320000xi32, #tpu.memory_space<hbm>> -> memref<80xi32, #tpu.memory_space<hbm>>
    tpu.enqueue_dma source(%dma_start3A_37 : memref<80xi32, #tpu.memory_space<hbm>>) target(%arg12 : memref<80xi32, #tpu.memory_space<vmem>>) target_semaphore(%arg21 : memref<!tpu.dma_semaphore, #tpu.memory_space<semaphore_mem>>)
    %add3A_38 = arith.constant 80 : i32
    %add3A_39 = arith.addi %mul3A_20, %add3A_38 : i32
    %dma_start3A_40 = arith.constant 0 : i32
    %dma_start3A_41 = tpu.memref_slice %arg5[%add3A_39, %dma_start3A_40] : memref<320000x128xf32, #tpu.memory_space<hbm>> -> memref<80x128xf32, #tpu.memory_space<hbm>>
    %dma_start3A_42 = arith.constant 0 : i32
    %dma_start3A_43 = tpu.memref_slice %arg5[%add3A_39, %dma_start3A_42] : memref<320000x128xf32, #tpu.memory_space<hbm>> -> memref<80x128xf32, #tpu.memory_space<hbm>>
    tpu.enqueue_dma source(%dma_start3A_43 : memref<80x128xf32, #tpu.memory_space<hbm>>) target(%arg16 : memref<80x128xf32, #tpu.memory_space<vmem>>) target_semaphore(%arg25 : memref<!tpu.dma_semaphore, #tpu.memory_space<semaphore_mem>>)
    %add3A_44 = arith.constant 0 : i32
    %add3A_45 = arith.addi %mul3A_20, %add3A_44 : i32
    %dma_wait3A = tpu.memref_slice %arg3[%add3A_45] : memref<320000xi32, #tpu.memory_space<hbm>> -> memref<80xi32, #tpu.memory_space<hbm>>
    %dma_wait3A_46 = tpu.memref_slice %arg3[%add3A_45] : memref<320000xi32, #tpu.memory_space<hbm>> -> memref<80xi32, #tpu.memory_space<hbm>>
    tpu.wait_dma2 semaphore(%arg20 : memref<!tpu.dma_semaphore, #tpu.memory_space<semaphore_mem>>) src(%dma_wait3A_46 : memref<80xi32, #tpu.memory_space<hbm>>) dst(%arg7 : memref<80xi32, #tpu.memory_space<vmem>>)
    %dma_wait3A_47 = tpu.memref_slice %arg4[%add3A_45] : memref<320000xi32, #tpu.memory_space<hbm>> -> memref<80xi32, #tpu.memory_space<hbm>>
    %dma_wait3A_48 = tpu.memref_slice %arg4[%add3A_45] : memref<320000xi32, #tpu.memory_space<hbm>> -> memref<80xi32, #tpu.memory_space<hbm>>
    tpu.wait_dma2 semaphore(%arg20 : memref<!tpu.dma_semaphore, #tpu.memory_space<semaphore_mem>>) src(%dma_wait3A_48 : memref<80xi32, #tpu.memory_space<hbm>>) dst(%arg11 : memref<80xi32, #tpu.memory_space<vmem>>)
    %add3A_49 = arith.constant 0 : i32
    %add3A_50 = arith.addi %mul3A_20, %add3A_49 : i32
    %dma_wait3A_51 = arith.constant 0 : i32
    %dma_wait3A_52 = tpu.memref_slice %arg5[%add3A_50, %dma_wait3A_51] : memref<320000x128xf32, #tpu.memory_space<hbm>> -> memref<80x128xf32, #tpu.memory_space<hbm>>
    %dma_wait3A_53 = arith.constant 0 : i32
    %dma_wait3A_54 = tpu.memref_slice %arg5[%add3A_50, %dma_wait3A_53] : memref<320000x128xf32, #tpu.memory_space<hbm>> -> memref<80x128xf32, #tpu.memory_space<hbm>>
    tpu.wait_dma2 semaphore(%arg24 : memref<!tpu.dma_semaphore, #tpu.memory_space<semaphore_mem>>) src(%dma_wait3A_54 : memref<80x128xf32, #tpu.memory_space<hbm>>) dst(%arg15 : memref<80x128xf32, #tpu.memory_space<vmem>>)
    %dma_start3A_55 = arith.constant 0 : i32
    %dma_start3A_56 = arith.constant 0 : i32
    %dma_start3A_57 = tpu.memref_slice %arg2[%dma_start3A_55, %dma_start3A_56] : memref<10000x128xf32, #tpu.memory_space<hbm>> -> memref<10000x128xf32, #tpu.memory_space<hbm>>
    tpu.enqueue_indirect_dma source(%dma_start3A_57 : memref<10000x128xf32, #tpu.memory_space<hbm>>) target(%arg15 : memref<80x128xf32, #tpu.memory_space<vmem>>) offsets(%arg7 : memref<80xi32, #tpu.memory_space<vmem>>) semaphore(%arg28 : memref<!tpu.dma_semaphore, #tpu.memory_space<semaphore_mem>>) {add = true}
    %scan3A_58 = arith.constant 0 : i32
    %scan3A_59 = arith.constant 0 : i32
    %scan3A_60 = arith.constant 32 : i32
    %scan3A_61 = arith.addi %scan3A_59, %scan3A_60 : i32
    %scan3A_62 = arith.constant 1 : i32
    scf.for %scan3A_81 = %scan3A_59 to %scan3A_61 step %scan3A_62  : i32 {
      %mul3A_82 = arith.constant 4 : i32
      %mul3A_83 = arith.muli %mul3A_82, %scan3A_81 : i32
      %add3A_84 = arith.constant 0 : i32
      %add3A_85 = arith.addi %mul3A_83, %add3A_84 : i32
      %le3A = arith.constant 124 : i32
      %le3A_86 = arith.cmpi sle, %add3A_85, %le3A : i32
      %convert_element_type3A = arith.extui %le3A_86 : i1 to i32
      %cond3A = arith.constant 0 : i32
      %cond3A_87 = arith.cmpi ne, %convert_element_type3A, %cond3A : i32
      scf.if %cond3A_87 {
        %ge3A = arith.constant 2 : i32
        %ge3A_115 = arith.cmpi sge, %add3A_85, %ge3A : i32
        %convert_element_type3A_116 = arith.extui %ge3A_115 : i1 to i32
        %cond3A_117 = arith.constant 0 : i32
        %cond3A_118 = arith.cmpi ne, %convert_element_type3A_116, %cond3A_117 : i32
        scf.if %cond3A_118 {
          %dma_wait3A_141 = arith.constant 0 : i32
          %dma_wait3A_142 = arith.constant 0 : i32
          %dma_wait3A_143 = tpu.memref_slice %arg19[%dma_wait3A_141, %dma_wait3A_142] : memref<10000x128xf32, #tpu.memory_space<vmem_shared>> -> memref<10000x128xf32, #tpu.memory_space<vmem_shared>>
          tpu.wait_indirect_dma semaphore(%arg34 : memref<!tpu.dma_semaphore, #tpu.memory_space<semaphore_mem>>) src(%arg17 : memref<80x128xf32, #tpu.memory_space<vmem>>) dst(%dma_wait3A_143 : memref<10000x128xf32, #tpu.memory_space<vmem_shared>>)
        } else {
        }
        %add3A_119 = arith.constant 2 : i32
        %add3A_120 = arith.addi %add3A_85, %add3A_119 : i32
        %le3A_121 = arith.constant 124 : i32
        %le3A_122 = arith.cmpi sle, %add3A_120, %le3A_121 : i32
        %convert_element_type3A_123 = arith.extui %le3A_122 : i1 to i32
        %cond3A_124 = arith.constant 0 : i32
        %cond3A_125 = arith.cmpi ne, %convert_element_type3A_123, %cond3A_124 : i32
        scf.if %cond3A_125 {
          %add3A_141 = arith.constant 2 : i32
          %add3A_142 = arith.addi %add3A_85, %add3A_141 : i32
          %mul3A_143 = arith.constant 80 : i32
          %mul3A_144 = arith.muli %add3A_142, %mul3A_143 : i32
          %add3A_145 = arith.addi %mul3A_20, %mul3A_144 : i32
          %dma_start3A_146 = tpu.memref_slice %arg3[%add3A_145] : memref<320000xi32, #tpu.memory_space<hbm>> -> memref<80xi32, #tpu.memory_space<hbm>>
          %dma_start3A_147 = tpu.memref_slice %arg3[%add3A_145] : memref<320000xi32, #tpu.memory_space<hbm>> -> memref<80xi32, #tpu.memory_space<hbm>>
          tpu.enqueue_dma source(%dma_start3A_147 : memref<80xi32, #tpu.memory_space<hbm>>) target(%arg9 : memref<80xi32, #tpu.memory_space<vmem>>) target_semaphore(%arg22 : memref<!tpu.dma_semaphore, #tpu.memory_space<semaphore_mem>>)
          %dma_start3A_148 = tpu.memref_slice %arg4[%add3A_145] : memref<320000xi32, #tpu.memory_space<hbm>> -> memref<80xi32, #tpu.memory_space<hbm>>
          %dma_start3A_149 = tpu.memref_slice %arg4[%add3A_145] : memref<320000xi32, #tpu.memory_space<hbm>> -> memref<80xi32, #tpu.memory_space<hbm>>
          tpu.enqueue_dma source(%dma_start3A_149 : memref<80xi32, #tpu.memory_space<hbm>>) target(%arg13 : memref<80xi32, #tpu.memory_space<vmem>>) target_semaphore(%arg22 : memref<!tpu.dma_semaphore, #tpu.memory_space<semaphore_mem>>)
          %add3A_150 = arith.constant 2 : i32
          %add3A_151 = arith.addi %add3A_85, %add3A_150 : i32
          %mul3A_152 = arith.constant 80 : i32
          %mul3A_153 = arith.muli %add3A_151, %mul3A_152 : i32
          %add3A_154 = arith.addi %mul3A_20, %mul3A_153 : i32
          %dma_start3A_155 = arith.constant 0 : i32
          %dma_start3A_156 = tpu.memref_slice %arg5[%add3A_154, %dma_start3A_155] : memref<320000x128xf32, #tpu.memory_space<hbm>> -> memref<80x128xf32, #tpu.memory_space<hbm>>
          %dma_start3A_157 = arith.constant 0 : i32
          %dma_start3A_158 = tpu.memref_slice %arg5[%add3A_154, %dma_start3A_157] : memref<320000x128xf32, #tpu.memory_space<hbm>> -> memref<80x128xf32, #tpu.memory_space<hbm>>
          tpu.enqueue_dma source(%dma_start3A_158 : memref<80x128xf32, #tpu.memory_space<hbm>>) target(%arg17 : memref<80x128xf32, #tpu.memory_space<vmem>>) target_semaphore(%arg26 : memref<!tpu.dma_semaphore, #tpu.memory_space<semaphore_mem>>)
        } else {
        }
        %add3A_126 = arith.constant 1 : i32
        %add3A_127 = arith.addi %add3A_85, %add3A_126 : i32
        %le3A_128 = arith.constant 124 : i32
        %le3A_129 = arith.cmpi sle, %add3A_127, %le3A_128 : i32
        %convert_element_type3A_130 = arith.extui %le3A_129 : i1 to i32
        %cond3A_131 = arith.constant 0 : i32
        %cond3A_132 = arith.cmpi ne, %convert_element_type3A_130, %cond3A_131 : i32
        scf.if %cond3A_132 {
          %add3A_141 = arith.constant 1 : i32
          %add3A_142 = arith.addi %add3A_85, %add3A_141 : i32
          %mul3A_143 = arith.constant 80 : i32
          %mul3A_144 = arith.muli %add3A_142, %mul3A_143 : i32
          %add3A_145 = arith.addi %mul3A_20, %mul3A_144 : i32
          %dma_wait3A_146 = tpu.memref_slice %arg3[%add3A_145] : memref<320000xi32, #tpu.memory_space<hbm>> -> memref<80xi32, #tpu.memory_space<hbm>>
          %dma_wait3A_147 = tpu.memref_slice %arg3[%add3A_145] : memref<320000xi32, #tpu.memory_space<hbm>> -> memref<80xi32, #tpu.memory_space<hbm>>
          tpu.wait_dma2 semaphore(%arg21 : memref<!tpu.dma_semaphore, #tpu.memory_space<semaphore_mem>>) src(%dma_wait3A_147 : memref<80xi32, #tpu.memory_space<hbm>>) dst(%arg8 : memref<80xi32, #tpu.memory_space<vmem>>)
          %dma_wait3A_148 = tpu.memref_slice %arg4[%add3A_145] : memref<320000xi32, #tpu.memory_space<hbm>> -> memref<80xi32, #tpu.memory_space<hbm>>
          %dma_wait3A_149 = tpu.memref_slice %arg4[%add3A_145] : memref<320000xi32, #tpu.memory_space<hbm>> -> memref<80xi32, #tpu.memory_space<hbm>>
          tpu.wait_dma2 semaphore(%arg21 : memref<!tpu.dma_semaphore, #tpu.memory_space<semaphore_mem>>) src(%dma_wait3A_149 : memref<80xi32, #tpu.memory_space<hbm>>) dst(%arg12 : memref<80xi32, #tpu.memory_space<vmem>>)
          %add3A_150 = arith.constant 1 : i32
          %add3A_151 = arith.addi %add3A_85, %add3A_150 : i32
          %mul3A_152 = arith.constant 80 : i32
          %mul3A_153 = arith.muli %add3A_151, %mul3A_152 : i32
          %add3A_154 = arith.addi %mul3A_20, %mul3A_153 : i32
          %dma_wait3A_155 = arith.constant 0 : i32
          %dma_wait3A_156 = tpu.memref_slice %arg5[%add3A_154, %dma_wait3A_155] : memref<320000x128xf32, #tpu.memory_space<hbm>> -> memref<80x128xf32, #tpu.memory_space<hbm>>
          %dma_wait3A_157 = arith.constant 0 : i32
          %dma_wait3A_158 = tpu.memref_slice %arg5[%add3A_154, %dma_wait3A_157] : memref<320000x128xf32, #tpu.memory_space<hbm>> -> memref<80x128xf32, #tpu.memory_space<hbm>>
          tpu.wait_dma2 semaphore(%arg25 : memref<!tpu.dma_semaphore, #tpu.memory_space<semaphore_mem>>) src(%dma_wait3A_158 : memref<80x128xf32, #tpu.memory_space<hbm>>) dst(%arg16 : memref<80x128xf32, #tpu.memory_space<vmem>>)
          %dma_start3A_159 = arith.constant 0 : i32
          %dma_start3A_160 = arith.constant 0 : i32
          %dma_start3A_161 = tpu.memref_slice %arg2[%dma_start3A_159, %dma_start3A_160] : memref<10000x128xf32, #tpu.memory_space<hbm>> -> memref<10000x128xf32, #tpu.memory_space<hbm>>
          tpu.enqueue_indirect_dma source(%dma_start3A_161 : memref<10000x128xf32, #tpu.memory_space<hbm>>) target(%arg16 : memref<80x128xf32, #tpu.memory_space<vmem>>) offsets(%arg8 : memref<80xi32, #tpu.memory_space<vmem>>) semaphore(%arg29 : memref<!tpu.dma_semaphore, #tpu.memory_space<semaphore_mem>>) {add = true}
        } else {
        }
        %dma_wait3A_133 = arith.constant 0 : i32
        %dma_wait3A_134 = arith.constant 0 : i32
        %dma_wait3A_135 = tpu.memref_slice %arg2[%dma_wait3A_133, %dma_wait3A_134] : memref<10000x128xf32, #tpu.memory_space<hbm>> -> memref<10000x128xf32, #tpu.memory_space<hbm>>
        tpu.wait_indirect_dma semaphore(%arg28 : memref<!tpu.dma_semaphore, #tpu.memory_space<semaphore_mem>>) src(%dma_wait3A_135 : memref<10000x128xf32, #tpu.memory_space<hbm>>) dst(%arg15 : memref<80x128xf32, #tpu.memory_space<vmem>>)
        %parallel_loop3A = arith.constant 0 : i32
        %parallel_loop3A_136 = arith.constant 80 : i32
        %parallel_loop3A_137 = arith.constant 1 : i32
        scf.for %parallel_loop3A_141 = %parallel_loop3A to %parallel_loop3A_136 step %parallel_loop3A_137  : i32 {
          %parallel_loop3A_142 = arith.index_cast %parallel_loop3A_141 : i32 to index
          %parallel_loop3A_143 = arith.constant 0 : index
          %parallel_loop3A_144 = tpu.vector_load %arg15[%parallel_loop3A_142, %parallel_loop3A_143] {strides = array<i32>} : memref<80x128xf32, #tpu.memory_space<vmem>>, vector<1x16xf32>,
          %parallel_loop3A_145 = vector.shape_cast %parallel_loop3A_144 : vector<1x16xf32> to vector<16xf32>
          %parallel_loop3A_146 = arith.constant 0.000000e+00 : f32
          %parallel_loop3A_147 = vector.broadcast %parallel_loop3A_146 : f32 to vector<16xf32>
          %parallel_loop3A_148 = arith.maximumf %parallel_loop3A_145, %parallel_loop3A_147 : vector<16xf32>
          %parallel_loop3A_149 = arith.index_cast %parallel_loop3A_141 : i32 to index
          %parallel_loop3A_150 = arith.constant 0 : index
          %parallel_loop3A_151 = tpu.vector_load %arg15[%parallel_loop3A_149, %parallel_loop3A_150] {strides = array<i32>} : memref<80x128xf32, #tpu.memory_space<vmem>>, vector<1x16xf32>,
          %parallel_loop3A_152 = vector.shape_cast %parallel_loop3A_151 : vector<1x16xf32> to vector<16xf32>
          %parallel_loop3A_153 = vector.shape_cast %parallel_loop3A_148 : vector<16xf32> to vector<1x16xf32>
          tpu.vector_store %arg15[%parallel_loop3A_149, %parallel_loop3A_150], %parallel_loop3A_153 {strides = array<i32>} : memref<80x128xf32, #tpu.memory_space<vmem>>, vector<1x16xf32>,
          %parallel_loop3A_154 = arith.index_cast %parallel_loop3A_141 : i32 to index
          %parallel_loop3A_155 = arith.constant 16 : index
          %parallel_loop3A_156 = tpu.vector_load %arg15[%parallel_loop3A_154, %parallel_loop3A_155] {strides = array<i32>} : memref<80x128xf32, #tpu.memory_space<vmem>>, vector<1x16xf32>,
          %parallel_loop3A_157 = vector.shape_cast %parallel_loop3A_156 : vector<1x16xf32> to vector<16xf32>
          %parallel_loop3A_158 = arith.constant 0.000000e+00 : f32
          %parallel_loop3A_159 = vector.broadcast %parallel_loop3A_158 : f32 to vector<16xf32>
          %parallel_loop3A_160 = arith.maximumf %parallel_loop3A_157, %parallel_loop3A_159 : vector<16xf32>
          %parallel_loop3A_161 = arith.index_cast %parallel_loop3A_141 : i32 to index
          %parallel_loop3A_162 = arith.constant 16 : index
          %parallel_loop3A_163 = tpu.vector_load %arg15[%parallel_loop3A_161, %parallel_loop3A_162] {strides = array<i32>} : memref<80x128xf32, #tpu.memory_space<vmem>>, vector<1x16xf32>,
          %parallel_loop3A_164 = vector.shape_cast %parallel_loop3A_163 : vector<1x16xf32> to vector<16xf32>
          %parallel_loop3A_165 = vector.shape_cast %parallel_loop3A_160 : vector<16xf32> to vector<1x16xf32>
          tpu.vector_store %arg15[%parallel_loop3A_161, %parallel_loop3A_162], %parallel_loop3A_165 {strides = array<i32>} : memref<80x128xf32, #tpu.memory_space<vmem>>, vector<1x16xf32>,
          %parallel_loop3A_166 = arith.index_cast %parallel_loop3A_141 : i32 to index
          %parallel_loop3A_167 = arith.constant 32 : index
          %parallel_loop3A_168 = tpu.vector_load %arg15[%parallel_loop3A_166, %parallel_loop3A_167] {strides = array<i32>} : memref<80x128xf32, #tpu.memory_space<vmem>>, vector<1x16xf32>,
          %parallel_loop3A_169 = vector.shape_cast %parallel_loop3A_168 : vector<1x16xf32> to vector<16xf32>
          %parallel_loop3A_170 = arith.constant 0.000000e+00 : f32
          %parallel_loop3A_171 = vector.broadcast %parallel_loop3A_170 : f32 to vector<16xf32>
          %parallel_loop3A_172 = arith.maximumf %parallel_loop3A_169, %parallel_loop3A_171 : vector<16xf32>
          %parallel_loop3A_173 = arith.index_cast %parallel_loop3A_141 : i32 to index
          %parallel_loop3A_174 = arith.constant 32 : index
          %parallel_loop3A_175 = tpu.vector_load %arg15[%parallel_loop3A_173, %parallel_loop3A_174] {strides = array<i32>} : memref<80x128xf32, #tpu.memory_space<vmem>>, vector<1x16xf32>,
          %parallel_loop3A_176 = vector.shape_cast %parallel_loop3A_175 : vector<1x16xf32> to vector<16xf32>
          %parallel_loop3A_177 = vector.shape_cast %parallel_loop3A_172 : vector<16xf32> to vector<1x16xf32>
          tpu.vector_store %arg15[%parallel_loop3A_173, %parallel_loop3A_174], %parallel_loop3A_177 {strides = array<i32>} : memref<80x128xf32, #tpu.memory_space<vmem>>, vector<1x16xf32>,
          %parallel_loop3A_178 = arith.index_cast %parallel_loop3A_141 : i32 to index
          %parallel_loop3A_179 = arith.constant 48 : index
          %parallel_loop3A_180 = tpu.vector_load %arg15[%parallel_loop3A_178, %parallel_loop3A_179] {strides = array<i32>} : memref<80x128xf32, #tpu.memory_space<vmem>>, vector<1x16xf32>,
          %parallel_loop3A_181 = vector.shape_cast %parallel_loop3A_180 : vector<1x16xf32> to vector<16xf32>
          %parallel_loop3A_182 = arith.constant 0.000000e+00 : f32
          %parallel_loop3A_183 = vector.broadcast %parallel_loop3A_182 : f32 to vector<16xf32>
          %parallel_loop3A_184 = arith.maximumf %parallel_loop3A_181, %parallel_loop3A_183 : vector<16xf32>
          %parallel_loop3A_185 = arith.index_cast %parallel_loop3A_141 : i32 to index
          %parallel_loop3A_186 = arith.constant 48 : index
          %parallel_loop3A_187 = tpu.vector_load %arg15[%parallel_loop3A_185, %parallel_loop3A_186] {strides = array<i32>} : memref<80x128xf32, #tpu.memory_space<vmem>>, vector<1x16xf32>,
          %parallel_loop3A_188 = vector.shape_cast %parallel_loop3A_187 : vector<1x16xf32> to vector<16xf32>
          %parallel_loop3A_189 = vector.shape_cast %parallel_loop3A_184 : vector<16xf32> to vector<1x16xf32>
          tpu.vector_store %arg15[%parallel_loop3A_185, %parallel_loop3A_186], %parallel_loop3A_189 {strides = array<i32>} : memref<80x128xf32, #tpu.memory_space<vmem>>, vector<1x16xf32>,
          %parallel_loop3A_190 = arith.index_cast %parallel_loop3A_141 : i32 to index
          %parallel_loop3A_191 = arith.constant 64 : index
          %parallel_loop3A_192 = tpu.vector_load %arg15[%parallel_loop3A_190, %parallel_loop3A_191] {strides = array<i32>} : memref<80x128xf32, #tpu.memory_space<vmem>>, vector<1x16xf32>,
          %parallel_loop3A_193 = vector.shape_cast %parallel_loop3A_192 : vector<1x16xf32> to vector<16xf32>
          %parallel_loop3A_194 = arith.constant 0.000000e+00 : f32
          %parallel_loop3A_195 = vector.broadcast %parallel_loop3A_194 : f32 to vector<16xf32>
          %parallel_loop3A_196 = arith.maximumf %parallel_loop3A_193, %parallel_loop3A_195 : vector<16xf32>
          %parallel_loop3A_197 = arith.index_cast %parallel_loop3A_141 : i32 to index
          %parallel_loop3A_198 = arith.constant 64 : index
          %parallel_loop3A_199 = tpu.vector_load %arg15[%parallel_loop3A_197, %parallel_loop3A_198] {strides = array<i32>} : memref<80x128xf32, #tpu.memory_space<vmem>>, vector<1x16xf32>,
          %parallel_loop3A_200 = vector.shape_cast %parallel_loop3A_199 : vector<1x16xf32> to vector<16xf32>
          %parallel_loop3A_201 = vector.shape_cast %parallel_loop3A_196 : vector<16xf32> to vector<1x16xf32>
          tpu.vector_store %arg15[%parallel_loop3A_197, %parallel_loop3A_198], %parallel_loop3A_201 {strides = array<i32>} : memref<80x128xf32, #tpu.memory_space<vmem>>, vector<1x16xf32>,
          %parallel_loop3A_202 = arith.index_cast %parallel_loop3A_141 : i32 to index
          %parallel_loop3A_203 = arith.constant 80 : index
          %parallel_loop3A_204 = tpu.vector_load %arg15[%parallel_loop3A_202, %parallel_loop3A_203] {strides = array<i32>} : memref<80x128xf32, #tpu.memory_space<vmem>>, vector<1x16xf32>,
          %parallel_loop3A_205 = vector.shape_cast %parallel_loop3A_204 : vector<1x16xf32> to vector<16xf32>
          %parallel_loop3A_206 = arith.constant 0.000000e+00 : f32
          %parallel_loop3A_207 = vector.broadcast %parallel_loop3A_206 : f32 to vector<16xf32>
          %parallel_loop3A_208 = arith.maximumf %parallel_loop3A_205, %parallel_loop3A_207 : vector<16xf32>
          %parallel_loop3A_209 = arith.index_cast %parallel_loop3A_141 : i32 to index
          %parallel_loop3A_210 = arith.constant 80 : index
          %parallel_loop3A_211 = tpu.vector_load %arg15[%parallel_loop3A_209, %parallel_loop3A_210] {strides = array<i32>} : memref<80x128xf32, #tpu.memory_space<vmem>>, vector<1x16xf32>,
          %parallel_loop3A_212 = vector.shape_cast %parallel_loop3A_211 : vector<1x16xf32> to vector<16xf32>
          %parallel_loop3A_213 = vector.shape_cast %parallel_loop3A_208 : vector<16xf32> to vector<1x16xf32>
          tpu.vector_store %arg15[%parallel_loop3A_209, %parallel_loop3A_210], %parallel_loop3A_213 {strides = array<i32>} : memref<80x128xf32, #tpu.memory_space<vmem>>, vector<1x16xf32>,
          %parallel_loop3A_214 = arith.index_cast %parallel_loop3A_141 : i32 to index
          %parallel_loop3A_215 = arith.constant 96 : index
          %parallel_loop3A_216 = tpu.vector_load %arg15[%parallel_loop3A_214, %parallel_loop3A_215] {strides = array<i32>} : memref<80x128xf32, #tpu.memory_space<vmem>>, vector<1x16xf32>,
          %parallel_loop3A_217 = vector.shape_cast %parallel_loop3A_216 : vector<1x16xf32> to vector<16xf32>
          %parallel_loop3A_218 = arith.constant 0.000000e+00 : f32
          %parallel_loop3A_219 = vector.broadcast %parallel_loop3A_218 : f32 to vector<16xf32>
          %parallel_loop3A_220 = arith.maximumf %parallel_loop3A_217, %parallel_loop3A_219 : vector<16xf32>
          %parallel_loop3A_221 = arith.index_cast %parallel_loop3A_141 : i32 to index
          %parallel_loop3A_222 = arith.constant 96 : index
          %parallel_loop3A_223 = tpu.vector_load %arg15[%parallel_loop3A_221, %parallel_loop3A_222] {strides = array<i32>} : memref<80x128xf32, #tpu.memory_space<vmem>>, vector<1x16xf32>,
          %parallel_loop3A_224 = vector.shape_cast %parallel_loop3A_223 : vector<1x16xf32> to vector<16xf32>
          %parallel_loop3A_225 = vector.shape_cast %parallel_loop3A_220 : vector<16xf32> to vector<1x16xf32>
          tpu.vector_store %arg15[%parallel_loop3A_221, %parallel_loop3A_222], %parallel_loop3A_225 {strides = array<i32>} : memref<80x128xf32, #tpu.memory_space<vmem>>, vector<1x16xf32>,
          %parallel_loop3A_226 = arith.index_cast %parallel_loop3A_141 : i32 to index
          %parallel_loop3A_227 = arith.constant 112 : index
          %parallel_loop3A_228 = tpu.vector_load %arg15[%parallel_loop3A_226, %parallel_loop3A_227] {strides = array<i32>} : memref<80x128xf32, #tpu.memory_space<vmem>>, vector<1x16xf32>,
          %parallel_loop3A_229 = vector.shape_cast %parallel_loop3A_228 : vector<1x16xf32> to vector<16xf32>
          %parallel_loop3A_230 = arith.constant 0.000000e+00 : f32
          %parallel_loop3A_231 = vector.broadcast %parallel_loop3A_230 : f32 to vector<16xf32>
          %parallel_loop3A_232 = arith.maximumf %parallel_loop3A_229, %parallel_loop3A_231 : vector<16xf32>
          %parallel_loop3A_233 = arith.index_cast %parallel_loop3A_141 : i32 to index
          %parallel_loop3A_234 = arith.constant 112 : index
          %parallel_loop3A_235 = tpu.vector_load %arg15[%parallel_loop3A_233, %parallel_loop3A_234] {strides = array<i32>} : memref<80x128xf32, #tpu.memory_space<vmem>>, vector<1x16xf32>,
          %parallel_loop3A_236 = vector.shape_cast %parallel_loop3A_235 : vector<1x16xf32> to vector<16xf32>
          %parallel_loop3A_237 = vector.shape_cast %parallel_loop3A_232 : vector<16xf32> to vector<1x16xf32>
          tpu.vector_store %arg15[%parallel_loop3A_233, %parallel_loop3A_234], %parallel_loop3A_237 {strides = array<i32>} : memref<80x128xf32, #tpu.memory_space<vmem>>, vector<1x16xf32>,
        } {sc.loop_unroll_factor = 4 : i64, sc.parallel_access}
        %dma_start3A_138 = arith.constant 0 : i32
        %dma_start3A_139 = arith.constant 0 : i32
        %dma_start3A_140 = tpu.memref_slice %arg19[%dma_start3A_138, %dma_start3A_139] : memref<10000x128xf32, #tpu.memory_space<vmem_shared>> -> memref<10000x128xf32, #tpu.memory_space<vmem_shared>>
        tpu.enqueue_indirect_dma source(%arg15 : memref<80x128xf32, #tpu.memory_space<vmem>>) target(%dma_start3A_140 : memref<10000x128xf32, #tpu.memory_space<vmem_shared>>) offsets(%arg11 : memref<80xi32, #tpu.memory_space<vmem>>) semaphore(%arg32 : memref<!tpu.dma_semaphore, #tpu.memory_space<semaphore_mem>>) {add = true}
      } else {
      }
      %mul3A_88 = arith.constant 4 : i32
      %mul3A_89 = arith.muli %mul3A_88, %scan3A_81 : i32
      %add3A_90 = arith.constant 1 : i32
      %add3A_91 = arith.addi %mul3A_89, %add3A_90 : i32
      %le3A_92 = arith.constant 124 : i32
      %le3A_93 = arith.cmpi sle, %add3A_91, %le3A_92 : i32
      %convert_element_type3A_94 = arith.extui %le3A_93 : i1 to i32
      %cond3A_95 = arith.constant 0 : i32
      %cond3A_96 = arith.cmpi ne, %convert_element_type3A_94, %cond3A_95 : i32
      scf.if %cond3A_96 {
        %ge3A = arith.constant 2 : i32
        %ge3A_115 = arith.cmpi sge, %add3A_91, %ge3A : i32
        %convert_element_type3A_116 = arith.extui %ge3A_115 : i1 to i32
        %cond3A_117 = arith.constant 0 : i32
        %cond3A_118 = arith.cmpi ne, %convert_element_type3A_116, %cond3A_117 : i32
        scf.if %cond3A_118 {
          %dma_wait3A_141 = arith.constant 0 : i32
          %dma_wait3A_142 = arith.constant 0 : i32
          %dma_wait3A_143 = tpu.memref_slice %arg19[%dma_wait3A_141, %dma_wait3A_142] : memref<10000x128xf32, #tpu.memory_space<vmem_shared>> -> memref<10000x128xf32, #tpu.memory_space<vmem_shared>>
          tpu.wait_indirect_dma semaphore(%arg35 : memref<!tpu.dma_semaphore, #tpu.memory_space<semaphore_mem>>) src(%arg18 : memref<80x128xf32, #tpu.memory_space<vmem>>) dst(%dma_wait3A_143 : memref<10000x128xf32, #tpu.memory_space<vmem_shared>>)
        } else {
        }
        %add3A_119 = arith.constant 2 : i32
        %add3A_120 = arith.addi %add3A_91, %add3A_119 : i32
        %le3A_121 = arith.constant 124 : i32
        %le3A_122 = arith.cmpi sle, %add3A_120, %le3A_121 : i32
        %convert_element_type3A_123 = arith.extui %le3A_122 : i1 to i32
        %cond3A_124 = arith.constant 0 : i32
        %cond3A_125 = arith.cmpi ne, %convert_element_type3A_123, %cond3A_124 : i32
        scf.if %cond3A_125 {
          %add3A_141 = arith.constant 2 : i32
          %add3A_142 = arith.addi %add3A_91, %add3A_141 : i32
          %mul3A_143 = arith.constant 80 : i32
          %mul3A_144 = arith.muli %add3A_142, %mul3A_143 : i32
          %add3A_145 = arith.addi %mul3A_20, %mul3A_144 : i32
          %dma_start3A_146 = tpu.memref_slice %arg3[%add3A_145] : memref<320000xi32, #tpu.memory_space<hbm>> -> memref<80xi32, #tpu.memory_space<hbm>>
          %dma_start3A_147 = tpu.memref_slice %arg3[%add3A_145] : memref<320000xi32, #tpu.memory_space<hbm>> -> memref<80xi32, #tpu.memory_space<hbm>>
          tpu.enqueue_dma source(%dma_start3A_147 : memref<80xi32, #tpu.memory_space<hbm>>) target(%arg10 : memref<80xi32, #tpu.memory_space<vmem>>) target_semaphore(%arg23 : memref<!tpu.dma_semaphore, #tpu.memory_space<semaphore_mem>>)
          %dma_start3A_148 = tpu.memref_slice %arg4[%add3A_145] : memref<320000xi32, #tpu.memory_space<hbm>> -> memref<80xi32, #tpu.memory_space<hbm>>
          %dma_start3A_149 = tpu.memref_slice %arg4[%add3A_145] : memref<320000xi32, #tpu.memory_space<hbm>> -> memref<80xi32, #tpu.memory_space<hbm>>
          tpu.enqueue_dma source(%dma_start3A_149 : memref<80xi32, #tpu.memory_space<hbm>>) target(%arg14 : memref<80xi32, #tpu.memory_space<vmem>>) target_semaphore(%arg23 : memref<!tpu.dma_semaphore, #tpu.memory_space<semaphore_mem>>)
          %add3A_150 = arith.constant 2 : i32
          %add3A_151 = arith.addi %add3A_91, %add3A_150 : i32
          %mul3A_152 = arith.constant 80 : i32
          %mul3A_153 = arith.muli %add3A_151, %mul3A_152 : i32
          %add3A_154 = arith.addi %mul3A_20, %mul3A_153 : i32
          %dma_start3A_155 = arith.constant 0 : i32
          %dma_start3A_156 = tpu.memref_slice %arg5[%add3A_154, %dma_start3A_155] : memref<320000x128xf32, #tpu.memory_space<hbm>> -> memref<80x128xf32, #tpu.memory_space<hbm>>
          %dma_start3A_157 = arith.constant 0 : i32
          %dma_start3A_158 = tpu.memref_slice %arg5[%add3A_154, %dma_start3A_157] : memref<320000x128xf32, #tpu.memory_space<hbm>> -> memref<80x128xf32, #tpu.memory_space<hbm>>
          tpu.enqueue_dma source(%dma_start3A_158 : memref<80x128xf32, #tpu.memory_space<hbm>>) target(%arg18 : memref<80x128xf32, #tpu.memory_space<vmem>>) target_semaphore(%arg27 : memref<!tpu.dma_semaphore, #tpu.memory_space<semaphore_mem>>)
        } else {
        }
        %add3A_126 = arith.constant 1 : i32
        %add3A_127 = arith.addi %add3A_91, %add3A_126 : i32
        %le3A_128 = arith.constant 124 : i32
        %le3A_129 = arith.cmpi sle, %add3A_127, %le3A_128 : i32
        %convert_element_type3A_130 = arith.extui %le3A_129 : i1 to i32
        %cond3A_131 = arith.constant 0 : i32
        %cond3A_132 = arith.cmpi ne, %convert_element_type3A_130, %cond3A_131 : i32
        scf.if %cond3A_132 {
          %add3A_141 = arith.constant 1 : i32
          %add3A_142 = arith.addi %add3A_91, %add3A_141 : i32
          %mul3A_143 = arith.constant 80 : i32
          %mul3A_144 = arith.muli %add3A_142, %mul3A_143 : i32
          %add3A_145 = arith.addi %mul3A_20, %mul3A_144 : i32
          %dma_wait3A_146 = tpu.memref_slice %arg3[%add3A_145] : memref<320000xi32, #tpu.memory_space<hbm>> -> memref<80xi32, #tpu.memory_space<hbm>>
          %dma_wait3A_147 = tpu.memref_slice %arg3[%add3A_145] : memref<320000xi32, #tpu.memory_space<hbm>> -> memref<80xi32, #tpu.memory_space<hbm>>
          tpu.wait_dma2 semaphore(%arg22 : memref<!tpu.dma_semaphore, #tpu.memory_space<semaphore_mem>>) src(%dma_wait3A_147 : memref<80xi32, #tpu.memory_space<hbm>>) dst(%arg9 : memref<80xi32, #tpu.memory_space<vmem>>)
          %dma_wait3A_148 = tpu.memref_slice %arg4[%add3A_145] : memref<320000xi32, #tpu.memory_space<hbm>> -> memref<80xi32, #tpu.memory_space<hbm>>
          %dma_wait3A_149 = tpu.memref_slice %arg4[%add3A_145] : memref<320000xi32, #tpu.memory_space<hbm>> -> memref<80xi32, #tpu.memory_space<hbm>>
          tpu.wait_dma2 semaphore(%arg22 : memref<!tpu.dma_semaphore, #tpu.memory_space<semaphore_mem>>) src(%dma_wait3A_149 : memref<80xi32, #tpu.memory_space<hbm>>) dst(%arg13 : memref<80xi32, #tpu.memory_space<vmem>>)
          %add3A_150 = arith.constant 1 : i32
          %add3A_151 = arith.addi %add3A_91, %add3A_150 : i32
          %mul3A_152 = arith.constant 80 : i32
          %mul3A_153 = arith.muli %add3A_151, %mul3A_152 : i32
          %add3A_154 = arith.addi %mul3A_20, %mul3A_153 : i32
          %dma_wait3A_155 = arith.constant 0 : i32
          %dma_wait3A_156 = tpu.memref_slice %arg5[%add3A_154, %dma_wait3A_155] : memref<320000x128xf32, #tpu.memory_space<hbm>> -> memref<80x128xf32, #tpu.memory_space<hbm>>
          %dma_wait3A_157 = arith.constant 0 : i32
          %dma_wait3A_158 = tpu.memref_slice %arg5[%add3A_154, %dma_wait3A_157] : memref<320000x128xf32, #tpu.memory_space<hbm>> -> memref<80x128xf32, #tpu.memory_space<hbm>>
          tpu.wait_dma2 semaphore(%arg26 : memref<!tpu.dma_semaphore, #tpu.memory_space<semaphore_mem>>) src(%dma_wait3A_158 : memref<80x128xf32, #tpu.memory_space<hbm>>) dst(%arg17 : memref<80x128xf32, #tpu.memory_space<vmem>>)
          %dma_start3A_159 = arith.constant 0 : i32
          %dma_start3A_160 = arith.constant 0 : i32
          %dma_start3A_161 = tpu.memref_slice %arg2[%dma_start3A_159, %dma_start3A_160] : memref<10000x128xf32, #tpu.memory_space<hbm>> -> memref<10000x128xf32, #tpu.memory_space<hbm>>
          tpu.enqueue_indirect_dma source(%dma_start3A_161 : memref<10000x128xf32, #tpu.memory_space<hbm>>) target(%arg17 : memref<80x128xf32, #tpu.memory_space<vmem>>) offsets(%arg9 : memref<80xi32, #tpu.memory_space<vmem>>) semaphore(%arg30 : memref<!tpu.dma_semaphore, #tpu.memory_space<semaphore_mem>>) {add = true}
        } else {
        }
        %dma_wait3A_133 = arith.constant 0 : i32
        %dma_wait3A_134 = arith.constant 0 : i32
        %dma_wait3A_135 = tpu.memref_slice %arg2[%dma_wait3A_133, %dma_wait3A_134] : memref<10000x128xf32, #tpu.memory_space<hbm>> -> memref<10000x128xf32, #tpu.memory_space<hbm>>
        tpu.wait_indirect_dma semaphore(%arg29 : memref<!tpu.dma_semaphore, #tpu.memory_space<semaphore_mem>>) src(%dma_wait3A_135 : memref<10000x128xf32, #tpu.memory_space<hbm>>) dst(%arg16 : memref<80x128xf32, #tpu.memory_space<vmem>>)
        %parallel_loop3A = arith.constant 0 : i32
        %parallel_loop3A_136 = arith.constant 80 : i32
        %parallel_loop3A_137 = arith.constant 1 : i32
        scf.for %parallel_loop3A_141 = %parallel_loop3A to %parallel_loop3A_136 step %parallel_loop3A_137  : i32 {
          %parallel_loop3A_142 = arith.index_cast %parallel_loop3A_141 : i32 to index
          %parallel_loop3A_143 = arith.constant 0 : index
          %parallel_loop3A_144 = tpu.vector_load %arg16[%parallel_loop3A_142, %parallel_loop3A_143] {strides = array<i32>} : memref<80x128xf32, #tpu.memory_space<vmem>>, vector<1x16xf32>,
          %parallel_loop3A_145 = vector.shape_cast %parallel_loop3A_144 : vector<1x16xf32> to vector<16xf32>
          %parallel_loop3A_146 = arith.constant 0.000000e+00 : f32
          %parallel_loop3A_147 = vector.broadcast %parallel_loop3A_146 : f32 to vector<16xf32>
          %parallel_loop3A_148 = arith.maximumf %parallel_loop3A_145, %parallel_loop3A_147 : vector<16xf32>
          %parallel_loop3A_149 = arith.index_cast %parallel_loop3A_141 : i32 to index
          %parallel_loop3A_150 = arith.constant 0 : index
          %parallel_loop3A_151 = tpu.vector_load %arg16[%parallel_loop3A_149, %parallel_loop3A_150] {strides = array<i32>} : memref<80x128xf32, #tpu.memory_space<vmem>>, vector<1x16xf32>,
          %parallel_loop3A_152 = vector.shape_cast %parallel_loop3A_151 : vector<1x16xf32> to vector<16xf32>
          %parallel_loop3A_153 = vector.shape_cast %parallel_loop3A_148 : vector<16xf32> to vector<1x16xf32>
          tpu.vector_store %arg16[%parallel_loop3A_149, %parallel_loop3A_150], %parallel_loop3A_153 {strides = array<i32>} : memref<80x128xf32, #tpu.memory_space<vmem>>, vector<1x16xf32>,
          %parallel_loop3A_154 = arith.index_cast %parallel_loop3A_141 : i32 to index
          %parallel_loop3A_155 = arith.constant 16 : index
          %parallel_loop3A_156 = tpu.vector_load %arg16[%parallel_loop3A_154, %parallel_loop3A_155] {strides = array<i32>} : memref<80x128xf32, #tpu.memory_space<vmem>>, vector<1x16xf32>,
          %parallel_loop3A_157 = vector.shape_cast %parallel_loop3A_156 : vector<1x16xf32> to vector<16xf32>
          %parallel_loop3A_158 = arith.constant 0.000000e+00 : f32
          %parallel_loop3A_159 = vector.broadcast %parallel_loop3A_158 : f32 to vector<16xf32>
          %parallel_loop3A_160 = arith.maximumf %parallel_loop3A_157, %parallel_loop3A_159 : vector<16xf32>
          %parallel_loop3A_161 = arith.index_cast %parallel_loop3A_141 : i32 to index
          %parallel_loop3A_162 = arith.constant 16 : index
          %parallel_loop3A_163 = tpu.vector_load %arg16[%parallel_loop3A_161, %parallel_loop3A_162] {strides = array<i32>} : memref<80x128xf32, #tpu.memory_space<vmem>>, vector<1x16xf32>,
          %parallel_loop3A_164 = vector.shape_cast %parallel_loop3A_163 : vector<1x16xf32> to vector<16xf32>
          %parallel_loop3A_165 = vector.shape_cast %parallel_loop3A_160 : vector<16xf32> to vector<1x16xf32>
          tpu.vector_store %arg16[%parallel_loop3A_161, %parallel_loop3A_162], %parallel_loop3A_165 {strides = array<i32>} : memref<80x128xf32, #tpu.memory_space<vmem>>, vector<1x16xf32>,
          %parallel_loop3A_166 = arith.index_cast %parallel_loop3A_141 : i32 to index
          %parallel_loop3A_167 = arith.constant 32 : index
          %parallel_loop3A_168 = tpu.vector_load %arg16[%parallel_loop3A_166, %parallel_loop3A_167] {strides = array<i32>} : memref<80x128xf32, #tpu.memory_space<vmem>>, vector<1x16xf32>,
          %parallel_loop3A_169 = vector.shape_cast %parallel_loop3A_168 : vector<1x16xf32> to vector<16xf32>
          %parallel_loop3A_170 = arith.constant 0.000000e+00 : f32
          %parallel_loop3A_171 = vector.broadcast %parallel_loop3A_170 : f32 to vector<16xf32>
          %parallel_loop3A_172 = arith.maximumf %parallel_loop3A_169, %parallel_loop3A_171 : vector<16xf32>
          %parallel_loop3A_173 = arith.index_cast %parallel_loop3A_141 : i32 to index
          %parallel_loop3A_174 = arith.constant 32 : index
          %parallel_loop3A_175 = tpu.vector_load %arg16[%parallel_loop3A_173, %parallel_loop3A_174] {strides = array<i32>} : memref<80x128xf32, #tpu.memory_space<vmem>>, vector<1x16xf32>,
          %parallel_loop3A_176 = vector.shape_cast %parallel_loop3A_175 : vector<1x16xf32> to vector<16xf32>
          %parallel_loop3A_177 = vector.shape_cast %parallel_loop3A_172 : vector<16xf32> to vector<1x16xf32>
          tpu.vector_store %arg16[%parallel_loop3A_173, %parallel_loop3A_174], %parallel_loop3A_177 {strides = array<i32>} : memref<80x128xf32, #tpu.memory_space<vmem>>, vector<1x16xf32>,
          %parallel_loop3A_178 = arith.index_cast %parallel_loop3A_141 : i32 to index
          %parallel_loop3A_179 = arith.constant 48 : index
          %parallel_loop3A_180 = tpu.vector_load %arg16[%parallel_loop3A_178, %parallel_loop3A_179] {strides = array<i32>} : memref<80x128xf32, #tpu.memory_space<vmem>>, vector<1x16xf32>,
          %parallel_loop3A_181 = vector.shape_cast %parallel_loop3A_180 : vector<1x16xf32> to vector<16xf32>
          %parallel_loop3A_182 = arith.constant 0.000000e+00 : f32
          %parallel_loop3A_183 = vector.broadcast %parallel_loop3A_182 : f32 to vector<16xf32>
          %parallel_loop3A_184 = arith.maximumf %parallel_loop3A_181, %parallel_loop3A_183 : vector<16xf32>
          %parallel_loop3A_185 = arith.index_cast %parallel_loop3A_141 : i32 to index
          %parallel_loop3A_186 = arith.constant 48 : index
          %parallel_loop3A_187 = tpu.vector_load %arg16[%parallel_loop3A_185, %parallel_loop3A_186] {strides = array<i32>} : memref<80x128xf32, #tpu.memory_space<vmem>>, vector<1x16xf32>,
          %parallel_loop3A_188 = vector.shape_cast %parallel_loop3A_187 : vector<1x16xf32> to vector<16xf32>
          %parallel_loop3A_189 = vector.shape_cast %parallel_loop3A_184 : vector<16xf32> to vector<1x16xf32>
          tpu.vector_store %arg16[%parallel_loop3A_185, %parallel_loop3A_186], %parallel_loop3A_189 {strides = array<i32>} : memref<80x128xf32, #tpu.memory_space<vmem>>, vector<1x16xf32>,
          %parallel_loop3A_190 = arith.index_cast %parallel_loop3A_141 : i32 to index
          %parallel_loop3A_191 = arith.constant 64 : index
          %parallel_loop3A_192 = tpu.vector_load %arg16[%parallel_loop3A_190, %parallel_loop3A_191] {strides = array<i32>} : memref<80x128xf32, #tpu.memory_space<vmem>>, vector<1x16xf32>,
          %parallel_loop3A_193 = vector.shape_cast %parallel_loop3A_192 : vector<1x16xf32> to vector<16xf32>
          %parallel_loop3A_194 = arith.constant 0.000000e+00 : f32
          %parallel_loop3A_195 = vector.broadcast %parallel_loop3A_194 : f32 to vector<16xf32>
          %parallel_loop3A_196 = arith.maximumf %parallel_loop3A_193, %parallel_loop3A_195 : vector<16xf32>
          %parallel_loop3A_197 = arith.index_cast %parallel_loop3A_141 : i32 to index
          %parallel_loop3A_198 = arith.constant 64 : index
          %parallel_loop3A_199 = tpu.vector_load %arg16[%parallel_loop3A_197, %parallel_loop3A_198] {strides = array<i32>} : memref<80x128xf32, #tpu.memory_space<vmem>>, vector<1x16xf32>,
          %parallel_loop3A_200 = vector.shape_cast %parallel_loop3A_199 : vector<1x16xf32> to vector<16xf32>
          %parallel_loop3A_201 = vector.shape_cast %parallel_loop3A_196 : vector<16xf32> to vector<1x16xf32>
          tpu.vector_store %arg16[%parallel_loop3A_197, %parallel_loop3A_198], %parallel_loop3A_201 {strides = array<i32>} : memref<80x128xf32, #tpu.memory_space<vmem>>, vector<1x16xf32>,
          %parallel_loop3A_202 = arith.index_cast %parallel_loop3A_141 : i32 to index
          %parallel_loop3A_203 = arith.constant 80 : index
          %parallel_loop3A_204 = tpu.vector_load %arg16[%parallel_loop3A_202, %parallel_loop3A_203] {strides = array<i32>} : memref<80x128xf32, #tpu.memory_space<vmem>>, vector<1x16xf32>,
          %parallel_loop3A_205 = vector.shape_cast %parallel_loop3A_204 : vector<1x16xf32> to vector<16xf32>
          %parallel_loop3A_206 = arith.constant 0.000000e+00 : f32
          %parallel_loop3A_207 = vector.broadcast %parallel_loop3A_206 : f32 to vector<16xf32>
          %parallel_loop3A_208 = arith.maximumf %parallel_loop3A_205, %parallel_loop3A_207 : vector<16xf32>
          %parallel_loop3A_209 = arith.index_cast %parallel_loop3A_141 : i32 to index
          %parallel_loop3A_210 = arith.constant 80 : index
          %parallel_loop3A_211 = tpu.vector_load %arg16[%parallel_loop3A_209, %parallel_loop3A_210] {strides = array<i32>} : memref<80x128xf32, #tpu.memory_space<vmem>>, vector<1x16xf32>,
          %parallel_loop3A_212 = vector.shape_cast %parallel_loop3A_211 : vector<1x16xf32> to vector<16xf32>
          %parallel_loop3A_213 = vector.shape_cast %parallel_loop3A_208 : vector<16xf32> to vector<1x16xf32>
          tpu.vector_store %arg16[%parallel_loop3A_209, %parallel_loop3A_210], %parallel_loop3A_213 {strides = array<i32>} : memref<80x128xf32, #tpu.memory_space<vmem>>, vector<1x16xf32>,
          %parallel_loop3A_214 = arith.index_cast %parallel_loop3A_141 : i32 to index
          %parallel_loop3A_215 = arith.constant 96 : index
          %parallel_loop3A_216 = tpu.vector_load %arg16[%parallel_loop3A_214, %parallel_loop3A_215] {strides = array<i32>} : memref<80x128xf32, #tpu.memory_space<vmem>>, vector<1x16xf32>,
          %parallel_loop3A_217 = vector.shape_cast %parallel_loop3A_216 : vector<1x16xf32> to vector<16xf32>
          %parallel_loop3A_218 = arith.constant 0.000000e+00 : f32
          %parallel_loop3A_219 = vector.broadcast %parallel_loop3A_218 : f32 to vector<16xf32>
          %parallel_loop3A_220 = arith.maximumf %parallel_loop3A_217, %parallel_loop3A_219 : vector<16xf32>
          %parallel_loop3A_221 = arith.index_cast %parallel_loop3A_141 : i32 to index
          %parallel_loop3A_222 = arith.constant 96 : index
          %parallel_loop3A_223 = tpu.vector_load %arg16[%parallel_loop3A_221, %parallel_loop3A_222] {strides = array<i32>} : memref<80x128xf32, #tpu.memory_space<vmem>>, vector<1x16xf32>,
          %parallel_loop3A_224 = vector.shape_cast %parallel_loop3A_223 : vector<1x16xf32> to vector<16xf32>
          %parallel_loop3A_225 = vector.shape_cast %parallel_loop3A_220 : vector<16xf32> to vector<1x16xf32>
          tpu.vector_store %arg16[%parallel_loop3A_221, %parallel_loop3A_222], %parallel_loop3A_225 {strides = array<i32>} : memref<80x128xf32, #tpu.memory_space<vmem>>, vector<1x16xf32>,
          %parallel_loop3A_226 = arith.index_cast %parallel_loop3A_141 : i32 to index
          %parallel_loop3A_227 = arith.constant 112 : index
          %parallel_loop3A_228 = tpu.vector_load %arg16[%parallel_loop3A_226, %parallel_loop3A_227] {strides = array<i32>} : memref<80x128xf32, #tpu.memory_space<vmem>>, vector<1x16xf32>,
          %parallel_loop3A_229 = vector.shape_cast %parallel_loop3A_228 : vector<1x16xf32> to vector<16xf32>
          %parallel_loop3A_230 = arith.constant 0.000000e+00 : f32
          %parallel_loop3A_231 = vector.broadcast %parallel_loop3A_230 : f32 to vector<16xf32>
          %parallel_loop3A_232 = arith.maximumf %parallel_loop3A_229, %parallel_loop3A_231 : vector<16xf32>
          %parallel_loop3A_233 = arith.index_cast %parallel_loop3A_141 : i32 to index
          %parallel_loop3A_234 = arith.constant 112 : index
          %parallel_loop3A_235 = tpu.vector_load %arg16[%parallel_loop3A_233, %parallel_loop3A_234] {strides = array<i32>} : memref<80x128xf32, #tpu.memory_space<vmem>>, vector<1x16xf32>,
          %parallel_loop3A_236 = vector.shape_cast %parallel_loop3A_235 : vector<1x16xf32> to vector<16xf32>
          %parallel_loop3A_237 = vector.shape_cast %parallel_loop3A_232 : vector<16xf32> to vector<1x16xf32>
          tpu.vector_store %arg16[%parallel_loop3A_233, %parallel_loop3A_234], %parallel_loop3A_237 {strides = array<i32>} : memref<80x128xf32, #tpu.memory_space<vmem>>, vector<1x16xf32>,
        } {sc.loop_unroll_factor = 4 : i64, sc.parallel_access}
        %dma_start3A_138 = arith.constant 0 : i32
        %dma_start3A_139 = arith.constant 0 : i32
        %dma_start3A_140 = tpu.memref_slice %arg19[%dma_start3A_138, %dma_start3A_139] : memref<10000x128xf32, #tpu.memory_space<vmem_shared>> -> memref<10000x128xf32, #tpu.memory_space<vmem_shared>>
        tpu.enqueue_indirect_dma source(%arg16 : memref<80x128xf32, #tpu.memory_space<vmem>>) target(%dma_start3A_140 : memref<10000x128xf32, #tpu.memory_space<vmem_shared>>) offsets(%arg12 : memref<80xi32, #tpu.memory_space<vmem>>) semaphore(%arg33 : memref<!tpu.dma_semaphore, #tpu.memory_space<semaphore_mem>>) {add = true}
      } else {
      }
      %mul3A_97 = arith.constant 4 : i32
      %mul3A_98 = arith.muli %mul3A_97, %scan3A_81 : i32
      %add3A_99 = arith.constant 2 : i32
      %add3A_100 = arith.addi %mul3A_98, %add3A_99 : i32
      %le3A_101 = arith.constant 124 : i32
      %le3A_102 = arith.cmpi sle, %add3A_100, %le3A_101 : i32
      %convert_element_type3A_103 = arith.extui %le3A_102 : i1 to i32
      %cond3A_104 = arith.constant 0 : i32
      %cond3A_105 = arith.cmpi ne, %convert_element_type3A_103, %cond3A_104 : i32
      scf.if %cond3A_105 {
        %ge3A = arith.constant 2 : i32
        %ge3A_115 = arith.cmpi sge, %add3A_100, %ge3A : i32
        %convert_element_type3A_116 = arith.extui %ge3A_115 : i1 to i32
        %cond3A_117 = arith.constant 0 : i32
        %cond3A_118 = arith.cmpi ne, %convert_element_type3A_116, %cond3A_117 : i32
        scf.if %cond3A_118 {
          %dma_wait3A_141 = arith.constant 0 : i32
          %dma_wait3A_142 = arith.constant 0 : i32
          %dma_wait3A_143 = tpu.memref_slice %arg19[%dma_wait3A_141, %dma_wait3A_142] : memref<10000x128xf32, #tpu.memory_space<vmem_shared>> -> memref<10000x128xf32, #tpu.memory_space<vmem_shared>>
          tpu.wait_indirect_dma semaphore(%arg32 : memref<!tpu.dma_semaphore, #tpu.memory_space<semaphore_mem>>) src(%arg15 : memref<80x128xf32, #tpu.memory_space<vmem>>) dst(%dma_wait3A_143 : memref<10000x128xf32, #tpu.memory_space<vmem_shared>>)
        } else {
        }
        %add3A_119 = arith.constant 2 : i32
        %add3A_120 = arith.addi %add3A_100, %add3A_119 : i32
        %le3A_121 = arith.constant 124 : i32
        %le3A_122 = arith.cmpi sle, %add3A_120, %le3A_121 : i32
        %convert_element_type3A_123 = arith.extui %le3A_122 : i1 to i32
        %cond3A_124 = arith.constant 0 : i32
        %cond3A_125 = arith.cmpi ne, %convert_element_type3A_123, %cond3A_124 : i32
        scf.if %cond3A_125 {
          %add3A_141 = arith.constant 2 : i32
          %add3A_142 = arith.addi %add3A_100, %add3A_141 : i32
          %mul3A_143 = arith.constant 80 : i32
          %mul3A_144 = arith.muli %add3A_142, %mul3A_143 : i32
          %add3A_145 = arith.addi %mul3A_20, %mul3A_144 : i32
          %dma_start3A_146 = tpu.memref_slice %arg3[%add3A_145] : memref<320000xi32, #tpu.memory_space<hbm>> -> memref<80xi32, #tpu.memory_space<hbm>>
          %dma_start3A_147 = tpu.memref_slice %arg3[%add3A_145] : memref<320000xi32, #tpu.memory_space<hbm>> -> memref<80xi32, #tpu.memory_space<hbm>>
          tpu.enqueue_dma source(%dma_start3A_147 : memref<80xi32, #tpu.memory_space<hbm>>) target(%arg7 : memref<80xi32, #tpu.memory_space<vmem>>) target_semaphore(%arg20 : memref<!tpu.dma_semaphore, #tpu.memory_space<semaphore_mem>>)
          %dma_start3A_148 = tpu.memref_slice %arg4[%add3A_145] : memref<320000xi32, #tpu.memory_space<hbm>> -> memref<80xi32, #tpu.memory_space<hbm>>
          %dma_start3A_149 = tpu.memref_slice %arg4[%add3A_145] : memref<320000xi32, #tpu.memory_space<hbm>> -> memref<80xi32, #tpu.memory_space<hbm>>
          tpu.enqueue_dma source(%dma_start3A_149 : memref<80xi32, #tpu.memory_space<hbm>>) target(%arg11 : memref<80xi32, #tpu.memory_space<vmem>>) target_semaphore(%arg20 : memref<!tpu.dma_semaphore, #tpu.memory_space<semaphore_mem>>)
          %add3A_150 = arith.constant 2 : i32
          %add3A_151 = arith.addi %add3A_100, %add3A_150 : i32
          %mul3A_152 = arith.constant 80 : i32
          %mul3A_153 = arith.muli %add3A_151, %mul3A_152 : i32
          %add3A_154 = arith.addi %mul3A_20, %mul3A_153 : i32
          %dma_start3A_155 = arith.constant 0 : i32
          %dma_start3A_156 = tpu.memref_slice %arg5[%add3A_154, %dma_start3A_155] : memref<320000x128xf32, #tpu.memory_space<hbm>> -> memref<80x128xf32, #tpu.memory_space<hbm>>
          %dma_start3A_157 = arith.constant 0 : i32
          %dma_start3A_158 = tpu.memref_slice %arg5[%add3A_154, %dma_start3A_157] : memref<320000x128xf32, #tpu.memory_space<hbm>> -> memref<80x128xf32, #tpu.memory_space<hbm>>
          tpu.enqueue_dma source(%dma_start3A_158 : memref<80x128xf32, #tpu.memory_space<hbm>>) target(%arg15 : memref<80x128xf32, #tpu.memory_space<vmem>>) target_semaphore(%arg24 : memref<!tpu.dma_semaphore, #tpu.memory_space<semaphore_mem>>)
        } else {
        }
        %add3A_126 = arith.constant 1 : i32
        %add3A_127 = arith.addi %add3A_100, %add3A_126 : i32
        %le3A_128 = arith.constant 124 : i32
        %le3A_129 = arith.cmpi sle, %add3A_127, %le3A_128 : i32
        %convert_element_type3A_130 = arith.extui %le3A_129 : i1 to i32
        %cond3A_131 = arith.constant 0 : i32
        %cond3A_132 = arith.cmpi ne, %convert_element_type3A_130, %cond3A_131 : i32
        scf.if %cond3A_132 {
          %add3A_141 = arith.constant 1 : i32
          %add3A_142 = arith.addi %add3A_100, %add3A_141 : i32
          %mul3A_143 = arith.constant 80 : i32
          %mul3A_144 = arith.muli %add3A_142, %mul3A_143 : i32
          %add3A_145 = arith.addi %mul3A_20, %mul3A_144 : i32
          %dma_wait3A_146 = tpu.memref_slice %arg3[%add3A_145] : memref<320000xi32, #tpu.memory_space<hbm>> -> memref<80xi32, #tpu.memory_space<hbm>>
          %dma_wait3A_147 = tpu.memref_slice %arg3[%add3A_145] : memref<320000xi32, #tpu.memory_space<hbm>> -> memref<80xi32, #tpu.memory_space<hbm>>
          tpu.wait_dma2 semaphore(%arg23 : memref<!tpu.dma_semaphore, #tpu.memory_space<semaphore_mem>>) src(%dma_wait3A_147 : memref<80xi32, #tpu.memory_space<hbm>>) dst(%arg10 : memref<80xi32, #tpu.memory_space<vmem>>)
          %dma_wait3A_148 = tpu.memref_slice %arg4[%add3A_145] : memref<320000xi32, #tpu.memory_space<hbm>> -> memref<80xi32, #tpu.memory_space<hbm>>
          %dma_wait3A_149 = tpu.memref_slice %arg4[%add3A_145] : memref<320000xi32, #tpu.memory_space<hbm>> -> memref<80xi32, #tpu.memory_space<hbm>>
          tpu.wait_dma2 semaphore(%arg23 : memref<!tpu.dma_semaphore, #tpu.memory_space<semaphore_mem>>) src(%dma_wait3A_149 : memref<80xi32, #tpu.memory_space<hbm>>) dst(%arg14 : memref<80xi32, #tpu.memory_space<vmem>>)
          %add3A_150 = arith.constant 1 : i32
          %add3A_151 = arith.addi %add3A_100, %add3A_150 : i32
          %mul3A_152 = arith.constant 80 : i32
          %mul3A_153 = arith.muli %add3A_151, %mul3A_152 : i32
          %add3A_154 = arith.addi %mul3A_20, %mul3A_153 : i32
          %dma_wait3A_155 = arith.constant 0 : i32
          %dma_wait3A_156 = tpu.memref_slice %arg5[%add3A_154, %dma_wait3A_155] : memref<320000x128xf32, #tpu.memory_space<hbm>> -> memref<80x128xf32, #tpu.memory_space<hbm>>
          %dma_wait3A_157 = arith.constant 0 : i32
          %dma_wait3A_158 = tpu.memref_slice %arg5[%add3A_154, %dma_wait3A_157] : memref<320000x128xf32, #tpu.memory_space<hbm>> -> memref<80x128xf32, #tpu.memory_space<hbm>>
          tpu.wait_dma2 semaphore(%arg27 : memref<!tpu.dma_semaphore, #tpu.memory_space<semaphore_mem>>) src(%dma_wait3A_158 : memref<80x128xf32, #tpu.memory_space<hbm>>) dst(%arg18 : memref<80x128xf32, #tpu.memory_space<vmem>>)
          %dma_start3A_159 = arith.constant 0 : i32
          %dma_start3A_160 = arith.constant 0 : i32
          %dma_start3A_161 = tpu.memref_slice %arg2[%dma_start3A_159, %dma_start3A_160] : memref<10000x128xf32, #tpu.memory_space<hbm>> -> memref<10000x128xf32, #tpu.memory_space<hbm>>
          tpu.enqueue_indirect_dma source(%dma_start3A_161 : memref<10000x128xf32, #tpu.memory_space<hbm>>) target(%arg18 : memref<80x128xf32, #tpu.memory_space<vmem>>) offsets(%arg10 : memref<80xi32, #tpu.memory_space<vmem>>) semaphore(%arg31 : memref<!tpu.dma_semaphore, #tpu.memory_space<semaphore_mem>>) {add = true}
        } else {
        }
        %dma_wait3A_133 = arith.constant 0 : i32
        %dma_wait3A_134 = arith.constant 0 : i32
        %dma_wait3A_135 = tpu.memref_slice %arg2[%dma_wait3A_133, %dma_wait3A_134] : memref<10000x128xf32, #tpu.memory_space<hbm>> -> memref<10000x128xf32, #tpu.memory_space<hbm>>
        tpu.wait_indirect_dma semaphore(%arg30 : memref<!tpu.dma_semaphore, #tpu.memory_space<semaphore_mem>>) src(%dma_wait3A_135 : memref<10000x128xf32, #tpu.memory_space<hbm>>) dst(%arg17 : memref<80x128xf32, #tpu.memory_space<vmem>>)
        %parallel_loop3A = arith.constant 0 : i32
        %parallel_loop3A_136 = arith.constant 80 : i32
        %parallel_loop3A_137 = arith.constant 1 : i32
        scf.for %parallel_loop3A_141 = %parallel_loop3A to %parallel_loop3A_136 step %parallel_loop3A_137  : i32 {
          %parallel_loop3A_142 = arith.index_cast %parallel_loop3A_141 : i32 to index
          %parallel_loop3A_143 = arith.constant 0 : index
          %parallel_loop3A_144 = tpu.vector_load %arg17[%parallel_loop3A_142, %parallel_loop3A_143] {strides = array<i32>} : memref<80x128xf32, #tpu.memory_space<vmem>>, vector<1x16xf32>,
          %parallel_loop3A_145 = vector.shape_cast %parallel_loop3A_144 : vector<1x16xf32> to vector<16xf32>
          %parallel_loop3A_146 = arith.constant 0.000000e+00 : f32
          %parallel_loop3A_147 = vector.broadcast %parallel_loop3A_146 : f32 to vector<16xf32>
          %parallel_loop3A_148 = arith.maximumf %parallel_loop3A_145, %parallel_loop3A_147 : vector<16xf32>
          %parallel_loop3A_149 = arith.index_cast %parallel_loop3A_141 : i32 to index
          %parallel_loop3A_150 = arith.constant 0 : index
          %parallel_loop3A_151 = tpu.vector_load %arg17[%parallel_loop3A_149, %parallel_loop3A_150] {strides = array<i32>} : memref<80x128xf32, #tpu.memory_space<vmem>>, vector<1x16xf32>,
          %parallel_loop3A_152 = vector.shape_cast %parallel_loop3A_151 : vector<1x16xf32> to vector<16xf32>
          %parallel_loop3A_153 = vector.shape_cast %parallel_loop3A_148 : vector<16xf32> to vector<1x16xf32>
          tpu.vector_store %arg17[%parallel_loop3A_149, %parallel_loop3A_150], %parallel_loop3A_153 {strides = array<i32>} : memref<80x128xf32, #tpu.memory_space<vmem>>, vector<1x16xf32>,
          %parallel_loop3A_154 = arith.index_cast %parallel_loop3A_141 : i32 to index
          %parallel_loop3A_155 = arith.constant 16 : index
          %parallel_loop3A_156 = tpu.vector_load %arg17[%parallel_loop3A_154, %parallel_loop3A_155] {strides = array<i32>} : memref<80x128xf32, #tpu.memory_space<vmem>>, vector<1x16xf32>,
          %parallel_loop3A_157 = vector.shape_cast %parallel_loop3A_156 : vector<1x16xf32> to vector<16xf32>
          %parallel_loop3A_158 = arith.constant 0.000000e+00 : f32
          %parallel_loop3A_159 = vector.broadcast %parallel_loop3A_158 : f32 to vector<16xf32>
          %parallel_loop3A_160 = arith.maximumf %parallel_loop3A_157, %parallel_loop3A_159 : vector<16xf32>
          %parallel_loop3A_161 = arith.index_cast %parallel_loop3A_141 : i32 to index
          %parallel_loop3A_162 = arith.constant 16 : index
          %parallel_loop3A_163 = tpu.vector_load %arg17[%parallel_loop3A_161, %parallel_loop3A_162] {strides = array<i32>} : memref<80x128xf32, #tpu.memory_space<vmem>>, vector<1x16xf32>,
          %parallel_loop3A_164 = vector.shape_cast %parallel_loop3A_163 : vector<1x16xf32> to vector<16xf32>
          %parallel_loop3A_165 = vector.shape_cast %parallel_loop3A_160 : vector<16xf32> to vector<1x16xf32>
          tpu.vector_store %arg17[%parallel_loop3A_161, %parallel_loop3A_162], %parallel_loop3A_165 {strides = array<i32>} : memref<80x128xf32, #tpu.memory_space<vmem>>, vector<1x16xf32>,
          %parallel_loop3A_166 = arith.index_cast %parallel_loop3A_141 : i32 to index
          %parallel_loop3A_167 = arith.constant 32 : index
          %parallel_loop3A_168 = tpu.vector_load %arg17[%parallel_loop3A_166, %parallel_loop3A_167] {strides = array<i32>} : memref<80x128xf32, #tpu.memory_space<vmem>>, vector<1x16xf32>,
          %parallel_loop3A_169 = vector.shape_cast %parallel_loop3A_168 : vector<1x16xf32> to vector<16xf32>
          %parallel_loop3A_170 = arith.constant 0.000000e+00 : f32
          %parallel_loop3A_171 = vector.broadcast %parallel_loop3A_170 : f32 to vector<16xf32>
          %parallel_loop3A_172 = arith.maximumf %parallel_loop3A_169, %parallel_loop3A_171 : vector<16xf32>
          %parallel_loop3A_173 = arith.index_cast %parallel_loop3A_141 : i32 to index
          %parallel_loop3A_174 = arith.constant 32 : index
          %parallel_loop3A_175 = tpu.vector_load %arg17[%parallel_loop3A_173, %parallel_loop3A_174] {strides = array<i32>} : memref<80x128xf32, #tpu.memory_space<vmem>>, vector<1x16xf32>,
          %parallel_loop3A_176 = vector.shape_cast %parallel_loop3A_175 : vector<1x16xf32> to vector<16xf32>
          %parallel_loop3A_177 = vector.shape_cast %parallel_loop3A_172 : vector<16xf32> to vector<1x16xf32>
          tpu.vector_store %arg17[%parallel_loop3A_173, %parallel_loop3A_174], %parallel_loop3A_177 {strides = array<i32>} : memref<80x128xf32, #tpu.memory_space<vmem>>, vector<1x16xf32>,
          %parallel_loop3A_178 = arith.index_cast %parallel_loop3A_141 : i32 to index
          %parallel_loop3A_179 = arith.constant 48 : index
          %parallel_loop3A_180 = tpu.vector_load %arg17[%parallel_loop3A_178, %parallel_loop3A_179] {strides = array<i32>} : memref<80x128xf32, #tpu.memory_space<vmem>>, vector<1x16xf32>,
          %parallel_loop3A_181 = vector.shape_cast %parallel_loop3A_180 : vector<1x16xf32> to vector<16xf32>
          %parallel_loop3A_182 = arith.constant 0.000000e+00 : f32
          %parallel_loop3A_183 = vector.broadcast %parallel_loop3A_182 : f32 to vector<16xf32>
          %parallel_loop3A_184 = arith.maximumf %parallel_loop3A_181, %parallel_loop3A_183 : vector<16xf32>
          %parallel_loop3A_185 = arith.index_cast %parallel_loop3A_141 : i32 to index
          %parallel_loop3A_186 = arith.constant 48 : index
          %parallel_loop3A_187 = tpu.vector_load %arg17[%parallel_loop3A_185, %parallel_loop3A_186] {strides = array<i32>} : memref<80x128xf32, #tpu.memory_space<vmem>>, vector<1x16xf32>,
          %parallel_loop3A_188 = vector.shape_cast %parallel_loop3A_187 : vector<1x16xf32> to vector<16xf32>
          %parallel_loop3A_189 = vector.shape_cast %parallel_loop3A_184 : vector<16xf32> to vector<1x16xf32>
          tpu.vector_store %arg17[%parallel_loop3A_185, %parallel_loop3A_186], %parallel_loop3A_189 {strides = array<i32>} : memref<80x128xf32, #tpu.memory_space<vmem>>, vector<1x16xf32>,
          %parallel_loop3A_190 = arith.index_cast %parallel_loop3A_141 : i32 to index
          %parallel_loop3A_191 = arith.constant 64 : index
          %parallel_loop3A_192 = tpu.vector_load %arg17[%parallel_loop3A_190, %parallel_loop3A_191] {strides = array<i32>} : memref<80x128xf32, #tpu.memory_space<vmem>>, vector<1x16xf32>,
          %parallel_loop3A_193 = vector.shape_cast %parallel_loop3A_192 : vector<1x16xf32> to vector<16xf32>
          %parallel_loop3A_194 = arith.constant 0.000000e+00 : f32
          %parallel_loop3A_195 = vector.broadcast %parallel_loop3A_194 : f32 to vector<16xf32>
          %parallel_loop3A_196 = arith.maximumf %parallel_loop3A_193, %parallel_loop3A_195 : vector<16xf32>
          %parallel_loop3A_197 = arith.index_cast %parallel_loop3A_141 : i32 to index
          %parallel_loop3A_198 = arith.constant 64 : index
          %parallel_loop3A_199 = tpu.vector_load %arg17[%parallel_loop3A_197, %parallel_loop3A_198] {strides = array<i32>} : memref<80x128xf32, #tpu.memory_space<vmem>>, vector<1x16xf32>,
          %parallel_loop3A_200 = vector.shape_cast %parallel_loop3A_199 : vector<1x16xf32> to vector<16xf32>
          %parallel_loop3A_201 = vector.shape_cast %parallel_loop3A_196 : vector<16xf32> to vector<1x16xf32>
          tpu.vector_store %arg17[%parallel_loop3A_197, %parallel_loop3A_198], %parallel_loop3A_201 {strides = array<i32>} : memref<80x128xf32, #tpu.memory_space<vmem>>, vector<1x16xf32>,
          %parallel_loop3A_202 = arith.index_cast %parallel_loop3A_141 : i32 to index
          %parallel_loop3A_203 = arith.constant 80 : index
          %parallel_loop3A_204 = tpu.vector_load %arg17[%parallel_loop3A_202, %parallel_loop3A_203] {strides = array<i32>} : memref<80x128xf32, #tpu.memory_space<vmem>>, vector<1x16xf32>,
          %parallel_loop3A_205 = vector.shape_cast %parallel_loop3A_204 : vector<1x16xf32> to vector<16xf32>
          %parallel_loop3A_206 = arith.constant 0.000000e+00 : f32
          %parallel_loop3A_207 = vector.broadcast %parallel_loop3A_206 : f32 to vector<16xf32>
          %parallel_loop3A_208 = arith.maximumf %parallel_loop3A_205, %parallel_loop3A_207 : vector<16xf32>
          %parallel_loop3A_209 = arith.index_cast %parallel_loop3A_141 : i32 to index
          %parallel_loop3A_210 = arith.constant 80 : index
          %parallel_loop3A_211 = tpu.vector_load %arg17[%parallel_loop3A_209, %parallel_loop3A_210] {strides = array<i32>} : memref<80x128xf32, #tpu.memory_space<vmem>>, vector<1x16xf32>,
          %parallel_loop3A_212 = vector.shape_cast %parallel_loop3A_211 : vector<1x16xf32> to vector<16xf32>
          %parallel_loop3A_213 = vector.shape_cast %parallel_loop3A_208 : vector<16xf32> to vector<1x16xf32>
          tpu.vector_store %arg17[%parallel_loop3A_209, %parallel_loop3A_210], %parallel_loop3A_213 {strides = array<i32>} : memref<80x128xf32, #tpu.memory_space<vmem>>, vector<1x16xf32>,
          %parallel_loop3A_214 = arith.index_cast %parallel_loop3A_141 : i32 to index
          %parallel_loop3A_215 = arith.constant 96 : index
          %parallel_loop3A_216 = tpu.vector_load %arg17[%parallel_loop3A_214, %parallel_loop3A_215] {strides = array<i32>} : memref<80x128xf32, #tpu.memory_space<vmem>>, vector<1x16xf32>,
          %parallel_loop3A_217 = vector.shape_cast %parallel_loop3A_216 : vector<1x16xf32> to vector<16xf32>
          %parallel_loop3A_218 = arith.constant 0.000000e+00 : f32
          %parallel_loop3A_219 = vector.broadcast %parallel_loop3A_218 : f32 to vector<16xf32>
          %parallel_loop3A_220 = arith.maximumf %parallel_loop3A_217, %parallel_loop3A_219 : vector<16xf32>
          %parallel_loop3A_221 = arith.index_cast %parallel_loop3A_141 : i32 to index
          %parallel_loop3A_222 = arith.constant 96 : index
          %parallel_loop3A_223 = tpu.vector_load %arg17[%parallel_loop3A_221, %parallel_loop3A_222] {strides = array<i32>} : memref<80x128xf32, #tpu.memory_space<vmem>>, vector<1x16xf32>,
          %parallel_loop3A_224 = vector.shape_cast %parallel_loop3A_223 : vector<1x16xf32> to vector<16xf32>
          %parallel_loop3A_225 = vector.shape_cast %parallel_loop3A_220 : vector<16xf32> to vector<1x16xf32>
          tpu.vector_store %arg17[%parallel_loop3A_221, %parallel_loop3A_222], %parallel_loop3A_225 {strides = array<i32>} : memref<80x128xf32, #tpu.memory_space<vmem>>, vector<1x16xf32>,
          %parallel_loop3A_226 = arith.index_cast %parallel_loop3A_141 : i32 to index
          %parallel_loop3A_227 = arith.constant 112 : index
          %parallel_loop3A_228 = tpu.vector_load %arg17[%parallel_loop3A_226, %parallel_loop3A_227] {strides = array<i32>} : memref<80x128xf32, #tpu.memory_space<vmem>>, vector<1x16xf32>,
          %parallel_loop3A_229 = vector.shape_cast %parallel_loop3A_228 : vector<1x16xf32> to vector<16xf32>
          %parallel_loop3A_230 = arith.constant 0.000000e+00 : f32
          %parallel_loop3A_231 = vector.broadcast %parallel_loop3A_230 : f32 to vector<16xf32>
          %parallel_loop3A_232 = arith.maximumf %parallel_loop3A_229, %parallel_loop3A_231 : vector<16xf32>
          %parallel_loop3A_233 = arith.index_cast %parallel_loop3A_141 : i32 to index
          %parallel_loop3A_234 = arith.constant 112 : index
          %parallel_loop3A_235 = tpu.vector_load %arg17[%parallel_loop3A_233, %parallel_loop3A_234] {strides = array<i32>} : memref<80x128xf32, #tpu.memory_space<vmem>>, vector<1x16xf32>,
          %parallel_loop3A_236 = vector.shape_cast %parallel_loop3A_235 : vector<1x16xf32> to vector<16xf32>
          %parallel_loop3A_237 = vector.shape_cast %parallel_loop3A_232 : vector<16xf32> to vector<1x16xf32>
          tpu.vector_store %arg17[%parallel_loop3A_233, %parallel_loop3A_234], %parallel_loop3A_237 {strides = array<i32>} : memref<80x128xf32, #tpu.memory_space<vmem>>, vector<1x16xf32>,
        } {sc.loop_unroll_factor = 4 : i64, sc.parallel_access}
        %dma_start3A_138 = arith.constant 0 : i32
        %dma_start3A_139 = arith.constant 0 : i32
        %dma_start3A_140 = tpu.memref_slice %arg19[%dma_start3A_138, %dma_start3A_139] : memref<10000x128xf32, #tpu.memory_space<vmem_shared>> -> memref<10000x128xf32, #tpu.memory_space<vmem_shared>>
        tpu.enqueue_indirect_dma source(%arg17 : memref<80x128xf32, #tpu.memory_space<vmem>>) target(%dma_start3A_140 : memref<10000x128xf32, #tpu.memory_space<vmem_shared>>) offsets(%arg13 : memref<80xi32, #tpu.memory_space<vmem>>) semaphore(%arg34 : memref<!tpu.dma_semaphore, #tpu.memory_space<semaphore_mem>>) {add = true}
      } else {
      }
      %mul3A_106 = arith.constant 4 : i32
      %mul3A_107 = arith.muli %mul3A_106, %scan3A_81 : i32
      %add3A_108 = arith.constant 3 : i32
      %add3A_109 = arith.addi %mul3A_107, %add3A_108 : i32
      %le3A_110 = arith.constant 124 : i32
      %le3A_111 = arith.cmpi sle, %add3A_109, %le3A_110 : i32
      %convert_element_type3A_112 = arith.extui %le3A_111 : i1 to i32
      %cond3A_113 = arith.constant 0 : i32
      %cond3A_114 = arith.cmpi ne, %convert_element_type3A_112, %cond3A_113 : i32
      scf.if %cond3A_114 {
        %ge3A = arith.constant 2 : i32
        %ge3A_115 = arith.cmpi sge, %add3A_109, %ge3A : i32
        %convert_element_type3A_116 = arith.extui %ge3A_115 : i1 to i32
        %cond3A_117 = arith.constant 0 : i32
        %cond3A_118 = arith.cmpi ne, %convert_element_type3A_116, %cond3A_117 : i32
        scf.if %cond3A_118 {
          %dma_wait3A_141 = arith.constant 0 : i32
          %dma_wait3A_142 = arith.constant 0 : i32
          %dma_wait3A_143 = tpu.memref_slice %arg19[%dma_wait3A_141, %dma_wait3A_142] : memref<10000x128xf32, #tpu.memory_space<vmem_shared>> -> memref<10000x128xf32, #tpu.memory_space<vmem_shared>>
          tpu.wait_indirect_dma semaphore(%arg33 : memref<!tpu.dma_semaphore, #tpu.memory_space<semaphore_mem>>) src(%arg16 : memref<80x128xf32, #tpu.memory_space<vmem>>) dst(%dma_wait3A_143 : memref<10000x128xf32, #tpu.memory_space<vmem_shared>>)
        } else {
        }
        %add3A_119 = arith.constant 2 : i32
        %add3A_120 = arith.addi %add3A_109, %add3A_119 : i32
        %le3A_121 = arith.constant 124 : i32
        %le3A_122 = arith.cmpi sle, %add3A_120, %le3A_121 : i32
        %convert_element_type3A_123 = arith.extui %le3A_122 : i1 to i32
        %cond3A_124 = arith.constant 0 : i32
        %cond3A_125 = arith.cmpi ne, %convert_element_type3A_123, %cond3A_124 : i32
        scf.if %cond3A_125 {
          %add3A_141 = arith.constant 2 : i32
          %add3A_142 = arith.addi %add3A_109, %add3A_141 : i32
          %mul3A_143 = arith.constant 80 : i32
          %mul3A_144 = arith.muli %add3A_142, %mul3A_143 : i32
          %add3A_145 = arith.addi %mul3A_20, %mul3A_144 : i32
          %dma_start3A_146 = tpu.memref_slice %arg3[%add3A_145] : memref<320000xi32, #tpu.memory_space<hbm>> -> memref<80xi32, #tpu.memory_space<hbm>>
          %dma_start3A_147 = tpu.memref_slice %arg3[%add3A_145] : memref<320000xi32, #tpu.memory_space<hbm>> -> memref<80xi32, #tpu.memory_space<hbm>>
          tpu.enqueue_dma source(%dma_start3A_147 : memref<80xi32, #tpu.memory_space<hbm>>) target(%arg8 : memref<80xi32, #tpu.memory_space<vmem>>) target_semaphore(%arg21 : memref<!tpu.dma_semaphore, #tpu.memory_space<semaphore_mem>>)
          %dma_start3A_148 = tpu.memref_slice %arg4[%add3A_145] : memref<320000xi32, #tpu.memory_space<hbm>> -> memref<80xi32, #tpu.memory_space<hbm>>
          %dma_start3A_149 = tpu.memref_slice %arg4[%add3A_145] : memref<320000xi32, #tpu.memory_space<hbm>> -> memref<80xi32, #tpu.memory_space<hbm>>
          tpu.enqueue_dma source(%dma_start3A_149 : memref<80xi32, #tpu.memory_space<hbm>>) target(%arg12 : memref<80xi32, #tpu.memory_space<vmem>>) target_semaphore(%arg21 : memref<!tpu.dma_semaphore, #tpu.memory_space<semaphore_mem>>)
          %add3A_150 = arith.constant 2 : i32
          %add3A_151 = arith.addi %add3A_109, %add3A_150 : i32
          %mul3A_152 = arith.constant 80 : i32
          %mul3A_153 = arith.muli %add3A_151, %mul3A_152 : i32
          %add3A_154 = arith.addi %mul3A_20, %mul3A_153 : i32
          %dma_start3A_155 = arith.constant 0 : i32
          %dma_start3A_156 = tpu.memref_slice %arg5[%add3A_154, %dma_start3A_155] : memref<320000x128xf32, #tpu.memory_space<hbm>> -> memref<80x128xf32, #tpu.memory_space<hbm>>
          %dma_start3A_157 = arith.constant 0 : i32
          %dma_start3A_158 = tpu.memref_slice %arg5[%add3A_154, %dma_start3A_157] : memref<320000x128xf32, #tpu.memory_space<hbm>> -> memref<80x128xf32, #tpu.memory_space<hbm>>
          tpu.enqueue_dma source(%dma_start3A_158 : memref<80x128xf32, #tpu.memory_space<hbm>>) target(%arg16 : memref<80x128xf32, #tpu.memory_space<vmem>>) target_semaphore(%arg25 : memref<!tpu.dma_semaphore, #tpu.memory_space<semaphore_mem>>)
        } else {
        }
        %add3A_126 = arith.constant 1 : i32
        %add3A_127 = arith.addi %add3A_109, %add3A_126 : i32
        %le3A_128 = arith.constant 124 : i32
        %le3A_129 = arith.cmpi sle, %add3A_127, %le3A_128 : i32
        %convert_element_type3A_130 = arith.extui %le3A_129 : i1 to i32
        %cond3A_131 = arith.constant 0 : i32
        %cond3A_132 = arith.cmpi ne, %convert_element_type3A_130, %cond3A_131 : i32
        scf.if %cond3A_132 {
          %add3A_141 = arith.constant 1 : i32
          %add3A_142 = arith.addi %add3A_109, %add3A_141 : i32
          %mul3A_143 = arith.constant 80 : i32
          %mul3A_144 = arith.muli %add3A_142, %mul3A_143 : i32
          %add3A_145 = arith.addi %mul3A_20, %mul3A_144 : i32
          %dma_wait3A_146 = tpu.memref_slice %arg3[%add3A_145] : memref<320000xi32, #tpu.memory_space<hbm>> -> memref<80xi32, #tpu.memory_space<hbm>>
          %dma_wait3A_147 = tpu.memref_slice %arg3[%add3A_145] : memref<320000xi32, #tpu.memory_space<hbm>> -> memref<80xi32, #tpu.memory_space<hbm>>
          tpu.wait_dma2 semaphore(%arg20 : memref<!tpu.dma_semaphore, #tpu.memory_space<semaphore_mem>>) src(%dma_wait3A_147 : memref<80xi32, #tpu.memory_space<hbm>>) dst(%arg7 : memref<80xi32, #tpu.memory_space<vmem>>)
          %dma_wait3A_148 = tpu.memref_slice %arg4[%add3A_145] : memref<320000xi32, #tpu.memory_space<hbm>> -> memref<80xi32, #tpu.memory_space<hbm>>
          %dma_wait3A_149 = tpu.memref_slice %arg4[%add3A_145] : memref<320000xi32, #tpu.memory_space<hbm>> -> memref<80xi32, #tpu.memory_space<hbm>>
          tpu.wait_dma2 semaphore(%arg20 : memref<!tpu.dma_semaphore, #tpu.memory_space<semaphore_mem>>) src(%dma_wait3A_149 : memref<80xi32, #tpu.memory_space<hbm>>) dst(%arg11 : memref<80xi32, #tpu.memory_space<vmem>>)
          %add3A_150 = arith.constant 1 : i32
          %add3A_151 = arith.addi %add3A_109, %add3A_150 : i32
          %mul3A_152 = arith.constant 80 : i32
          %mul3A_153 = arith.muli %add3A_151, %mul3A_152 : i32
          %add3A_154 = arith.addi %mul3A_20, %mul3A_153 : i32
          %dma_wait3A_155 = arith.constant 0 : i32
          %dma_wait3A_156 = tpu.memref_slice %arg5[%add3A_154, %dma_wait3A_155] : memref<320000x128xf32, #tpu.memory_space<hbm>> -> memref<80x128xf32, #tpu.memory_space<hbm>>
          %dma_wait3A_157 = arith.constant 0 : i32
          %dma_wait3A_158 = tpu.memref_slice %arg5[%add3A_154, %dma_wait3A_157] : memref<320000x128xf32, #tpu.memory_space<hbm>> -> memref<80x128xf32, #tpu.memory_space<hbm>>
          tpu.wait_dma2 semaphore(%arg24 : memref<!tpu.dma_semaphore, #tpu.memory_space<semaphore_mem>>) src(%dma_wait3A_158 : memref<80x128xf32, #tpu.memory_space<hbm>>) dst(%arg15 : memref<80x128xf32, #tpu.memory_space<vmem>>)
          %dma_start3A_159 = arith.constant 0 : i32
          %dma_start3A_160 = arith.constant 0 : i32
          %dma_start3A_161 = tpu.memref_slice %arg2[%dma_start3A_159, %dma_start3A_160] : memref<10000x128xf32, #tpu.memory_space<hbm>> -> memref<10000x128xf32, #tpu.memory_space<hbm>>
          tpu.enqueue_indirect_dma source(%dma_start3A_161 : memref<10000x128xf32, #tpu.memory_space<hbm>>) target(%arg15 : memref<80x128xf32, #tpu.memory_space<vmem>>) offsets(%arg7 : memref<80xi32, #tpu.memory_space<vmem>>) semaphore(%arg28 : memref<!tpu.dma_semaphore, #tpu.memory_space<semaphore_mem>>) {add = true}
        } else {
        }
        %dma_wait3A_133 = arith.constant 0 : i32
        %dma_wait3A_134 = arith.constant 0 : i32
        %dma_wait3A_135 = tpu.memref_slice %arg2[%dma_wait3A_133, %dma_wait3A_134] : memref<10000x128xf32, #tpu.memory_space<hbm>> -> memref<10000x128xf32, #tpu.memory_space<hbm>>
        tpu.wait_indirect_dma semaphore(%arg31 : memref<!tpu.dma_semaphore, #tpu.memory_space<semaphore_mem>>) src(%dma_wait3A_135 : memref<10000x128xf32, #tpu.memory_space<hbm>>) dst(%arg18 : memref<80x128xf32, #tpu.memory_space<vmem>>)
        %parallel_loop3A = arith.constant 0 : i32
        %parallel_loop3A_136 = arith.constant 80 : i32
        %parallel_loop3A_137 = arith.constant 1 : i32
        scf.for %parallel_loop3A_141 = %parallel_loop3A to %parallel_loop3A_136 step %parallel_loop3A_137  : i32 {
          %parallel_loop3A_142 = arith.index_cast %parallel_loop3A_141 : i32 to index
          %parallel_loop3A_143 = arith.constant 0 : index
          %parallel_loop3A_144 = tpu.vector_load %arg18[%parallel_loop3A_142, %parallel_loop3A_143] {strides = array<i32>} : memref<80x128xf32, #tpu.memory_space<vmem>>, vector<1x16xf32>,
          %parallel_loop3A_145 = vector.shape_cast %parallel_loop3A_144 : vector<1x16xf32> to vector<16xf32>
          %parallel_loop3A_146 = arith.constant 0.000000e+00 : f32
          %parallel_loop3A_147 = vector.broadcast %parallel_loop3A_146 : f32 to vector<16xf32>
          %parallel_loop3A_148 = arith.maximumf %parallel_loop3A_145, %parallel_loop3A_147 : vector<16xf32>
          %parallel_loop3A_149 = arith.index_cast %parallel_loop3A_141 : i32 to index
          %parallel_loop3A_150 = arith.constant 0 : index
          %parallel_loop3A_151 = tpu.vector_load %arg18[%parallel_loop3A_149, %parallel_loop3A_150] {strides = array<i32>} : memref<80x128xf32, #tpu.memory_space<vmem>>, vector<1x16xf32>,
          %parallel_loop3A_152 = vector.shape_cast %parallel_loop3A_151 : vector<1x16xf32> to vector<16xf32>
          %parallel_loop3A_153 = vector.shape_cast %parallel_loop3A_148 : vector<16xf32> to vector<1x16xf32>
          tpu.vector_store %arg18[%parallel_loop3A_149, %parallel_loop3A_150], %parallel_loop3A_153 {strides = array<i32>} : memref<80x128xf32, #tpu.memory_space<vmem>>, vector<1x16xf32>,
          %parallel_loop3A_154 = arith.index_cast %parallel_loop3A_141 : i32 to index
          %parallel_loop3A_155 = arith.constant 16 : index
          %parallel_loop3A_156 = tpu.vector_load %arg18[%parallel_loop3A_154, %parallel_loop3A_155] {strides = array<i32>} : memref<80x128xf32, #tpu.memory_space<vmem>>, vector<1x16xf32>,
          %parallel_loop3A_157 = vector.shape_cast %parallel_loop3A_156 : vector<1x16xf32> to vector<16xf32>
          %parallel_loop3A_158 = arith.constant 0.000000e+00 : f32
          %parallel_loop3A_159 = vector.broadcast %parallel_loop3A_158 : f32 to vector<16xf32>
          %parallel_loop3A_160 = arith.maximumf %parallel_loop3A_157, %parallel_loop3A_159 : vector<16xf32>
          %parallel_loop3A_161 = arith.index_cast %parallel_loop3A_141 : i32 to index
          %parallel_loop3A_162 = arith.constant 16 : index
          %parallel_loop3A_163 = tpu.vector_load %arg18[%parallel_loop3A_161, %parallel_loop3A_162] {strides = array<i32>} : memref<80x128xf32, #tpu.memory_space<vmem>>, vector<1x16xf32>,
          %parallel_loop3A_164 = vector.shape_cast %parallel_loop3A_163 : vector<1x16xf32> to vector<16xf32>
          %parallel_loop3A_165 = vector.shape_cast %parallel_loop3A_160 : vector<16xf32> to vector<1x16xf32>
          tpu.vector_store %arg18[%parallel_loop3A_161, %parallel_loop3A_162], %parallel_loop3A_165 {strides = array<i32>} : memref<80x128xf32, #tpu.memory_space<vmem>>, vector<1x16xf32>,
          %parallel_loop3A_166 = arith.index_cast %parallel_loop3A_141 : i32 to index
          %parallel_loop3A_167 = arith.constant 32 : index
          %parallel_loop3A_168 = tpu.vector_load %arg18[%parallel_loop3A_166, %parallel_loop3A_167] {strides = array<i32>} : memref<80x128xf32, #tpu.memory_space<vmem>>, vector<1x16xf32>,
          %parallel_loop3A_169 = vector.shape_cast %parallel_loop3A_168 : vector<1x16xf32> to vector<16xf32>
          %parallel_loop3A_170 = arith.constant 0.000000e+00 : f32
          %parallel_loop3A_171 = vector.broadcast %parallel_loop3A_170 : f32 to vector<16xf32>
          %parallel_loop3A_172 = arith.maximumf %parallel_loop3A_169, %parallel_loop3A_171 : vector<16xf32>
          %parallel_loop3A_173 = arith.index_cast %parallel_loop3A_141 : i32 to index
          %parallel_loop3A_174 = arith.constant 32 : index
          %parallel_loop3A_175 = tpu.vector_load %arg18[%parallel_loop3A_173, %parallel_loop3A_174] {strides = array<i32>} : memref<80x128xf32, #tpu.memory_space<vmem>>, vector<1x16xf32>,
          %parallel_loop3A_176 = vector.shape_cast %parallel_loop3A_175 : vector<1x16xf32> to vector<16xf32>
          %parallel_loop3A_177 = vector.shape_cast %parallel_loop3A_172 : vector<16xf32> to vector<1x16xf32>
          tpu.vector_store %arg18[%parallel_loop3A_173, %parallel_loop3A_174], %parallel_loop3A_177 {strides = array<i32>} : memref<80x128xf32, #tpu.memory_space<vmem>>, vector<1x16xf32>,
          %parallel_loop3A_178 = arith.index_cast %parallel_loop3A_141 : i32 to index
          %parallel_loop3A_179 = arith.constant 48 : index
          %parallel_loop3A_180 = tpu.vector_load %arg18[%parallel_loop3A_178, %parallel_loop3A_179] {strides = array<i32>} : memref<80x128xf32, #tpu.memory_space<vmem>>, vector<1x16xf32>,
          %parallel_loop3A_181 = vector.shape_cast %parallel_loop3A_180 : vector<1x16xf32> to vector<16xf32>
          %parallel_loop3A_182 = arith.constant 0.000000e+00 : f32
          %parallel_loop3A_183 = vector.broadcast %parallel_loop3A_182 : f32 to vector<16xf32>
          %parallel_loop3A_184 = arith.maximumf %parallel_loop3A_181, %parallel_loop3A_183 : vector<16xf32>
          %parallel_loop3A_185 = arith.index_cast %parallel_loop3A_141 : i32 to index
          %parallel_loop3A_186 = arith.constant 48 : index
          %parallel_loop3A_187 = tpu.vector_load %arg18[%parallel_loop3A_185, %parallel_loop3A_186] {strides = array<i32>} : memref<80x128xf32, #tpu.memory_space<vmem>>, vector<1x16xf32>,
          %parallel_loop3A_188 = vector.shape_cast %parallel_loop3A_187 : vector<1x16xf32> to vector<16xf32>
          %parallel_loop3A_189 = vector.shape_cast %parallel_loop3A_184 : vector<16xf32> to vector<1x16xf32>
          tpu.vector_store %arg18[%parallel_loop3A_185, %parallel_loop3A_186], %parallel_loop3A_189 {strides = array<i32>} : memref<80x128xf32, #tpu.memory_space<vmem>>, vector<1x16xf32>,
          %parallel_loop3A_190 = arith.index_cast %parallel_loop3A_141 : i32 to index
          %parallel_loop3A_191 = arith.constant 64 : index
          %parallel_loop3A_192 = tpu.vector_load %arg18[%parallel_loop3A_190, %parallel_loop3A_191] {strides = array<i32>} : memref<80x128xf32, #tpu.memory_space<vmem>>, vector<1x16xf32>,
          %parallel_loop3A_193 = vector.shape_cast %parallel_loop3A_192 : vector<1x16xf32> to vector<16xf32>
          %parallel_loop3A_194 = arith.constant 0.000000e+00 : f32
          %parallel_loop3A_195 = vector.broadcast %parallel_loop3A_194 : f32 to vector<16xf32>
          %parallel_loop3A_196 = arith.maximumf %parallel_loop3A_193, %parallel_loop3A_195 : vector<16xf32>
          %parallel_loop3A_197 = arith.index_cast %parallel_loop3A_141 : i32 to index
          %parallel_loop3A_198 = arith.constant 64 : index
          %parallel_loop3A_199 = tpu.vector_load %arg18[%parallel_loop3A_197, %parallel_loop3A_198] {strides = array<i32>} : memref<80x128xf32, #tpu.memory_space<vmem>>, vector<1x16xf32>,
          %parallel_loop3A_200 = vector.shape_cast %parallel_loop3A_199 : vector<1x16xf32> to vector<16xf32>
          %parallel_loop3A_201 = vector.shape_cast %parallel_loop3A_196 : vector<16xf32> to vector<1x16xf32>
          tpu.vector_store %arg18[%parallel_loop3A_197, %parallel_loop3A_198], %parallel_loop3A_201 {strides = array<i32>} : memref<80x128xf32, #tpu.memory_space<vmem>>, vector<1x16xf32>,
          %parallel_loop3A_202 = arith.index_cast %parallel_loop3A_141 : i32 to index
          %parallel_loop3A_203 = arith.constant 80 : index
          %parallel_loop3A_204 = tpu.vector_load %arg18[%parallel_loop3A_202, %parallel_loop3A_203] {strides = array<i32>} : memref<80x128xf32, #tpu.memory_space<vmem>>, vector<1x16xf32>,
          %parallel_loop3A_205 = vector.shape_cast %parallel_loop3A_204 : vector<1x16xf32> to vector<16xf32>
          %parallel_loop3A_206 = arith.constant 0.000000e+00 : f32
          %parallel_loop3A_207 = vector.broadcast %parallel_loop3A_206 : f32 to vector<16xf32>
          %parallel_loop3A_208 = arith.maximumf %parallel_loop3A_205, %parallel_loop3A_207 : vector<16xf32>
          %parallel_loop3A_209 = arith.index_cast %parallel_loop3A_141 : i32 to index
          %parallel_loop3A_210 = arith.constant 80 : index
          %parallel_loop3A_211 = tpu.vector_load %arg18[%parallel_loop3A_209, %parallel_loop3A_210] {strides = array<i32>} : memref<80x128xf32, #tpu.memory_space<vmem>>, vector<1x16xf32>,
          %parallel_loop3A_212 = vector.shape_cast %parallel_loop3A_211 : vector<1x16xf32> to vector<16xf32>
          %parallel_loop3A_213 = vector.shape_cast %parallel_loop3A_208 : vector<16xf32> to vector<1x16xf32>
          tpu.vector_store %arg18[%parallel_loop3A_209, %parallel_loop3A_210], %parallel_loop3A_213 {strides = array<i32>} : memref<80x128xf32, #tpu.memory_space<vmem>>, vector<1x16xf32>,
          %parallel_loop3A_214 = arith.index_cast %parallel_loop3A_141 : i32 to index
          %parallel_loop3A_215 = arith.constant 96 : index
          %parallel_loop3A_216 = tpu.vector_load %arg18[%parallel_loop3A_214, %parallel_loop3A_215] {strides = array<i32>} : memref<80x128xf32, #tpu.memory_space<vmem>>, vector<1x16xf32>,
          %parallel_loop3A_217 = vector.shape_cast %parallel_loop3A_216 : vector<1x16xf32> to vector<16xf32>
          %parallel_loop3A_218 = arith.constant 0.000000e+00 : f32
          %parallel_loop3A_219 = vector.broadcast %parallel_loop3A_218 : f32 to vector<16xf32>
          %parallel_loop3A_220 = arith.maximumf %parallel_loop3A_217, %parallel_loop3A_219 : vector<16xf32>
          %parallel_loop3A_221 = arith.index_cast %parallel_loop3A_141 : i32 to index
          %parallel_loop3A_222 = arith.constant 96 : index
          %parallel_loop3A_223 = tpu.vector_load %arg18[%parallel_loop3A_221, %parallel_loop3A_222] {strides = array<i32>} : memref<80x128xf32, #tpu.memory_space<vmem>>, vector<1x16xf32>,
          %parallel_loop3A_224 = vector.shape_cast %parallel_loop3A_223 : vector<1x16xf32> to vector<16xf32>
          %parallel_loop3A_225 = vector.shape_cast %parallel_loop3A_220 : vector<16xf32> to vector<1x16xf32>
          tpu.vector_store %arg18[%parallel_loop3A_221, %parallel_loop3A_222], %parallel_loop3A_225 {strides = array<i32>} : memref<80x128xf32, #tpu.memory_space<vmem>>, vector<1x16xf32>,
          %parallel_loop3A_226 = arith.index_cast %parallel_loop3A_141 : i32 to index
          %parallel_loop3A_227 = arith.constant 112 : index
          %parallel_loop3A_228 = tpu.vector_load %arg18[%parallel_loop3A_226, %parallel_loop3A_227] {strides = array<i32>} : memref<80x128xf32, #tpu.memory_space<vmem>>, vector<1x16xf32>,
          %parallel_loop3A_229 = vector.shape_cast %parallel_loop3A_228 : vector<1x16xf32> to vector<16xf32>
          %parallel_loop3A_230 = arith.constant 0.000000e+00 : f32
          %parallel_loop3A_231 = vector.broadcast %parallel_loop3A_230 : f32 to vector<16xf32>
          %parallel_loop3A_232 = arith.maximumf %parallel_loop3A_229, %parallel_loop3A_231 : vector<16xf32>
          %parallel_loop3A_233 = arith.index_cast %parallel_loop3A_141 : i32 to index
          %parallel_loop3A_234 = arith.constant 112 : index
          %parallel_loop3A_235 = tpu.vector_load %arg18[%parallel_loop3A_233, %parallel_loop3A_234] {strides = array<i32>} : memref<80x128xf32, #tpu.memory_space<vmem>>, vector<1x16xf32>,
          %parallel_loop3A_236 = vector.shape_cast %parallel_loop3A_235 : vector<1x16xf32> to vector<16xf32>
          %parallel_loop3A_237 = vector.shape_cast %parallel_loop3A_232 : vector<16xf32> to vector<1x16xf32>
          tpu.vector_store %arg18[%parallel_loop3A_233, %parallel_loop3A_234], %parallel_loop3A_237 {strides = array<i32>} : memref<80x128xf32, #tpu.memory_space<vmem>>, vector<1x16xf32>,
        } {sc.loop_unroll_factor = 4 : i64, sc.parallel_access}
        %dma_start3A_138 = arith.constant 0 : i32
        %dma_start3A_139 = arith.constant 0 : i32
        %dma_start3A_140 = tpu.memref_slice %arg19[%dma_start3A_138, %dma_start3A_139] : memref<10000x128xf32, #tpu.memory_space<vmem_shared>> -> memref<10000x128xf32, #tpu.memory_space<vmem_shared>>
        tpu.enqueue_indirect_dma source(%arg18 : memref<80x128xf32, #tpu.memory_space<vmem>>) target(%dma_start3A_140 : memref<10000x128xf32, #tpu.memory_space<vmem_shared>>) offsets(%arg14 : memref<80xi32, #tpu.memory_space<vmem>>) semaphore(%arg35 : memref<!tpu.dma_semaphore, #tpu.memory_space<semaphore_mem>>) {add = true}
      } else {
      }
    }
    %scan3A_63 = arith.constant 32 : i32
    %dma_wait3A_64 = arith.constant 0 : i32
    %dma_wait3A_65 = arith.constant 0 : i32
    %dma_wait3A_66 = tpu.memref_slice %arg19[%dma_wait3A_64, %dma_wait3A_65] : memref<10000x128xf32, #tpu.memory_space<vmem_shared>> -> memref<10000x128xf32, #tpu.memory_space<vmem_shared>>
    tpu.wait_indirect_dma semaphore(%arg35 : memref<!tpu.dma_semaphore, #tpu.memory_space<semaphore_mem>>) src(%arg18 : memref<80x128xf32, #tpu.memory_space<vmem>>) dst(%dma_wait3A_66 : memref<10000x128xf32, #tpu.memory_space<vmem_shared>>)
    %dma_wait3A_67 = arith.constant 0 : i32
    %dma_wait3A_68 = arith.constant 0 : i32
    %dma_wait3A_69 = tpu.memref_slice %arg19[%dma_wait3A_67, %dma_wait3A_68] : memref<10000x128xf32, #tpu.memory_space<vmem_shared>> -> memref<10000x128xf32, #tpu.memory_space<vmem_shared>>
    tpu.wait_indirect_dma semaphore(%arg32 : memref<!tpu.dma_semaphore, #tpu.memory_space<semaphore_mem>>) src(%arg15 : memref<80x128xf32, #tpu.memory_space<vmem>>) dst(%dma_wait3A_69 : memref<10000x128xf32, #tpu.memory_space<vmem_shared>>)
    %barrier3A_70 = arith.constant 0 : index
    tpu.barrier barrier_id(%barrier3A_70)
    %while3A_71 = arith.constant 0 : i32
    %while3A_72 = arith.constant 0 : i32
    %while3A_73 = arith.subi %select_n3A, %while3A_72 : i32
    %while3A_74 = arith.addi %while3A_72, %while3A_73 : i32
    %while3A_75 = arith.constant 1 : i32
    %while3A_76 = arith.divsi %while3A_73, %while3A_75 : i32
    %while3A_77 = arith.muli %while3A_76, %while3A_75 : i32
    %while3A_78 = arith.addi %while3A_72, %while3A_77 : i32
    %while3A_79 = arith.constant 1 : i32
    scf.for %while3A_81 = %while3A_72 to %while3A_78 step %while3A_79  : i32 {
      %mul3A_82 = arith.constant 80 : i32
      %mul3A_83 = arith.muli %while3A_81, %mul3A_82 : i32
      %add3A_84 = arith.addi %mul3A_7, %mul3A_83 : i32
      "tpu.region"() ({
        %run_scoped3A = tpu.sem_alloc : memref<!tpu.dma_semaphore, #tpu.memory_space<semaphore_mem>>
        %dma_start3A_85 = arith.constant 0 : i32
        %dma_start3A_86 = tpu.memref_slice %arg19[%add3A_84, %dma_start3A_85] : memref<10000x128xf32, #tpu.memory_space<vmem_shared>> -> memref<80x128xf32, #tpu.memory_space<vmem_shared>>
        %dma_start3A_87 = arith.constant 0 : i32
        %dma_start3A_88 = tpu.memref_slice %arg19[%add3A_84, %dma_start3A_87] : memref<10000x128xf32, #tpu.memory_space<vmem_shared>> -> memref<80x128xf32, #tpu.memory_space<vmem_shared>>
        tpu.enqueue_dma source(%dma_start3A_88 : memref<80x128xf32, #tpu.memory_space<vmem_shared>>) target(%arg15 : memref<80x128xf32, #tpu.memory_space<vmem>>) target_semaphore(%run_scoped3A : memref<!tpu.dma_semaphore, #tpu.memory_space<semaphore_mem>>)
        %dma_wait3A_89 = arith.constant 0 : i32
        %dma_wait3A_90 = tpu.memref_slice %arg19[%add3A_84, %dma_wait3A_89] : memref<10000x128xf32, #tpu.memory_space<vmem_shared>> -> memref<80x128xf32, #tpu.memory_space<vmem_shared>>
        %dma_wait3A_91 = arith.constant 0 : i32
        %dma_wait3A_92 = tpu.memref_slice %arg19[%add3A_84, %dma_wait3A_91] : memref<10000x128xf32, #tpu.memory_space<vmem_shared>> -> memref<80x128xf32, #tpu.memory_space<vmem_shared>>
        tpu.wait_dma2 semaphore(%run_scoped3A : memref<!tpu.dma_semaphore, #tpu.memory_space<semaphore_mem>>) src(%dma_wait3A_92 : memref<80x128xf32, #tpu.memory_space<vmem_shared>>) dst(%arg15 : memref<80x128xf32, #tpu.memory_space<vmem>>)
        tpu.yield
      }) : () -> ()
      "tpu.region"() ({
        %run_scoped3A = tpu.sem_alloc : memref<!tpu.dma_semaphore, #tpu.memory_space<semaphore_mem>>
        %dma_start3A_85 = arith.constant 0 : i32
        %dma_start3A_86 = tpu.memref_slice %arg6[%arg0, %add3A_84, %dma_start3A_85] : memref<2x10000x128xf32, #tpu.memory_space<hbm>> -> memref<1x80x128xf32, #tpu.memory_space<hbm>>
        %dma_start3A_87 = tpu.memref_squeeze %dma_start3A_86 : memref<1x80x128xf32, #tpu.memory_space<hbm>> -> memref<80x128xf32, #tpu.memory_space<hbm>>
        %dma_start3A_88 = arith.constant 0 : i32
        %dma_start3A_89 = tpu.memref_slice %arg6[%arg0, %add3A_84, %dma_start3A_88] : memref<2x10000x128xf32, #tpu.memory_space<hbm>> -> memref<1x80x128xf32, #tpu.memory_space<hbm>>
        %dma_start3A_90 = tpu.memref_squeeze %dma_start3A_89 : memref<1x80x128xf32, #tpu.memory_space<hbm>> -> memref<80x128xf32, #tpu.memory_space<hbm>>
        tpu.enqueue_dma source(%arg15 : memref<80x128xf32, #tpu.memory_space<vmem>>) target(%dma_start3A_90 : memref<80x128xf32, #tpu.memory_space<hbm>>) target_semaphore(%run_scoped3A : memref<!tpu.dma_semaphore, #tpu.memory_space<semaphore_mem>>)
        %dma_wait3A_91 = arith.constant 0 : i32
        %dma_wait3A_92 = tpu.memref_slice %arg6[%arg0, %add3A_84, %dma_wait3A_91] : memref<2x10000x128xf32, #tpu.memory_space<hbm>> -> memref<1x80x128xf32, #tpu.memory_space<hbm>>
        %dma_wait3A_93 = tpu.memref_squeeze %dma_wait3A_92 : memref<1x80x128xf32, #tpu.memory_space<hbm>> -> memref<80x128xf32, #tpu.memory_space<hbm>>
        %dma_wait3A_94 = arith.constant 0 : i32
        %dma_wait3A_95 = tpu.memref_slice %arg6[%arg0, %add3A_84, %dma_wait3A_94] : memref<2x10000x128xf32, #tpu.memory_space<hbm>> -> memref<1x80x128xf32, #tpu.memory_space<hbm>>
        %dma_wait3A_96 = tpu.memref_squeeze %dma_wait3A_95 : memref<1x80x128xf32, #tpu.memory_space<hbm>> -> memref<80x128xf32, #tpu.memory_space<hbm>>
        tpu.wait_dma2 semaphore(%run_scoped3A : memref<!tpu.dma_semaphore, #tpu.memory_space<semaphore_mem>>) src(%arg15 : memref<80x128xf32, #tpu.memory_space<vmem>>) dst(%dma_wait3A_96 : memref<80x128xf32, #tpu.memory_space<hbm>>)
        tpu.yield
      }) : () -> ()
    }
    %while3A_80 = arith.constant 1 : i32
    scf.for %while3A_81 = %while3A_78 to %while3A_74 step %while3A_80  : i32 {
      %mul3A_82 = arith.constant 80 : i32
      %mul3A_83 = arith.muli %while3A_81, %mul3A_82 : i32
      %add3A_84 = arith.addi %mul3A_7, %mul3A_83 : i32
      "tpu.region"() ({
        %run_scoped3A = tpu.sem_alloc : memref<!tpu.dma_semaphore, #tpu.memory_space<semaphore_mem>>
        %dma_start3A_85 = arith.constant 0 : i32
        %dma_start3A_86 = tpu.memref_slice %arg19[%add3A_84, %dma_start3A_85] : memref<10000x128xf32, #tpu.memory_space<vmem_shared>> -> memref<80x128xf32, #tpu.memory_space<vmem_shared>>
        %dma_start3A_87 = arith.constant 0 : i32
        %dma_start3A_88 = tpu.memref_slice %arg19[%add3A_84, %dma_start3A_87] : memref<10000x128xf32, #tpu.memory_space<vmem_shared>> -> memref<80x128xf32, #tpu.memory_space<vmem_shared>>
        tpu.enqueue_dma source(%dma_start3A_88 : memref<80x128xf32, #tpu.memory_space<vmem_shared>>) target(%arg15 : memref<80x128xf32, #tpu.memory_space<vmem>>) target_semaphore(%run_scoped3A : memref<!tpu.dma_semaphore, #tpu.memory_space<semaphore_mem>>)
        %dma_wait3A_89 = arith.constant 0 : i32
        %dma_wait3A_90 = tpu.memref_slice %arg19[%add3A_84, %dma_wait3A_89] : memref<10000x128xf32, #tpu.memory_space<vmem_shared>> -> memref<80x128xf32, #tpu.memory_space<vmem_shared>>
        %dma_wait3A_91 = arith.constant 0 : i32
        %dma_wait3A_92 = tpu.memref_slice %arg19[%add3A_84, %dma_wait3A_91] : memref<10000x128xf32, #tpu.memory_space<vmem_shared>> -> memref<80x128xf32, #tpu.memory_space<vmem_shared>>
        tpu.wait_dma2 semaphore(%run_scoped3A : memref<!tpu.dma_semaphore, #tpu.memory_space<semaphore_mem>>) src(%dma_wait3A_92 : memref<80x128xf32, #tpu.memory_space<vmem_shared>>) dst(%arg15 : memref<80x128xf32, #tpu.memory_space<vmem>>)
        tpu.yield
      }) : () -> ()
      "tpu.region"() ({
        %run_scoped3A = tpu.sem_alloc : memref<!tpu.dma_semaphore, #tpu.memory_space<semaphore_mem>>
        %dma_start3A_85 = arith.constant 0 : i32
        %dma_start3A_86 = tpu.memref_slice %arg6[%arg0, %add3A_84, %dma_start3A_85] : memref<2x10000x128xf32, #tpu.memory_space<hbm>> -> memref<1x80x128xf32, #tpu.memory_space<hbm>>
        %dma_start3A_87 = tpu.memref_squeeze %dma_start3A_86 : memref<1x80x128xf32, #tpu.memory_space<hbm>> -> memref<80x128xf32, #tpu.memory_space<hbm>>
        %dma_start3A_88 = arith.constant 0 : i32
        %dma_start3A_89 = tpu.memref_slice %arg6[%arg0, %add3A_84, %dma_start3A_88] : memref<2x10000x128xf32, #tpu.memory_space<hbm>> -> memref<1x80x128xf32, #tpu.memory_space<hbm>>
        %dma_start3A_90 = tpu.memref_squeeze %dma_start3A_89 : memref<1x80x128xf32, #tpu.memory_space<hbm>> -> memref<80x128xf32, #tpu.memory_space<hbm>>
        tpu.enqueue_dma source(%arg15 : memref<80x128xf32, #tpu.memory_space<vmem>>) target(%dma_start3A_90 : memref<80x128xf32, #tpu.memory_space<hbm>>) target_semaphore(%run_scoped3A : memref<!tpu.dma_semaphore, #tpu.memory_space<semaphore_mem>>)
        %dma_wait3A_91 = arith.constant 0 : i32
        %dma_wait3A_92 = tpu.memref_slice %arg6[%arg0, %add3A_84, %dma_wait3A_91] : memref<2x10000x128xf32, #tpu.memory_space<hbm>> -> memref<1x80x128xf32, #tpu.memory_space<hbm>>
        %dma_wait3A_93 = tpu.memref_squeeze %dma_wait3A_92 : memref<1x80x128xf32, #tpu.memory_space<hbm>> -> memref<80x128xf32, #tpu.memory_space<hbm>>
        %dma_wait3A_94 = arith.constant 0 : i32
        %dma_wait3A_95 = tpu.memref_slice %arg6[%arg0, %add3A_84, %dma_wait3A_94] : memref<2x10000x128xf32, #tpu.memory_space<hbm>> -> memref<1x80x128xf32, #tpu.memory_space<hbm>>
        %dma_wait3A_96 = tpu.memref_squeeze %dma_wait3A_95 : memref<1x80x128xf32, #tpu.memory_space<hbm>> -> memref<80x128xf32, #tpu.memory_space<hbm>>
        tpu.wait_dma2 semaphore(%run_scoped3A : memref<!tpu.dma_semaphore, #tpu.memory_space<semaphore_mem>>) src(%arg15 : memref<80x128xf32, #tpu.memory_space<vmem>>) dst(%dma_wait3A_96 : memref<80x128xf32, #tpu.memory_space<hbm>>)
        tpu.yield
      }) : () -> ()
    }
    return
  }
}

module attributes {stable_mosaic.version = 14 : i64} {
  func.func @body(%arg0: i32, %arg1: memref<6400x16xf32, #tpu.memory_space<vmem>>, %arg2: memref<16x128xf32, #tpu.memory_space<vmem>>, %arg3: memref<1x128xf32, #tpu.memory_space<vmem>>, %arg4: memref<16x128xf32, #tpu.memory_space<vmem>>, %arg5: memref<1x128xf32, #tpu.memory_space<vmem>>, %arg6: memref<6400x128xf32, #tpu.memory_space<vmem>>, %arg7: memref<6400x128xf32, #tpu.memory_space<vmem>>) attributes {dimension_semantics = [#tpu.dimension_semantics<arbitrary>], iteration_bounds = array<i64: 50>, scalar_prefetch = 0 : i64, scratch_operands = 0 : i64, tpu.core_type = #tpu.core_type<tc>, window_params = [{transform_indices = @transform_0, window_bounds = array<i64: 6400, 16>}, {pipeline_mode = #tpu.pipeline_mode<synchronous>, transform_indices = @transform_1, window_bounds = array<i64: 16, 128>}, {pipeline_mode = #tpu.pipeline_mode<synchronous>, transform_indices = @transform_2, window_bounds = array<i64: 1, 128>}, {pipeline_mode = #tpu.pipeline_mode<synchronous>, transform_indices = @transform_3, window_bounds = array<i64: 16, 128>}, {pipeline_mode = #tpu.pipeline_mode<synchronous>, transform_indices = @transform_4, window_bounds = array<i64: 1, 128>}, {transform_indices = @transform_5, window_bounds = array<i64: 6400, 128>}, {transform_indices = @transform_6, window_bounds = array<i64: 6400, 128>}]} {
    %get3A = arith.constant 0 : index
    %get3A_0 = arith.constant 0 : index
    %get3A_1 = vector.load %arg1[%get3A, %get3A_0] : memref<6400x16xf32, #tpu.memory_space<vmem>>, vector<6400x16xf32>
    %get3A_2 = arith.constant 0 : index
    %get3A_3 = arith.constant 0 : index
    %get3A_4 = vector.load %arg2[%get3A_2, %get3A_3] : memref<16x128xf32, #tpu.memory_space<vmem>>, vector<16x128xf32>
    %dot_general3A = arith.constant dense<0.000000e+00> : vector<6400x128xf32>
    %dot_general3A_5 = tpu.matmul %get3A_1, %get3A_4, %dot_general3A {dimension_numbers = #tpu.dot_dimension_numbers<[1], [0], [0], [1], [0, 0, 1, 1], [], []>, transpose_lhs_hint = false} : vector<6400x16xf32>, vector<16x128xf32>, vector<6400x128xf32> -> vector<6400x128xf32>
    %get3A_6 = arith.constant 0 : index
    %get3A_7 = arith.constant 0 : index
    %get3A_8 = vector.load %arg3[%get3A_6, %get3A_7] : memref<1x128xf32, #tpu.memory_space<vmem>>, vector<1x128xf32>
    %add3A = vector.broadcast %get3A_8 : vector<1x128xf32> to vector<6400x128xf32>
    %add3A_9 = arith.addf %dot_general3A_5, %add3A : vector<6400x128xf32>
    %swap3A = arith.constant 0 : index
    %swap3A_10 = arith.constant 0 : index
    %swap3A_11 = vector.load %arg6[%swap3A, %swap3A_10] : memref<6400x128xf32, #tpu.memory_space<vmem>>, vector<6400x128xf32>
    tpu.vector_store %arg6[%swap3A, %swap3A_10], %add3A_9 {strides = array<i32>} : memref<6400x128xf32, #tpu.memory_space<vmem>>, vector<6400x128xf32>,
    %get3A_12 = arith.constant 0 : index
    %get3A_13 = arith.constant 0 : index
    %get3A_14 = vector.load %arg4[%get3A_12, %get3A_13] : memref<16x128xf32, #tpu.memory_space<vmem>>, vector<16x128xf32>
    %dot_general3A_15 = arith.constant dense<0.000000e+00> : vector<6400x128xf32>
    %dot_general3A_16 = tpu.matmul %get3A_1, %get3A_14, %dot_general3A_15 {dimension_numbers = #tpu.dot_dimension_numbers<[1], [0], [0], [1], [0, 0, 1, 1], [], []>, transpose_lhs_hint = false} : vector<6400x16xf32>, vector<16x128xf32>, vector<6400x128xf32> -> vector<6400x128xf32>
    %get3A_17 = arith.constant 0 : index
    %get3A_18 = arith.constant 0 : index
    %get3A_19 = vector.load %arg5[%get3A_17, %get3A_18] : memref<1x128xf32, #tpu.memory_space<vmem>>, vector<1x128xf32>
    %add3A_20 = vector.broadcast %get3A_19 : vector<1x128xf32> to vector<6400x128xf32>
    %add3A_21 = arith.addf %dot_general3A_16, %add3A_20 : vector<6400x128xf32>
    %swap3A_22 = arith.constant 0 : index
    %swap3A_23 = arith.constant 0 : index
    %swap3A_24 = vector.load %arg7[%swap3A_22, %swap3A_23] : memref<6400x128xf32, #tpu.memory_space<vmem>>, vector<6400x128xf32>
    tpu.vector_store %arg7[%swap3A_22, %swap3A_23], %add3A_21 {strides = array<i32>} : memref<6400x128xf32, #tpu.memory_space<vmem>>, vector<6400x128xf32>,
    return
  }
  func.func @transform_0(%arg0: i32) -> (i32, i32) {
    %c0_i32 = arith.constant 0 : i32
    %c0_i32_0 = arith.constant 0 : i32
    return %arg0, %c0_i32 : i32, i32
  }
  func.func @transform_1(%arg0: i32) -> (i32, i32) {
    %c0_i32 = arith.constant 0 : i32
    %c0_i32_0 = arith.constant 0 : i32
    %c0_i32_1 = arith.constant 0 : i32
    return %c0_i32, %c0_i32_0 : i32, i32
  }
  func.func @transform_2(%arg0: i32) -> (i32, i32) {
    %c0_i32 = arith.constant 0 : i32
    %c0_i32_0 = arith.constant 0 : i32
    %c0_i32_1 = arith.constant 0 : i32
    return %c0_i32, %c0_i32_0 : i32, i32
  }
  func.func @transform_3(%arg0: i32) -> (i32, i32) {
    %c0_i32 = arith.constant 0 : i32
    %c0_i32_0 = arith.constant 0 : i32
    %c0_i32_1 = arith.constant 0 : i32
    return %c0_i32, %c0_i32_0 : i32, i32
  }
  func.func @transform_4(%arg0: i32) -> (i32, i32) {
    %c0_i32 = arith.constant 0 : i32
    %c0_i32_0 = arith.constant 0 : i32
    %c0_i32_1 = arith.constant 0 : i32
    return %c0_i32, %c0_i32_0 : i32, i32
  }
  func.func @transform_5(%arg0: i32) -> (i32, i32) {
    %c0_i32 = arith.constant 0 : i32
    %c0_i32_0 = arith.constant 0 : i32
    return %arg0, %c0_i32 : i32, i32
  }
  func.func @transform_6(%arg0: i32) -> (i32, i32) {
    %c0_i32 = arith.constant 0 : i32
    %c0_i32_0 = arith.constant 0 : i32
    return %arg0, %c0_i32 : i32, i32
  }
}

module attributes {stable_mosaic.version = 14 : i64} {
  func.func @body(%arg0: memref<10000x128xf32, #tpu.memory_space<vmem>>, %arg1: memref<10000x128xf32, #tpu.memory_space<vmem>>, %arg2: memref<10000x128xf32, #tpu.memory_space<vmem>>, %arg3: memref<128x128xf32, #tpu.memory_space<vmem>>, %arg4: memref<1x128xf32, #tpu.memory_space<vmem>>, %arg5: memref<128x128xf32, #tpu.memory_space<vmem>>, %arg6: memref<1x128xf32, #tpu.memory_space<vmem>>, %arg7: memref<10000x128xf32, #tpu.memory_space<vmem>>) attributes {dimension_semantics = [], scalar_prefetch = 0 : i64, scratch_operands = 0 : i64, tpu.core_type = #tpu.core_type<tc>} {
    %get3A = arith.constant 0 : index
    %get3A_0 = arith.constant 0 : index
    %get3A_1 = vector.load %arg0[%get3A, %get3A_0] : memref<10000x128xf32, #tpu.memory_space<vmem>>, vector<10000x128xf32>
    %get3A_2 = arith.constant 0 : index
    %get3A_3 = arith.constant 0 : index
    %get3A_4 = vector.load %arg1[%get3A_2, %get3A_3] : memref<10000x128xf32, #tpu.memory_space<vmem>>, vector<10000x128xf32>
    %add3A = arith.addf %get3A_1, %get3A_4 : vector<10000x128xf32>
    %get3A_5 = arith.constant 0 : index
    %get3A_6 = arith.constant 0 : index
    %get3A_7 = vector.load %arg2[%get3A_5, %get3A_6] : memref<10000x128xf32, #tpu.memory_space<vmem>>, vector<10000x128xf32>
    %add3A_8 = arith.addf %add3A, %get3A_7 : vector<10000x128xf32>
    %get3A_9 = arith.constant 0 : index
    %get3A_10 = arith.constant 0 : index
    %get3A_11 = vector.load %arg3[%get3A_9, %get3A_10] : memref<128x128xf32, #tpu.memory_space<vmem>>, vector<128x128xf32>
    %dot_general3A = arith.constant dense<0.000000e+00> : vector<10000x128xf32>
    %dot_general3A_12 = tpu.matmul %add3A_8, %get3A_11, %dot_general3A {dimension_numbers = #tpu.dot_dimension_numbers<[1], [0], [0], [1], [0, 0, 1, 1], [], []>, transpose_lhs_hint = false} : vector<10000x128xf32>, vector<128x128xf32>, vector<10000x128xf32> -> vector<10000x128xf32>
    %get3A_13 = arith.constant 0 : index
    %get3A_14 = arith.constant 0 : index
    %get3A_15 = vector.load %arg4[%get3A_13, %get3A_14] : memref<1x128xf32, #tpu.memory_space<vmem>>, vector<1x128xf32>
    %add3A_16 = vector.broadcast %get3A_15 : vector<1x128xf32> to vector<10000x128xf32>
    %add3A_17 = arith.addf %dot_general3A_12, %add3A_16 : vector<10000x128xf32>
    %jit3A = arith.constant 0.00999999977 : f32
    %ge3A = arith.constant 0.000000e+00 : f32
    %ge3A_18 = vector.broadcast %ge3A : f32 to vector<10000x128xf32>
    %ge3A_19 = arith.cmpf oge, %add3A_17, %ge3A_18 : vector<10000x128xf32>
    %mul3A = vector.broadcast %jit3A : f32 to vector<10000x128xf32>
    %mul3A_20 = arith.mulf %mul3A, %add3A_17 : vector<10000x128xf32>
    %select_n3A = arith.select %ge3A_19, %add3A_17, %mul3A_20 : vector<10000x128xi1>, vector<10000x128xf32>
    %get3A_21 = arith.constant 0 : index
    %get3A_22 = arith.constant 0 : index
    %get3A_23 = vector.load %arg5[%get3A_21, %get3A_22] : memref<128x128xf32, #tpu.memory_space<vmem>>, vector<128x128xf32>
    %dot_general3A_24 = arith.constant dense<0.000000e+00> : vector<10000x128xf32>
    %dot_general3A_25 = tpu.matmul %select_n3A, %get3A_23, %dot_general3A_24 {dimension_numbers = #tpu.dot_dimension_numbers<[1], [0], [0], [1], [0, 0, 1, 1], [], []>, transpose_lhs_hint = false} : vector<10000x128xf32>, vector<128x128xf32>, vector<10000x128xf32> -> vector<10000x128xf32>
    %get3A_26 = arith.constant 0 : index
    %get3A_27 = arith.constant 0 : index
    %get3A_28 = vector.load %arg6[%get3A_26, %get3A_27] : memref<1x128xf32, #tpu.memory_space<vmem>>, vector<1x128xf32>
    %add3A_29 = vector.broadcast %get3A_28 : vector<1x128xf32> to vector<10000x128xf32>
    %add3A_30 = arith.addf %dot_general3A_25, %add3A_29 : vector<10000x128xf32>
    %jit3A_31 = arith.constant 0.00999999977 : f32
    %ge3A_32 = arith.constant 0.000000e+00 : f32
    %ge3A_33 = vector.broadcast %ge3A_32 : f32 to vector<10000x128xf32>
    %ge3A_34 = arith.cmpf oge, %add3A_30, %ge3A_33 : vector<10000x128xf32>
    %mul3A_35 = vector.broadcast %jit3A_31 : f32 to vector<10000x128xf32>
    %mul3A_36 = arith.mulf %mul3A_35, %add3A_30 : vector<10000x128xf32>
    %select_n3A_37 = arith.select %ge3A_34, %add3A_30, %mul3A_36 : vector<10000x128xi1>, vector<10000x128xf32>
    %max3A = arith.constant 0.000000e+00 : f32
    %max3A_38 = vector.broadcast %max3A : f32 to vector<10000x128xf32>
    %max3A_39 = arith.maximumf %select_n3A_37, %max3A_38 : vector<10000x128xf32>
    %swap3A = arith.constant 0 : index
    %swap3A_40 = arith.constant 0 : index
    %swap3A_41 = vector.load %arg7[%swap3A, %swap3A_40] : memref<10000x128xf32, #tpu.memory_space<vmem>>, vector<10000x128xf32>
    tpu.vector_store %arg7[%swap3A, %swap3A_40], %max3A_39 {strides = array<i32>} : memref<10000x128xf32, #tpu.memory_space<vmem>>, vector<10000x128xf32>,
    return
  }
}

module attributes {stable_mosaic.version = 14 : i64} {
  func.func @body(%arg0: memref<10000x128xf32, #tpu.memory_space<vmem>>, %arg1: memref<10000x128xf32, #tpu.memory_space<vmem>>, %arg2: memref<10000x128xf32, #tpu.memory_space<vmem>>, %arg3: memref<128x128xf32, #tpu.memory_space<vmem>>, %arg4: memref<1x128xf32, #tpu.memory_space<vmem>>, %arg5: memref<128x128xf32, #tpu.memory_space<vmem>>, %arg6: memref<1x128xf32, #tpu.memory_space<vmem>>, %arg7: memref<128x128xf32, #tpu.memory_space<vmem>>, %arg8: memref<1x128xf32, #tpu.memory_space<vmem>>, %arg9: memref<128x32xf32, #tpu.memory_space<vmem>>, %arg10: memref<1x32xf32, #tpu.memory_space<vmem>>, %arg11: memref<128x128xf32, #tpu.memory_space<vmem>>, %arg12: memref<1x128xf32, #tpu.memory_space<vmem>>, %arg13: memref<128x128xf32, #tpu.memory_space<vmem>>, %arg14: memref<1x128xf32, #tpu.memory_space<vmem>>, %arg15: memref<1x128xf32, #tpu.memory_space<vmem>>, %arg16: memref<1x1xf32, #tpu.memory_space<vmem>>, %arg17: memref<8x32xf32, #tpu.memory_space<vmem>>, %arg18: memref<10000x1xf32, #tpu.memory_space<vmem>>) attributes {dimension_semantics = [], scalar_prefetch = 0 : i64, scratch_operands = 0 : i64, tpu.core_type = #tpu.core_type<tc>} {
    %get3A = arith.constant 0 : index
    %get3A_0 = arith.constant 0 : index
    %get3A_1 = vector.load %arg0[%get3A, %get3A_0] : memref<10000x128xf32, #tpu.memory_space<vmem>>, vector<10000x128xf32>
    %get3A_2 = arith.constant 0 : index
    %get3A_3 = arith.constant 0 : index
    %get3A_4 = vector.load %arg1[%get3A_2, %get3A_3] : memref<10000x128xf32, #tpu.memory_space<vmem>>, vector<10000x128xf32>
    %add3A = arith.addf %get3A_1, %get3A_4 : vector<10000x128xf32>
    %get3A_5 = arith.constant 0 : index
    %get3A_6 = arith.constant 0 : index
    %get3A_7 = vector.load %arg2[%get3A_5, %get3A_6] : memref<10000x128xf32, #tpu.memory_space<vmem>>, vector<10000x128xf32>
    %add3A_8 = arith.addf %add3A, %get3A_7 : vector<10000x128xf32>
    %get3A_9 = arith.constant 0 : index
    %get3A_10 = arith.constant 0 : index
    %get3A_11 = vector.load %arg3[%get3A_9, %get3A_10] : memref<128x128xf32, #tpu.memory_space<vmem>>, vector<128x128xf32>
    %dot_general3A = arith.constant dense<0.000000e+00> : vector<10000x128xf32>
    %dot_general3A_12 = tpu.matmul %add3A_8, %get3A_11, %dot_general3A {dimension_numbers = #tpu.dot_dimension_numbers<[1], [0], [0], [1], [0, 0, 1, 1], [], []>, transpose_lhs_hint = false} : vector<10000x128xf32>, vector<128x128xf32>, vector<10000x128xf32> -> vector<10000x128xf32>
    %get3A_13 = arith.constant 0 : index
    %get3A_14 = arith.constant 0 : index
    %get3A_15 = vector.load %arg4[%get3A_13, %get3A_14] : memref<1x128xf32, #tpu.memory_space<vmem>>, vector<1x128xf32>
    %add3A_16 = vector.broadcast %get3A_15 : vector<1x128xf32> to vector<10000x128xf32>
    %add3A_17 = arith.addf %dot_general3A_12, %add3A_16 : vector<10000x128xf32>
    %jit3A = arith.constant 0.00999999977 : f32
    %ge3A = arith.constant 0.000000e+00 : f32
    %ge3A_18 = vector.broadcast %ge3A : f32 to vector<10000x128xf32>
    %ge3A_19 = arith.cmpf oge, %add3A_17, %ge3A_18 : vector<10000x128xf32>
    %mul3A = vector.broadcast %jit3A : f32 to vector<10000x128xf32>
    %mul3A_20 = arith.mulf %mul3A, %add3A_17 : vector<10000x128xf32>
    %select_n3A = arith.select %ge3A_19, %add3A_17, %mul3A_20 : vector<10000x128xi1>, vector<10000x128xf32>
    %get3A_21 = arith.constant 0 : index
    %get3A_22 = arith.constant 0 : index
    %get3A_23 = vector.load %arg5[%get3A_21, %get3A_22] : memref<128x128xf32, #tpu.memory_space<vmem>>, vector<128x128xf32>
    %dot_general3A_24 = arith.constant dense<0.000000e+00> : vector<10000x128xf32>
    %dot_general3A_25 = tpu.matmul %select_n3A, %get3A_23, %dot_general3A_24 {dimension_numbers = #tpu.dot_dimension_numbers<[1], [0], [0], [1], [0, 0, 1, 1], [], []>, transpose_lhs_hint = false} : vector<10000x128xf32>, vector<128x128xf32>, vector<10000x128xf32> -> vector<10000x128xf32>
    %get3A_26 = arith.constant 0 : index
    %get3A_27 = arith.constant 0 : index
    %get3A_28 = vector.load %arg6[%get3A_26, %get3A_27] : memref<1x128xf32, #tpu.memory_space<vmem>>, vector<1x128xf32>
    %add3A_29 = vector.broadcast %get3A_28 : vector<1x128xf32> to vector<10000x128xf32>
    %add3A_30 = arith.addf %dot_general3A_25, %add3A_29 : vector<10000x128xf32>
    %jit3A_31 = arith.constant 0.00999999977 : f32
    %ge3A_32 = arith.constant 0.000000e+00 : f32
    %ge3A_33 = vector.broadcast %ge3A_32 : f32 to vector<10000x128xf32>
    %ge3A_34 = arith.cmpf oge, %add3A_30, %ge3A_33 : vector<10000x128xf32>
    %mul3A_35 = vector.broadcast %jit3A_31 : f32 to vector<10000x128xf32>
    %mul3A_36 = arith.mulf %mul3A_35, %add3A_30 : vector<10000x128xf32>
    %select_n3A_37 = arith.select %ge3A_34, %add3A_30, %mul3A_36 : vector<10000x128xi1>, vector<10000x128xf32>
    %iota3A = tpu.iota {dimensions = array<i32: 0>} : vector<8x10000xi32>
    %iota3A_38 = tpu.iota {dimensions = array<i32: 1>} : vector<8x10000xi32>
    %jit3A_39 = arith.constant 1250 : i32
    %div3A = vector.broadcast %jit3A_39 : i32 to vector<8x10000xi32>
    %div3A_40 = arith.divsi %iota3A_38, %div3A : vector<8x10000xi32>
    %sign3A = arith.constant 0 : i32
    %sign3A_41 = vector.broadcast %sign3A : i32 to vector<8x10000xi32>
    %sign3A_42 = arith.cmpi sgt, %iota3A_38, %sign3A_41 : vector<8x10000xi32>
    %sign3A_43 = arith.extui %sign3A_42 : vector<8x10000xi1> to vector<8x10000xi32>
    %sign3A_44 = arith.constant 0 : i32
    %sign3A_45 = vector.broadcast %sign3A_44 : i32 to vector<8x10000xi32>
    %sign3A_46 = arith.cmpi slt, %iota3A_38, %sign3A_45 : vector<8x10000xi32>
    %sign3A_47 = arith.extui %sign3A_46 : vector<8x10000xi1> to vector<8x10000xi32>
    %sign3A_48 = arith.subi %sign3A_43, %sign3A_47 : vector<8x10000xi32>
    %sign3A_49 = arith.constant 0 : i32
    %sign3A_50 = arith.cmpi sgt, %jit3A_39, %sign3A_49 : i32
    %sign3A_51 = arith.extui %sign3A_50 : i1 to i32
    %sign3A_52 = arith.constant 0 : i32
    %sign3A_53 = arith.cmpi slt, %jit3A_39, %sign3A_52 : i32
    %sign3A_54 = arith.extui %sign3A_53 : i1 to i32
    %sign3A_55 = arith.subi %sign3A_51, %sign3A_54 : i32
    %ne3A = vector.broadcast %sign3A_55 : i32 to vector<8x10000xi32>
    %ne3A_56 = arith.cmpi ne, %sign3A_48, %ne3A : vector<8x10000xi32>
    %rem3A = vector.broadcast %jit3A_39 : i32 to vector<8x10000xi32>
    %rem3A_57 = arith.remsi %iota3A_38, %rem3A : vector<8x10000xi32>
    %ne3A_58 = arith.constant 0 : i32
    %ne3A_59 = vector.broadcast %ne3A_58 : i32 to vector<8x10000xi32>
    %ne3A_60 = arith.cmpi ne, %rem3A_57, %ne3A_59 : vector<8x10000xi32>
    %and3A = arith.andi %ne3A_56, %ne3A_60 : vector<8x10000xi1>
    %sub3A = arith.constant 1 : i32
    %sub3A_61 = vector.broadcast %sub3A : i32 to vector<8x10000xi32>
    %sub3A_62 = arith.subi %div3A_40, %sub3A_61 : vector<8x10000xi32>
    %select_n3A_63 = arith.select %and3A, %sub3A_62, %div3A_40 : vector<8x10000xi1>, vector<8x10000xi32>
    %eq3A = arith.cmpi eq, %iota3A, %select_n3A_63 : vector<8x10000xi32>
    %jit3A_64 = arith.constant 8.000000e-04 : f32
    %jit3A_65 = arith.constant 0.000000e+00 : f32
    %broadcast_in_dim3A = vector.broadcast %jit3A_64 : f32 to vector<8x10000xf32>
    %broadcast_in_dim3A_66 = vector.broadcast %jit3A_65 : f32 to vector<8x10000xf32>
    %select_n3A_67 = arith.select %eq3A, %broadcast_in_dim3A, %broadcast_in_dim3A_66 : vector<8x10000xi1>, vector<8x10000xf32>
    %dot_general3A_68 = arith.constant dense<0.000000e+00> : vector<8x128xf32>
    %dot_general3A_69 = tpu.matmul %select_n3A_67, %select_n3A_37, %dot_general3A_68 {dimension_numbers = #tpu.dot_dimension_numbers<[1], [0], [0], [1], [0, 0, 1, 1], [], []>, transpose_lhs_hint = false} : vector<8x10000xf32>, vector<10000x128xf32>, vector<8x128xf32> -> vector<8x128xf32>
    %get3A_70 = arith.constant 0 : index
    %get3A_71 = arith.constant 0 : index
    %get3A_72 = vector.load %arg7[%get3A_70, %get3A_71] : memref<128x128xf32, #tpu.memory_space<vmem>>, vector<128x128xf32>
    %dot_general3A_73 = arith.constant dense<0.000000e+00> : vector<8x128xf32>
    %dot_general3A_74 = tpu.matmul %dot_general3A_69, %get3A_72, %dot_general3A_73 {dimension_numbers = #tpu.dot_dimension_numbers<[1], [0], [0], [1], [0, 0, 1, 1], [], []>, transpose_lhs_hint = false} : vector<8x128xf32>, vector<128x128xf32>, vector<8x128xf32> -> vector<8x128xf32>
    %get3A_75 = arith.constant 0 : index
    %get3A_76 = arith.constant 0 : index
    %get3A_77 = vector.load %arg8[%get3A_75, %get3A_76] : memref<1x128xf32, #tpu.memory_space<vmem>>, vector<1x128xf32>
    %add3A_78 = vector.broadcast %get3A_77 : vector<1x128xf32> to vector<8x128xf32>
    %add3A_79 = arith.addf %dot_general3A_74, %add3A_78 : vector<8x128xf32>
    %jit3A_80 = arith.constant 0.00999999977 : f32
    %ge3A_81 = arith.constant 0.000000e+00 : f32
    %ge3A_82 = vector.broadcast %ge3A_81 : f32 to vector<8x128xf32>
    %ge3A_83 = arith.cmpf oge, %add3A_79, %ge3A_82 : vector<8x128xf32>
    %mul3A_84 = vector.broadcast %jit3A_80 : f32 to vector<8x128xf32>
    %mul3A_85 = arith.mulf %mul3A_84, %add3A_79 : vector<8x128xf32>
    %select_n3A_86 = arith.select %ge3A_83, %add3A_79, %mul3A_85 : vector<8x128xi1>, vector<8x128xf32>
    %get3A_87 = arith.constant 0 : index
    %get3A_88 = arith.constant 0 : index
    %get3A_89 = vector.load %arg9[%get3A_87, %get3A_88] : memref<128x32xf32, #tpu.memory_space<vmem>>, vector<128x32xf32>
    %dot_general3A_90 = arith.constant dense<0.000000e+00> : vector<8x32xf32>
    %dot_general3A_91 = tpu.matmul %select_n3A_86, %get3A_89, %dot_general3A_90 {dimension_numbers = #tpu.dot_dimension_numbers<[1], [0], [0], [1], [0, 0, 1, 1], [], []>, transpose_lhs_hint = false} : vector<8x128xf32>, vector<128x32xf32>, vector<8x32xf32> -> vector<8x32xf32>
    %get3A_92 = arith.constant 0 : index
    %get3A_93 = arith.constant 0 : index
    %get3A_94 = vector.load %arg10[%get3A_92, %get3A_93] : memref<1x32xf32, #tpu.memory_space<vmem>>, vector<1x32xf32>
    %add3A_95 = vector.broadcast %get3A_94 : vector<1x32xf32> to vector<8x32xf32>
    %add3A_96 = arith.addf %dot_general3A_91, %add3A_95 : vector<8x32xf32>
    %jit3A_97 = arith.constant 0.00999999977 : f32
    %ge3A_98 = arith.constant 0.000000e+00 : f32
    %ge3A_99 = vector.broadcast %ge3A_98 : f32 to vector<8x32xf32>
    %ge3A_100 = arith.cmpf oge, %add3A_96, %ge3A_99 : vector<8x32xf32>
    %mul3A_101 = vector.broadcast %jit3A_97 : f32 to vector<8x32xf32>
    %mul3A_102 = arith.mulf %mul3A_101, %add3A_96 : vector<8x32xf32>
    %select_n3A_103 = arith.select %ge3A_100, %add3A_96, %mul3A_102 : vector<8x32xi1>, vector<8x32xf32>
    %reduce_max3A = arith.constant dense<0xFF800000> : vector<8xf32>
    %reduce_max3A_104 = vector.multi_reduction <maximumf>, %select_n3A_103, %reduce_max3A [1] : vector<8x32xf32> to vector<8xf32>
    %broadcast_in_dim3A_105 = vector.shape_cast %reduce_max3A_104 : vector<8xf32> to vector<8x1xf32>
    %sub3A_106 = vector.broadcast %broadcast_in_dim3A_105 : vector<8x1xf32> to vector<8x32xf32>
    %sub3A_107 = arith.subf %select_n3A_103, %sub3A_106 : vector<8x32xf32>
    %exp3A = math.exp %sub3A_107 : vector<8x32xf32>
    %reduce_sum3A = arith.constant dense<0.000000e+00> : vector<8xf32>
    %reduce_sum3A_108 = vector.multi_reduction <add>, %exp3A, %reduce_sum3A [1] : vector<8x32xf32> to vector<8xf32>
    %broadcast_in_dim3A_109 = vector.shape_cast %reduce_sum3A_108 : vector<8xf32> to vector<8x1xf32>
    %div3A_110 = vector.broadcast %broadcast_in_dim3A_109 : vector<8x1xf32> to vector<8x32xf32>
    %div3A_111 = arith.divf %exp3A, %div3A_110 : vector<8x32xf32>
    %swap3A = arith.constant 0 : index
    %swap3A_112 = arith.constant 0 : index
    %swap3A_113 = vector.load %arg17[%swap3A, %swap3A_112] : memref<8x32xf32, #tpu.memory_space<vmem>>, vector<8x32xf32>
    tpu.vector_store %arg17[%swap3A, %swap3A_112], %div3A_111 {strides = array<i32>} : memref<8x32xf32, #tpu.memory_space<vmem>>, vector<8x32xf32>,
    %get3A_114 = arith.constant 0 : index
    %get3A_115 = arith.constant 0 : index
    %get3A_116 = vector.load %arg11[%get3A_114, %get3A_115] : memref<128x128xf32, #tpu.memory_space<vmem>>, vector<128x128xf32>
    %dot_general3A_117 = arith.constant dense<0.000000e+00> : vector<10000x128xf32>
    %dot_general3A_118 = tpu.matmul %select_n3A_37, %get3A_116, %dot_general3A_117 {dimension_numbers = #tpu.dot_dimension_numbers<[1], [0], [0], [1], [0, 0, 1, 1], [], []>, transpose_lhs_hint = false} : vector<10000x128xf32>, vector<128x128xf32>, vector<10000x128xf32> -> vector<10000x128xf32>
    %get3A_119 = arith.constant 0 : index
    %get3A_120 = arith.constant 0 : index
    %get3A_121 = vector.load %arg12[%get3A_119, %get3A_120] : memref<1x128xf32, #tpu.memory_space<vmem>>, vector<1x128xf32>
    %add3A_122 = vector.broadcast %get3A_121 : vector<1x128xf32> to vector<10000x128xf32>
    %add3A_123 = arith.addf %dot_general3A_118, %add3A_122 : vector<10000x128xf32>
    %jit3A_124 = arith.constant 0.00999999977 : f32
    %ge3A_125 = arith.constant 0.000000e+00 : f32
    %ge3A_126 = vector.broadcast %ge3A_125 : f32 to vector<10000x128xf32>
    %ge3A_127 = arith.cmpf oge, %add3A_123, %ge3A_126 : vector<10000x128xf32>
    %mul3A_128 = vector.broadcast %jit3A_124 : f32 to vector<10000x128xf32>
    %mul3A_129 = arith.mulf %mul3A_128, %add3A_123 : vector<10000x128xf32>
    %select_n3A_130 = arith.select %ge3A_127, %add3A_123, %mul3A_129 : vector<10000x128xi1>, vector<10000x128xf32>
    %get3A_131 = arith.constant 0 : index
    %get3A_132 = arith.constant 0 : index
    %get3A_133 = vector.load %arg13[%get3A_131, %get3A_132] : memref<128x128xf32, #tpu.memory_space<vmem>>, vector<128x128xf32>
    %dot_general3A_134 = arith.constant dense<0.000000e+00> : vector<10000x128xf32>
    %dot_general3A_135 = tpu.matmul %select_n3A_130, %get3A_133, %dot_general3A_134 {dimension_numbers = #tpu.dot_dimension_numbers<[1], [0], [0], [1], [0, 0, 1, 1], [], []>, transpose_lhs_hint = false} : vector<10000x128xf32>, vector<128x128xf32>, vector<10000x128xf32> -> vector<10000x128xf32>
    %get3A_136 = arith.constant 0 : index
    %get3A_137 = arith.constant 0 : index
    %get3A_138 = vector.load %arg14[%get3A_136, %get3A_137] : memref<1x128xf32, #tpu.memory_space<vmem>>, vector<1x128xf32>
    %add3A_139 = vector.broadcast %get3A_138 : vector<1x128xf32> to vector<10000x128xf32>
    %add3A_140 = arith.addf %dot_general3A_135, %add3A_139 : vector<10000x128xf32>
    %jit3A_141 = arith.constant 0.00999999977 : f32
    %ge3A_142 = arith.constant 0.000000e+00 : f32
    %ge3A_143 = vector.broadcast %ge3A_142 : f32 to vector<10000x128xf32>
    %ge3A_144 = arith.cmpf oge, %add3A_140, %ge3A_143 : vector<10000x128xf32>
    %mul3A_145 = vector.broadcast %jit3A_141 : f32 to vector<10000x128xf32>
    %mul3A_146 = arith.mulf %mul3A_145, %add3A_140 : vector<10000x128xf32>
    %select_n3A_147 = arith.select %ge3A_144, %add3A_140, %mul3A_146 : vector<10000x128xi1>, vector<10000x128xf32>
    %get3A_148 = arith.constant 0 : index
    %get3A_149 = arith.constant 0 : index
    %get3A_150 = vector.load %arg15[%get3A_148, %get3A_149] : memref<1x128xf32, #tpu.memory_space<vmem>>, vector<1x128xf32>
    %mul3A_151 = vector.broadcast %get3A_150 : vector<1x128xf32> to vector<10000x128xf32>
    %mul3A_152 = arith.mulf %select_n3A_147, %mul3A_151 : vector<10000x128xf32>
    %reduce_sum3A_153 = arith.constant dense<0.000000e+00> : vector<10000xf32>
    %reduce_sum3A_154 = vector.multi_reduction <add>, %mul3A_152, %reduce_sum3A_153 [1] : vector<10000x128xf32> to vector<10000xf32>
    %broadcast_in_dim3A_155 = vector.shape_cast %reduce_sum3A_154 : vector<10000xf32> to vector<10000x1xf32>
    %get3A_156 = arith.constant 0 : index
    %get3A_157 = arith.constant 0 : index
    %get3A_158 = vector.load %arg16[%get3A_156, %get3A_157] : memref<1x1xf32, #tpu.memory_space<vmem>>, vector<1x1xf32>
    %add3A_159 = vector.broadcast %get3A_158 : vector<1x1xf32> to vector<10000x1xf32>
    %add3A_160 = arith.addf %broadcast_in_dim3A_155, %add3A_159 : vector<10000x1xf32>
    %neg3A = arith.constant 0.000000e+00 : f32
    %neg3A_161 = vector.broadcast %neg3A : f32 to vector<10000x1xf32>
    %neg3A_162 = arith.subf %neg3A_161, %add3A_160 : vector<10000x1xf32>
    %exp3A_163 = math.exp %neg3A_162 : vector<10000x1xf32>
    %add3A_164 = arith.constant 1.000000e+00 : f32
    %add3A_165 = vector.broadcast %add3A_164 : f32 to vector<10000x1xf32>
    %add3A_166 = arith.addf %add3A_165, %exp3A_163 : vector<10000x1xf32>
    %div3A_167 = arith.constant 1.000000e+00 : f32
    %div3A_168 = vector.broadcast %div3A_167 : f32 to vector<10000x1xf32>
    %div3A_169 = arith.divf %div3A_168, %add3A_166 : vector<10000x1xf32>
    %swap3A_170 = arith.constant 0 : index
    %swap3A_171 = arith.constant 0 : index
    %swap3A_172 = vector.load %arg18[%swap3A_170, %swap3A_171] : memref<10000x1xf32, #tpu.memory_space<vmem>>, vector<10000x1xf32>
    tpu.vector_store %arg18[%swap3A_170, %swap3A_171], %div3A_169 {strides = array<i32>} : memref<10000x1xf32, #tpu.memory_space<vmem>>, vector<10000x1xf32>,
    return
  }
}

</mosaic_0001>

<sc_bundles>
// kernel: kernel.10.cloned.1.call-start
scs
__scs_entry_jumppad:
0x0: {  	(pc) =	sbr.rel $0x88, $3  }
0x1: {  	(tag) =	ssettag $0x0;
	lr =	simm.s32 $0x1  }
0x2: {  	[smem:$0x3F88] =	sst lr;
	_ =	strace $0xD0000000  }
0x3: {  	_ = 	snop  }
0x4: {  	_ = 	snop  }
0x5: {  	_ = 	snop  }
0x6: {  	_ = 	snop  }
0x7: {  	_ = 	snop  }
__scs_overlays_trampoline_lowered:
0x8: {  	[smem:$0x3F97] =	sst s0  }
0x9: {  	[smem:$0x3F98] =	sst s1  }
0xa: {  	[smem:$0x3F99] =	sst s2  }
0xb: {  	[smem:$0x3F9A] =	sst s3  }
0xc: {  	[smem:$0x3F9B] =	sst s4  }
0xd: {  	[smem:$0x3F9C] =	sst s5  }
0xe: {  	[smem:$0x3F9D] =	sst s6  }
0xf: {  	[smem:$0x3F9E] =	sst s7  }
0x10: {  	[smem:$0x3F9F] =	sst s8  }
0x11: {  	[smem:$0x3FA0] =	sst s9;
	s0 =	simm.s32 @!p0 $0x0  }
0x12: {  	s1 =	sld [smem:$0x3F86];
	s0 =	simm.s32 @p0 $0x1  }
0x13: {  	[smem:$0x3FA1] =	sst s0;
	s0 =	simm.s32 @!p1 $0x0  }
0x14: {  	s2 =	sld [smem:$0x3F85];
	s0 =	simm.s32 @p1 $0x1  }
0x15: {  	[smem:$0x3FA2] =	sst s0;
	s0 =	simm.s32 @!p2 $0x0  }
0x16: {  	s3 =	sld [smem:$0x3FDB];
	s0 =	simm.s32 @p2 $0x1  }
0x17: {  	s4 =	simm.s32 $0x1BF5;
	[smem:$0x3FA4] =	sst s0  }
0x18: {  	s0 =	sld [smem:$0x3F87];
	_ =	swait.ge [sflag:s4], $0x0  }
0x19: {  	s7 =	sld [smem:$0x3F88]  }
0x1a: {  	s8 =	sadd.s32 $0xFFFFE003, lr  }
0x1b: {  	s9 =	sadd.s32 $0xFFFFFEF7, lr;
	s5 =	simm.s32 $0xFFFFFFFF;
	p2 =	slt.u32 s8, $0xFFFFF086  }
0x1c: {  	p1 =	slt.u32 s9, $0xF7A;
	s5 =	simm.s32 @!p2 $0x0  }
0x1d: {  	s5 =	simm.s32 @p1 $0x1;
	p0 =	seq.s32 s7, s2  }
0x1e: {  	s7 =	smul.u32 @!p0 $0xF7A, s2;
	p2 =	seq.s32 @!p0 s5, $0x0  }
0x1f: {  	s9 =	smul.u32 $0xF7A, s1;
	s8 =	simm.s32 @!p0 $0x1BF5;
	p2 =	por !p2, p0  }
0x20: {  	[sflag:s8] =	ssyncset.s32 @!p0 $0xFFFFF086;
	s6 =	sadd.s32 @!p0 s3, s7;
	s7 =	simm.s32 @!p0 $0x108  }
0x21: {  	s3 =	sadd.s32 s3, s9;
	s6 =	sadd.s32 @!p0 $0x88, s6;
	s7 =	simm.s32 @p2 $0x1082  }
0x22: {  	[simem:s7], [sflag:s8] =	dma.local @!p0 [hbm:s6], $0xF7A  }
0x23: {  	s9 =	sor.u32 $0xD0000000, s2;
	s6 =	simm.s32 $0x108;
	_ =	swait.ge @!p0 [sflag:s8], $0x0  }
0x24: {  	s3 =	sadd.s32 $0x88, s3;
	s6 =	simm.s32 @!p1 $0x1082;
	[sflag:s4] =	ssyncset.s32 $0xFFFFF086  }
0x25: {  	[simem:s6], [sflag:s4] =	dma.local [hbm:s3], $0xF7A  }
0x26: {  	[smem:$0x3F88] =	sst s1;
	(tag) =	ssettag s2;
	_ =	strace s9  }
0x27: {  	s1 =	sld [smem:$0x3F98]  }
0x28: {  	s2 =	sld [smem:$0x3F99]  }
0x29: {  	s4 =	sld [smem:$0x3F9B]  }
0x2a: {  	p0 =	seq.s32 s5, $0x0;
	s5 =	sld [smem:$0x3F9C]  }
0x2b: {  	s6 =	sld [smem:$0x3F9D]  }
0x2c: {  	s7 =	sld [smem:$0x3F9E]  }
0x2d: {  	s3 =	simm.s32 $0x108;
	s8 =	sld [smem:$0x3F9F]  }
0x2e: {  	s3 =	simm.s32 @!p0 $0x1082;
	s9 =	sld [smem:$0x3FA0]  }
0x2f: {  	lr =	sadd.s32 s0, s3;
	s0 =	sld [smem:$0x3F97]  }
0x30: {  	s3 =	sld [smem:$0x3F9A]  }
0x31: {  	[smem:$0x3FA3] =	sst s10  }
0x32: {  	s10 =	sld [smem:$0x3FA1];
	_ =	sdelay $0x3  }
0x33: {  	p0 =	seq.s32 s10, $0x1;
	s10 =	sld [smem:$0x3FA3];
	_ =	sdelay $0x3  }
0x34: {  	[smem:$0x3FA3] =	sst s10  }
0x35: {  	s10 =	sld [smem:$0x3FA2];
	_ =	sdelay $0x3  }
0x36: {  	p1 =	seq.s32 s10, $0x1;
	s10 =	sld [smem:$0x3FA3];
	_ =	sdelay $0x3  }
0x37: {  	[smem:$0x3FA3] =	sst s10  }
0x38: {  	s10 =	sld [smem:$0x3FA4]  }
0x39: {  	_ = 	snop;
	(pc) =	sbr.ind lr, $3  }
0x3a: {  	_ = 	snop  }
0x3b: {  	_ = 	snop  }
0x3c: {  	p2 =	seq.s32 s10, $0x1;
	s10 =	sld [smem:$0x3FA3]  }
0x3d: {  	_ =	shalt  }
0x3e: {  	_ =	shalt  }
0x3f: {  	_ =	shalt  }
0x40: {  	_ =	shalt  }
0x41: {  	_ =	shalt  }
0x42: {  	_ =	shalt  }
0x43: {  	_ =	shalt  }
0x44: {  	_ =	shalt  }
0x45: {  	_ =	shalt  }
0x46: {  	_ =	shalt  }
0x47: {  	_ =	shalt  }
0x48: {  	_ =	shalt  }
0x49: {  	_ =	shalt  }
0x4a: {  	_ =	shalt  }
0x4b: {  	_ =	shalt  }
0x4c: {  	_ =	shalt  }
0x4d: {  	_ =	shalt  }
0x4e: {  	_ =	shalt  }
0x4f: {  	_ =	shalt  }
0x50: {  	_ =	shalt  }
0x51: {  	_ =	shalt  }
0x52: {  	_ =	shalt  }
0x53: {  	_ =	shalt  }
0x54: {  	_ =	shalt  }
0x55: {  	_ =	shalt  }
0x56: {  	_ =	shalt  }
0x57: {  	_ =	shalt  }
0x58: {  	_ =	shalt  }
0x59: {  	_ =	shalt  }
0x5a: {  	_ =	shalt  }
0x5b: {  	_ =	shalt  }
0x5c: {  	_ =	shalt  }
0x5d: {  	_ =	shalt  }
0x5e: {  	_ =	shalt  }
0x5f: {  	_ =	shalt  }
0x60: {  	_ =	shalt  }
0x61: {  	_ =	shalt  }
0x62: {  	_ =	shalt  }
0x63: {  	_ =	shalt  }
0x64: {  	_ =	shalt  }
0x65: {  	_ =	shalt  }
0x66: {  	_ =	shalt  }
0x67: {  	_ =	shalt  }
0x68: {  	_ =	shalt  }
0x69: {  	_ =	shalt  }
0x6a: {  	_ =	shalt  }
0x6b: {  	_ =	shalt  }
0x6c: {  	_ =	shalt  }
0x6d: {  	_ =	shalt  }
0x6e: {  	_ =	shalt  }
0x6f: {  	_ =	shalt  }
0x70: {  	_ =	shalt  }
0x71: {  	_ =	shalt  }
0x72: {  	_ =	shalt  }
0x73: {  	_ =	shalt  }
0x74: {  	_ =	shalt  }
0x75: {  	_ =	shalt  }
0x76: {  	_ =	shalt  }
0x77: {  	_ =	shalt  }
0x78: {  	_ =	shalt  }
0x79: {  	_ =	shalt  }
0x7a: {  	_ =	shalt  }
0x7b: {  	_ =	shalt  }
0x7c: {  	_ =	shalt  }
0x7d: {  	_ =	shalt  }
0x7e: {  	_ =	shalt  }
0x7f: {  	_ =	shalt  }
0x80: {  	_ =	shalt  }
0x81: {  	_ =	shalt  }
0x82: {  	_ =	shalt  }
0x83: {  	_ =	shalt  }
0x84: {  	_ =	shalt  }
0x85: {  	_ =	shalt  }
0x86: {  	_ =	shalt  }
0x87: {  	_ =	shalt  }
.Lfunc_end0:
.L_simem_size_0:
called_computation.1_lowered:
.L_overlay_start_0:
0x88: {  	s2 =	sld [smem:$0x3FD9]  }
0x89: {  	s3 =	sld [smem:$0x3FFE];
	_ =	sdelay $0x1  }
0x8a: {  	s1 =	srdreg.scid  }
0x8b: {  	s0 =	sand.u32 $0x1, s1  }
0x8c: {  	s16 =	sshll.u32 s0, $0xA;
	s2 =	sadd.s32 s3, s2  }
0x8d: {  	s2 =	sadd.s32 s2, s16  }
0x8e: {  	[smem:$0x3FAF] =	sst s2  }
0x8f: {  	_ = 	snop  }
0x90: {  	(tm) =	ssettm $0x1  }
0x91: {  	s17 =	sld [smem:$0x3FFB];
	_ =	sdelay $0x3  }
0x92: {  	_ =	strace s17  }
0x93: {  	s2 =	sld [smem:$0x3FFC];
	_ =	sdelay $0x3  }
0x94: {  	_ =	strace s2  }
0x95: {  	s2 =	sld [smem:$0x3FFD];
	_ =	sdelay $0x3  }
0x96: {  	_ =	strace s2  }
0x97: {  	_ =	strace $0x8FFFFFFF  }
0x98: {  	s18 =	sld [smem:$0x3FDB];
	_ =	sdelay $0x1  }
0x99: {  	s19 =	simm.s32 $_scs_section_size  }
0x9a: {  	s4 =	simm.s32 $_size__tile_overlayer_lowered;
	s5 =	simm.s32 $_tile_overlayer_lowered  }
0x9b: {  	s22 =	simm.s32 $0x1BFF;
	s21 =	sshll.u32 s5, $0x1;
	s2 =	sadd.s32 s19, s18  }
0x9c: {  	s6 =	simm.s32 $0x0;
	s20 =	sshll.u32 s4, $0x1;
	s4 =	sadd.s32 s21, s2  }
0x9d: {  	[timem:s6], [sflag:s22] =	dma.local [hbm:s4], s20  }
0x9e: {  	_ =	swait.ge [sflag:s22], s20  }
0x9f: {  	s3 =	ssub.s32 $0x0, s20;
	[sflag:s22] =	ssyncset.done $0x0  }
0xa0: {  	[sflag:s22] =	ssyncadd.s32 s3;
	_ =	sdelay $0x1  }
0xa1: {  	s23 =	simm.s32 $0x1B8B  }
0xa2: {  	_ =	swait.ge [sflag:s23], $0x1  }
0xa3: {  	[sflag:s23] =	ssyncset.done $0x0  }
0xa4: {  	s25 =	simm.s32 $0x1B8E;
	s24 =	sld [smem:$0x3FFE];
	[sflag:s23] =	ssyncadd.s32 $0xFFFFFFFF  }
0xa5: {  	s26 =	simm.s32 $execute0_lowered;
	[smem:$0x3FD2] =	sst s25  }
0xa6: {  	s4 =	sshll.u32 s26, $0x1;
	_ =	strace $0x80000049;
	[dreg:$0x1] =	wrdreg $0xFFFFFFFF  }
0xa7: {  	s28 =	simm.s32 $_size_execute0_lowered;
	s2 =	sadd.s32 s2, s4;
	[dreg:$0x0] =	wrdreg $0x0  }
0xa8: {  	s4 =	sshll.u32 s28, $0x1;
	[dreg:$0x2] =	wrdreg s2  }
0xa9: {  	[dreg:$0x3] =	wrdreg s4  }
0xaa: {  	[dreg:$0x4] =	wrdreg $0xC0  }
0xab: {  	_ =	task [dreg:s6], $0x5FFFF  }
0xac: {  	[dreg:$0x1] =	wrdreg $0xFFFFFFFF  }
0xad: {  	[dreg:$0x0] =	wrdreg $0x60  }
0xae: {  	[dreg:$0x2] =	wrdreg s24  }
0xaf: {  	[dreg:$0x3] =	wrdreg $0xA4000  }
0xb0: {  	[dreg:$0x4] =	wrdreg $0x9  }
0xb1: {  	_ =	task.clear_ibuf [dreg:s6], $0x5FFFF;
	_ =	strace $0x90000049  }
0xb2: {  	s29 =	simm.s32 $0x9;
	_ =	strace $0x8000004B  }
0xb3: {  	_ =	swait.ge [sflag:s29], $0x1  }
0xb4: {  	[sflag:s29] =	ssyncadd.s32 $0xFFFFFFFF  }
0xb5: {  	_ =	strace $0x9000004B  }
0xb6: {  	_ =	sfence  }
0xb7: {  	s30 =	sld [smem:$0x0];
	_ =	sdelay $0x2  }
0xb8: {  	s31 =	sshll.u32 s1, $0xD;
	s1 =	sshrl.u32 s1, $0x2  }
0xb9: {  	s3 =	sand.u32 $0x4000, s31;
	s1 =	sadd.s32 s1, s30  }
0xba: {  	s0 =	sor.u32 s3, s0;
	s1 =	sshll.u32 s1, $0x11  }
0xbb: {  	s0 =	sor.u32 s1, s0  }
0xbc: {  	s0 =	sadd.s32 $0x8F2B, s0  }
0xbd: {  	[sflag:s0] =	ssyncadd.remote.s32 $0x1  }
0xbe: {  	_ =	sfence.sel $0xFFFF  }
0xbf: {  	[dreg:$0x0] =	wrdreg $0xFFFFFFFF;
	(pc) =	sbr.abs _section_cstart, $3  }
0xc0: {  	[dreg:$0x1] =	wrdreg $0xFFFFFFFF  }
0xc1: {  	_ =	task.clear_ibuf [dreg:s6], $0x2FFFF;
	_ =	strace $0x9FFFFFFF  }
0xc2: {  	(tm) =	ssettm $0x7FFFFFFF  }
0xc3: {  	_ =	shalt  }
tec
execute0_lowered:
.L_overlay_start_1:
0x0: {  	(tag) =	ssettag $0x1  }
0x1: {  	s0 =	rddreg [dreg:$0x0]  }
0x2: {  	s1 =	rddreg [dreg:$0x1]  }
0x3: {  	s2 =	simm.s32 $0x0;
	s5 =	srdreg.scid;
	s14 =	stileid.u32  }
0x4: {  	s28 =	simm.s32 $0x5;
	s11 =	simm.s32 $0x5;
	s30 =	simm.s32 $0x1  }
0x5: {  	s31 =	simm.s32 $0x50;
	s16 =	simm.s32 $0xA;
	s17 =	simm.s32 $0xD  }
0x6: {  	[smem:$0x7FF] =	sst s2;
	s3 =	sadd.s32 $0x17A00, s0;
	s4 =	sadd.s32 $0xDC00, s0  }
0x7: {  	s6 =	sadd.s32 $0x3E00, s0;
	s7 =	sadd.s32 $0x9DBA00, s0;
	s5 =	sand.u32 $0x1, s5  }
0x8: {  	s8 =	sadd.s32 $0x3EC00, s0;
	p0 =	seq.s32 s14, $0xF;
	s24 =	smul.u32 $0x50000, s14  }
0x9: {  	s25 =	smul.u32 $0x14000, s14;
	_ =	strace $0x8000004A;
	s9 =	ssub.s32 $0x2, s5  }
0xa: {  	s10 =	sshll.u32 s5, $0x4;
	s28 =	simm.s32 @!p0 $0x8;
	s5 =	smul.u32 $0x138800, s5  }
0xb: {  	s19 =	sshrl.u32 s9, $0x1;
	s12 =	sor.u32 s14, s10;
	s26 =	sshrl.u32 s24, $0x2  }
0xc: {  	s24 =	simm.s32 $0x11;
	[dreg:$0x3] =	wrdreg s28;
	s10 =	smul.u32 $0x2710, s12  }
0xd: {  	s0 =	ssub.s32 s9, s19;
	s12 =	smul.u32 $0x27100, s12;
	s29 =	sadd.s32 s25, s5  }
0xe: {  	s25 =	simm.s32 $0x200;
	s5 =	simm.s32 $0x300;
	s0 =	smax.u32 s0, $0x1  }
0xf: {  	[dreg:$0xc] =	wrdreg s29;
	s20 =	sshrl.u32 s10, $0x3;
	s13 =	sadd.s32 $0x50, s10  }
0x10: {  	s12 =	sadd.s32 s7, s12;
	s18 =	sadd.s32 $0x140, s10;
	s19 =	sadd.s32 $0x190, s10  }
0x11: {  	[dreg:$0xa] =	wrdreg s0;
	s0 =	sadd.s32 s26, s1;
	s26 =	simm.s32 $0x5400  }
0x12: {  	s15 =	sadd.s32 s4, s20;
	s9 =	sadd.s32 s6, s20;
	[dreg:$0x6] =	wrdreg s12  }
0x13: {  	s21 =	sshrl.u32 s13, $0x3;
	s23 =	sshll.u32 s13, $0x4;
	[dreg:$0xb] =	wrdreg s0  }
0x14: {  	s12 =	simm.s32 $0x9;
	s20 =	simm.s32 $0xB;
	[dreg:$0x4] =	wrdreg s15  }
0x15: {  	s13 =	simm.s32 $0x0;
	[dreg:$0x5] =	wrdreg s9;
	s22 =	sadd.s32 s4, s21  }
0x16: {  	s9 =	sadd.s32 s6, s21;
	s15 =	simm.s32 $0x7C00;
	[dreg:$0x7] =	wrdreg s22  }
0x17: {  	[dreg:$0x8] =	wrdreg s9;
	s9 =	sadd.s32 s7, s23;
	s23 =	simm.s32 $0x400  }
0x18: {  	v0 =	vimm.f32 $0.0e+00;
	s22 =	simm.s32 $0xE;
	[dreg:$0x9] =	wrdreg s9;
	s9 =	simm.s32 $0xC  }
.LBB2_1:
0x19: {  	[dreg:$0xd] =	wrdreg s13;
	s0 =	simm.s32 $0x0;
	s13 =	simm.s32 $0x200  }
.LBB2_2:
0x1a: {  	p0 =	sne.s32 s13, $0x9E00;
	[tilespmem:s0+$0x470] =	vst v0  }
0x1b: {  	[tilespmem:s0+$0x400] =	vst v0  }
0x1c: {  	[tilespmem:s0+$0x410] =	vst v0  }
.Ltmp0:
0x1d: {  	[tilespmem:s0+$0x420] =	vst v0;
	(pc) =	sbr.rel @p0 .LBB2_2-.Ltmp0, $4  }
0x1e: {  	[tilespmem:s0+$0x430] =	vst v0  }
0x1f: {  	[tilespmem:s0+$0x440] =	vst v0  }
0x20: {  	[tilespmem:s0+$0x450] =	vst v0  }
0x21: {  	[tilespmem:s0+$0x460] =	vst v0;
	s0 =	sshra.s32 s13, $0x2;
	s13 =	sadd.s32 $0x200, s13  }
0x22: {  	[tilespmem:s0+$0x470] =	vst v0  }
0x23: {  	[tilespmem:s0+$0x400] =	vst v0  }
0x24: {  	[tilespmem:s0+$0x410] =	vst v0  }
0x25: {  	[tilespmem:s0+$0x420] =	vst v0  }
0x26: {  	[tilespmem:s0+$0x430] =	vst v0  }
0x27: {  	[tilespmem:s0+$0x440] =	vst v0;
	p0 =	sne.s32 s28, $0x1  }
.Ltmp1:
0x28: {  	[tilespmem:s0+$0x450] =	vst v0;
	(pc) =	sbr.rel @!p0 .LBB2_5-.Ltmp1, $4  }
0x29: {  	[tilespmem:s0+$0x460] =	vst v0;
	s13 =	rddreg [dreg:$0xb]  }
0x2a: {  	[spmem:s13] =	stream.linear.scatter [tilespmem:s23], [sflag:$0x11], $0x2800, $0x38;
	[tilespmem:$0x1DC80] =	vst v63  }
0x2b: {  	_ =	swait.ge [sflag:s24], $0x2800  }
0x2c: {  	s0 =	sadd.s32 $0xFFFFFFFF, s28;
	[sflag:s24] =	ssyncset.done $0x0  }
.LBB2_4:
0x2d: {  	p1 =	sne.s32 s0, $0x1;
	[sflag:s24] =	ssyncadd.s32 $0xFFFFD800;
	s13 =	sadd.s32 $0x2800, s13  }
.Ltmp2:
0x2e: {  	s0 =	sadd.s32 $0xFFFFFFFF, s0;
	(pc) =	sbr.rel @p1 .LBB2_4-.Ltmp2, $4  }
0x2f: {  	_ = 	snop  }
0x30: {  	[spmem:s13] =	stream.linear.scatter [tilespmem:s23], [sflag:$0x11], $0x2800, $0x38;
	[tilespmem:$0x1DC80] =	vst v63  }
0x31: {  	_ =	swait.ge [sflag:s24], $0x2800  }
0x32: {  	[sflag:s24] =	ssyncset.done $0x0  }
.LBB2_5:
0x33: {  	[sflag:s24] =	ssyncadd.s32 $0xFFFFD800  }
0x34: {  	[bflag:$0x0] =	sbarrier.arrive $0xFFFF  }
0x35: {  	s21 =	simm.s32 $0x0;
	s0 =	rddreg [dreg:$0x4]  }
0x36: {  	[tilespmem:s21], [sflag:$0x1] =	stream.linear.gather [hbm4b:s0+s21], $0x50, $0x38;
	[tilespmem:$0x1DC80] =	vst v63  }
0x37: {  	s14 =	rddreg [dreg:$0x5]  }
0x38: {  	[tilespmem:s25], [sflag:$0x1] =	stream.linear.gather [hbm4b:s14+s21], $0x50, $0x38;
	[tilespmem:$0x1DC80] =	vst v63  }
0x39: {  	s28 =	rddreg [dreg:$0x6]  }
0x3a: {  	[tilespmem:s23], [sflag:$0x5] =	stream.linear.gather [hbm4b:s28+s21], $0x2800, $0x38;
	[tilespmem:$0x1DC80] =	vst v63  }
0x3b: {  	s13 =	simm.s32 $0x80;
	s29 =	rddreg [dreg:$0x7]  }
0x3c: {  	[tilespmem:s13], [sflag:$0x2] =	stream.linear.gather [hbm4b:s29+s21], $0x50, $0x38;
	[tilespmem:$0x1DC80] =	vst v63  }
0x3d: {  	s14 =	simm.s32 $0x280;
	s13 =	rddreg [dreg:$0x8]  }
0x3e: {  	[tilespmem:s14], [sflag:$0x2] =	stream.linear.gather [hbm4b:s13+s21], $0x50, $0x38;
	[tilespmem:$0x1DC80] =	vst v63  }
0x3f: {  	s28 =	rddreg [dreg:$0x9];
	s29 =	simm.s32 $0x2C00  }
0x40: {  	[tilespmem:s29], [sflag:$0x6] =	stream.linear.gather [hbm4b:s28+s21], $0x2800, $0x38;
	[tilespmem:$0x1DC80] =	vst v63  }
0x41: {  	_ =	swait.ge [sflag:s30], $0x50  }
0x42: {  	[sflag:s30] =	ssyncset.done $0x0  }
0x43: {  	[sflag:s30] =	ssyncadd.s32 $0xFFFFFFB0  }
0x44: {  	_ =	swait.ge [sflag:s30], $0x50  }
0x45: {  	[sflag:s30] =	ssyncset.done $0x0  }
.Ltmp3:
0x46: {  	[sflag:s30] =	ssyncadd.s32 $0xFFFFFFB0;
	(pc) =	sbr.rel .LBB2_6-.Ltmp3, $4  }
0x47: {  	_ =	swait.ge [sflag:s11], $0x2800  }
0x48: {  	[sflag:s11] =	ssyncset.done $0x0  }
0x49: {  	[sflag:s11] =	ssyncadd.s32 $0xFFFFD800  }
0x4a: {  	[tilespmem:s23], [sflag:$0x9] =	stream.indirect.gather.add.f32 [hbm:s3], $0x80, s21, s31, $0xb8;
	[tilespmem:$0x1DC80] =	vst v63  }
.LBB2_24:
0x4b: {  	s21 =	sadd.s32 $0x1, s21  }
0x4c: {  	p1 =	sne.s32 s21, $0x20  }
.Ltmp4:
0x4d: {  	_ = 	snop;
	(pc) =	sbr.rel @!p1 .LBB2_25-.Ltmp4, $1  }
0x4e: {  	_ =	sdelay $0x3  }
.LBB2_6:
0x4f: {  	s13 =	sshll.u32 s21, $0x2;
	p4 =	seq.s32 s21, $0x0  }
0x50: {  	s0 =	sor.u32 @!p4 $0x2, s13  }
0x51: {  	p1 =	sgt.u32 @!p4 s0, $0x7C  }
0x52: {  	p1 =	por p4, !p1  }
.Ltmp5:
0x53: {  	_ = 	snop;
	(pc) =	sbr.rel @!p1 .LBB2_8-.Ltmp5, $4  }
0x54: {  	s28 =	simm.s32 @!p4 $0xF  }
0x55: {  	_ =	swait.ge @!p4 [sflag:s28], $0x2800  }
0x56: {  	[sflag:s28] =	ssyncset.done @!p4 $0x0  }
0x57: {  	p3 =	por @!p4 $0x0, $0x0;
	[sflag:s28] =	ssyncadd.s32 @!p4 $0xFFFFD800  }
0x58: {  	s0 =	simm.s32 @p4 $0x2  }
0x59: {  	s0 =	smul.u32 $0x50, s0;
	_ =	sdelay $0x1  }
0x5a: {  	s0 =	sadd.s32 s10, s0  }
0x5b: {  	s28 =	sshrl.u32 s0, $0x3  }
0x5c: {  	s14 =	simm.s32 $0x100;
	s29 =	sadd.s32 s4, s28  }
0x5d: {  	[tilespmem:s14], [sflag:$0x3] =	stream.linear.gather [hbm4b:s29+s2], $0x50, $0x38;
	[tilespmem:$0x1DC80] =	vst v63  }
0x5e: {  	s0 =	sshll.u32 s0, $0x4;
	s28 =	sadd.s32 s6, s28  }
0x5f: {  	[tilespmem:s5], [sflag:$0x3] =	stream.linear.gather [hbm4b:s28+s2], $0x50, $0x38;
	[tilespmem:$0x1DC80] =	vst v63  }
0x60: {  	p3 =	por $0x1, $0x1;
	s0 =	sadd.s32 s7, s0  }
0x61: {  	[tilespmem:s26], [sflag:$0x7] =	stream.linear.gather [hbm4b:s0+s2], $0x2800, $0x38;
	[tilespmem:$0x1DC80] =	vst v63  }
.LBB2_8:
0x62: {  	p1 =	seq.s32 s21, $0x1F  }
0x63: {  	s0 =	simm.s32 @!p1 $0x2  }
0x64: {  	_ =	swait.ge @!p1 [sflag:s0], $0x50  }
0x65: {  	[sflag:s0] =	ssyncset.done @!p1 $0x0  }
0x66: {  	[sflag:s0] =	ssyncadd.s32 @!p1 $0xFFFFFFB0  }
0x67: {  	_ =	swait.ge @!p1 [sflag:s0], $0x50  }
0x68: {  	[sflag:s0] =	ssyncset.done @!p1 $0x0  }
0x69: {  	[sflag:s0] =	ssyncadd.s32 @!p1 $0xFFFFFFB0;
	s0 =	simm.s32 @!p1 $0x6  }
0x6a: {  	_ =	swait.ge @!p1 [sflag:s0], $0x2800  }
0x6b: {  	s28 =	simm.s32 @!p1 $0x80;
	[sflag:s0] =	ssyncset.done @!p1 $0x0  }
0x6c: {  	s29 =	simm.s32 @!p1 $0x2C00;
	[sflag:s0] =	ssyncadd.s32 @!p1 $0xFFFFD800;
	s0 =	simm.s32 @!p1 $0x50  }
0x6d: {  	[tilespmem:s29], [sflag:$0xA] =	stream.indirect.gather.add.f32 @!p1 [hbm:s3], $0x80, s28, s0, $0xb8;
	[tilespmem:$0x1DC80] =	vst v63  }
0x6e: {  	_ =	swait.ge [sflag:s12], $0x2800  }
0x6f: {  	[sflag:s12] =	ssyncset.done $0x0  }
0x70: {  	s0 =	simm.s32 $0x500;
	[sflag:s12] =	ssyncadd.s32 $0xFFFFD800  }
0x71: {  	v1 =	vld [tilespmem:s0+$0xFFFFFF10]  }
0x72: {  	v7 =	vld [tilespmem:s0+$0xF0]  }
0x73: {  	v2 =	vld [tilespmem:s0+$0xFFFFFF20]  }
0x74: {  	v8 =	vld [tilespmem:s0+$0xFFFFFF80]  }
0x75: {  	v3 =	vld [tilespmem:s0+$0xFFFFFF30]  }
0x76: {  	v9 =	vld [tilespmem:s0+$0xFFFFFF90];
	v1 =	vmax.f32 v1, $0.0e+00  }
0x77: {  	v4 =	vld [tilespmem:s0+$0xFFFFFF40];
	v7 =	vmax.f32 v7, $0.0e+00;
	[tilespmem:s0+$0xFFFFFF10] =	vst v1  }
0x78: {  	v5 =	vld [tilespmem:s0+$0xFFFFFF50];
	v2 =	vmax.f32 v2, $0.0e+00;
	[tilespmem:s0+$0xF0] =	vst v7  }
0x79: {  	v6 =	vld [tilespmem:s0+$0xFFFFFF60];
	[tilespmem:s0+$0xFFFFFF20] =	vst v2;
	v2 =	vmax.f32 v8, $0.0e+00  }
0x7a: {  	v1 =	vld [tilespmem:s0+$0xFFFFFF70];
	[tilespmem:s0+$0xFFFFFF80] =	vst v2;
	v2 =	vmax.f32 v3, $0.0e+00  }
0x7b: {  	v10 =	vld [tilespmem:s0+$0xFFFFFFA0];
	[tilespmem:s0+$0xFFFFFF30] =	vst v2;
	v2 =	vmax.f32 v9, $0.0e+00  }
0x7c: {  	v11 =	vld [tilespmem:s0+$0xFFFFFFB0];
	[tilespmem:s0+$0xFFFFFF90] =	vst v2;
	v2 =	vmax.f32 v4, $0.0e+00  }
0x7d: {  	v7 =	vld [tilespmem:s0+$0xFFFFFFC0];
	[tilespmem:s0+$0xFFFFFF40] =	vst v2;
	v2 =	vmax.f32 v5, $0.0e+00  }
0x7e: {  	v5 =	vld [tilespmem:s0+$0x0];
	[tilespmem:s0+$0xFFFFFF50] =	vst v2;
	v2 =	vmax.f32 v6, $0.0e+00  }
0x7f: {  	v8 =	vld [tilespmem:s0+$0xFFFFFFD0];
	v1 =	vmax.f32 v1, $0.0e+00;
	[tilespmem:s0+$0xFFFFFF60] =	vst v2  }
0x80: {  	v2 =	vld [tilespmem:s0+$0x10];
	[tilespmem:s0+$0xFFFFFF70] =	vst v1;
	v1 =	vmax.f32 v10, $0.0e+00  }
0x81: {  	v3 =	vld [tilespmem:s0+$0xFFFFFFE0];
	[tilespmem:s0+$0xFFFFFFA0] =	vst v1;
	v1 =	vmax.f32 v11, $0.0e+00  }
0x82: {  	v4 =	vld [tilespmem:s0+$0xFFFFFFF0];
	[tilespmem:s0+$0xFFFFFFB0] =	vst v1;
	v1 =	vmax.f32 v7, $0.0e+00  }
0x83: {  	v6 =	vld [tilespmem:s0+$0x20];
	[tilespmem:s0+$0xFFFFFFC0] =	vst v1;
	v1 =	vmax.f32 v5, $0.0e+00  }
0x84: {  	v5 =	vld [tilespmem:s0+$0x50];
	[tilespmem:s0+$0x0] =	vst v1;
	v1 =	vmax.f32 v8, $0.0e+00  }
0x85: {  	v63 =	vld [tilespmem:s0+$0x30];
	[tilespmem:s0+$0xFFFFFFD0] =	vst v1;
	v1 =	vmax.f32 v2, $0.0e+00  }
0x86: {  	v7 =	vld [tilespmem:s0+$0x40];
	[tilespmem:s0+$0x10] =	vst v1;
	v1 =	vmax.f32 v3, $0.0e+00  }
0x87: {  	v2 =	vld [tilespmem:s0+$0x60];
	[tilespmem:s0+$0xFFFFFFE0] =	vst v1;
	v1 =	vmax.f32 v4, $0.0e+00  }
0x88: {  	v3 =	vld [tilespmem:s0+$0x80];
	[tilespmem:s0+$0xFFFFFFF0] =	vst v1;
	v1 =	vmax.f32 v6, $0.0e+00  }
0x89: {  	v4 =	vld [tilespmem:s0+$0x70];
	v5 =	vmax.f32 v5, $0.0e+00;
	[tilespmem:s0+$0x20] =	vst v1  }
0x8a: {  	v6 =	vld [tilespmem:s0+$0x90];
	v1 =	vmax.f32 v63, $0.0e+00;
	[tilespmem:s0+$0x50] =	vst v5  }
0x8b: {  	[tilespmem:s0+$0x30] =	vst v1;
	v1 =	vmax.f32 v7, $0.0e+00;
	v7 =	vld [tilespmem:s0+$0xA0]  }
0x8c: {  	v5 =	vmax.f32 v2, $0.0e+00;
	[tilespmem:s0+$0x40] =	vst v1;
	v1 =	vld [tilespmem:s0+$0xB0]  }
0x8d: {  	v2 =	vld [tilespmem:s0+$0xC0];
	[tilespmem:s0+$0x60] =	vst v5;
	v5 =	vmax.f32 v3, $0.0e+00  }
0x8e: {  	v3 =	vld [tilespmem:s0+$0xD0];
	v4 =	vmax.f32 v4, $0.0e+00;
	[tilespmem:s0+$0x80] =	vst v5  }
0x8f: {  	[tilespmem:s0+$0x70] =	vst v4;
	v6 =	vmax.f32 v6, $0.0e+00;
	v4 =	vld [tilespmem:s0+$0xE0]  }
0x90: {  	s28 =	simm.s32 $0x0;
	s29 =	simm.s32 $0x700;
	v5 =	vld [tilespmem:s0+$0xFFFFFF00];
	[tilespmem:s0+$0x90] =	vst v6;
	v6 =	vmax.f32 v7, $0.0e+00  }
.LBB2_9:
0x91: {  	v7 =	vld [tilespmem:s29+$0xF0];
	s28 =	sadd.s32 $0x4, s28;
	[tilespmem:s0+$0xA0] =	vst v6;
	v1 =	vmax.f32 v1, $0.0e+00  }
0x92: {  	v6 =	vld [tilespmem:s29+$0xFFFFFF10];
	p2 =	slt.u32 s28, $0x4C;
	[tilespmem:s0+$0xB0] =	vst v1;
	v1 =	vmax.f32 v2, $0.0e+00  }
0x93: {  	v2 =	vld [tilespmem:s29+$0xFFFFFF20];
	[tilespmem:s0+$0xC0] =	vst v1;
	v1 =	vmax.f32 v3, $0.0e+00  }
0x94: {  	v3 =	vld [tilespmem:s29+$0xFFFFFF30];
	[tilespmem:s0+$0xD0] =	vst v1;
	v1 =	vmax.f32 v4, $0.0e+00  }
0x95: {  	v4 =	vld [tilespmem:s29+$0xFFFFFF40];
	v5 =	vmax.f32 v5, $0.0e+00;
	[tilespmem:s0+$0xE0] =	vst v1  }
0x96: {  	v1 =	vld [tilespmem:s29+$0xFFFFFF50];
	v7 =	vmax.f32 v7, $0.0e+00;
	[tilespmem:s0+$0xFFFFFF00] =	vst v5;
	s0 =	smov.u32 s29  }
0x97: {  	v5 =	vmax.f32 v6, $0.0e+00;
	v6 =	vld [tilespmem:s29+$0xFFFFFF60];
	[tilespmem:s29+$0xF0] =	vst v7  }
0x98: {  	[tilespmem:s29+$0xFFFFFF10] =	vst v5;
	v2 =	vmax.f32 v2, $0.0e+00;
	v5 =	vld [tilespmem:s29+$0xFFFFFF70]  }
0x99: {  	[tilespmem:s29+$0xFFFFFF20] =	vst v2;
	v2 =	vmax.f32 v3, $0.0e+00;
	v3 =	vld [tilespmem:s29+$0xFFFFFF80]  }
0x9a: {  	[tilespmem:s29+$0xFFFFFF30] =	vst v2;
	v2 =	vmax.f32 v4, $0.0e+00;
	v4 =	vld [tilespmem:s29+$0xFFFFFF90]  }
0x9b: {  	[tilespmem:s29+$0xFFFFFF40] =	vst v2;
	v1 =	vmax.f32 v1, $0.0e+00;
	v2 =	vld [tilespmem:s29+$0xFFFFFFA0]  }
0x9c: {  	[tilespmem:s29+$0xFFFFFF50] =	vst v1;
	v1 =	vmax.f32 v6, $0.0e+00;
	v6 =	vld [tilespmem:s29+$0xFFFFFFB0]  }
0x9d: {  	[tilespmem:s29+$0xFFFFFF60] =	vst v1;
	v1 =	vmax.f32 v5, $0.0e+00;
	v5 =	vld [tilespmem:s29+$0xFFFFFFC0]  }
0x9e: {  	[tilespmem:s29+$0xFFFFFF70] =	vst v1;
	v1 =	vmax.f32 v3, $0.0e+00;
	v3 =	vld [tilespmem:s29+$0xFFFFFFD0]  }
0x9f: {  	[tilespmem:s29+$0xFFFFFF80] =	vst v1;
	v1 =	vmax.f32 v4, $0.0e+00;
	v4 =	vld [tilespmem:s29+$0xFFFFFFE0]  }
0xa0: {  	[tilespmem:s29+$0xFFFFFF90] =	vst v1;
	v1 =	vmax.f32 v2, $0.0e+00;
	v2 =	vld [tilespmem:s29+$0xFFFFFFF0]  }
0xa1: {  	[tilespmem:s29+$0xFFFFFFA0] =	vst v1;
	v1 =	vmax.f32 v6, $0.0e+00;
	v6 =	vld [tilespmem:s29+$0x0]  }
0xa2: {  	[tilespmem:s29+$0xFFFFFFB0] =	vst v1;
	v1 =	vmax.f32 v5, $0.0e+00;
	v5 =	vld [tilespmem:s29+$0x10]  }
0xa3: {  	[tilespmem:s29+$0xFFFFFFC0] =	vst v1;
	v1 =	vmax.f32 v3, $0.0e+00;
	v3 =	vld [tilespmem:s29+$0x20]  }
0xa4: {  	[tilespmem:s29+$0xFFFFFFD0] =	vst v1;
	v1 =	vmax.f32 v4, $0.0e+00;
	v4 =	vld [tilespmem:s29+$0x30]  }
0xa5: {  	[tilespmem:s29+$0xFFFFFFE0] =	vst v1;
	v1 =	vmax.f32 v2, $0.0e+00;
	v2 =	vld [tilespmem:s29+$0x40]  }
0xa6: {  	[tilespmem:s29+$0xFFFFFFF0] =	vst v1;
	v1 =	vmax.f32 v6, $0.0e+00;
	v6 =	vld [tilespmem:s29+$0x50]  }
0xa7: {  	[tilespmem:s29+$0x0] =	vst v1;
	v1 =	vmax.f32 v5, $0.0e+00;
	v5 =	vld [tilespmem:s29+$0x60]  }
0xa8: {  	[tilespmem:s29+$0x10] =	vst v1;
	v1 =	vmax.f32 v3, $0.0e+00;
	v3 =	vld [tilespmem:s29+$0x70]  }
0xa9: {  	[tilespmem:s29+$0x20] =	vst v1;
	v1 =	vmax.f32 v4, $0.0e+00;
	v4 =	vld [tilespmem:s29+$0x80]  }
0xaa: {  	[tilespmem:s29+$0x30] =	vst v1;
	v1 =	vmax.f32 v2, $0.0e+00;
	v7 =	vld [tilespmem:s29+$0x90]  }
0xab: {  	[tilespmem:s29+$0x40] =	vst v1;
	v1 =	vmax.f32 v6, $0.0e+00;
	v6 =	vld [tilespmem:s29+$0xA0]  }
.Ltmp6:
0xac: {  	[tilespmem:s29+$0x50] =	vst v1;
	v2 =	vmax.f32 v5, $0.0e+00;
	v1 =	vld [tilespmem:s29+$0xB0];
	(pc) =	sbr.rel @p2 .LBB2_9-.Ltmp6, $4  }
0xad: {  	[tilespmem:s29+$0x60] =	vst v2;
	v3 =	vmax.f32 v3, $0.0e+00;
	v2 =	vld [tilespmem:s29+$0xC0]  }
0xae: {  	[tilespmem:s29+$0x70] =	vst v3;
	v4 =	vmax.f32 v4, $0.0e+00;
	v3 =	vld [tilespmem:s29+$0xD0]  }
0xaf: {  	[tilespmem:s29+$0x80] =	vst v4;
	v7 =	vmax.f32 v7, $0.0e+00;
	v4 =	vld [tilespmem:s29+$0xE0]  }
0xb0: {  	s29 =	sadd.s32 $0x200, s29;
	v5 =	vld [tilespmem:s0+$0xFFFFFF00];
	[tilespmem:s0+$0x90] =	vst v7;
	v6 =	vmax.f32 v6, $0.0e+00  }
0xb1: {  	[tilespmem:s0+$0xA0] =	vst v6;
	v1 =	vmax.f32 v1, $0.0e+00  }
0xb2: {  	p2 =	sgt.u32 s21, $0x1E;
	[tilespmem:s0+$0xB0] =	vst v1;
	v1 =	vmax.f32 v2, $0.0e+00  }
.Ltmp7:
0xb3: {  	[tilespmem:s0+$0xC0] =	vst v1;
	v1 =	vmax.f32 v3, $0.0e+00;
	(pc) =	sbr.rel @p2 .LBB2_16-.Ltmp7, $4  }
0xb4: {  	[tilespmem:s0+$0xD0] =	vst v1;
	v1 =	vmax.f32 v4, $0.0e+00  }
0xb5: {  	v2 =	vmax.f32 v5, $0.0e+00;
	[tilespmem:s0+$0xE0] =	vst v1  }
0xb6: {  	[tilespmem:s0+$0xFFFFFF00] =	vst v2  }
0xb7: {  	[spmem:s1] =	stream.indirect.scatter.add.f32 [tilespmem:s23], [sflag:$0xD], $0x80, s25, s31, $0xb8;
	[tilespmem:$0x1DC80] =	vst v63  }
0xb8: {  	s0 =	sor.u32 @!p4 $0x3, s13  }
0xb9: {  	p5 =	sgt.u32 @!p4 s0, $0x7C  }
0xba: {  	p5 =	por p4, !p5  }
.Ltmp8:
0xbb: {  	_ = 	snop;
	(pc) =	sbr.rel @!p5 .LBB2_13-.Ltmp8, $4  }
0xbc: {  	s28 =	simm.s32 @!p4 $0x10  }
0xbd: {  	_ =	swait.ge @!p4 [sflag:s28], $0x2800  }
0xbe: {  	[sflag:s28] =	ssyncset.done @!p4 $0x0  }
0xbf: {  	[sflag:s28] =	ssyncadd.s32 @!p4 $0xFFFFD800  }
0xc0: {  	s0 =	simm.s32 @p4 $0x3  }
0xc1: {  	s0 =	smul.u32 $0x50, s0;
	_ =	sdelay $0x1  }
0xc2: {  	s0 =	sadd.s32 s10, s0  }
0xc3: {  	s13 =	sshrl.u32 s0, $0x3  }
0xc4: {  	s14 =	simm.s32 $0x180;
	s28 =	sadd.s32 s4, s13  }
0xc5: {  	[tilespmem:s14], [sflag:$0x4] =	stream.linear.gather [hbm4b:s28+s2], $0x50, $0x38;
	[tilespmem:$0x1DC80] =	vst v63  }
0xc6: {  	s29 =	simm.s32 $0x380;
	s0 =	sshll.u32 s0, $0x4;
	s13 =	sadd.s32 s6, s13  }
0xc7: {  	[tilespmem:s29], [sflag:$0x4] =	stream.linear.gather [hbm4b:s13+s2], $0x50, $0x38;
	[tilespmem:$0x1DC80] =	vst v63  }
0xc8: {  	s0 =	sadd.s32 s7, s0  }
0xc9: {  	[tilespmem:s15], [sflag:$0x8] =	stream.linear.gather [hbm4b:s0+s2], $0x2800, $0x38;
	[tilespmem:$0x1DC80] =	vst v63  }
.LBB2_13:
0xca: {  	s0 =	simm.s32 @p3 $0x3  }
0xcb: {  	_ =	swait.ge @p3 [sflag:s0], $0x50  }
0xcc: {  	[sflag:s0] =	ssyncset.done @p3 $0x0  }
0xcd: {  	[sflag:s0] =	ssyncadd.s32 @p3 $0xFFFFFFB0  }
0xce: {  	_ =	swait.ge @p3 [sflag:s0], $0x50  }
0xcf: {  	[sflag:s0] =	ssyncset.done @p3 $0x0  }
0xd0: {  	[sflag:s0] =	ssyncadd.s32 @p3 $0xFFFFFFB0;
	s0 =	simm.s32 @p3 $0x7  }
0xd1: {  	_ =	swait.ge @p3 [sflag:s0], $0x2800  }
0xd2: {  	s13 =	simm.s32 @p3 $0x100;
	[sflag:s0] =	ssyncset.done @p3 $0x0  }
0xd3: {  	s28 =	simm.s32 @p3 $0x5400;
	[sflag:s0] =	ssyncadd.s32 @p3 $0xFFFFD800;
	s0 =	simm.s32 @p3 $0x50  }
0xd4: {  	[tilespmem:s28], [sflag:$0xB] =	stream.indirect.gather.add.f32 @p3 [hbm:s3], $0x80, s13, s0, $0xb8;
	[tilespmem:$0x1DC80] =	vst v63  }
0xd5: {  	_ =	swait.ge [sflag:s16], $0x2800  }
0xd6: {  	[sflag:s16] =	ssyncset.done $0x0  }
0xd7: {  	s0 =	simm.s32 $0x2D00;
	[sflag:s16] =	ssyncadd.s32 $0xFFFFD800  }
0xd8: {  	v1 =	vld [tilespmem:s0+$0xFFFFFF10]  }
0xd9: {  	v7 =	vld [tilespmem:s0+$0xF0]  }
0xda: {  	v2 =	vld [tilespmem:s0+$0xFFFFFF20]  }
0xdb: {  	v8 =	vld [tilespmem:s0+$0xFFFFFF80]  }
0xdc: {  	v3 =	vld [tilespmem:s0+$0xFFFFFF30]  }
0xdd: {  	v9 =	vld [tilespmem:s0+$0xFFFFFF90];
	v1 =	vmax.f32 v1, $0.0e+00  }
0xde: {  	v4 =	vld [tilespmem:s0+$0xFFFFFF40];
	v7 =	vmax.f32 v7, $0.0e+00;
	[tilespmem:s0+$0xFFFFFF10] =	vst v1  }
0xdf: {  	v5 =	vld [tilespmem:s0+$0xFFFFFF50];
	v2 =	vmax.f32 v2, $0.0e+00;
	[tilespmem:s0+$0xF0] =	vst v7  }
0xe0: {  	v6 =	vld [tilespmem:s0+$0xFFFFFF60];
	[tilespmem:s0+$0xFFFFFF20] =	vst v2;
	v2 =	vmax.f32 v8, $0.0e+00  }
0xe1: {  	v1 =	vld [tilespmem:s0+$0xFFFFFF70];
	[tilespmem:s0+$0xFFFFFF80] =	vst v2;
	v2 =	vmax.f32 v3, $0.0e+00  }
0xe2: {  	v10 =	vld [tilespmem:s0+$0xFFFFFFA0];
	[tilespmem:s0+$0xFFFFFF30] =	vst v2;
	v2 =	vmax.f32 v9, $0.0e+00  }
0xe3: {  	v11 =	vld [tilespmem:s0+$0xFFFFFFB0];
	[tilespmem:s0+$0xFFFFFF90] =	vst v2;
	v2 =	vmax.f32 v4, $0.0e+00  }
0xe4: {  	v7 =	vld [tilespmem:s0+$0xFFFFFFC0];
	[tilespmem:s0+$0xFFFFFF40] =	vst v2;
	v2 =	vmax.f32 v5, $0.0e+00  }
0xe5: {  	v5 =	vld [tilespmem:s0+$0x0];
	[tilespmem:s0+$0xFFFFFF50] =	vst v2;
	v2 =	vmax.f32 v6, $0.0e+00  }
0xe6: {  	v8 =	vld [tilespmem:s0+$0xFFFFFFD0];
	v1 =	vmax.f32 v1, $0.0e+00;
	[tilespmem:s0+$0xFFFFFF60] =	vst v2  }
0xe7: {  	v2 =	vld [tilespmem:s0+$0x10];
	[tilespmem:s0+$0xFFFFFF70] =	vst v1;
	v1 =	vmax.f32 v10, $0.0e+00  }
0xe8: {  	v3 =	vld [tilespmem:s0+$0xFFFFFFE0];
	[tilespmem:s0+$0xFFFFFFA0] =	vst v1;
	v1 =	vmax.f32 v11, $0.0e+00  }
0xe9: {  	v4 =	vld [tilespmem:s0+$0xFFFFFFF0];
	[tilespmem:s0+$0xFFFFFFB0] =	vst v1;
	v1 =	vmax.f32 v7, $0.0e+00  }
0xea: {  	v6 =	vld [tilespmem:s0+$0x20];
	[tilespmem:s0+$0xFFFFFFC0] =	vst v1;
	v1 =	vmax.f32 v5, $0.0e+00  }
0xeb: {  	v5 =	vld [tilespmem:s0+$0x50];
	[tilespmem:s0+$0x0] =	vst v1;
	v1 =	vmax.f32 v8, $0.0e+00  }
0xec: {  	v63 =	vld [tilespmem:s0+$0x30];
	[tilespmem:s0+$0xFFFFFFD0] =	vst v1;
	v1 =	vmax.f32 v2, $0.0e+00  }
0xed: {  	v7 =	vld [tilespmem:s0+$0x40];
	[tilespmem:s0+$0x10] =	vst v1;
	v1 =	vmax.f32 v3, $0.0e+00  }
0xee: {  	v2 =	vld [tilespmem:s0+$0x60];
	[tilespmem:s0+$0xFFFFFFE0] =	vst v1;
	v1 =	vmax.f32 v4, $0.0e+00  }
0xef: {  	v3 =	vld [tilespmem:s0+$0x80];
	[tilespmem:s0+$0xFFFFFFF0] =	vst v1;
	v1 =	vmax.f32 v6, $0.0e+00  }
0xf0: {  	v4 =	vld [tilespmem:s0+$0x70];
	v5 =	vmax.f32 v5, $0.0e+00;
	[tilespmem:s0+$0x20] =	vst v1  }
0xf1: {  	v6 =	vld [tilespmem:s0+$0x90];
	v1 =	vmax.f32 v63, $0.0e+00;
	[tilespmem:s0+$0x50] =	vst v5  }
0xf2: {  	[tilespmem:s0+$0x30] =	vst v1;
	v1 =	vmax.f32 v7, $0.0e+00;
	v7 =	vld [tilespmem:s0+$0xA0]  }
0xf3: {  	v5 =	vmax.f32 v2, $0.0e+00;
	[tilespmem:s0+$0x40] =	vst v1;
	v1 =	vld [tilespmem:s0+$0xB0]  }
0xf4: {  	v2 =	vld [tilespmem:s0+$0xC0];
	[tilespmem:s0+$0x60] =	vst v5;
	v5 =	vmax.f32 v3, $0.0e+00  }
0xf5: {  	v3 =	vld [tilespmem:s0+$0xD0];
	v4 =	vmax.f32 v4, $0.0e+00;
	[tilespmem:s0+$0x80] =	vst v5  }
0xf6: {  	[tilespmem:s0+$0x70] =	vst v4;
	v6 =	vmax.f32 v6, $0.0e+00;
	v4 =	vld [tilespmem:s0+$0xE0]  }
0xf7: {  	s13 =	simm.s32 $0x0;
	s28 =	simm.s32 $0x2F00;
	v5 =	vld [tilespmem:s0+$0xFFFFFF00];
	[tilespmem:s0+$0x90] =	vst v6;
	v6 =	vmax.f32 v7, $0.0e+00  }
.LBB2_14:
0xf8: {  	v7 =	vld [tilespmem:s28+$0xF0];
	s13 =	sadd.s32 $0x4, s13;
	[tilespmem:s0+$0xA0] =	vst v6;
	v1 =	vmax.f32 v1, $0.0e+00  }
0xf9: {  	v6 =	vld [tilespmem:s28+$0xFFFFFF10];
	p4 =	slt.u32 s13, $0x4C;
	[tilespmem:s0+$0xB0] =	vst v1;
	v1 =	vmax.f32 v2, $0.0e+00  }
0xfa: {  	v2 =	vld [tilespmem:s28+$0xFFFFFF20];
	[tilespmem:s0+$0xC0] =	vst v1;
	v1 =	vmax.f32 v3, $0.0e+00  }
0xfb: {  	v3 =	vld [tilespmem:s28+$0xFFFFFF30];
	[tilespmem:s0+$0xD0] =	vst v1;
	v1 =	vmax.f32 v4, $0.0e+00  }
0xfc: {  	v4 =	vld [tilespmem:s28+$0xFFFFFF40];
	v5 =	vmax.f32 v5, $0.0e+00;
	[tilespmem:s0+$0xE0] =	vst v1  }
0xfd: {  	v1 =	vld [tilespmem:s28+$0xFFFFFF50];
	v7 =	vmax.f32 v7, $0.0e+00;
	[tilespmem:s0+$0xFFFFFF00] =	vst v5;
	s0 =	smov.u32 s28  }
0xfe: {  	v5 =	vmax.f32 v6, $0.0e+00;
	v6 =	vld [tilespmem:s28+$0xFFFFFF60];
	[tilespmem:s28+$0xF0] =	vst v7  }
0xff: {  	[tilespmem:s28+$0xFFFFFF10] =	vst v5;
	v2 =	vmax.f32 v2, $0.0e+00;
	v5 =	vld [tilespmem:s28+$0xFFFFFF70]  }
0x100: {  	[tilespmem:s28+$0xFFFFFF20] =	vst v2;
	v2 =	vmax.f32 v3, $0.0e+00;
	v3 =	vld [tilespmem:s28+$0xFFFFFF80]  }
0x101: {  	[tilespmem:s28+$0xFFFFFF30] =	vst v2;
	v2 =	vmax.f32 v4, $0.0e+00;
	v4 =	vld [tilespmem:s28+$0xFFFFFF90]  }
0x102: {  	[tilespmem:s28+$0xFFFFFF40] =	vst v2;
	v1 =	vmax.f32 v1, $0.0e+00;
	v2 =	vld [tilespmem:s28+$0xFFFFFFA0]  }
0x103: {  	[tilespmem:s28+$0xFFFFFF50] =	vst v1;
	v1 =	vmax.f32 v6, $0.0e+00;
	v6 =	vld [tilespmem:s28+$0xFFFFFFB0]  }
0x104: {  	[tilespmem:s28+$0xFFFFFF60] =	vst v1;
	v1 =	vmax.f32 v5, $0.0e+00;
	v5 =	vld [tilespmem:s28+$0xFFFFFFC0]  }
0x105: {  	[tilespmem:s28+$0xFFFFFF70] =	vst v1;
	v1 =	vmax.f32 v3, $0.0e+00;
	v3 =	vld [tilespmem:s28+$0xFFFFFFD0]  }
0x106: {  	[tilespmem:s28+$0xFFFFFF80] =	vst v1;
	v1 =	vmax.f32 v4, $0.0e+00;
	v4 =	vld [tilespmem:s28+$0xFFFFFFE0]  }
0x107: {  	[tilespmem:s28+$0xFFFFFF90] =	vst v1;
	v1 =	vmax.f32 v2, $0.0e+00;
	v2 =	vld [tilespmem:s28+$0xFFFFFFF0]  }
0x108: {  	[tilespmem:s28+$0xFFFFFFA0] =	vst v1;
	v1 =	vmax.f32 v6, $0.0e+00;
	v6 =	vld [tilespmem:s28+$0x0]  }
0x109: {  	[tilespmem:s28+$0xFFFFFFB0] =	vst v1;
	v1 =	vmax.f32 v5, $0.0e+00;
	v5 =	vld [tilespmem:s28+$0x10]  }
0x10a: {  	[tilespmem:s28+$0xFFFFFFC0] =	vst v1;
	v1 =	vmax.f32 v3, $0.0e+00;
	v3 =	vld [tilespmem:s28+$0x20]  }
0x10b: {  	[tilespmem:s28+$0xFFFFFFD0] =	vst v1;
	v1 =	vmax.f32 v4, $0.0e+00;
	v4 =	vld [tilespmem:s28+$0x30]  }
0x10c: {  	[tilespmem:s28+$0xFFFFFFE0] =	vst v1;
	v1 =	vmax.f32 v2, $0.0e+00;
	v2 =	vld [tilespmem:s28+$0x40]  }
0x10d: {  	[tilespmem:s28+$0xFFFFFFF0] =	vst v1;
	v1 =	vmax.f32 v6, $0.0e+00;
	v6 =	vld [tilespmem:s28+$0x50]  }
0x10e: {  	[tilespmem:s28+$0x0] =	vst v1;
	v1 =	vmax.f32 v5, $0.0e+00;
	v5 =	vld [tilespmem:s28+$0x60]  }
0x10f: {  	[tilespmem:s28+$0x10] =	vst v1;
	v1 =	vmax.f32 v3, $0.0e+00;
	v3 =	vld [tilespmem:s28+$0x70]  }
0x110: {  	[tilespmem:s28+$0x20] =	vst v1;
	v1 =	vmax.f32 v4, $0.0e+00;
	v4 =	vld [tilespmem:s28+$0x80]  }
0x111: {  	[tilespmem:s28+$0x30] =	vst v1;
	v1 =	vmax.f32 v2, $0.0e+00;
	v7 =	vld [tilespmem:s28+$0x90]  }
0x112: {  	[tilespmem:s28+$0x40] =	vst v1;
	v1 =	vmax.f32 v6, $0.0e+00;
	v6 =	vld [tilespmem:s28+$0xA0]  }
.Ltmp9:
0x113: {  	[tilespmem:s28+$0x50] =	vst v1;
	v2 =	vmax.f32 v5, $0.0e+00;
	v1 =	vld [tilespmem:s28+$0xB0];
	(pc) =	sbr.rel @p4 .LBB2_14-.Ltmp9, $4  }
0x114: {  	[tilespmem:s28+$0x60] =	vst v2;
	v3 =	vmax.f32 v3, $0.0e+00;
	v2 =	vld [tilespmem:s28+$0xC0]  }
0x115: {  	[tilespmem:s28+$0x70] =	vst v3;
	v4 =	vmax.f32 v4, $0.0e+00;
	v3 =	vld [tilespmem:s28+$0xD0]  }
0x116: {  	[tilespmem:s28+$0x80] =	vst v4;
	v7 =	vmax.f32 v7, $0.0e+00;
	v4 =	vld [tilespmem:s28+$0xE0]  }
0x117: {  	s28 =	sadd.s32 $0x200, s28;
	v5 =	vld [tilespmem:s0+$0xFFFFFF00];
	[tilespmem:s0+$0x90] =	vst v7;
	v6 =	vmax.f32 v6, $0.0e+00  }
0x118: {  	[tilespmem:s0+$0xA0] =	vst v6;
	v1 =	vmax.f32 v1, $0.0e+00  }
0x119: {  	[tilespmem:s0+$0xB0] =	vst v1;
	v1 =	vmax.f32 v2, $0.0e+00  }
0x11a: {  	[tilespmem:s0+$0xC0] =	vst v1;
	v1 =	vmax.f32 v3, $0.0e+00  }
0x11b: {  	[tilespmem:s0+$0xD0] =	vst v1;
	v1 =	vmax.f32 v4, $0.0e+00  }
0x11c: {  	v2 =	vmax.f32 v5, $0.0e+00;
	[tilespmem:s0+$0xE0] =	vst v1  }
0x11d: {  	s29 =	simm.s32 $0x280;
	s13 =	simm.s32 $0x2C00;
	[tilespmem:s0+$0xFFFFFF00] =	vst v2  }
0x11e: {  	[spmem:s1] =	stream.indirect.scatter.add.f32 [tilespmem:s13], [sflag:$0xE], $0x80, s29, s31, $0xb8;
	[tilespmem:$0x1DC80] =	vst v63  }
.LBB2_16:
.Ltmp10:
0x11f: {  	(pc) =	sbr.rel @!p3 .LBB2_20-.Ltmp10, $1  }
0x120: {  	_ =	sdelay $0x3  }
0x121: {  	s0 =	smul.u32 @!p1 $0x140, s21;
	_ =	sdelay $0x1  }
0x122: {  	_ =	swait.ge [sflag:s17], $0x2800;
	s0 =	sadd.s32 @!p1 s0, s18  }
0x123: {  	[sflag:s17] =	ssyncset.done $0x0;
	s13 =	sshrl.u32 @!p1 s0, $0x3  }
0x124: {  	s29 =	simm.s32 @!p1 $0x0;
	[sflag:s17] =	ssyncadd.s32 $0xFFFFD800;
	s28 =	sadd.s32 @!p1 s4, s13  }
0x125: {  	[tilespmem:s29], [sflag:$0x1] =	stream.linear.gather @!p1 [hbm4b:s28+s29], $0x50, $0x38;
	[tilespmem:$0x1DC80] =	vst v63  }
0x126: {  	s0 =	sshll.u32 @!p1 s0, $0x4;
	s13 =	sadd.s32 @!p1 s6, s13;
	s28 =	simm.s32 @!p1 $0x200  }
0x127: {  	[tilespmem:s28], [sflag:$0x1] =	stream.linear.gather @!p1 [hbm4b:s13+s29], $0x50, $0x38;
	[tilespmem:$0x1DC80] =	vst v63  }
0x128: {  	s0 =	sadd.s32 @!p1 s7, s0;
	s13 =	simm.s32 @!p1 $0x400  }
0x129: {  	[tilespmem:s13], [sflag:$0x5] =	stream.linear.gather @!p1 [hbm4b:s0+s29], $0x2800, $0x38;
	[tilespmem:$0x1DC80] =	vst v63  }
0x12a: {  	s0 =	simm.s32 @!p1 $0x4  }
0x12b: {  	_ =	swait.ge @!p1 [sflag:s0], $0x50  }
0x12c: {  	[sflag:s0] =	ssyncset.done @!p1 $0x0  }
0x12d: {  	[sflag:s0] =	ssyncadd.s32 @!p1 $0xFFFFFFB0  }
0x12e: {  	_ =	swait.ge @!p1 [sflag:s0], $0x50  }
0x12f: {  	[sflag:s0] =	ssyncset.done @!p1 $0x0  }
0x130: {  	[sflag:s0] =	ssyncadd.s32 @!p1 $0xFFFFFFB0;
	s0 =	simm.s32 @!p1 $0x8  }
0x131: {  	_ =	swait.ge @!p1 [sflag:s0], $0x2800  }
0x132: {  	s28 =	simm.s32 @!p1 $0x7C00;
	[sflag:s0] =	ssyncset.done @!p1 $0x0  }
0x133: {  	s13 =	simm.s32 @!p1 $0x180;
	[sflag:s0] =	ssyncadd.s32 @!p1 $0xFFFFD800;
	s0 =	simm.s32 @!p1 $0x50  }
0x134: {  	[tilespmem:s28], [sflag:$0xC] =	stream.indirect.gather.add.f32 @!p1 [hbm:s3], $0x80, s13, s0, $0xb8;
	[tilespmem:$0x1DC80] =	vst v63  }
0x135: {  	_ =	swait.ge [sflag:s20], $0x2800  }
0x136: {  	[sflag:s20] =	ssyncset.done $0x0  }
0x137: {  	s0 =	simm.s32 $0x5500;
	[sflag:s20] =	ssyncadd.s32 $0xFFFFD800  }
0x138: {  	v1 =	vld [tilespmem:s0+$0xFFFFFF10]  }
0x139: {  	v7 =	vld [tilespmem:s0+$0xF0]  }
0x13a: {  	v2 =	vld [tilespmem:s0+$0xFFFFFF20]  }
0x13b: {  	v8 =	vld [tilespmem:s0+$0xFFFFFF80]  }
0x13c: {  	v3 =	vld [tilespmem:s0+$0xFFFFFF30]  }
0x13d: {  	v9 =	vld [tilespmem:s0+$0xFFFFFF90];
	v1 =	vmax.f32 v1, $0.0e+00  }
0x13e: {  	v4 =	vld [tilespmem:s0+$0xFFFFFF40];
	v7 =	vmax.f32 v7, $0.0e+00;
	[tilespmem:s0+$0xFFFFFF10] =	vst v1  }
0x13f: {  	v5 =	vld [tilespmem:s0+$0xFFFFFF50];
	v2 =	vmax.f32 v2, $0.0e+00;
	[tilespmem:s0+$0xF0] =	vst v7  }
0x140: {  	v6 =	vld [tilespmem:s0+$0xFFFFFF60];
	[tilespmem:s0+$0xFFFFFF20] =	vst v2;
	v2 =	vmax.f32 v8, $0.0e+00  }
0x141: {  	v1 =	vld [tilespmem:s0+$0xFFFFFF70];
	[tilespmem:s0+$0xFFFFFF80] =	vst v2;
	v2 =	vmax.f32 v3, $0.0e+00  }
0x142: {  	v10 =	vld [tilespmem:s0+$0xFFFFFFA0];
	[tilespmem:s0+$0xFFFFFF30] =	vst v2;
	v2 =	vmax.f32 v9, $0.0e+00  }
0x143: {  	v11 =	vld [tilespmem:s0+$0xFFFFFFB0];
	[tilespmem:s0+$0xFFFFFF90] =	vst v2;
	v2 =	vmax.f32 v4, $0.0e+00  }
0x144: {  	v7 =	vld [tilespmem:s0+$0xFFFFFFC0];
	[tilespmem:s0+$0xFFFFFF40] =	vst v2;
	v2 =	vmax.f32 v5, $0.0e+00  }
0x145: {  	v5 =	vld [tilespmem:s0+$0x0];
	[tilespmem:s0+$0xFFFFFF50] =	vst v2;
	v2 =	vmax.f32 v6, $0.0e+00  }
0x146: {  	v8 =	vld [tilespmem:s0+$0xFFFFFFD0];
	v1 =	vmax.f32 v1, $0.0e+00;
	[tilespmem:s0+$0xFFFFFF60] =	vst v2  }
0x147: {  	v2 =	vld [tilespmem:s0+$0x10];
	[tilespmem:s0+$0xFFFFFF70] =	vst v1;
	v1 =	vmax.f32 v10, $0.0e+00  }
0x148: {  	v3 =	vld [tilespmem:s0+$0xFFFFFFE0];
	[tilespmem:s0+$0xFFFFFFA0] =	vst v1;
	v1 =	vmax.f32 v11, $0.0e+00  }
0x149: {  	v4 =	vld [tilespmem:s0+$0xFFFFFFF0];
	[tilespmem:s0+$0xFFFFFFB0] =	vst v1;
	v1 =	vmax.f32 v7, $0.0e+00  }
0x14a: {  	v6 =	vld [tilespmem:s0+$0x20];
	[tilespmem:s0+$0xFFFFFFC0] =	vst v1;
	v1 =	vmax.f32 v5, $0.0e+00  }
0x14b: {  	v5 =	vld [tilespmem:s0+$0x50];
	[tilespmem:s0+$0x0] =	vst v1;
	v1 =	vmax.f32 v8, $0.0e+00  }
0x14c: {  	v63 =	vld [tilespmem:s0+$0x30];
	[tilespmem:s0+$0xFFFFFFD0] =	vst v1;
	v1 =	vmax.f32 v2, $0.0e+00  }
0x14d: {  	v7 =	vld [tilespmem:s0+$0x40];
	[tilespmem:s0+$0x10] =	vst v1;
	v1 =	vmax.f32 v3, $0.0e+00  }
0x14e: {  	v2 =	vld [tilespmem:s0+$0x60];
	[tilespmem:s0+$0xFFFFFFE0] =	vst v1;
	v1 =	vmax.f32 v4, $0.0e+00  }
0x14f: {  	v3 =	vld [tilespmem:s0+$0x80];
	[tilespmem:s0+$0xFFFFFFF0] =	vst v1;
	v1 =	vmax.f32 v6, $0.0e+00  }
0x150: {  	v4 =	vld [tilespmem:s0+$0x70];
	v5 =	vmax.f32 v5, $0.0e+00;
	[tilespmem:s0+$0x20] =	vst v1  }
0x151: {  	v6 =	vld [tilespmem:s0+$0x90];
	v1 =	vmax.f32 v63, $0.0e+00;
	[tilespmem:s0+$0x50] =	vst v5  }
0x152: {  	[tilespmem:s0+$0x30] =	vst v1;
	v1 =	vmax.f32 v7, $0.0e+00;
	v7 =	vld [tilespmem:s0+$0xA0]  }
0x153: {  	v5 =	vmax.f32 v2, $0.0e+00;
	[tilespmem:s0+$0x40] =	vst v1;
	v1 =	vld [tilespmem:s0+$0xB0]  }
0x154: {  	v2 =	vld [tilespmem:s0+$0xC0];
	[tilespmem:s0+$0x60] =	vst v5;
	v5 =	vmax.f32 v3, $0.0e+00  }
0x155: {  	v3 =	vld [tilespmem:s0+$0xD0];
	v4 =	vmax.f32 v4, $0.0e+00;
	[tilespmem:s0+$0x80] =	vst v5  }
0x156: {  	[tilespmem:s0+$0x70] =	vst v4;
	v6 =	vmax.f32 v6, $0.0e+00;
	v4 =	vld [tilespmem:s0+$0xE0]  }
0x157: {  	s13 =	simm.s32 $0x0;
	s28 =	simm.s32 $0x5700;
	v5 =	vld [tilespmem:s0+$0xFFFFFF00];
	[tilespmem:s0+$0x90] =	vst v6;
	v6 =	vmax.f32 v7, $0.0e+00  }
.LBB2_18:
0x158: {  	v7 =	vld [tilespmem:s28+$0xF0];
	s13 =	sadd.s32 $0x4, s13;
	[tilespmem:s0+$0xA0] =	vst v6;
	v1 =	vmax.f32 v1, $0.0e+00  }
0x159: {  	v6 =	vld [tilespmem:s28+$0xFFFFFF10];
	p1 =	slt.u32 s13, $0x4C;
	[tilespmem:s0+$0xB0] =	vst v1;
	v1 =	vmax.f32 v2, $0.0e+00  }
0x15a: {  	v2 =	vld [tilespmem:s28+$0xFFFFFF20];
	[tilespmem:s0+$0xC0] =	vst v1;
	v1 =	vmax.f32 v3, $0.0e+00  }
0x15b: {  	v3 =	vld [tilespmem:s28+$0xFFFFFF30];
	[tilespmem:s0+$0xD0] =	vst v1;
	v1 =	vmax.f32 v4, $0.0e+00  }
0x15c: {  	v4 =	vld [tilespmem:s28+$0xFFFFFF40];
	v5 =	vmax.f32 v5, $0.0e+00;
	[tilespmem:s0+$0xE0] =	vst v1  }
0x15d: {  	v1 =	vld [tilespmem:s28+$0xFFFFFF50];
	v7 =	vmax.f32 v7, $0.0e+00;
	[tilespmem:s0+$0xFFFFFF00] =	vst v5;
	s0 =	smov.u32 s28  }
0x15e: {  	v5 =	vmax.f32 v6, $0.0e+00;
	v6 =	vld [tilespmem:s28+$0xFFFFFF60];
	[tilespmem:s28+$0xF0] =	vst v7  }
0x15f: {  	[tilespmem:s28+$0xFFFFFF10] =	vst v5;
	v2 =	vmax.f32 v2, $0.0e+00;
	v5 =	vld [tilespmem:s28+$0xFFFFFF70]  }
0x160: {  	[tilespmem:s28+$0xFFFFFF20] =	vst v2;
	v2 =	vmax.f32 v3, $0.0e+00;
	v3 =	vld [tilespmem:s28+$0xFFFFFF80]  }
0x161: {  	[tilespmem:s28+$0xFFFFFF30] =	vst v2;
	v2 =	vmax.f32 v4, $0.0e+00;
	v4 =	vld [tilespmem:s28+$0xFFFFFF90]  }
0x162: {  	[tilespmem:s28+$0xFFFFFF40] =	vst v2;
	v1 =	vmax.f32 v1, $0.0e+00;
	v2 =	vld [tilespmem:s28+$0xFFFFFFA0]  }
0x163: {  	[tilespmem:s28+$0xFFFFFF50] =	vst v1;
	v1 =	vmax.f32 v6, $0.0e+00;
	v6 =	vld [tilespmem:s28+$0xFFFFFFB0]  }
0x164: {  	[tilespmem:s28+$0xFFFFFF60] =	vst v1;
	v1 =	vmax.f32 v5, $0.0e+00;
	v5 =	vld [tilespmem:s28+$0xFFFFFFC0]  }
0x165: {  	[tilespmem:s28+$0xFFFFFF70] =	vst v1;
	v1 =	vmax.f32 v3, $0.0e+00;
	v3 =	vld [tilespmem:s28+$0xFFFFFFD0]  }
0x166: {  	[tilespmem:s28+$0xFFFFFF80] =	vst v1;
	v1 =	vmax.f32 v4, $0.0e+00;
	v4 =	vld [tilespmem:s28+$0xFFFFFFE0]  }
0x167: {  	[tilespmem:s28+$0xFFFFFF90] =	vst v1;
	v1 =	vmax.f32 v2, $0.0e+00;
	v2 =	vld [tilespmem:s28+$0xFFFFFFF0]  }
0x168: {  	[tilespmem:s28+$0xFFFFFFA0] =	vst v1;
	v1 =	vmax.f32 v6, $0.0e+00;
	v6 =	vld [tilespmem:s28+$0x0]  }
0x169: {  	[tilespmem:s28+$0xFFFFFFB0] =	vst v1;
	v1 =	vmax.f32 v5, $0.0e+00;
	v5 =	vld [tilespmem:s28+$0x10]  }
0x16a: {  	[tilespmem:s28+$0xFFFFFFC0] =	vst v1;
	v1 =	vmax.f32 v3, $0.0e+00;
	v3 =	vld [tilespmem:s28+$0x20]  }
0x16b: {  	[tilespmem:s28+$0xFFFFFFD0] =	vst v1;
	v1 =	vmax.f32 v4, $0.0e+00;
	v4 =	vld [tilespmem:s28+$0x30]  }
0x16c: {  	[tilespmem:s28+$0xFFFFFFE0] =	vst v1;
	v1 =	vmax.f32 v2, $0.0e+00;
	v2 =	vld [tilespmem:s28+$0x40]  }
0x16d: {  	[tilespmem:s28+$0xFFFFFFF0] =	vst v1;
	v1 =	vmax.f32 v6, $0.0e+00;
	v6 =	vld [tilespmem:s28+$0x50]  }
0x16e: {  	[tilespmem:s28+$0x0] =	vst v1;
	v1 =	vmax.f32 v5, $0.0e+00;
	v5 =	vld [tilespmem:s28+$0x60]  }
0x16f: {  	[tilespmem:s28+$0x10] =	vst v1;
	v1 =	vmax.f32 v3, $0.0e+00;
	v3 =	vld [tilespmem:s28+$0x70]  }
0x170: {  	[tilespmem:s28+$0x20] =	vst v1;
	v1 =	vmax.f32 v4, $0.0e+00;
	v4 =	vld [tilespmem:s28+$0x80]  }
0x171: {  	[tilespmem:s28+$0x30] =	vst v1;
	v1 =	vmax.f32 v2, $0.0e+00;
	v7 =	vld [tilespmem:s28+$0x90]  }
0x172: {  	[tilespmem:s28+$0x40] =	vst v1;
	v1 =	vmax.f32 v6, $0.0e+00;
	v6 =	vld [tilespmem:s28+$0xA0]  }
.Ltmp11:
0x173: {  	[tilespmem:s28+$0x50] =	vst v1;
	v2 =	vmax.f32 v5, $0.0e+00;
	v1 =	vld [tilespmem:s28+$0xB0];
	(pc) =	sbr.rel @p1 .LBB2_18-.Ltmp11, $4  }
0x174: {  	[tilespmem:s28+$0x60] =	vst v2;
	v3 =	vmax.f32 v3, $0.0e+00;
	v2 =	vld [tilespmem:s28+$0xC0]  }
0x175: {  	[tilespmem:s28+$0x70] =	vst v3;
	v4 =	vmax.f32 v4, $0.0e+00;
	v3 =	vld [tilespmem:s28+$0xD0]  }
0x176: {  	[tilespmem:s28+$0x80] =	vst v4;
	v7 =	vmax.f32 v7, $0.0e+00;
	v4 =	vld [tilespmem:s28+$0xE0]  }
0x177: {  	s28 =	sadd.s32 $0x200, s28;
	v5 =	vld [tilespmem:s0+$0xFFFFFF00];
	[tilespmem:s0+$0x90] =	vst v7;
	v6 =	vmax.f32 v6, $0.0e+00  }
0x178: {  	[tilespmem:s0+$0xA0] =	vst v6;
	v1 =	vmax.f32 v1, $0.0e+00  }
0x179: {  	[tilespmem:s0+$0xB0] =	vst v1;
	v1 =	vmax.f32 v2, $0.0e+00  }
0x17a: {  	[tilespmem:s0+$0xC0] =	vst v1;
	v1 =	vmax.f32 v3, $0.0e+00  }
0x17b: {  	[tilespmem:s0+$0xD0] =	vst v1;
	v1 =	vmax.f32 v4, $0.0e+00  }
0x17c: {  	v2 =	vmax.f32 v5, $0.0e+00;
	[tilespmem:s0+$0xE0] =	vst v1  }
0x17d: {  	[tilespmem:s0+$0xFFFFFF00] =	vst v2  }
0x17e: {  	[spmem:s1] =	stream.indirect.scatter.add.f32 [tilespmem:s26], [sflag:$0xF], $0x80, s5, s31, $0xb8;
	[tilespmem:$0x1DC80] =	vst v63  }
.LBB2_20:
.Ltmp12:
0x17f: {  	(pc) =	sbr.rel @p2 .LBB2_24-.Ltmp12, $1  }
0x180: {  	_ =	sdelay $0x3  }
0x181: {  	p1 =	seq.s32 s21, $0x1E  }
0x182: {  	s0 =	smul.u32 @!p1 $0x140, s21;
	_ =	sdelay $0x1  }
0x183: {  	_ =	swait.ge [sflag:s22], $0x2800;
	s0 =	sadd.s32 @!p1 s0, s19  }
0x184: {  	[sflag:s22] =	ssyncset.done $0x0;
	s29 =	simm.s32 @!p1 $0x0;
	s13 =	sshrl.u32 @!p1 s0, $0x3  }
0x185: {  	s14 =	simm.s32 @!p1 $0x80;
	[sflag:s22] =	ssyncadd.s32 $0xFFFFD800;
	s28 =	sadd.s32 @!p1 s4, s13  }
0x186: {  	[tilespmem:s14], [sflag:$0x2] =	stream.linear.gather @!p1 [hbm4b:s28+s29], $0x50, $0x38;
	[tilespmem:$0x1DC80] =	vst v63  }
0x187: {  	s0 =	sshll.u32 @!p1 s0, $0x4;
	s13 =	sadd.s32 @!p1 s6, s13;
	s14 =	simm.s32 @!p1 $0x280  }
0x188: {  	[tilespmem:s14], [sflag:$0x2] =	stream.linear.gather @!p1 [hbm4b:s13+s29], $0x50, $0x38;
	[tilespmem:$0x1DC80] =	vst v63  }
0x189: {  	s0 =	sadd.s32 @!p1 s7, s0;
	s13 =	simm.s32 @!p1 $0x2C00  }
0x18a: {  	[tilespmem:s13], [sflag:$0x6] =	stream.linear.gather @!p1 [hbm4b:s0+s29], $0x2800, $0x38;
	[tilespmem:$0x1DC80] =	vst v63  }
0x18b: {  	_ =	swait.ge [sflag:s30], $0x50  }
0x18c: {  	[sflag:s30] =	ssyncset.done $0x0  }
0x18d: {  	[sflag:s30] =	ssyncadd.s32 $0xFFFFFFB0  }
0x18e: {  	_ =	swait.ge [sflag:s30], $0x50  }
0x18f: {  	[sflag:s30] =	ssyncset.done $0x0  }
0x190: {  	[sflag:s30] =	ssyncadd.s32 $0xFFFFFFB0  }
0x191: {  	_ =	swait.ge [sflag:s11], $0x2800  }
0x192: {  	[sflag:s11] =	ssyncset.done $0x0  }
0x193: {  	[sflag:s11] =	ssyncadd.s32 $0xFFFFD800  }
0x194: {  	[tilespmem:s23], [sflag:$0x9] =	stream.indirect.gather.add.f32 [hbm:s3], $0x80, s2, s31, $0xb8;
	[tilespmem:$0x1DC80] =	vst v63  }
0x195: {  	_ =	swait.ge [sflag:s9], $0x2800  }
0x196: {  	[sflag:s9] =	ssyncset.done $0x0  }
0x197: {  	s0 =	simm.s32 $0x7D00;
	[sflag:s9] =	ssyncadd.s32 $0xFFFFD800  }
0x198: {  	v1 =	vld [tilespmem:s0+$0xFFFFFF10]  }
0x199: {  	v7 =	vld [tilespmem:s0+$0xF0]  }
0x19a: {  	v2 =	vld [tilespmem:s0+$0xFFFFFF20]  }
0x19b: {  	v8 =	vld [tilespmem:s0+$0xFFFFFF80]  }
0x19c: {  	v3 =	vld [tilespmem:s0+$0xFFFFFF30]  }
0x19d: {  	v9 =	vld [tilespmem:s0+$0xFFFFFF90];
	v1 =	vmax.f32 v1, $0.0e+00  }
0x19e: {  	v4 =	vld [tilespmem:s0+$0xFFFFFF40];
	v7 =	vmax.f32 v7, $0.0e+00;
	[tilespmem:s0+$0xFFFFFF10] =	vst v1  }
0x19f: {  	v5 =	vld [tilespmem:s0+$0xFFFFFF50];
	v2 =	vmax.f32 v2, $0.0e+00;
	[tilespmem:s0+$0xF0] =	vst v7  }
0x1a0: {  	v6 =	vld [tilespmem:s0+$0xFFFFFF60];
	[tilespmem:s0+$0xFFFFFF20] =	vst v2;
	v2 =	vmax.f32 v8, $0.0e+00  }
0x1a1: {  	v1 =	vld [tilespmem:s0+$0xFFFFFF70];
	[tilespmem:s0+$0xFFFFFF80] =	vst v2;
	v2 =	vmax.f32 v3, $0.0e+00  }
0x1a2: {  	v10 =	vld [tilespmem:s0+$0xFFFFFFA0];
	[tilespmem:s0+$0xFFFFFF30] =	vst v2;
	v2 =	vmax.f32 v9, $0.0e+00  }
0x1a3: {  	v11 =	vld [tilespmem:s0+$0xFFFFFFB0];
	[tilespmem:s0+$0xFFFFFF90] =	vst v2;
	v2 =	vmax.f32 v4, $0.0e+00  }
0x1a4: {  	v7 =	vld [tilespmem:s0+$0xFFFFFFC0];
	[tilespmem:s0+$0xFFFFFF40] =	vst v2;
	v2 =	vmax.f32 v5, $0.0e+00  }
0x1a5: {  	v5 =	vld [tilespmem:s0+$0x0];
	[tilespmem:s0+$0xFFFFFF50] =	vst v2;
	v2 =	vmax.f32 v6, $0.0e+00  }
0x1a6: {  	v8 =	vld [tilespmem:s0+$0xFFFFFFD0];
	v1 =	vmax.f32 v1, $0.0e+00;
	[tilespmem:s0+$0xFFFFFF60] =	vst v2  }
0x1a7: {  	v2 =	vld [tilespmem:s0+$0x10];
	[tilespmem:s0+$0xFFFFFF70] =	vst v1;
	v1 =	vmax.f32 v10, $0.0e+00  }
0x1a8: {  	v3 =	vld [tilespmem:s0+$0xFFFFFFE0];
	[tilespmem:s0+$0xFFFFFFA0] =	vst v1;
	v1 =	vmax.f32 v11, $0.0e+00  }
0x1a9: {  	v4 =	vld [tilespmem:s0+$0xFFFFFFF0];
	[tilespmem:s0+$0xFFFFFFB0] =	vst v1;
	v1 =	vmax.f32 v7, $0.0e+00  }
0x1aa: {  	v6 =	vld [tilespmem:s0+$0x20];
	[tilespmem:s0+$0xFFFFFFC0] =	vst v1;
	v1 =	vmax.f32 v5, $0.0e+00  }
0x1ab: {  	v5 =	vld [tilespmem:s0+$0x50];
	[tilespmem:s0+$0x0] =	vst v1;
	v1 =	vmax.f32 v8, $0.0e+00  }
0x1ac: {  	v63 =	vld [tilespmem:s0+$0x30];
	[tilespmem:s0+$0xFFFFFFD0] =	vst v1;
	v1 =	vmax.f32 v2, $0.0e+00  }
0x1ad: {  	v7 =	vld [tilespmem:s0+$0x40];
	[tilespmem:s0+$0x10] =	vst v1;
	v1 =	vmax.f32 v3, $0.0e+00  }
0x1ae: {  	v2 =	vld [tilespmem:s0+$0x60];
	[tilespmem:s0+$0xFFFFFFE0] =	vst v1;
	v1 =	vmax.f32 v4, $0.0e+00  }
0x1af: {  	v3 =	vld [tilespmem:s0+$0x80];
	[tilespmem:s0+$0xFFFFFFF0] =	vst v1;
	v1 =	vmax.f32 v6, $0.0e+00  }
0x1b0: {  	v4 =	vld [tilespmem:s0+$0x70];
	v5 =	vmax.f32 v5, $0.0e+00;
	[tilespmem:s0+$0x20] =	vst v1  }
0x1b1: {  	v6 =	vld [tilespmem:s0+$0x90];
	v1 =	vmax.f32 v63, $0.0e+00;
	[tilespmem:s0+$0x50] =	vst v5  }
0x1b2: {  	[tilespmem:s0+$0x30] =	vst v1;
	v1 =	vmax.f32 v7, $0.0e+00;
	v7 =	vld [tilespmem:s0+$0xA0]  }
0x1b3: {  	v5 =	vmax.f32 v2, $0.0e+00;
	[tilespmem:s0+$0x40] =	vst v1;
	v1 =	vld [tilespmem:s0+$0xB0]  }
0x1b4: {  	v2 =	vld [tilespmem:s0+$0xC0];
	[tilespmem:s0+$0x60] =	vst v5;
	v5 =	vmax.f32 v3, $0.0e+00  }
0x1b5: {  	v3 =	vld [tilespmem:s0+$0xD0];
	v4 =	vmax.f32 v4, $0.0e+00;
	[tilespmem:s0+$0x80] =	vst v5  }
0x1b6: {  	[tilespmem:s0+$0x70] =	vst v4;
	v6 =	vmax.f32 v6, $0.0e+00;
	v4 =	vld [tilespmem:s0+$0xE0]  }
0x1b7: {  	s28 =	simm.s32 $0x7F00;
	s13 =	simm.s32 $0x0;
	v5 =	vld [tilespmem:s0+$0xFFFFFF00];
	[tilespmem:s0+$0x90] =	vst v6;
	v6 =	vmax.f32 v7, $0.0e+00  }
.LBB2_22:
0x1b8: {  	v7 =	vld [tilespmem:s28+$0xF0];
	s13 =	sadd.s32 $0x4, s13;
	[tilespmem:s0+$0xA0] =	vst v6;
	v1 =	vmax.f32 v1, $0.0e+00  }
0x1b9: {  	v6 =	vld [tilespmem:s28+$0xFFFFFF10];
	p1 =	slt.u32 s13, $0x4C;
	[tilespmem:s0+$0xB0] =	vst v1;
	v1 =	vmax.f32 v2, $0.0e+00  }
0x1ba: {  	v2 =	vld [tilespmem:s28+$0xFFFFFF20];
	[tilespmem:s0+$0xC0] =	vst v1;
	v1 =	vmax.f32 v3, $0.0e+00  }
0x1bb: {  	v3 =	vld [tilespmem:s28+$0xFFFFFF30];
	[tilespmem:s0+$0xD0] =	vst v1;
	v1 =	vmax.f32 v4, $0.0e+00  }
0x1bc: {  	v4 =	vld [tilespmem:s28+$0xFFFFFF40];
	v5 =	vmax.f32 v5, $0.0e+00;
	[tilespmem:s0+$0xE0] =	vst v1  }
0x1bd: {  	v1 =	vld [tilespmem:s28+$0xFFFFFF50];
	v7 =	vmax.f32 v7, $0.0e+00;
	[tilespmem:s0+$0xFFFFFF00] =	vst v5;
	s0 =	smov.u32 s28  }
0x1be: {  	v5 =	vmax.f32 v6, $0.0e+00;
	v6 =	vld [tilespmem:s28+$0xFFFFFF60];
	[tilespmem:s28+$0xF0] =	vst v7  }
0x1bf: {  	[tilespmem:s28+$0xFFFFFF10] =	vst v5;
	v2 =	vmax.f32 v2, $0.0e+00;
	v5 =	vld [tilespmem:s28+$0xFFFFFF70]  }
0x1c0: {  	[tilespmem:s28+$0xFFFFFF20] =	vst v2;
	v2 =	vmax.f32 v3, $0.0e+00;
	v3 =	vld [tilespmem:s28+$0xFFFFFF80]  }
0x1c1: {  	[tilespmem:s28+$0xFFFFFF30] =	vst v2;
	v2 =	vmax.f32 v4, $0.0e+00;
	v4 =	vld [tilespmem:s28+$0xFFFFFF90]  }
0x1c2: {  	[tilespmem:s28+$0xFFFFFF40] =	vst v2;
	v1 =	vmax.f32 v1, $0.0e+00;
	v2 =	vld [tilespmem:s28+$0xFFFFFFA0]  }
0x1c3: {  	[tilespmem:s28+$0xFFFFFF50] =	vst v1;
	v1 =	vmax.f32 v6, $0.0e+00;
	v6 =	vld [tilespmem:s28+$0xFFFFFFB0]  }
0x1c4: {  	[tilespmem:s28+$0xFFFFFF60] =	vst v1;
	v1 =	vmax.f32 v5, $0.0e+00;
	v5 =	vld [tilespmem:s28+$0xFFFFFFC0]  }
0x1c5: {  	[tilespmem:s28+$0xFFFFFF70] =	vst v1;
	v1 =	vmax.f32 v3, $0.0e+00;
	v3 =	vld [tilespmem:s28+$0xFFFFFFD0]  }
0x1c6: {  	[tilespmem:s28+$0xFFFFFF80] =	vst v1;
	v1 =	vmax.f32 v4, $0.0e+00;
	v4 =	vld [tilespmem:s28+$0xFFFFFFE0]  }
0x1c7: {  	[tilespmem:s28+$0xFFFFFF90] =	vst v1;
	v1 =	vmax.f32 v2, $0.0e+00;
	v2 =	vld [tilespmem:s28+$0xFFFFFFF0]  }
0x1c8: {  	[tilespmem:s28+$0xFFFFFFA0] =	vst v1;
	v1 =	vmax.f32 v6, $0.0e+00;
	v6 =	vld [tilespmem:s28+$0x0]  }
0x1c9: {  	[tilespmem:s28+$0xFFFFFFB0] =	vst v1;
	v1 =	vmax.f32 v5, $0.0e+00;
	v5 =	vld [tilespmem:s28+$0x10]  }
0x1ca: {  	[tilespmem:s28+$0xFFFFFFC0] =	vst v1;
	v1 =	vmax.f32 v3, $0.0e+00;
	v3 =	vld [tilespmem:s28+$0x20]  }
0x1cb: {  	[tilespmem:s28+$0xFFFFFFD0] =	vst v1;
	v1 =	vmax.f32 v4, $0.0e+00;
	v4 =	vld [tilespmem:s28+$0x30]  }
0x1cc: {  	[tilespmem:s28+$0xFFFFFFE0] =	vst v1;
	v1 =	vmax.f32 v2, $0.0e+00;
	v2 =	vld [tilespmem:s28+$0x40]  }
0x1cd: {  	[tilespmem:s28+$0xFFFFFFF0] =	vst v1;
	v1 =	vmax.f32 v6, $0.0e+00;
	v6 =	vld [tilespmem:s28+$0x50]  }
0x1ce: {  	[tilespmem:s28+$0x0] =	vst v1;
	v1 =	vmax.f32 v5, $0.0e+00;
	v5 =	vld [tilespmem:s28+$0x60]  }
0x1cf: {  	[tilespmem:s28+$0x10] =	vst v1;
	v1 =	vmax.f32 v3, $0.0e+00;
	v3 =	vld [tilespmem:s28+$0x70]  }
0x1d0: {  	[tilespmem:s28+$0x20] =	vst v1;
	v1 =	vmax.f32 v4, $0.0e+00;
	v4 =	vld [tilespmem:s28+$0x80]  }
0x1d1: {  	[tilespmem:s28+$0x30] =	vst v1;
	v1 =	vmax.f32 v2, $0.0e+00;
	v7 =	vld [tilespmem:s28+$0x90]  }
0x1d2: {  	[tilespmem:s28+$0x40] =	vst v1;
	v1 =	vmax.f32 v6, $0.0e+00;
	v6 =	vld [tilespmem:s28+$0xA0]  }
.Ltmp13:
0x1d3: {  	[tilespmem:s28+$0x50] =	vst v1;
	v2 =	vmax.f32 v5, $0.0e+00;
	v1 =	vld [tilespmem:s28+$0xB0];
	(pc) =	sbr.rel @p1 .LBB2_22-.Ltmp13, $4  }
0x1d4: {  	[tilespmem:s28+$0x60] =	vst v2;
	v3 =	vmax.f32 v3, $0.0e+00;
	v2 =	vld [tilespmem:s28+$0xC0]  }
0x1d5: {  	[tilespmem:s28+$0x70] =	vst v3;
	v4 =	vmax.f32 v4, $0.0e+00;
	v3 =	vld [tilespmem:s28+$0xD0]  }
0x1d6: {  	[tilespmem:s28+$0x80] =	vst v4;
	v7 =	vmax.f32 v7, $0.0e+00;
	v4 =	vld [tilespmem:s28+$0xE0]  }
0x1d7: {  	s28 =	sadd.s32 $0x200, s28;
	v5 =	vld [tilespmem:s0+$0xFFFFFF00];
	[tilespmem:s0+$0x90] =	vst v7;
	v6 =	vmax.f32 v6, $0.0e+00  }
0x1d8: {  	[tilespmem:s0+$0xA0] =	vst v6;
	v1 =	vmax.f32 v1, $0.0e+00  }
0x1d9: {  	[tilespmem:s0+$0xB0] =	vst v1;
	v1 =	vmax.f32 v2, $0.0e+00  }
.Ltmp14:
0x1da: {  	[tilespmem:s0+$0xC0] =	vst v1;
	v1 =	vmax.f32 v3, $0.0e+00;
	(pc) =	sbr.rel .LBB2_24-.Ltmp14, $4  }
0x1db: {  	[tilespmem:s0+$0xD0] =	vst v1;
	v1 =	vmax.f32 v4, $0.0e+00  }
0x1dc: {  	v2 =	vmax.f32 v5, $0.0e+00;
	[tilespmem:s0+$0xE0] =	vst v1  }
0x1dd: {  	s29 =	simm.s32 $0x380;
	[tilespmem:s0+$0xFFFFFF00] =	vst v2  }
0x1de: {  	[spmem:s1] =	stream.indirect.scatter.add.f32 [tilespmem:s15], [sflag:$0x10], $0x80, s29, s31, $0xb8;
	[tilespmem:$0x1DC80] =	vst v63  }
.LBB2_25:
0x1df: {  	s0 =	simm.s32 $0x10  }
0x1e0: {  	_ =	swait.ge [sflag:s0], $0x2800  }
0x1e1: {  	[sflag:s0] =	ssyncset.done $0x0  }
0x1e2: {  	[sflag:s0] =	ssyncadd.s32 $0xFFFFD800  }
0x1e3: {  	_ =	swait.ge [sflag:s17], $0x2800  }
0x1e4: {  	[sflag:s17] =	ssyncset.done $0x0  }
0x1e5: {  	[sflag:s17] =	ssyncadd.s32 $0xFFFFD800  }
0x1e6: {  	[bflag:$0x0] =	sbarrier.arrive $0xFFFF  }
0x1e7: {  	s21 =	rddreg [dreg:$0xb]  }
0x1e8: {  	[tilespmem:s23], [sflag:$0x11] =	stream.linear.gather [spmem:s21], $0x2800, $0x38;
	[tilespmem:$0x1DC80] =	vst v63  }
0x1e9: {  	_ =	swait.ge [sflag:s24], $0x2800  }
0x1ea: {  	s13 =	rddreg [dreg:$0xc]  }
0x1eb: {  	[sflag:s24] =	ssyncset.done $0x0;
	s29 =	sshrl.u32 s13, $0x3  }
.Ltmp15:
0x1ec: {  	[sflag:s24] =	ssyncadd.s32 $0xFFFFD800;
	s0 =	sadd.s32 s8, s29;
	(pc) =	sbr.rel @!p0 .LBB2_27-.Ltmp15, $4  }
0x1ed: {  	[hbm4b:s0+s2] =	stream.linear.scatter [tilespmem:s23], [sflag:$0x11], $0x2800, $0x38;
	[tilespmem:$0x1DC80] =	vst v63  }
0x1ee: {  	_ =	swait.ge [sflag:s24], $0x2800  }
0x1ef: {  	s28 =	rddreg [dreg:$0x3]  }
0x1f0: {  	[sflag:s24] =	ssyncset.done $0x0;
	s0 =	sadd.s32 $0xFFFFFFFF, s28  }
.LBB2_26:
0x1f1: {  	[sflag:s24] =	ssyncadd.s32 $0xFFFFD800;
	s13 =	sadd.s32 $0x2800, s13;
	s21 =	sadd.s32 $0x2800, s21  }
0x1f2: {  	[tilespmem:s23], [sflag:$0x11] =	stream.linear.gather [spmem:s21], $0x2800, $0x38;
	[tilespmem:$0x1DC80] =	vst v63  }
0x1f3: {  	p0 =	sne.s32 s0, $0x1;
	s0 =	sadd.s32 $0xFFFFFFFF, s0;
	_ =	swait.ge [sflag:s24], $0x2800  }
.Ltmp16:
0x1f4: {  	s14 =	sshrl.u32 s13, $0x3;
	[sflag:s24] =	ssyncset.done $0x0;
	(pc) =	sbr.rel @p0 .LBB2_26-.Ltmp16, $4  }
0x1f5: {  	s14 =	sadd.s32 s8, s14;
	[sflag:s24] =	ssyncadd.s32 $0xFFFFD800  }
0x1f6: {  	[hbm4b:s14+s2] =	stream.linear.scatter [tilespmem:s23], [sflag:$0x11], $0x2800, $0x38;
	[tilespmem:$0x1DC80] =	vst v63  }
0x1f7: {  	_ =	swait.ge [sflag:s24], $0x2800  }
0x1f8: {  	[sflag:s24] =	ssyncset.done $0x0  }
.LBB2_27:
0x1f9: {  	s13 =	rddreg [dreg:$0xd]  }
0x1fa: {  	s0 =	rddreg [dreg:$0xa];
	s13 =	sadd.s32 $0x1, s13  }
0x1fb: {  	p0 =	sne.s32 s13, s0  }
.Ltmp17:
0x1fc: {  	_ = 	snop;
	(pc) =	sbr.rel @p0 .LBB2_1-.Ltmp17, $2  }
0x1fd: {  	_ =	sdelay $0x2  }
0x1fe: {  	[sflag:s24] =	ssyncadd.s32 $0xFFFFD800  }
0x1ff: {  	_ =	sfence.sel $0x180000  }
0x200: {  	[bflag:$0x0] =	sbarrier.arrive $0xFFFF  }
0x201: {  	_ =	strace $0x9000004A  }
0x202: {  	s0 =	stileid.u32;
	[bflag:$0x2] =	sbarrier.arrive $0xFFFF  }
0x203: {  	p0 =	sne.s32 s0, $0x0;
	s0 =	rddreg [dreg:$0x2]  }
0x204: {  	s0 =	sadd.s32 @!p0 $0x100000, s0  }
0x205: {  	[sflag:s0] =	ssyncadd.tile.s32 @!p0 $0x1;
	_ =	shalt  }
.Lfunc_end2:
_tile_overlayer_lowered:
.L_overlay_start_2:
0x206: {  	(tag) =	ssettag $0x2  }
0x207: {  	s0 =	rddreg [dreg:$0x0];
	s2 =	stileid.u32  }
0x208: {  	s1 =	rddreg [dreg:$0x1];
	p0 =	sne.s32 s2, $0x0  }
0x209: {  	s3 =	rddreg [dreg:$0x2];
	[bflag:$0x3] =	sbarrier.arrive $0xFFFF;
	s2 =	simm.s32 @!p0 $0x1C11  }
0x20a: {  	[timem:s3], [sflag:s2] =	dma.local @!p0 [hbm:s0], s1  }
0x20b: {  	s0 =	simm.s32 @!p0 $0x11  }
0x20c: {  	_ =	swait.ge @!p0 [sflag:s0], s1  }
0x20d: {  	s1 =	ssub.s32 @!p0 $0x0, s1;
	[sflag:s0] =	ssyncset.done @!p0 $0x0  }
0x20e: {  	[sflag:s0] =	ssyncadd.s32 @!p0 s1  }
0x20f: {  	[bflag:$0x3] =	sbarrier.arrive $0xFFFF  }
0x210: {  	_ =	shalt  }

// kernel: kernel.7.cloned.1.call-start
scs
__scs_entry_jumppad:
0x0: {  	(pc) =	sbr.rel $0x88, $3  }
0x1: {  	(tag) =	ssettag $0x0;
	lr =	simm.s32 $0x1  }
0x2: {  	[smem:$0x3F88] =	sst lr;
	_ =	strace $0xD0000000  }
0x3: {  	_ = 	snop  }
0x4: {  	_ = 	snop  }
0x5: {  	_ = 	snop  }
0x6: {  	_ = 	snop  }
0x7: {  	_ = 	snop  }
__scs_overlays_trampoline_lowered:
0x8: {  	[smem:$0x3F97] =	sst s0  }
0x9: {  	[smem:$0x3F98] =	sst s1  }
0xa: {  	[smem:$0x3F99] =	sst s2  }
0xb: {  	[smem:$0x3F9A] =	sst s3  }
0xc: {  	[smem:$0x3F9B] =	sst s4  }
0xd: {  	[smem:$0x3F9C] =	sst s5  }
0xe: {  	[smem:$0x3F9D] =	sst s6  }
0xf: {  	[smem:$0x3F9E] =	sst s7  }
0x10: {  	[smem:$0x3F9F] =	sst s8  }
0x11: {  	[smem:$0x3FA0] =	sst s9;
	s0 =	simm.s32 @!p0 $0x0  }
0x12: {  	s1 =	sld [smem:$0x3F86];
	s0 =	simm.s32 @p0 $0x1  }
0x13: {  	[smem:$0x3FA1] =	sst s0;
	s0 =	simm.s32 @!p1 $0x0  }
0x14: {  	s2 =	sld [smem:$0x3F85];
	s0 =	simm.s32 @p1 $0x1  }
0x15: {  	[smem:$0x3FA2] =	sst s0;
	s0 =	simm.s32 @!p2 $0x0  }
0x16: {  	s3 =	sld [smem:$0x3FDB];
	s0 =	simm.s32 @p2 $0x1  }
0x17: {  	s4 =	simm.s32 $0x1BF5;
	[smem:$0x3FA4] =	sst s0  }
0x18: {  	s0 =	sld [smem:$0x3F87];
	_ =	swait.ge [sflag:s4], $0x0  }
0x19: {  	s7 =	sld [smem:$0x3F88]  }
0x1a: {  	s8 =	sadd.s32 $0xFFFFE003, lr  }
0x1b: {  	s9 =	sadd.s32 $0xFFFFFEF7, lr;
	s5 =	simm.s32 $0xFFFFFFFF;
	p2 =	slt.u32 s8, $0xFFFFF086  }
0x1c: {  	p1 =	slt.u32 s9, $0xF7A;
	s5 =	simm.s32 @!p2 $0x0  }
0x1d: {  	s5 =	simm.s32 @p1 $0x1;
	p0 =	seq.s32 s7, s2  }
0x1e: {  	s7 =	smul.u32 @!p0 $0xF7A, s2;
	p2 =	seq.s32 @!p0 s5, $0x0  }
0x1f: {  	s9 =	smul.u32 $0xF7A, s1;
	s8 =	simm.s32 @!p0 $0x1BF5;
	p2 =	por !p2, p0  }
0x20: {  	[sflag:s8] =	ssyncset.s32 @!p0 $0xFFFFF086;
	s6 =	sadd.s32 @!p0 s3, s7;
	s7 =	simm.s32 @!p0 $0x108  }
0x21: {  	s3 =	sadd.s32 s3, s9;
	s6 =	sadd.s32 @!p0 $0x88, s6;
	s7 =	simm.s32 @p2 $0x1082  }
0x22: {  	[simem:s7], [sflag:s8] =	dma.local @!p0 [hbm:s6], $0xF7A  }
0x23: {  	s9 =	sor.u32 $0xD0000000, s2;
	s6 =	simm.s32 $0x108;
	_ =	swait.ge @!p0 [sflag:s8], $0x0  }
0x24: {  	s3 =	sadd.s32 $0x88, s3;
	s6 =	simm.s32 @!p1 $0x1082;
	[sflag:s4] =	ssyncset.s32 $0xFFFFF086  }
0x25: {  	[simem:s6], [sflag:s4] =	dma.local [hbm:s3], $0xF7A  }
0x26: {  	[smem:$0x3F88] =	sst s1;
	(tag) =	ssettag s2;
	_ =	strace s9  }
0x27: {  	s1 =	sld [smem:$0x3F98]  }
0x28: {  	s2 =	sld [smem:$0x3F99]  }
0x29: {  	s4 =	sld [smem:$0x3F9B]  }
0x2a: {  	p0 =	seq.s32 s5, $0x0;
	s5 =	sld [smem:$0x3F9C]  }
0x2b: {  	s6 =	sld [smem:$0x3F9D]  }
0x2c: {  	s7 =	sld [smem:$0x3F9E]  }
0x2d: {  	s3 =	simm.s32 $0x108;
	s8 =	sld [smem:$0x3F9F]  }
0x2e: {  	s3 =	simm.s32 @!p0 $0x1082;
	s9 =	sld [smem:$0x3FA0]  }
0x2f: {  	lr =	sadd.s32 s0, s3;
	s0 =	sld [smem:$0x3F97]  }
0x30: {  	s3 =	sld [smem:$0x3F9A]  }
0x31: {  	[smem:$0x3FA3] =	sst s10  }
0x32: {  	s10 =	sld [smem:$0x3FA1];
	_ =	sdelay $0x3  }
0x33: {  	p0 =	seq.s32 s10, $0x1;
	s10 =	sld [smem:$0x3FA3];
	_ =	sdelay $0x3  }
0x34: {  	[smem:$0x3FA3] =	sst s10  }
0x35: {  	s10 =	sld [smem:$0x3FA2];
	_ =	sdelay $0x3  }
0x36: {  	p1 =	seq.s32 s10, $0x1;
	s10 =	sld [smem:$0x3FA3];
	_ =	sdelay $0x3  }
0x37: {  	[smem:$0x3FA3] =	sst s10  }
0x38: {  	s10 =	sld [smem:$0x3FA4]  }
0x39: {  	_ = 	snop;
	(pc) =	sbr.ind lr, $3  }
0x3a: {  	_ = 	snop  }
0x3b: {  	_ = 	snop  }
0x3c: {  	p2 =	seq.s32 s10, $0x1;
	s10 =	sld [smem:$0x3FA3]  }
0x3d: {  	_ =	shalt  }
0x3e: {  	_ =	shalt  }
0x3f: {  	_ =	shalt  }
0x40: {  	_ =	shalt  }
0x41: {  	_ =	shalt  }
0x42: {  	_ =	shalt  }
0x43: {  	_ =	shalt  }
0x44: {  	_ =	shalt  }
0x45: {  	_ =	shalt  }
0x46: {  	_ =	shalt  }
0x47: {  	_ =	shalt  }
0x48: {  	_ =	shalt  }
0x49: {  	_ =	shalt  }
0x4a: {  	_ =	shalt  }
0x4b: {  	_ =	shalt  }
0x4c: {  	_ =	shalt  }
0x4d: {  	_ =	shalt  }
0x4e: {  	_ =	shalt  }
0x4f: {  	_ =	shalt  }
0x50: {  	_ =	shalt  }
0x51: {  	_ =	shalt  }
0x52: {  	_ =	shalt  }
0x53: {  	_ =	shalt  }
0x54: {  	_ =	shalt  }
0x55: {  	_ =	shalt  }
0x56: {  	_ =	shalt  }
0x57: {  	_ =	shalt  }
0x58: {  	_ =	shalt  }
0x59: {  	_ =	shalt  }
0x5a: {  	_ =	shalt  }
0x5b: {  	_ =	shalt  }
0x5c: {  	_ =	shalt  }
0x5d: {  	_ =	shalt  }
0x5e: {  	_ =	shalt  }
0x5f: {  	_ =	shalt  }
0x60: {  	_ =	shalt  }
0x61: {  	_ =	shalt  }
0x62: {  	_ =	shalt  }
0x63: {  	_ =	shalt  }
0x64: {  	_ =	shalt  }
0x65: {  	_ =	shalt  }
0x66: {  	_ =	shalt  }
0x67: {  	_ =	shalt  }
0x68: {  	_ =	shalt  }
0x69: {  	_ =	shalt  }
0x6a: {  	_ =	shalt  }
0x6b: {  	_ =	shalt  }
0x6c: {  	_ =	shalt  }
0x6d: {  	_ =	shalt  }
0x6e: {  	_ =	shalt  }
0x6f: {  	_ =	shalt  }
0x70: {  	_ =	shalt  }
0x71: {  	_ =	shalt  }
0x72: {  	_ =	shalt  }
0x73: {  	_ =	shalt  }
0x74: {  	_ =	shalt  }
0x75: {  	_ =	shalt  }
0x76: {  	_ =	shalt  }
0x77: {  	_ =	shalt  }
0x78: {  	_ =	shalt  }
0x79: {  	_ =	shalt  }
0x7a: {  	_ =	shalt  }
0x7b: {  	_ =	shalt  }
0x7c: {  	_ =	shalt  }
0x7d: {  	_ =	shalt  }
0x7e: {  	_ =	shalt  }
0x7f: {  	_ =	shalt  }
0x80: {  	_ =	shalt  }
0x81: {  	_ =	shalt  }
0x82: {  	_ =	shalt  }
0x83: {  	_ =	shalt  }
0x84: {  	_ =	shalt  }
0x85: {  	_ =	shalt  }
0x86: {  	_ =	shalt  }
0x87: {  	_ =	shalt  }
.Lfunc_end0:
.L_simem_size_0:
called_computation_lowered:
.L_overlay_start_0:
0x88: {  	s2 =	sld [smem:$0x3FD9]  }
0x89: {  	s3 =	sld [smem:$0x3FFE];
	_ =	sdelay $0x1  }
0x8a: {  	s1 =	srdreg.scid  }
0x8b: {  	s0 =	sand.u32 $0x1, s1  }
0x8c: {  	s17 =	sshll.u32 s0, $0xA;
	s2 =	sadd.s32 s3, s2  }
0x8d: {  	s2 =	sadd.s32 s2, s17  }
0x8e: {  	[smem:$0x3FAF] =	sst s2  }
0x8f: {  	_ = 	snop  }
0x90: {  	s2 =	sld [smem:$0x3FC9];
	(tm) =	ssettm $0x1  }
0x91: {  	s18 =	sld [smem:$0x3FFB];
	_ =	sdelay $0x3  }
0x92: {  	_ =	strace s18  }
0x93: {  	s3 =	sld [smem:$0x3FFC];
	_ =	sdelay $0x3  }
0x94: {  	_ =	strace s3  }
0x95: {  	s3 =	sld [smem:$0x3FFD];
	_ =	sdelay $0x3  }
0x96: {  	_ =	strace s3  }
0x97: {  	_ =	strace $0x8FFFFFFF  }
0x98: {  	s19 =	sld [smem:$0x3FDB];
	_ =	sdelay $0x1  }
0x99: {  	s4 =	simm.s32 $_scs_section_size  }
0x9a: {  	s5 =	simm.s32 $_size__tile_overlayer_lowered;
	s6 =	simm.s32 $_tile_overlayer_lowered  }
0x9b: {  	s22 =	simm.s32 $0x1BFF;
	s21 =	sshll.u32 s6, $0x1;
	s3 =	sadd.s32 s4, s19  }
0x9c: {  	s7 =	simm.s32 $0x0;
	s20 =	sshll.u32 s5, $0x1;
	s5 =	sadd.s32 s21, s3  }
0x9d: {  	[timem:s7], [sflag:s22] =	dma.local [hbm:s5], s20  }
0x9e: {  	_ =	swait.ge [sflag:s22], s20  }
0x9f: {  	s4 =	ssub.s32 $0x0, s20;
	[sflag:s22] =	ssyncset.done $0x0  }
0xa0: {  	[sflag:s22] =	ssyncadd.s32 s4;
	_ =	sdelay $0x1  }
0xa1: {  	s23 =	simm.s32 $0x1B8B  }
0xa2: {  	_ =	swait.ge [sflag:s23], $0x1  }
0xa3: {  	[sflag:s23] =	ssyncset.done $0x0  }
0xa4: {  	s25 =	simm.s32 $0x1B8E;
	s24 =	sld [smem:$0x3FFE];
	[sflag:s23] =	ssyncadd.s32 $0xFFFFFFFF  }
0xa5: {  	s26 =	simm.s32 $execute0_lowered;
	[smem:$0x3FD2] =	sst s25  }
0xa6: {  	s5 =	sshll.u32 s26, $0x1;
	_ =	strace $0x80000046;
	[dreg:$0x1] =	wrdreg $0xFFFFFFFF  }
0xa7: {  	s28 =	simm.s32 $_size_execute0_lowered;
	s3 =	sadd.s32 s3, s5;
	[dreg:$0x0] =	wrdreg $0x0  }
0xa8: {  	s5 =	sshll.u32 s28, $0x1;
	[dreg:$0x2] =	wrdreg s3  }
0xa9: {  	[dreg:$0x3] =	wrdreg s5  }
0xaa: {  	[dreg:$0x4] =	wrdreg $0xC0  }
0xab: {  	_ =	task [dreg:s7], $0x5FFFF  }
0xac: {  	[dreg:$0x1] =	wrdreg $0xFFFFFFFF  }
0xad: {  	[dreg:$0x0] =	wrdreg $0x60  }
0xae: {  	[dreg:$0x2] =	wrdreg s2  }
0xaf: {  	[dreg:$0x3] =	wrdreg s24  }
0xb0: {  	[dreg:$0x4] =	wrdreg $0xA4000  }
0xb1: {  	[dreg:$0x5] =	wrdreg $0x9  }
0xb2: {  	_ =	task.clear_ibuf [dreg:s7], $0x6FFFF;
	_ =	strace $0x90000046  }
0xb3: {  	s29 =	simm.s32 $0x9;
	_ =	strace $0x80000048  }
0xb4: {  	_ =	swait.ge [sflag:s29], $0x1  }
0xb5: {  	[sflag:s29] =	ssyncadd.s32 $0xFFFFFFFF  }
0xb6: {  	_ =	strace $0x90000048  }
0xb7: {  	_ =	sfence  }
0xb8: {  	s30 =	sld [smem:$0x0];
	_ =	sdelay $0x2  }
0xb9: {  	s31 =	sshll.u32 s1, $0xD;
	s1 =	sshrl.u32 s1, $0x2  }
0xba: {  	s3 =	sand.u32 $0x4000, s31;
	s1 =	sadd.s32 s1, s30  }
0xbb: {  	s0 =	sor.u32 s3, s0;
	s1 =	sshll.u32 s1, $0x11  }
0xbc: {  	s0 =	sor.u32 s1, s0  }
0xbd: {  	s0 =	sadd.s32 $0x8F2B, s0  }
0xbe: {  	[sflag:s0] =	ssyncadd.remote.s32 $0x1  }
0xbf: {  	_ =	sfence.sel $0xFFFF  }
0xc0: {  	[dreg:$0x0] =	wrdreg $0xFFFFFFFF;
	(pc) =	sbr.abs _section_cstart, $3  }
0xc1: {  	[dreg:$0x1] =	wrdreg $0xFFFFFFFF  }
0xc2: {  	_ =	task.clear_ibuf [dreg:s7], $0x2FFFF;
	_ =	strace $0x9FFFFFFF  }
0xc3: {  	(tm) =	ssettm $0x7FFFFFFF  }
tec
execute0_lowered:
.L_overlay_start_1:
0x0: {  	(tag) =	ssettag $0x1  }
0x1: {  	s1 =	rddreg [dreg:$0x0]  }
0x2: {  	s0 =	rddreg [dreg:$0x1]  }
0x3: {  	s2 =	rddreg [dreg:$0x2];
	s3 =	simm.s32 $0x0;
	s5 =	srdreg.scid  }
0x4: {  	s14 =	stileid.u32;
	s28 =	simm.s32 $0x5;
	s11 =	simm.s32 $0x5  }
0x5: {  	s30 =	simm.s32 $0x1;
	s31 =	simm.s32 $0x50;
	s16 =	simm.s32 $0xA  }
0x6: {  	s17 =	simm.s32 $0xD;
	[smem:$0x7FF] =	sst s3;
	s4 =	sadd.s32 $0xDC00, s0  }
0x7: {  	s6 =	sadd.s32 $0x3E00, s0;
	s7 =	sadd.s32 $0x4F9A00, s0;
	s5 =	sand.u32 $0x1, s5  }
0x8: {  	s8 =	sadd.s32 $0x17A00, s0;
	p0 =	seq.s32 s14, $0xF;
	s24 =	smul.u32 $0x50000, s14  }
0x9: {  	s25 =	smul.u32 $0x14000, s14;
	_ =	strace $0x80000047;
	s9 =	ssub.s32 $0x2, s5  }
0xa: {  	s10 =	sshll.u32 s5, $0x4;
	s28 =	simm.s32 @!p0 $0x8;
	s5 =	smul.u32 $0x138800, s5  }
0xb: {  	s19 =	sshrl.u32 s9, $0x1;
	s12 =	sor.u32 s14, s10;
	s26 =	sshrl.u32 s24, $0x2  }
0xc: {  	s24 =	simm.s32 $0x11;
	[dreg:$0x4] =	wrdreg s28;
	s10 =	smul.u32 $0x2710, s12  }
0xd: {  	s0 =	ssub.s32 s9, s19;
	s12 =	smul.u32 $0x27100, s12;
	s29 =	sadd.s32 s25, s5  }
0xe: {  	s25 =	simm.s32 $0x200;
	s5 =	simm.s32 $0x300;
	s0 =	smax.u32 s0, $0x1  }
0xf: {  	[dreg:$0xd] =	wrdreg s29;
	s20 =	sshrl.u32 s10, $0x3;
	s13 =	sadd.s32 $0x50, s10  }
0x10: {  	s12 =	sadd.s32 s7, s12;
	s18 =	sadd.s32 $0x140, s10;
	s19 =	sadd.s32 $0x190, s10  }
0x11: {  	[dreg:$0xb] =	wrdreg s0;
	s0 =	sadd.s32 s26, s2;
	s26 =	simm.s32 $0x5400  }
0x12: {  	s15 =	sadd.s32 s4, s20;
	s9 =	sadd.s32 s6, s20;
	[dreg:$0x7] =	wrdreg s12  }
0x13: {  	s21 =	sshrl.u32 s13, $0x3;
	s23 =	sshll.u32 s13, $0x4;
	[dreg:$0xc] =	wrdreg s0  }
0x14: {  	s12 =	simm.s32 $0x9;
	s20 =	simm.s32 $0xB;
	[dreg:$0x5] =	wrdreg s15  }
0x15: {  	s13 =	simm.s32 $0x0;
	[dreg:$0x6] =	wrdreg s9;
	s22 =	sadd.s32 s4, s21  }
0x16: {  	s9 =	sadd.s32 s6, s21;
	s15 =	simm.s32 $0x7C00;
	[dreg:$0x8] =	wrdreg s22  }
0x17: {  	[dreg:$0x9] =	wrdreg s9;
	s9 =	sadd.s32 s7, s23;
	s23 =	simm.s32 $0x400  }
0x18: {  	v0 =	vimm.f32 $0.0e+00;
	s22 =	simm.s32 $0xE;
	[dreg:$0xa] =	wrdreg s9;
	s9 =	simm.s32 $0xC  }
.LBB2_1:
0x19: {  	[dreg:$0xe] =	wrdreg s13;
	s0 =	simm.s32 $0x0;
	s13 =	simm.s32 $0x200  }
.LBB2_2:
0x1a: {  	p0 =	sne.s32 s13, $0x9E00;
	[tilespmem:s0+$0x470] =	vst v0  }
0x1b: {  	[tilespmem:s0+$0x400] =	vst v0  }
0x1c: {  	[tilespmem:s0+$0x410] =	vst v0  }
.Ltmp0:
0x1d: {  	[tilespmem:s0+$0x420] =	vst v0;
	(pc) =	sbr.rel @p0 .LBB2_2-.Ltmp0, $4  }
0x1e: {  	[tilespmem:s0+$0x430] =	vst v0  }
0x1f: {  	[tilespmem:s0+$0x440] =	vst v0  }
0x20: {  	[tilespmem:s0+$0x450] =	vst v0  }
0x21: {  	[tilespmem:s0+$0x460] =	vst v0;
	s0 =	sshra.s32 s13, $0x2;
	s13 =	sadd.s32 $0x200, s13  }
0x22: {  	[tilespmem:s0+$0x470] =	vst v0  }
0x23: {  	[tilespmem:s0+$0x400] =	vst v0  }
0x24: {  	[tilespmem:s0+$0x410] =	vst v0  }
0x25: {  	[tilespmem:s0+$0x420] =	vst v0  }
0x26: {  	[tilespmem:s0+$0x430] =	vst v0  }
0x27: {  	[tilespmem:s0+$0x440] =	vst v0;
	p0 =	sne.s32 s28, $0x1  }
.Ltmp1:
0x28: {  	[tilespmem:s0+$0x450] =	vst v0;
	(pc) =	sbr.rel @!p0 .LBB2_5-.Ltmp1, $4  }
0x29: {  	[tilespmem:s0+$0x460] =	vst v0;
	s13 =	rddreg [dreg:$0xc]  }
0x2a: {  	[spmem:s13] =	stream.linear.scatter [tilespmem:s23], [sflag:$0x11], $0x2800, $0x38;
	[tilespmem:$0x1DC80] =	vst v63  }
0x2b: {  	_ =	swait.ge [sflag:s24], $0x2800  }
0x2c: {  	s0 =	sadd.s32 $0xFFFFFFFF, s28;
	[sflag:s24] =	ssyncset.done $0x0  }
.LBB2_4:
0x2d: {  	p1 =	sne.s32 s0, $0x1;
	[sflag:s24] =	ssyncadd.s32 $0xFFFFD800;
	s13 =	sadd.s32 $0x2800, s13  }
.Ltmp2:
0x2e: {  	s0 =	sadd.s32 $0xFFFFFFFF, s0;
	(pc) =	sbr.rel @p1 .LBB2_4-.Ltmp2, $4  }
0x2f: {  	_ = 	snop  }
0x30: {  	[spmem:s13] =	stream.linear.scatter [tilespmem:s23], [sflag:$0x11], $0x2800, $0x38;
	[tilespmem:$0x1DC80] =	vst v63  }
0x31: {  	_ =	swait.ge [sflag:s24], $0x2800  }
0x32: {  	[sflag:s24] =	ssyncset.done $0x0  }
.LBB2_5:
0x33: {  	[sflag:s24] =	ssyncadd.s32 $0xFFFFD800  }
0x34: {  	[bflag:$0x0] =	sbarrier.arrive $0xFFFF  }
0x35: {  	s21 =	simm.s32 $0x0;
	s0 =	rddreg [dreg:$0x5]  }
0x36: {  	[tilespmem:s21], [sflag:$0x1] =	stream.linear.gather [hbm4b:s0+s21], $0x50, $0x38;
	[tilespmem:$0x1DC80] =	vst v63  }
0x37: {  	s14 =	rddreg [dreg:$0x6]  }
0x38: {  	[tilespmem:s25], [sflag:$0x1] =	stream.linear.gather [hbm4b:s14+s21], $0x50, $0x38;
	[tilespmem:$0x1DC80] =	vst v63  }
0x39: {  	s28 =	rddreg [dreg:$0x7]  }
0x3a: {  	[tilespmem:s23], [sflag:$0x5] =	stream.linear.gather [hbm4b:s28+s21], $0x2800, $0x38;
	[tilespmem:$0x1DC80] =	vst v63  }
0x3b: {  	s13 =	simm.s32 $0x80;
	s29 =	rddreg [dreg:$0x8]  }
0x3c: {  	[tilespmem:s13], [sflag:$0x2] =	stream.linear.gather [hbm4b:s29+s21], $0x50, $0x38;
	[tilespmem:$0x1DC80] =	vst v63  }
0x3d: {  	s14 =	simm.s32 $0x280;
	s13 =	rddreg [dreg:$0x9]  }
0x3e: {  	[tilespmem:s14], [sflag:$0x2] =	stream.linear.gather [hbm4b:s13+s21], $0x50, $0x38;
	[tilespmem:$0x1DC80] =	vst v63  }
0x3f: {  	s28 =	rddreg [dreg:$0xa];
	s29 =	simm.s32 $0x2C00  }
0x40: {  	[tilespmem:s29], [sflag:$0x6] =	stream.linear.gather [hbm4b:s28+s21], $0x2800, $0x38;
	[tilespmem:$0x1DC80] =	vst v63  }
0x41: {  	_ =	swait.ge [sflag:s30], $0x50  }
0x42: {  	[sflag:s30] =	ssyncset.done $0x0  }
0x43: {  	[sflag:s30] =	ssyncadd.s32 $0xFFFFFFB0  }
0x44: {  	_ =	swait.ge [sflag:s30], $0x50  }
0x45: {  	[sflag:s30] =	ssyncset.done $0x0  }
.Ltmp3:
0x46: {  	[sflag:s30] =	ssyncadd.s32 $0xFFFFFFB0;
	(pc) =	sbr.rel .LBB2_6-.Ltmp3, $4  }
0x47: {  	_ =	swait.ge [sflag:s11], $0x2800  }
0x48: {  	[sflag:s11] =	ssyncset.done $0x0  }
0x49: {  	[sflag:s11] =	ssyncadd.s32 $0xFFFFD800  }
0x4a: {  	[tilespmem:s23], [sflag:$0x9] =	stream.indirect.gather.add.f32 [hbm:s1], $0x80, s21, s31, $0xb8;
	[tilespmem:$0x1DC80] =	vst v63  }
.LBB2_24:
0x4b: {  	s21 =	sadd.s32 $0x1, s21  }
0x4c: {  	p1 =	sne.s32 s21, $0x20  }
.Ltmp4:
0x4d: {  	_ = 	snop;
	(pc) =	sbr.rel @!p1 .LBB2_25-.Ltmp4, $1  }
0x4e: {  	_ =	sdelay $0x3  }
.LBB2_6:
0x4f: {  	s13 =	sshll.u32 s21, $0x2;
	p4 =	seq.s32 s21, $0x0  }
0x50: {  	s0 =	sor.u32 @!p4 $0x2, s13  }
0x51: {  	p1 =	sgt.u32 @!p4 s0, $0x7C  }
0x52: {  	p1 =	por p4, !p1  }
.Ltmp5:
0x53: {  	_ = 	snop;
	(pc) =	sbr.rel @!p1 .LBB2_8-.Ltmp5, $4  }
0x54: {  	s28 =	simm.s32 @!p4 $0xF  }
0x55: {  	_ =	swait.ge @!p4 [sflag:s28], $0x2800  }
0x56: {  	[sflag:s28] =	ssyncset.done @!p4 $0x0  }
0x57: {  	p3 =	por @!p4 $0x0, $0x0;
	[sflag:s28] =	ssyncadd.s32 @!p4 $0xFFFFD800  }
0x58: {  	s0 =	simm.s32 @p4 $0x2  }
0x59: {  	s0 =	smul.u32 $0x50, s0;
	_ =	sdelay $0x1  }
0x5a: {  	s0 =	sadd.s32 s10, s0  }
0x5b: {  	s28 =	sshrl.u32 s0, $0x3  }
0x5c: {  	s14 =	simm.s32 $0x100;
	s29 =	sadd.s32 s4, s28  }
0x5d: {  	[tilespmem:s14], [sflag:$0x3] =	stream.linear.gather [hbm4b:s29+s3], $0x50, $0x38;
	[tilespmem:$0x1DC80] =	vst v63  }
0x5e: {  	s0 =	sshll.u32 s0, $0x4;
	s28 =	sadd.s32 s6, s28  }
0x5f: {  	[tilespmem:s5], [sflag:$0x3] =	stream.linear.gather [hbm4b:s28+s3], $0x50, $0x38;
	[tilespmem:$0x1DC80] =	vst v63  }
0x60: {  	p3 =	por $0x1, $0x1;
	s0 =	sadd.s32 s7, s0  }
0x61: {  	[tilespmem:s26], [sflag:$0x7] =	stream.linear.gather [hbm4b:s0+s3], $0x2800, $0x38;
	[tilespmem:$0x1DC80] =	vst v63  }
.LBB2_8:
0x62: {  	p1 =	seq.s32 s21, $0x1F  }
0x63: {  	s0 =	simm.s32 @!p1 $0x2  }
0x64: {  	_ =	swait.ge @!p1 [sflag:s0], $0x50  }
0x65: {  	[sflag:s0] =	ssyncset.done @!p1 $0x0  }
0x66: {  	[sflag:s0] =	ssyncadd.s32 @!p1 $0xFFFFFFB0  }
0x67: {  	_ =	swait.ge @!p1 [sflag:s0], $0x50  }
0x68: {  	[sflag:s0] =	ssyncset.done @!p1 $0x0  }
0x69: {  	[sflag:s0] =	ssyncadd.s32 @!p1 $0xFFFFFFB0;
	s0 =	simm.s32 @!p1 $0x6  }
0x6a: {  	_ =	swait.ge @!p1 [sflag:s0], $0x2800  }
0x6b: {  	s28 =	simm.s32 @!p1 $0x80;
	[sflag:s0] =	ssyncset.done @!p1 $0x0  }
0x6c: {  	s29 =	simm.s32 @!p1 $0x2C00;
	[sflag:s0] =	ssyncadd.s32 @!p1 $0xFFFFD800;
	s0 =	simm.s32 @!p1 $0x50  }
0x6d: {  	[tilespmem:s29], [sflag:$0xA] =	stream.indirect.gather.add.f32 @!p1 [hbm:s1], $0x80, s28, s0, $0xb8;
	[tilespmem:$0x1DC80] =	vst v63  }
0x6e: {  	_ =	swait.ge [sflag:s12], $0x2800  }
0x6f: {  	[sflag:s12] =	ssyncset.done $0x0  }
0x70: {  	s0 =	simm.s32 $0x500;
	[sflag:s12] =	ssyncadd.s32 $0xFFFFD800  }
0x71: {  	v1 =	vld [tilespmem:s0+$0xFFFFFF10]  }
0x72: {  	v7 =	vld [tilespmem:s0+$0xF0]  }
0x73: {  	v2 =	vld [tilespmem:s0+$0xFFFFFF20]  }
0x74: {  	v8 =	vld [tilespmem:s0+$0xFFFFFF80]  }
0x75: {  	v3 =	vld [tilespmem:s0+$0xFFFFFF30]  }
0x76: {  	v9 =	vld [tilespmem:s0+$0xFFFFFF90];
	v1 =	vmax.f32 v1, $0.0e+00  }
0x77: {  	v4 =	vld [tilespmem:s0+$0xFFFFFF40];
	v7 =	vmax.f32 v7, $0.0e+00;
	[tilespmem:s0+$0xFFFFFF10] =	vst v1  }
0x78: {  	v5 =	vld [tilespmem:s0+$0xFFFFFF50];
	v2 =	vmax.f32 v2, $0.0e+00;
	[tilespmem:s0+$0xF0] =	vst v7  }
0x79: {  	v6 =	vld [tilespmem:s0+$0xFFFFFF60];
	[tilespmem:s0+$0xFFFFFF20] =	vst v2;
	v2 =	vmax.f32 v8, $0.0e+00  }
0x7a: {  	v1 =	vld [tilespmem:s0+$0xFFFFFF70];
	[tilespmem:s0+$0xFFFFFF80] =	vst v2;
	v2 =	vmax.f32 v3, $0.0e+00  }
0x7b: {  	v10 =	vld [tilespmem:s0+$0xFFFFFFA0];
	[tilespmem:s0+$0xFFFFFF30] =	vst v2;
	v2 =	vmax.f32 v9, $0.0e+00  }
0x7c: {  	v11 =	vld [tilespmem:s0+$0xFFFFFFB0];
	[tilespmem:s0+$0xFFFFFF90] =	vst v2;
	v2 =	vmax.f32 v4, $0.0e+00  }
0x7d: {  	v7 =	vld [tilespmem:s0+$0xFFFFFFC0];
	[tilespmem:s0+$0xFFFFFF40] =	vst v2;
	v2 =	vmax.f32 v5, $0.0e+00  }
0x7e: {  	v5 =	vld [tilespmem:s0+$0x0];
	[tilespmem:s0+$0xFFFFFF50] =	vst v2;
	v2 =	vmax.f32 v6, $0.0e+00  }
0x7f: {  	v8 =	vld [tilespmem:s0+$0xFFFFFFD0];
	v1 =	vmax.f32 v1, $0.0e+00;
	[tilespmem:s0+$0xFFFFFF60] =	vst v2  }
0x80: {  	v2 =	vld [tilespmem:s0+$0x10];
	[tilespmem:s0+$0xFFFFFF70] =	vst v1;
	v1 =	vmax.f32 v10, $0.0e+00  }
0x81: {  	v3 =	vld [tilespmem:s0+$0xFFFFFFE0];
	[tilespmem:s0+$0xFFFFFFA0] =	vst v1;
	v1 =	vmax.f32 v11, $0.0e+00  }
0x82: {  	v4 =	vld [tilespmem:s0+$0xFFFFFFF0];
	[tilespmem:s0+$0xFFFFFFB0] =	vst v1;
	v1 =	vmax.f32 v7, $0.0e+00  }
0x83: {  	v6 =	vld [tilespmem:s0+$0x20];
	[tilespmem:s0+$0xFFFFFFC0] =	vst v1;
	v1 =	vmax.f32 v5, $0.0e+00  }
0x84: {  	v5 =	vld [tilespmem:s0+$0x50];
	[tilespmem:s0+$0x0] =	vst v1;
	v1 =	vmax.f32 v8, $0.0e+00  }
0x85: {  	v63 =	vld [tilespmem:s0+$0x30];
	[tilespmem:s0+$0xFFFFFFD0] =	vst v1;
	v1 =	vmax.f32 v2, $0.0e+00  }
0x86: {  	v7 =	vld [tilespmem:s0+$0x40];
	[tilespmem:s0+$0x10] =	vst v1;
	v1 =	vmax.f32 v3, $0.0e+00  }
0x87: {  	v2 =	vld [tilespmem:s0+$0x60];
	[tilespmem:s0+$0xFFFFFFE0] =	vst v1;
	v1 =	vmax.f32 v4, $0.0e+00  }
0x88: {  	v3 =	vld [tilespmem:s0+$0x80];
	[tilespmem:s0+$0xFFFFFFF0] =	vst v1;
	v1 =	vmax.f32 v6, $0.0e+00  }
0x89: {  	v4 =	vld [tilespmem:s0+$0x70];
	v5 =	vmax.f32 v5, $0.0e+00;
	[tilespmem:s0+$0x20] =	vst v1  }
0x8a: {  	v6 =	vld [tilespmem:s0+$0x90];
	v1 =	vmax.f32 v63, $0.0e+00;
	[tilespmem:s0+$0x50] =	vst v5  }
0x8b: {  	[tilespmem:s0+$0x30] =	vst v1;
	v1 =	vmax.f32 v7, $0.0e+00;
	v7 =	vld [tilespmem:s0+$0xA0]  }
0x8c: {  	v5 =	vmax.f32 v2, $0.0e+00;
	[tilespmem:s0+$0x40] =	vst v1;
	v1 =	vld [tilespmem:s0+$0xB0]  }
0x8d: {  	v2 =	vld [tilespmem:s0+$0xC0];
	[tilespmem:s0+$0x60] =	vst v5;
	v5 =	vmax.f32 v3, $0.0e+00  }
0x8e: {  	v3 =	vld [tilespmem:s0+$0xD0];
	v4 =	vmax.f32 v4, $0.0e+00;
	[tilespmem:s0+$0x80] =	vst v5  }
0x8f: {  	[tilespmem:s0+$0x70] =	vst v4;
	v6 =	vmax.f32 v6, $0.0e+00;
	v4 =	vld [tilespmem:s0+$0xE0]  }
0x90: {  	s28 =	simm.s32 $0x0;
	s29 =	simm.s32 $0x700;
	v5 =	vld [tilespmem:s0+$0xFFFFFF00];
	[tilespmem:s0+$0x90] =	vst v6;
	v6 =	vmax.f32 v7, $0.0e+00  }
.LBB2_9:
0x91: {  	v7 =	vld [tilespmem:s29+$0xF0];
	s28 =	sadd.s32 $0x4, s28;
	[tilespmem:s0+$0xA0] =	vst v6;
	v1 =	vmax.f32 v1, $0.0e+00  }
0x92: {  	v6 =	vld [tilespmem:s29+$0xFFFFFF10];
	p2 =	slt.u32 s28, $0x4C;
	[tilespmem:s0+$0xB0] =	vst v1;
	v1 =	vmax.f32 v2, $0.0e+00  }
0x93: {  	v2 =	vld [tilespmem:s29+$0xFFFFFF20];
	[tilespmem:s0+$0xC0] =	vst v1;
	v1 =	vmax.f32 v3, $0.0e+00  }
0x94: {  	v3 =	vld [tilespmem:s29+$0xFFFFFF30];
	[tilespmem:s0+$0xD0] =	vst v1;
	v1 =	vmax.f32 v4, $0.0e+00  }
0x95: {  	v4 =	vld [tilespmem:s29+$0xFFFFFF40];
	v5 =	vmax.f32 v5, $0.0e+00;
	[tilespmem:s0+$0xE0] =	vst v1  }
0x96: {  	v1 =	vld [tilespmem:s29+$0xFFFFFF50];
	v7 =	vmax.f32 v7, $0.0e+00;
	[tilespmem:s0+$0xFFFFFF00] =	vst v5;
	s0 =	smov.u32 s29  }
0x97: {  	v5 =	vmax.f32 v6, $0.0e+00;
	v6 =	vld [tilespmem:s29+$0xFFFFFF60];
	[tilespmem:s29+$0xF0] =	vst v7  }
0x98: {  	[tilespmem:s29+$0xFFFFFF10] =	vst v5;
	v2 =	vmax.f32 v2, $0.0e+00;
	v5 =	vld [tilespmem:s29+$0xFFFFFF70]  }
0x99: {  	[tilespmem:s29+$0xFFFFFF20] =	vst v2;
	v2 =	vmax.f32 v3, $0.0e+00;
	v3 =	vld [tilespmem:s29+$0xFFFFFF80]  }
0x9a: {  	[tilespmem:s29+$0xFFFFFF30] =	vst v2;
	v2 =	vmax.f32 v4, $0.0e+00;
	v4 =	vld [tilespmem:s29+$0xFFFFFF90]  }
0x9b: {  	[tilespmem:s29+$0xFFFFFF40] =	vst v2;
	v1 =	vmax.f32 v1, $0.0e+00;
	v2 =	vld [tilespmem:s29+$0xFFFFFFA0]  }
0x9c: {  	[tilespmem:s29+$0xFFFFFF50] =	vst v1;
	v1 =	vmax.f32 v6, $0.0e+00;
	v6 =	vld [tilespmem:s29+$0xFFFFFFB0]  }
0x9d: {  	[tilespmem:s29+$0xFFFFFF60] =	vst v1;
	v1 =	vmax.f32 v5, $0.0e+00;
	v5 =	vld [tilespmem:s29+$0xFFFFFFC0]  }
0x9e: {  	[tilespmem:s29+$0xFFFFFF70] =	vst v1;
	v1 =	vmax.f32 v3, $0.0e+00;
	v3 =	vld [tilespmem:s29+$0xFFFFFFD0]  }
0x9f: {  	[tilespmem:s29+$0xFFFFFF80] =	vst v1;
	v1 =	vmax.f32 v4, $0.0e+00;
	v4 =	vld [tilespmem:s29+$0xFFFFFFE0]  }
0xa0: {  	[tilespmem:s29+$0xFFFFFF90] =	vst v1;
	v1 =	vmax.f32 v2, $0.0e+00;
	v2 =	vld [tilespmem:s29+$0xFFFFFFF0]  }
0xa1: {  	[tilespmem:s29+$0xFFFFFFA0] =	vst v1;
	v1 =	vmax.f32 v6, $0.0e+00;
	v6 =	vld [tilespmem:s29+$0x0]  }
0xa2: {  	[tilespmem:s29+$0xFFFFFFB0] =	vst v1;
	v1 =	vmax.f32 v5, $0.0e+00;
	v5 =	vld [tilespmem:s29+$0x10]  }
0xa3: {  	[tilespmem:s29+$0xFFFFFFC0] =	vst v1;
	v1 =	vmax.f32 v3, $0.0e+00;
	v3 =	vld [tilespmem:s29+$0x20]  }
0xa4: {  	[tilespmem:s29+$0xFFFFFFD0] =	vst v1;
	v1 =	vmax.f32 v4, $0.0e+00;
	v4 =	vld [tilespmem:s29+$0x30]  }
0xa5: {  	[tilespmem:s29+$0xFFFFFFE0] =	vst v1;
	v1 =	vmax.f32 v2, $0.0e+00;
	v2 =	vld [tilespmem:s29+$0x40]  }
0xa6: {  	[tilespmem:s29+$0xFFFFFFF0] =	vst v1;
	v1 =	vmax.f32 v6, $0.0e+00;
	v6 =	vld [tilespmem:s29+$0x50]  }
0xa7: {  	[tilespmem:s29+$0x0] =	vst v1;
	v1 =	vmax.f32 v5, $0.0e+00;
	v5 =	vld [tilespmem:s29+$0x60]  }
0xa8: {  	[tilespmem:s29+$0x10] =	vst v1;
	v1 =	vmax.f32 v3, $0.0e+00;
	v3 =	vld [tilespmem:s29+$0x70]  }
0xa9: {  	[tilespmem:s29+$0x20] =	vst v1;
	v1 =	vmax.f32 v4, $0.0e+00;
	v4 =	vld [tilespmem:s29+$0x80]  }
0xaa: {  	[tilespmem:s29+$0x30] =	vst v1;
	v1 =	vmax.f32 v2, $0.0e+00;
	v7 =	vld [tilespmem:s29+$0x90]  }
0xab: {  	[tilespmem:s29+$0x40] =	vst v1;
	v1 =	vmax.f32 v6, $0.0e+00;
	v6 =	vld [tilespmem:s29+$0xA0]  }
.Ltmp6:
0xac: {  	[tilespmem:s29+$0x50] =	vst v1;
	v2 =	vmax.f32 v5, $0.0e+00;
	v1 =	vld [tilespmem:s29+$0xB0];
	(pc) =	sbr.rel @p2 .LBB2_9-.Ltmp6, $4  }
0xad: {  	[tilespmem:s29+$0x60] =	vst v2;
	v3 =	vmax.f32 v3, $0.0e+00;
	v2 =	vld [tilespmem:s29+$0xC0]  }
0xae: {  	[tilespmem:s29+$0x70] =	vst v3;
	v4 =	vmax.f32 v4, $0.0e+00;
	v3 =	vld [tilespmem:s29+$0xD0]  }
0xaf: {  	[tilespmem:s29+$0x80] =	vst v4;
	v7 =	vmax.f32 v7, $0.0e+00;
	v4 =	vld [tilespmem:s29+$0xE0]  }
0xb0: {  	s29 =	sadd.s32 $0x200, s29;
	v5 =	vld [tilespmem:s0+$0xFFFFFF00];
	[tilespmem:s0+$0x90] =	vst v7;
	v6 =	vmax.f32 v6, $0.0e+00  }
0xb1: {  	[tilespmem:s0+$0xA0] =	vst v6;
	v1 =	vmax.f32 v1, $0.0e+00  }
0xb2: {  	p2 =	sgt.u32 s21, $0x1E;
	[tilespmem:s0+$0xB0] =	vst v1;
	v1 =	vmax.f32 v2, $0.0e+00  }
.Ltmp7:
0xb3: {  	[tilespmem:s0+$0xC0] =	vst v1;
	v1 =	vmax.f32 v3, $0.0e+00;
	(pc) =	sbr.rel @p2 .LBB2_16-.Ltmp7, $4  }
0xb4: {  	[tilespmem:s0+$0xD0] =	vst v1;
	v1 =	vmax.f32 v4, $0.0e+00  }
0xb5: {  	v2 =	vmax.f32 v5, $0.0e+00;
	[tilespmem:s0+$0xE0] =	vst v1  }
0xb6: {  	[tilespmem:s0+$0xFFFFFF00] =	vst v2  }
0xb7: {  	[spmem:s2] =	stream.indirect.scatter.add.f32 [tilespmem:s23], [sflag:$0xD], $0x80, s25, s31, $0xb8;
	[tilespmem:$0x1DC80] =	vst v63  }
0xb8: {  	s0 =	sor.u32 @!p4 $0x3, s13  }
0xb9: {  	p5 =	sgt.u32 @!p4 s0, $0x7C  }
0xba: {  	p5 =	por p4, !p5  }
.Ltmp8:
0xbb: {  	_ = 	snop;
	(pc) =	sbr.rel @!p5 .LBB2_13-.Ltmp8, $4  }
0xbc: {  	s28 =	simm.s32 @!p4 $0x10  }
0xbd: {  	_ =	swait.ge @!p4 [sflag:s28], $0x2800  }
0xbe: {  	[sflag:s28] =	ssyncset.done @!p4 $0x0  }
0xbf: {  	[sflag:s28] =	ssyncadd.s32 @!p4 $0xFFFFD800  }
0xc0: {  	s0 =	simm.s32 @p4 $0x3  }
0xc1: {  	s0 =	smul.u32 $0x50, s0;
	_ =	sdelay $0x1  }
0xc2: {  	s0 =	sadd.s32 s10, s0  }
0xc3: {  	s13 =	sshrl.u32 s0, $0x3  }
0xc4: {  	s14 =	simm.s32 $0x180;
	s28 =	sadd.s32 s4, s13  }
0xc5: {  	[tilespmem:s14], [sflag:$0x4] =	stream.linear.gather [hbm4b:s28+s3], $0x50, $0x38;
	[tilespmem:$0x1DC80] =	vst v63  }
0xc6: {  	s29 =	simm.s32 $0x380;
	s0 =	sshll.u32 s0, $0x4;
	s13 =	sadd.s32 s6, s13  }
0xc7: {  	[tilespmem:s29], [sflag:$0x4] =	stream.linear.gather [hbm4b:s13+s3], $0x50, $0x38;
	[tilespmem:$0x1DC80] =	vst v63  }
0xc8: {  	s0 =	sadd.s32 s7, s0  }
0xc9: {  	[tilespmem:s15], [sflag:$0x8] =	stream.linear.gather [hbm4b:s0+s3], $0x2800, $0x38;
	[tilespmem:$0x1DC80] =	vst v63  }
.LBB2_13:
0xca: {  	s0 =	simm.s32 @p3 $0x3  }
0xcb: {  	_ =	swait.ge @p3 [sflag:s0], $0x50  }
0xcc: {  	[sflag:s0] =	ssyncset.done @p3 $0x0  }
0xcd: {  	[sflag:s0] =	ssyncadd.s32 @p3 $0xFFFFFFB0  }
0xce: {  	_ =	swait.ge @p3 [sflag:s0], $0x50  }
0xcf: {  	[sflag:s0] =	ssyncset.done @p3 $0x0  }
0xd0: {  	[sflag:s0] =	ssyncadd.s32 @p3 $0xFFFFFFB0;
	s0 =	simm.s32 @p3 $0x7  }
0xd1: {  	_ =	swait.ge @p3 [sflag:s0], $0x2800  }
0xd2: {  	s13 =	simm.s32 @p3 $0x100;
	[sflag:s0] =	ssyncset.done @p3 $0x0  }
0xd3: {  	s28 =	simm.s32 @p3 $0x5400;
	[sflag:s0] =	ssyncadd.s32 @p3 $0xFFFFD800;
	s0 =	simm.s32 @p3 $0x50  }
0xd4: {  	[tilespmem:s28], [sflag:$0xB] =	stream.indirect.gather.add.f32 @p3 [hbm:s1], $0x80, s13, s0, $0xb8;
	[tilespmem:$0x1DC80] =	vst v63  }
0xd5: {  	_ =	swait.ge [sflag:s16], $0x2800  }
0xd6: {  	[sflag:s16] =	ssyncset.done $0x0  }
0xd7: {  	s0 =	simm.s32 $0x2D00;
	[sflag:s16] =	ssyncadd.s32 $0xFFFFD800  }
0xd8: {  	v1 =	vld [tilespmem:s0+$0xFFFFFF10]  }
0xd9: {  	v7 =	vld [tilespmem:s0+$0xF0]  }
0xda: {  	v2 =	vld [tilespmem:s0+$0xFFFFFF20]  }
0xdb: {  	v8 =	vld [tilespmem:s0+$0xFFFFFF80]  }
0xdc: {  	v3 =	vld [tilespmem:s0+$0xFFFFFF30]  }
0xdd: {  	v9 =	vld [tilespmem:s0+$0xFFFFFF90];
	v1 =	vmax.f32 v1, $0.0e+00  }
0xde: {  	v4 =	vld [tilespmem:s0+$0xFFFFFF40];
	v7 =	vmax.f32 v7, $0.0e+00;
	[tilespmem:s0+$0xFFFFFF10] =	vst v1  }
0xdf: {  	v5 =	vld [tilespmem:s0+$0xFFFFFF50];
	v2 =	vmax.f32 v2, $0.0e+00;
	[tilespmem:s0+$0xF0] =	vst v7  }
0xe0: {  	v6 =	vld [tilespmem:s0+$0xFFFFFF60];
	[tilespmem:s0+$0xFFFFFF20] =	vst v2;
	v2 =	vmax.f32 v8, $0.0e+00  }
0xe1: {  	v1 =	vld [tilespmem:s0+$0xFFFFFF70];
	[tilespmem:s0+$0xFFFFFF80] =	vst v2;
	v2 =	vmax.f32 v3, $0.0e+00  }
0xe2: {  	v10 =	vld [tilespmem:s0+$0xFFFFFFA0];
	[tilespmem:s0+$0xFFFFFF30] =	vst v2;
	v2 =	vmax.f32 v9, $0.0e+00  }
0xe3: {  	v11 =	vld [tilespmem:s0+$0xFFFFFFB0];
	[tilespmem:s0+$0xFFFFFF90] =	vst v2;
	v2 =	vmax.f32 v4, $0.0e+00  }
0xe4: {  	v7 =	vld [tilespmem:s0+$0xFFFFFFC0];
	[tilespmem:s0+$0xFFFFFF40] =	vst v2;
	v2 =	vmax.f32 v5, $0.0e+00  }
0xe5: {  	v5 =	vld [tilespmem:s0+$0x0];
	[tilespmem:s0+$0xFFFFFF50] =	vst v2;
	v2 =	vmax.f32 v6, $0.0e+00  }
0xe6: {  	v8 =	vld [tilespmem:s0+$0xFFFFFFD0];
	v1 =	vmax.f32 v1, $0.0e+00;
	[tilespmem:s0+$0xFFFFFF60] =	vst v2  }
0xe7: {  	v2 =	vld [tilespmem:s0+$0x10];
	[tilespmem:s0+$0xFFFFFF70] =	vst v1;
	v1 =	vmax.f32 v10, $0.0e+00  }
0xe8: {  	v3 =	vld [tilespmem:s0+$0xFFFFFFE0];
	[tilespmem:s0+$0xFFFFFFA0] =	vst v1;
	v1 =	vmax.f32 v11, $0.0e+00  }
0xe9: {  	v4 =	vld [tilespmem:s0+$0xFFFFFFF0];
	[tilespmem:s0+$0xFFFFFFB0] =	vst v1;
	v1 =	vmax.f32 v7, $0.0e+00  }
0xea: {  	v6 =	vld [tilespmem:s0+$0x20];
	[tilespmem:s0+$0xFFFFFFC0] =	vst v1;
	v1 =	vmax.f32 v5, $0.0e+00  }
0xeb: {  	v5 =	vld [tilespmem:s0+$0x50];
	[tilespmem:s0+$0x0] =	vst v1;
	v1 =	vmax.f32 v8, $0.0e+00  }
0xec: {  	v63 =	vld [tilespmem:s0+$0x30];
	[tilespmem:s0+$0xFFFFFFD0] =	vst v1;
	v1 =	vmax.f32 v2, $0.0e+00  }
0xed: {  	v7 =	vld [tilespmem:s0+$0x40];
	[tilespmem:s0+$0x10] =	vst v1;
	v1 =	vmax.f32 v3, $0.0e+00  }
0xee: {  	v2 =	vld [tilespmem:s0+$0x60];
	[tilespmem:s0+$0xFFFFFFE0] =	vst v1;
	v1 =	vmax.f32 v4, $0.0e+00  }
0xef: {  	v3 =	vld [tilespmem:s0+$0x80];
	[tilespmem:s0+$0xFFFFFFF0] =	vst v1;
	v1 =	vmax.f32 v6, $0.0e+00  }
0xf0: {  	v4 =	vld [tilespmem:s0+$0x70];
	v5 =	vmax.f32 v5, $0.0e+00;
	[tilespmem:s0+$0x20] =	vst v1  }
0xf1: {  	v6 =	vld [tilespmem:s0+$0x90];
	v1 =	vmax.f32 v63, $0.0e+00;
	[tilespmem:s0+$0x50] =	vst v5  }
0xf2: {  	[tilespmem:s0+$0x30] =	vst v1;
	v1 =	vmax.f32 v7, $0.0e+00;
	v7 =	vld [tilespmem:s0+$0xA0]  }
0xf3: {  	v5 =	vmax.f32 v2, $0.0e+00;
	[tilespmem:s0+$0x40] =	vst v1;
	v1 =	vld [tilespmem:s0+$0xB0]  }
0xf4: {  	v2 =	vld [tilespmem:s0+$0xC0];
	[tilespmem:s0+$0x60] =	vst v5;
	v5 =	vmax.f32 v3, $0.0e+00  }
0xf5: {  	v3 =	vld [tilespmem:s0+$0xD0];
	v4 =	vmax.f32 v4, $0.0e+00;
	[tilespmem:s0+$0x80] =	vst v5  }
0xf6: {  	[tilespmem:s0+$0x70] =	vst v4;
	v6 =	vmax.f32 v6, $0.0e+00;
	v4 =	vld [tilespmem:s0+$0xE0]  }
0xf7: {  	s13 =	simm.s32 $0x0;
	s28 =	simm.s32 $0x2F00;
	v5 =	vld [tilespmem:s0+$0xFFFFFF00];
	[tilespmem:s0+$0x90] =	vst v6;
	v6 =	vmax.f32 v7, $0.0e+00  }
.LBB2_14:
0xf8: {  	v7 =	vld [tilespmem:s28+$0xF0];
	s13 =	sadd.s32 $0x4, s13;
	[tilespmem:s0+$0xA0] =	vst v6;
	v1 =	vmax.f32 v1, $0.0e+00  }
0xf9: {  	v6 =	vld [tilespmem:s28+$0xFFFFFF10];
	p4 =	slt.u32 s13, $0x4C;
	[tilespmem:s0+$0xB0] =	vst v1;
	v1 =	vmax.f32 v2, $0.0e+00  }
0xfa: {  	v2 =	vld [tilespmem:s28+$0xFFFFFF20];
	[tilespmem:s0+$0xC0] =	vst v1;
	v1 =	vmax.f32 v3, $0.0e+00  }
0xfb: {  	v3 =	vld [tilespmem:s28+$0xFFFFFF30];
	[tilespmem:s0+$0xD0] =	vst v1;
	v1 =	vmax.f32 v4, $0.0e+00  }
0xfc: {  	v4 =	vld [tilespmem:s28+$0xFFFFFF40];
	v5 =	vmax.f32 v5, $0.0e+00;
	[tilespmem:s0+$0xE0] =	vst v1  }
0xfd: {  	v1 =	vld [tilespmem:s28+$0xFFFFFF50];
	v7 =	vmax.f32 v7, $0.0e+00;
	[tilespmem:s0+$0xFFFFFF00] =	vst v5;
	s0 =	smov.u32 s28  }
0xfe: {  	v5 =	vmax.f32 v6, $0.0e+00;
	v6 =	vld [tilespmem:s28+$0xFFFFFF60];
	[tilespmem:s28+$0xF0] =	vst v7  }
0xff: {  	[tilespmem:s28+$0xFFFFFF10] =	vst v5;
	v2 =	vmax.f32 v2, $0.0e+00;
	v5 =	vld [tilespmem:s28+$0xFFFFFF70]  }
0x100: {  	[tilespmem:s28+$0xFFFFFF20] =	vst v2;
	v2 =	vmax.f32 v3, $0.0e+00;
	v3 =	vld [tilespmem:s28+$0xFFFFFF80]  }
0x101: {  	[tilespmem:s28+$0xFFFFFF30] =	vst v2;
	v2 =	vmax.f32 v4, $0.0e+00;
	v4 =	vld [tilespmem:s28+$0xFFFFFF90]  }
0x102: {  	[tilespmem:s28+$0xFFFFFF40] =	vst v2;
	v1 =	vmax.f32 v1, $0.0e+00;
	v2 =	vld [tilespmem:s28+$0xFFFFFFA0]  }
0x103: {  	[tilespmem:s28+$0xFFFFFF50] =	vst v1;
	v1 =	vmax.f32 v6, $0.0e+00;
	v6 =	vld [tilespmem:s28+$0xFFFFFFB0]  }
0x104: {  	[tilespmem:s28+$0xFFFFFF60] =	vst v1;
	v1 =	vmax.f32 v5, $0.0e+00;
	v5 =	vld [tilespmem:s28+$0xFFFFFFC0]  }
0x105: {  	[tilespmem:s28+$0xFFFFFF70] =	vst v1;
	v1 =	vmax.f32 v3, $0.0e+00;
	v3 =	vld [tilespmem:s28+$0xFFFFFFD0]  }
0x106: {  	[tilespmem:s28+$0xFFFFFF80] =	vst v1;
	v1 =	vmax.f32 v4, $0.0e+00;
	v4 =	vld [tilespmem:s28+$0xFFFFFFE0]  }
0x107: {  	[tilespmem:s28+$0xFFFFFF90] =	vst v1;
	v1 =	vmax.f32 v2, $0.0e+00;
	v2 =	vld [tilespmem:s28+$0xFFFFFFF0]  }
0x108: {  	[tilespmem:s28+$0xFFFFFFA0] =	vst v1;
	v1 =	vmax.f32 v6, $0.0e+00;
	v6 =	vld [tilespmem:s28+$0x0]  }
0x109: {  	[tilespmem:s28+$0xFFFFFFB0] =	vst v1;
	v1 =	vmax.f32 v5, $0.0e+00;
	v5 =	vld [tilespmem:s28+$0x10]  }
0x10a: {  	[tilespmem:s28+$0xFFFFFFC0] =	vst v1;
	v1 =	vmax.f32 v3, $0.0e+00;
	v3 =	vld [tilespmem:s28+$0x20]  }
0x10b: {  	[tilespmem:s28+$0xFFFFFFD0] =	vst v1;
	v1 =	vmax.f32 v4, $0.0e+00;
	v4 =	vld [tilespmem:s28+$0x30]  }
0x10c: {  	[tilespmem:s28+$0xFFFFFFE0] =	vst v1;
	v1 =	vmax.f32 v2, $0.0e+00;
	v2 =	vld [tilespmem:s28+$0x40]  }
0x10d: {  	[tilespmem:s28+$0xFFFFFFF0] =	vst v1;
	v1 =	vmax.f32 v6, $0.0e+00;
	v6 =	vld [tilespmem:s28+$0x50]  }
0x10e: {  	[tilespmem:s28+$0x0] =	vst v1;
	v1 =	vmax.f32 v5, $0.0e+00;
	v5 =	vld [tilespmem:s28+$0x60]  }
0x10f: {  	[tilespmem:s28+$0x10] =	vst v1;
	v1 =	vmax.f32 v3, $0.0e+00;
	v3 =	vld [tilespmem:s28+$0x70]  }
0x110: {  	[tilespmem:s28+$0x20] =	vst v1;
	v1 =	vmax.f32 v4, $0.0e+00;
	v4 =	vld [tilespmem:s28+$0x80]  }
0x111: {  	[tilespmem:s28+$0x30] =	vst v1;
	v1 =	vmax.f32 v2, $0.0e+00;
	v7 =	vld [tilespmem:s28+$0x90]  }
0x112: {  	[tilespmem:s28+$0x40] =	vst v1;
	v1 =	vmax.f32 v6, $0.0e+00;
	v6 =	vld [tilespmem:s28+$0xA0]  }
.Ltmp9:
0x113: {  	[tilespmem:s28+$0x50] =	vst v1;
	v2 =	vmax.f32 v5, $0.0e+00;
	v1 =	vld [tilespmem:s28+$0xB0];
	(pc) =	sbr.rel @p4 .LBB2_14-.Ltmp9, $4  }
0x114: {  	[tilespmem:s28+$0x60] =	vst v2;
	v3 =	vmax.f32 v3, $0.0e+00;
	v2 =	vld [tilespmem:s28+$0xC0]  }
0x115: {  	[tilespmem:s28+$0x70] =	vst v3;
	v4 =	vmax.f32 v4, $0.0e+00;
	v3 =	vld [tilespmem:s28+$0xD0]  }
0x116: {  	[tilespmem:s28+$0x80] =	vst v4;
	v7 =	vmax.f32 v7, $0.0e+00;
	v4 =	vld [tilespmem:s28+$0xE0]  }
0x117: {  	s28 =	sadd.s32 $0x200, s28;
	v5 =	vld [tilespmem:s0+$0xFFFFFF00];
	[tilespmem:s0+$0x90] =	vst v7;
	v6 =	vmax.f32 v6, $0.0e+00  }
0x118: {  	[tilespmem:s0+$0xA0] =	vst v6;
	v1 =	vmax.f32 v1, $0.0e+00  }
0x119: {  	[tilespmem:s0+$0xB0] =	vst v1;
	v1 =	vmax.f32 v2, $0.0e+00  }
0x11a: {  	[tilespmem:s0+$0xC0] =	vst v1;
	v1 =	vmax.f32 v3, $0.0e+00  }
0x11b: {  	[tilespmem:s0+$0xD0] =	vst v1;
	v1 =	vmax.f32 v4, $0.0e+00  }
0x11c: {  	v2 =	vmax.f32 v5, $0.0e+00;
	[tilespmem:s0+$0xE0] =	vst v1  }
0x11d: {  	s29 =	simm.s32 $0x280;
	s13 =	simm.s32 $0x2C00;
	[tilespmem:s0+$0xFFFFFF00] =	vst v2  }
0x11e: {  	[spmem:s2] =	stream.indirect.scatter.add.f32 [tilespmem:s13], [sflag:$0xE], $0x80, s29, s31, $0xb8;
	[tilespmem:$0x1DC80] =	vst v63  }
.LBB2_16:
.Ltmp10:
0x11f: {  	(pc) =	sbr.rel @!p3 .LBB2_20-.Ltmp10, $1  }
0x120: {  	_ =	sdelay $0x3  }
0x121: {  	s0 =	smul.u32 @!p1 $0x140, s21;
	_ =	sdelay $0x1  }
0x122: {  	_ =	swait.ge [sflag:s17], $0x2800;
	s0 =	sadd.s32 @!p1 s0, s18  }
0x123: {  	[sflag:s17] =	ssyncset.done $0x0;
	s13 =	sshrl.u32 @!p1 s0, $0x3  }
0x124: {  	s29 =	simm.s32 @!p1 $0x0;
	[sflag:s17] =	ssyncadd.s32 $0xFFFFD800;
	s28 =	sadd.s32 @!p1 s4, s13  }
0x125: {  	[tilespmem:s29], [sflag:$0x1] =	stream.linear.gather @!p1 [hbm4b:s28+s29], $0x50, $0x38;
	[tilespmem:$0x1DC80] =	vst v63  }
0x126: {  	s0 =	sshll.u32 @!p1 s0, $0x4;
	s13 =	sadd.s32 @!p1 s6, s13;
	s28 =	simm.s32 @!p1 $0x200  }
0x127: {  	[tilespmem:s28], [sflag:$0x1] =	stream.linear.gather @!p1 [hbm4b:s13+s29], $0x50, $0x38;
	[tilespmem:$0x1DC80] =	vst v63  }
0x128: {  	s0 =	sadd.s32 @!p1 s7, s0;
	s13 =	simm.s32 @!p1 $0x400  }
0x129: {  	[tilespmem:s13], [sflag:$0x5] =	stream.linear.gather @!p1 [hbm4b:s0+s29], $0x2800, $0x38;
	[tilespmem:$0x1DC80] =	vst v63  }
0x12a: {  	s0 =	simm.s32 @!p1 $0x4  }
0x12b: {  	_ =	swait.ge @!p1 [sflag:s0], $0x50  }
0x12c: {  	[sflag:s0] =	ssyncset.done @!p1 $0x0  }
0x12d: {  	[sflag:s0] =	ssyncadd.s32 @!p1 $0xFFFFFFB0  }
0x12e: {  	_ =	swait.ge @!p1 [sflag:s0], $0x50  }
0x12f: {  	[sflag:s0] =	ssyncset.done @!p1 $0x0  }
0x130: {  	[sflag:s0] =	ssyncadd.s32 @!p1 $0xFFFFFFB0;
	s0 =	simm.s32 @!p1 $0x8  }
0x131: {  	_ =	swait.ge @!p1 [sflag:s0], $0x2800  }
0x132: {  	s28 =	simm.s32 @!p1 $0x7C00;
	[sflag:s0] =	ssyncset.done @!p1 $0x0  }
0x133: {  	s13 =	simm.s32 @!p1 $0x180;
	[sflag:s0] =	ssyncadd.s32 @!p1 $0xFFFFD800;
	s0 =	simm.s32 @!p1 $0x50  }
0x134: {  	[tilespmem:s28], [sflag:$0xC] =	stream.indirect.gather.add.f32 @!p1 [hbm:s1], $0x80, s13, s0, $0xb8;
	[tilespmem:$0x1DC80] =	vst v63  }
0x135: {  	_ =	swait.ge [sflag:s20], $0x2800  }
0x136: {  	[sflag:s20] =	ssyncset.done $0x0  }
0x137: {  	s0 =	simm.s32 $0x5500;
	[sflag:s20] =	ssyncadd.s32 $0xFFFFD800  }
0x138: {  	v1 =	vld [tilespmem:s0+$0xFFFFFF10]  }
0x139: {  	v7 =	vld [tilespmem:s0+$0xF0]  }
0x13a: {  	v2 =	vld [tilespmem:s0+$0xFFFFFF20]  }
0x13b: {  	v8 =	vld [tilespmem:s0+$0xFFFFFF80]  }
0x13c: {  	v3 =	vld [tilespmem:s0+$0xFFFFFF30]  }
0x13d: {  	v9 =	vld [tilespmem:s0+$0xFFFFFF90];
	v1 =	vmax.f32 v1, $0.0e+00  }
0x13e: {  	v4 =	vld [tilespmem:s0+$0xFFFFFF40];
	v7 =	vmax.f32 v7, $0.0e+00;
	[tilespmem:s0+$0xFFFFFF10] =	vst v1  }
0x13f: {  	v5 =	vld [tilespmem:s0+$0xFFFFFF50];
	v2 =	vmax.f32 v2, $0.0e+00;
	[tilespmem:s0+$0xF0] =	vst v7  }
0x140: {  	v6 =	vld [tilespmem:s0+$0xFFFFFF60];
	[tilespmem:s0+$0xFFFFFF20] =	vst v2;
	v2 =	vmax.f32 v8, $0.0e+00  }
0x141: {  	v1 =	vld [tilespmem:s0+$0xFFFFFF70];
	[tilespmem:s0+$0xFFFFFF80] =	vst v2;
	v2 =	vmax.f32 v3, $0.0e+00  }
0x142: {  	v10 =	vld [tilespmem:s0+$0xFFFFFFA0];
	[tilespmem:s0+$0xFFFFFF30] =	vst v2;
	v2 =	vmax.f32 v9, $0.0e+00  }
0x143: {  	v11 =	vld [tilespmem:s0+$0xFFFFFFB0];
	[tilespmem:s0+$0xFFFFFF90] =	vst v2;
	v2 =	vmax.f32 v4, $0.0e+00  }
0x144: {  	v7 =	vld [tilespmem:s0+$0xFFFFFFC0];
	[tilespmem:s0+$0xFFFFFF40] =	vst v2;
	v2 =	vmax.f32 v5, $0.0e+00  }
0x145: {  	v5 =	vld [tilespmem:s0+$0x0];
	[tilespmem:s0+$0xFFFFFF50] =	vst v2;
	v2 =	vmax.f32 v6, $0.0e+00  }
0x146: {  	v8 =	vld [tilespmem:s0+$0xFFFFFFD0];
	v1 =	vmax.f32 v1, $0.0e+00;
	[tilespmem:s0+$0xFFFFFF60] =	vst v2  }
0x147: {  	v2 =	vld [tilespmem:s0+$0x10];
	[tilespmem:s0+$0xFFFFFF70] =	vst v1;
	v1 =	vmax.f32 v10, $0.0e+00  }
0x148: {  	v3 =	vld [tilespmem:s0+$0xFFFFFFE0];
	[tilespmem:s0+$0xFFFFFFA0] =	vst v1;
	v1 =	vmax.f32 v11, $0.0e+00  }
0x149: {  	v4 =	vld [tilespmem:s0+$0xFFFFFFF0];
	[tilespmem:s0+$0xFFFFFFB0] =	vst v1;
	v1 =	vmax.f32 v7, $0.0e+00  }
0x14a: {  	v6 =	vld [tilespmem:s0+$0x20];
	[tilespmem:s0+$0xFFFFFFC0] =	vst v1;
	v1 =	vmax.f32 v5, $0.0e+00  }
0x14b: {  	v5 =	vld [tilespmem:s0+$0x50];
	[tilespmem:s0+$0x0] =	vst v1;
	v1 =	vmax.f32 v8, $0.0e+00  }
0x14c: {  	v63 =	vld [tilespmem:s0+$0x30];
	[tilespmem:s0+$0xFFFFFFD0] =	vst v1;
	v1 =	vmax.f32 v2, $0.0e+00  }
0x14d: {  	v7 =	vld [tilespmem:s0+$0x40];
	[tilespmem:s0+$0x10] =	vst v1;
	v1 =	vmax.f32 v3, $0.0e+00  }
0x14e: {  	v2 =	vld [tilespmem:s0+$0x60];
	[tilespmem:s0+$0xFFFFFFE0] =	vst v1;
	v1 =	vmax.f32 v4, $0.0e+00  }
0x14f: {  	v3 =	vld [tilespmem:s0+$0x80];
	[tilespmem:s0+$0xFFFFFFF0] =	vst v1;
	v1 =	vmax.f32 v6, $0.0e+00  }
0x150: {  	v4 =	vld [tilespmem:s0+$0x70];
	v5 =	vmax.f32 v5, $0.0e+00;
	[tilespmem:s0+$0x20] =	vst v1  }
0x151: {  	v6 =	vld [tilespmem:s0+$0x90];
	v1 =	vmax.f32 v63, $0.0e+00;
	[tilespmem:s0+$0x50] =	vst v5  }
0x152: {  	[tilespmem:s0+$0x30] =	vst v1;
	v1 =	vmax.f32 v7, $0.0e+00;
	v7 =	vld [tilespmem:s0+$0xA0]  }
0x153: {  	v5 =	vmax.f32 v2, $0.0e+00;
	[tilespmem:s0+$0x40] =	vst v1;
	v1 =	vld [tilespmem:s0+$0xB0]  }
0x154: {  	v2 =	vld [tilespmem:s0+$0xC0];
	[tilespmem:s0+$0x60] =	vst v5;
	v5 =	vmax.f32 v3, $0.0e+00  }
0x155: {  	v3 =	vld [tilespmem:s0+$0xD0];
	v4 =	vmax.f32 v4, $0.0e+00;
	[tilespmem:s0+$0x80] =	vst v5  }
0x156: {  	[tilespmem:s0+$0x70] =	vst v4;
	v6 =	vmax.f32 v6, $0.0e+00;
	v4 =	vld [tilespmem:s0+$0xE0]  }
0x157: {  	s13 =	simm.s32 $0x0;
	s28 =	simm.s32 $0x5700;
	v5 =	vld [tilespmem:s0+$0xFFFFFF00];
	[tilespmem:s0+$0x90] =	vst v6;
	v6 =	vmax.f32 v7, $0.0e+00  }
.LBB2_18:
0x158: {  	v7 =	vld [tilespmem:s28+$0xF0];
	s13 =	sadd.s32 $0x4, s13;
	[tilespmem:s0+$0xA0] =	vst v6;
	v1 =	vmax.f32 v1, $0.0e+00  }
0x159: {  	v6 =	vld [tilespmem:s28+$0xFFFFFF10];
	p1 =	slt.u32 s13, $0x4C;
	[tilespmem:s0+$0xB0] =	vst v1;
	v1 =	vmax.f32 v2, $0.0e+00  }
0x15a: {  	v2 =	vld [tilespmem:s28+$0xFFFFFF20];
	[tilespmem:s0+$0xC0] =	vst v1;
	v1 =	vmax.f32 v3, $0.0e+00  }
0x15b: {  	v3 =	vld [tilespmem:s28+$0xFFFFFF30];
	[tilespmem:s0+$0xD0] =	vst v1;
	v1 =	vmax.f32 v4, $0.0e+00  }
0x15c: {  	v4 =	vld [tilespmem:s28+$0xFFFFFF40];
	v5 =	vmax.f32 v5, $0.0e+00;
	[tilespmem:s0+$0xE0] =	vst v1  }
0x15d: {  	v1 =	vld [tilespmem:s28+$0xFFFFFF50];
	v7 =	vmax.f32 v7, $0.0e+00;
	[tilespmem:s0+$0xFFFFFF00] =	vst v5;
	s0 =	smov.u32 s28  }
0x15e: {  	v5 =	vmax.f32 v6, $0.0e+00;
	v6 =	vld [tilespmem:s28+$0xFFFFFF60];
	[tilespmem:s28+$0xF0] =	vst v7  }
0x15f: {  	[tilespmem:s28+$0xFFFFFF10] =	vst v5;
	v2 =	vmax.f32 v2, $0.0e+00;
	v5 =	vld [tilespmem:s28+$0xFFFFFF70]  }
0x160: {  	[tilespmem:s28+$0xFFFFFF20] =	vst v2;
	v2 =	vmax.f32 v3, $0.0e+00;
	v3 =	vld [tilespmem:s28+$0xFFFFFF80]  }
0x161: {  	[tilespmem:s28+$0xFFFFFF30] =	vst v2;
	v2 =	vmax.f32 v4, $0.0e+00;
	v4 =	vld [tilespmem:s28+$0xFFFFFF90]  }
0x162: {  	[tilespmem:s28+$0xFFFFFF40] =	vst v2;
	v1 =	vmax.f32 v1, $0.0e+00;
	v2 =	vld [tilespmem:s28+$0xFFFFFFA0]  }
0x163: {  	[tilespmem:s28+$0xFFFFFF50] =	vst v1;
	v1 =	vmax.f32 v6, $0.0e+00;
	v6 =	vld [tilespmem:s28+$0xFFFFFFB0]  }
0x164: {  	[tilespmem:s28+$0xFFFFFF60] =	vst v1;
	v1 =	vmax.f32 v5, $0.0e+00;
	v5 =	vld [tilespmem:s28+$0xFFFFFFC0]  }
0x165: {  	[tilespmem:s28+$0xFFFFFF70] =	vst v1;
	v1 =	vmax.f32 v3, $0.0e+00;
	v3 =	vld [tilespmem:s28+$0xFFFFFFD0]  }
0x166: {  	[tilespmem:s28+$0xFFFFFF80] =	vst v1;
	v1 =	vmax.f32 v4, $0.0e+00;
	v4 =	vld [tilespmem:s28+$0xFFFFFFE0]  }
0x167: {  	[tilespmem:s28+$0xFFFFFF90] =	vst v1;
	v1 =	vmax.f32 v2, $0.0e+00;
	v2 =	vld [tilespmem:s28+$0xFFFFFFF0]  }
0x168: {  	[tilespmem:s28+$0xFFFFFFA0] =	vst v1;
	v1 =	vmax.f32 v6, $0.0e+00;
	v6 =	vld [tilespmem:s28+$0x0]  }
0x169: {  	[tilespmem:s28+$0xFFFFFFB0] =	vst v1;
	v1 =	vmax.f32 v5, $0.0e+00;
	v5 =	vld [tilespmem:s28+$0x10]  }
0x16a: {  	[tilespmem:s28+$0xFFFFFFC0] =	vst v1;
	v1 =	vmax.f32 v3, $0.0e+00;
	v3 =	vld [tilespmem:s28+$0x20]  }
0x16b: {  	[tilespmem:s28+$0xFFFFFFD0] =	vst v1;
	v1 =	vmax.f32 v4, $0.0e+00;
	v4 =	vld [tilespmem:s28+$0x30]  }
0x16c: {  	[tilespmem:s28+$0xFFFFFFE0] =	vst v1;
	v1 =	vmax.f32 v2, $0.0e+00;
	v2 =	vld [tilespmem:s28+$0x40]  }
0x16d: {  	[tilespmem:s28+$0xFFFFFFF0] =	vst v1;
	v1 =	vmax.f32 v6, $0.0e+00;
	v6 =	vld [tilespmem:s28+$0x50]  }
0x16e: {  	[tilespmem:s28+$0x0] =	vst v1;
	v1 =	vmax.f32 v5, $0.0e+00;
	v5 =	vld [tilespmem:s28+$0x60]  }
0x16f: {  	[tilespmem:s28+$0x10] =	vst v1;
	v1 =	vmax.f32 v3, $0.0e+00;
	v3 =	vld [tilespmem:s28+$0x70]  }
0x170: {  	[tilespmem:s28+$0x20] =	vst v1;
	v1 =	vmax.f32 v4, $0.0e+00;
	v4 =	vld [tilespmem:s28+$0x80]  }
0x171: {  	[tilespmem:s28+$0x30] =	vst v1;
	v1 =	vmax.f32 v2, $0.0e+00;
	v7 =	vld [tilespmem:s28+$0x90]  }
0x172: {  	[tilespmem:s28+$0x40] =	vst v1;
	v1 =	vmax.f32 v6, $0.0e+00;
	v6 =	vld [tilespmem:s28+$0xA0]  }
.Ltmp11:
0x173: {  	[tilespmem:s28+$0x50] =	vst v1;
	v2 =	vmax.f32 v5, $0.0e+00;
	v1 =	vld [tilespmem:s28+$0xB0];
	(pc) =	sbr.rel @p1 .LBB2_18-.Ltmp11, $4  }
0x174: {  	[tilespmem:s28+$0x60] =	vst v2;
	v3 =	vmax.f32 v3, $0.0e+00;
	v2 =	vld [tilespmem:s28+$0xC0]  }
0x175: {  	[tilespmem:s28+$0x70] =	vst v3;
	v4 =	vmax.f32 v4, $0.0e+00;
	v3 =	vld [tilespmem:s28+$0xD0]  }
0x176: {  	[tilespmem:s28+$0x80] =	vst v4;
	v7 =	vmax.f32 v7, $0.0e+00;
	v4 =	vld [tilespmem:s28+$0xE0]  }
0x177: {  	s28 =	sadd.s32 $0x200, s28;
	v5 =	vld [tilespmem:s0+$0xFFFFFF00];
	[tilespmem:s0+$0x90] =	vst v7;
	v6 =	vmax.f32 v6, $0.0e+00  }
0x178: {  	[tilespmem:s0+$0xA0] =	vst v6;
	v1 =	vmax.f32 v1, $0.0e+00  }
0x179: {  	[tilespmem:s0+$0xB0] =	vst v1;
	v1 =	vmax.f32 v2, $0.0e+00  }
0x17a: {  	[tilespmem:s0+$0xC0] =	vst v1;
	v1 =	vmax.f32 v3, $0.0e+00  }
0x17b: {  	[tilespmem:s0+$0xD0] =	vst v1;
	v1 =	vmax.f32 v4, $0.0e+00  }
0x17c: {  	v2 =	vmax.f32 v5, $0.0e+00;
	[tilespmem:s0+$0xE0] =	vst v1  }
0x17d: {  	[tilespmem:s0+$0xFFFFFF00] =	vst v2  }
0x17e: {  	[spmem:s2] =	stream.indirect.scatter.add.f32 [tilespmem:s26], [sflag:$0xF], $0x80, s5, s31, $0xb8;
	[tilespmem:$0x1DC80] =	vst v63  }
.LBB2_20:
.Ltmp12:
0x17f: {  	(pc) =	sbr.rel @p2 .LBB2_24-.Ltmp12, $1  }
0x180: {  	_ =	sdelay $0x3  }
0x181: {  	p1 =	seq.s32 s21, $0x1E  }
0x182: {  	s0 =	smul.u32 @!p1 $0x140, s21;
	_ =	sdelay $0x1  }
0x183: {  	_ =	swait.ge [sflag:s22], $0x2800;
	s0 =	sadd.s32 @!p1 s0, s19  }
0x184: {  	[sflag:s22] =	ssyncset.done $0x0;
	s29 =	simm.s32 @!p1 $0x0;
	s13 =	sshrl.u32 @!p1 s0, $0x3  }
0x185: {  	s14 =	simm.s32 @!p1 $0x80;
	[sflag:s22] =	ssyncadd.s32 $0xFFFFD800;
	s28 =	sadd.s32 @!p1 s4, s13  }
0x186: {  	[tilespmem:s14], [sflag:$0x2] =	stream.linear.gather @!p1 [hbm4b:s28+s29], $0x50, $0x38;
	[tilespmem:$0x1DC80] =	vst v63  }
0x187: {  	s0 =	sshll.u32 @!p1 s0, $0x4;
	s13 =	sadd.s32 @!p1 s6, s13;
	s14 =	simm.s32 @!p1 $0x280  }
0x188: {  	[tilespmem:s14], [sflag:$0x2] =	stream.linear.gather @!p1 [hbm4b:s13+s29], $0x50, $0x38;
	[tilespmem:$0x1DC80] =	vst v63  }
0x189: {  	s0 =	sadd.s32 @!p1 s7, s0;
	s13 =	simm.s32 @!p1 $0x2C00  }
0x18a: {  	[tilespmem:s13], [sflag:$0x6] =	stream.linear.gather @!p1 [hbm4b:s0+s29], $0x2800, $0x38;
	[tilespmem:$0x1DC80] =	vst v63  }
0x18b: {  	_ =	swait.ge [sflag:s30], $0x50  }
0x18c: {  	[sflag:s30] =	ssyncset.done $0x0  }
0x18d: {  	[sflag:s30] =	ssyncadd.s32 $0xFFFFFFB0  }
0x18e: {  	_ =	swait.ge [sflag:s30], $0x50  }
0x18f: {  	[sflag:s30] =	ssyncset.done $0x0  }
0x190: {  	[sflag:s30] =	ssyncadd.s32 $0xFFFFFFB0  }
0x191: {  	_ =	swait.ge [sflag:s11], $0x2800  }
0x192: {  	[sflag:s11] =	ssyncset.done $0x0  }
0x193: {  	[sflag:s11] =	ssyncadd.s32 $0xFFFFD800  }
0x194: {  	[tilespmem:s23], [sflag:$0x9] =	stream.indirect.gather.add.f32 [hbm:s1], $0x80, s3, s31, $0xb8;
	[tilespmem:$0x1DC80] =	vst v63  }
0x195: {  	_ =	swait.ge [sflag:s9], $0x2800  }
0x196: {  	[sflag:s9] =	ssyncset.done $0x0  }
0x197: {  	s0 =	simm.s32 $0x7D00;
	[sflag:s9] =	ssyncadd.s32 $0xFFFFD800  }
0x198: {  	v1 =	vld [tilespmem:s0+$0xFFFFFF10]  }
0x199: {  	v7 =	vld [tilespmem:s0+$0xF0]  }
0x19a: {  	v2 =	vld [tilespmem:s0+$0xFFFFFF20]  }
0x19b: {  	v8 =	vld [tilespmem:s0+$0xFFFFFF80]  }
0x19c: {  	v3 =	vld [tilespmem:s0+$0xFFFFFF30]  }
0x19d: {  	v9 =	vld [tilespmem:s0+$0xFFFFFF90];
	v1 =	vmax.f32 v1, $0.0e+00  }
0x19e: {  	v4 =	vld [tilespmem:s0+$0xFFFFFF40];
	v7 =	vmax.f32 v7, $0.0e+00;
	[tilespmem:s0+$0xFFFFFF10] =	vst v1  }
0x19f: {  	v5 =	vld [tilespmem:s0+$0xFFFFFF50];
	v2 =	vmax.f32 v2, $0.0e+00;
	[tilespmem:s0+$0xF0] =	vst v7  }
0x1a0: {  	v6 =	vld [tilespmem:s0+$0xFFFFFF60];
	[tilespmem:s0+$0xFFFFFF20] =	vst v2;
	v2 =	vmax.f32 v8, $0.0e+00  }
0x1a1: {  	v1 =	vld [tilespmem:s0+$0xFFFFFF70];
	[tilespmem:s0+$0xFFFFFF80] =	vst v2;
	v2 =	vmax.f32 v3, $0.0e+00  }
0x1a2: {  	v10 =	vld [tilespmem:s0+$0xFFFFFFA0];
	[tilespmem:s0+$0xFFFFFF30] =	vst v2;
	v2 =	vmax.f32 v9, $0.0e+00  }
0x1a3: {  	v11 =	vld [tilespmem:s0+$0xFFFFFFB0];
	[tilespmem:s0+$0xFFFFFF90] =	vst v2;
	v2 =	vmax.f32 v4, $0.0e+00  }
0x1a4: {  	v7 =	vld [tilespmem:s0+$0xFFFFFFC0];
	[tilespmem:s0+$0xFFFFFF40] =	vst v2;
	v2 =	vmax.f32 v5, $0.0e+00  }
0x1a5: {  	v5 =	vld [tilespmem:s0+$0x0];
	[tilespmem:s0+$0xFFFFFF50] =	vst v2;
	v2 =	vmax.f32 v6, $0.0e+00  }
0x1a6: {  	v8 =	vld [tilespmem:s0+$0xFFFFFFD0];
	v1 =	vmax.f32 v1, $0.0e+00;
	[tilespmem:s0+$0xFFFFFF60] =	vst v2  }
0x1a7: {  	v2 =	vld [tilespmem:s0+$0x10];
	[tilespmem:s0+$0xFFFFFF70] =	vst v1;
	v1 =	vmax.f32 v10, $0.0e+00  }
0x1a8: {  	v3 =	vld [tilespmem:s0+$0xFFFFFFE0];
	[tilespmem:s0+$0xFFFFFFA0] =	vst v1;
	v1 =	vmax.f32 v11, $0.0e+00  }
0x1a9: {  	v4 =	vld [tilespmem:s0+$0xFFFFFFF0];
	[tilespmem:s0+$0xFFFFFFB0] =	vst v1;
	v1 =	vmax.f32 v7, $0.0e+00  }
0x1aa: {  	v6 =	vld [tilespmem:s0+$0x20];
	[tilespmem:s0+$0xFFFFFFC0] =	vst v1;
	v1 =	vmax.f32 v5, $0.0e+00  }
0x1ab: {  	v5 =	vld [tilespmem:s0+$0x50];
	[tilespmem:s0+$0x0] =	vst v1;
	v1 =	vmax.f32 v8, $0.0e+00  }
0x1ac: {  	v63 =	vld [tilespmem:s0+$0x30];
	[tilespmem:s0+$0xFFFFFFD0] =	vst v1;
	v1 =	vmax.f32 v2, $0.0e+00  }
0x1ad: {  	v7 =	vld [tilespmem:s0+$0x40];
	[tilespmem:s0+$0x10] =	vst v1;
	v1 =	vmax.f32 v3, $0.0e+00  }
0x1ae: {  	v2 =	vld [tilespmem:s0+$0x60];
	[tilespmem:s0+$0xFFFFFFE0] =	vst v1;
	v1 =	vmax.f32 v4, $0.0e+00  }
0x1af: {  	v3 =	vld [tilespmem:s0+$0x80];
	[tilespmem:s0+$0xFFFFFFF0] =	vst v1;
	v1 =	vmax.f32 v6, $0.0e+00  }
0x1b0: {  	v4 =	vld [tilespmem:s0+$0x70];
	v5 =	vmax.f32 v5, $0.0e+00;
	[tilespmem:s0+$0x20] =	vst v1  }
0x1b1: {  	v6 =	vld [tilespmem:s0+$0x90];
	v1 =	vmax.f32 v63, $0.0e+00;
	[tilespmem:s0+$0x50] =	vst v5  }
0x1b2: {  	[tilespmem:s0+$0x30] =	vst v1;
	v1 =	vmax.f32 v7, $0.0e+00;
	v7 =	vld [tilespmem:s0+$0xA0]  }
0x1b3: {  	v5 =	vmax.f32 v2, $0.0e+00;
	[tilespmem:s0+$0x40] =	vst v1;
	v1 =	vld [tilespmem:s0+$0xB0]  }
0x1b4: {  	v2 =	vld [tilespmem:s0+$0xC0];
	[tilespmem:s0+$0x60] =	vst v5;
	v5 =	vmax.f32 v3, $0.0e+00  }
0x1b5: {  	v3 =	vld [tilespmem:s0+$0xD0];
	v4 =	vmax.f32 v4, $0.0e+00;
	[tilespmem:s0+$0x80] =	vst v5  }
0x1b6: {  	[tilespmem:s0+$0x70] =	vst v4;
	v6 =	vmax.f32 v6, $0.0e+00;
	v4 =	vld [tilespmem:s0+$0xE0]  }
0x1b7: {  	s28 =	simm.s32 $0x7F00;
	s13 =	simm.s32 $0x0;
	v5 =	vld [tilespmem:s0+$0xFFFFFF00];
	[tilespmem:s0+$0x90] =	vst v6;
	v6 =	vmax.f32 v7, $0.0e+00  }
.LBB2_22:
0x1b8: {  	v7 =	vld [tilespmem:s28+$0xF0];
	s13 =	sadd.s32 $0x4, s13;
	[tilespmem:s0+$0xA0] =	vst v6;
	v1 =	vmax.f32 v1, $0.0e+00  }
0x1b9: {  	v6 =	vld [tilespmem:s28+$0xFFFFFF10];
	p1 =	slt.u32 s13, $0x4C;
	[tilespmem:s0+$0xB0] =	vst v1;
	v1 =	vmax.f32 v2, $0.0e+00  }
0x1ba: {  	v2 =	vld [tilespmem:s28+$0xFFFFFF20];
	[tilespmem:s0+$0xC0] =	vst v1;
	v1 =	vmax.f32 v3, $0.0e+00  }
0x1bb: {  	v3 =	vld [tilespmem:s28+$0xFFFFFF30];
	[tilespmem:s0+$0xD0] =	vst v1;
	v1 =	vmax.f32 v4, $0.0e+00  }
0x1bc: {  	v4 =	vld [tilespmem:s28+$0xFFFFFF40];
	v5 =	vmax.f32 v5, $0.0e+00;
	[tilespmem:s0+$0xE0] =	vst v1  }
0x1bd: {  	v1 =	vld [tilespmem:s28+$0xFFFFFF50];
	v7 =	vmax.f32 v7, $0.0e+00;
	[tilespmem:s0+$0xFFFFFF00] =	vst v5;
	s0 =	smov.u32 s28  }
0x1be: {  	v5 =	vmax.f32 v6, $0.0e+00;
	v6 =	vld [tilespmem:s28+$0xFFFFFF60];
	[tilespmem:s28+$0xF0] =	vst v7  }
0x1bf: {  	[tilespmem:s28+$0xFFFFFF10] =	vst v5;
	v2 =	vmax.f32 v2, $0.0e+00;
	v5 =	vld [tilespmem:s28+$0xFFFFFF70]  }
0x1c0: {  	[tilespmem:s28+$0xFFFFFF20] =	vst v2;
	v2 =	vmax.f32 v3, $0.0e+00;
	v3 =	vld [tilespmem:s28+$0xFFFFFF80]  }
0x1c1: {  	[tilespmem:s28+$0xFFFFFF30] =	vst v2;
	v2 =	vmax.f32 v4, $0.0e+00;
	v4 =	vld [tilespmem:s28+$0xFFFFFF90]  }
0x1c2: {  	[tilespmem:s28+$0xFFFFFF40] =	vst v2;
	v1 =	vmax.f32 v1, $0.0e+00;
	v2 =	vld [tilespmem:s28+$0xFFFFFFA0]  }
0x1c3: {  	[tilespmem:s28+$0xFFFFFF50] =	vst v1;
	v1 =	vmax.f32 v6, $0.0e+00;
	v6 =	vld [tilespmem:s28+$0xFFFFFFB0]  }
0x1c4: {  	[tilespmem:s28+$0xFFFFFF60] =	vst v1;
	v1 =	vmax.f32 v5, $0.0e+00;
	v5 =	vld [tilespmem:s28+$0xFFFFFFC0]  }
0x1c5: {  	[tilespmem:s28+$0xFFFFFF70] =	vst v1;
	v1 =	vmax.f32 v3, $0.0e+00;
	v3 =	vld [tilespmem:s28+$0xFFFFFFD0]  }
0x1c6: {  	[tilespmem:s28+$0xFFFFFF80] =	vst v1;
	v1 =	vmax.f32 v4, $0.0e+00;
	v4 =	vld [tilespmem:s28+$0xFFFFFFE0]  }
0x1c7: {  	[tilespmem:s28+$0xFFFFFF90] =	vst v1;
	v1 =	vmax.f32 v2, $0.0e+00;
	v2 =	vld [tilespmem:s28+$0xFFFFFFF0]  }
0x1c8: {  	[tilespmem:s28+$0xFFFFFFA0] =	vst v1;
	v1 =	vmax.f32 v6, $0.0e+00;
	v6 =	vld [tilespmem:s28+$0x0]  }
0x1c9: {  	[tilespmem:s28+$0xFFFFFFB0] =	vst v1;
	v1 =	vmax.f32 v5, $0.0e+00;
	v5 =	vld [tilespmem:s28+$0x10]  }
0x1ca: {  	[tilespmem:s28+$0xFFFFFFC0] =	vst v1;
	v1 =	vmax.f32 v3, $0.0e+00;
	v3 =	vld [tilespmem:s28+$0x20]  }
0x1cb: {  	[tilespmem:s28+$0xFFFFFFD0] =	vst v1;
	v1 =	vmax.f32 v4, $0.0e+00;
	v4 =	vld [tilespmem:s28+$0x30]  }
0x1cc: {  	[tilespmem:s28+$0xFFFFFFE0] =	vst v1;
	v1 =	vmax.f32 v2, $0.0e+00;
	v2 =	vld [tilespmem:s28+$0x40]  }
0x1cd: {  	[tilespmem:s28+$0xFFFFFFF0] =	vst v1;
	v1 =	vmax.f32 v6, $0.0e+00;
	v6 =	vld [tilespmem:s28+$0x50]  }
0x1ce: {  	[tilespmem:s28+$0x0] =	vst v1;
	v1 =	vmax.f32 v5, $0.0e+00;
	v5 =	vld [tilespmem:s28+$0x60]  }
0x1cf: {  	[tilespmem:s28+$0x10] =	vst v1;
	v1 =	vmax.f32 v3, $0.0e+00;
	v3 =	vld [tilespmem:s28+$0x70]  }
0x1d0: {  	[tilespmem:s28+$0x20] =	vst v1;
	v1 =	vmax.f32 v4, $0.0e+00;
	v4 =	vld [tilespmem:s28+$0x80]  }
0x1d1: {  	[tilespmem:s28+$0x30] =	vst v1;
	v1 =	vmax.f32 v2, $0.0e+00;
	v7 =	vld [tilespmem:s28+$0x90]  }
0x1d2: {  	[tilespmem:s28+$0x40] =	vst v1;
	v1 =	vmax.f32 v6, $0.0e+00;
	v6 =	vld [tilespmem:s28+$0xA0]  }
.Ltmp13:
0x1d3: {  	[tilespmem:s28+$0x50] =	vst v1;
	v2 =	vmax.f32 v5, $0.0e+00;
	v1 =	vld [tilespmem:s28+$0xB0];
	(pc) =	sbr.rel @p1 .LBB2_22-.Ltmp13, $4  }
0x1d4: {  	[tilespmem:s28+$0x60] =	vst v2;
	v3 =	vmax.f32 v3, $0.0e+00;
	v2 =	vld [tilespmem:s28+$0xC0]  }
0x1d5: {  	[tilespmem:s28+$0x70] =	vst v3;
	v4 =	vmax.f32 v4, $0.0e+00;
	v3 =	vld [tilespmem:s28+$0xD0]  }
0x1d6: {  	[tilespmem:s28+$0x80] =	vst v4;
	v7 =	vmax.f32 v7, $0.0e+00;
	v4 =	vld [tilespmem:s28+$0xE0]  }
0x1d7: {  	s28 =	sadd.s32 $0x200, s28;
	v5 =	vld [tilespmem:s0+$0xFFFFFF00];
	[tilespmem:s0+$0x90] =	vst v7;
	v6 =	vmax.f32 v6, $0.0e+00  }
0x1d8: {  	[tilespmem:s0+$0xA0] =	vst v6;
	v1 =	vmax.f32 v1, $0.0e+00  }
0x1d9: {  	[tilespmem:s0+$0xB0] =	vst v1;
	v1 =	vmax.f32 v2, $0.0e+00  }
.Ltmp14:
0x1da: {  	[tilespmem:s0+$0xC0] =	vst v1;
	v1 =	vmax.f32 v3, $0.0e+00;
	(pc) =	sbr.rel .LBB2_24-.Ltmp14, $4  }
0x1db: {  	[tilespmem:s0+$0xD0] =	vst v1;
	v1 =	vmax.f32 v4, $0.0e+00  }
0x1dc: {  	v2 =	vmax.f32 v5, $0.0e+00;
	[tilespmem:s0+$0xE0] =	vst v1  }
0x1dd: {  	s29 =	simm.s32 $0x380;
	[tilespmem:s0+$0xFFFFFF00] =	vst v2  }
0x1de: {  	[spmem:s2] =	stream.indirect.scatter.add.f32 [tilespmem:s15], [sflag:$0x10], $0x80, s29, s31, $0xb8;
	[tilespmem:$0x1DC80] =	vst v63  }
.LBB2_25:
0x1df: {  	s0 =	simm.s32 $0x10  }
0x1e0: {  	_ =	swait.ge [sflag:s0], $0x2800  }
0x1e1: {  	[sflag:s0] =	ssyncset.done $0x0  }
0x1e2: {  	[sflag:s0] =	ssyncadd.s32 $0xFFFFD800  }
0x1e3: {  	_ =	swait.ge [sflag:s17], $0x2800  }
0x1e4: {  	[sflag:s17] =	ssyncset.done $0x0  }
0x1e5: {  	[sflag:s17] =	ssyncadd.s32 $0xFFFFD800  }
0x1e6: {  	[bflag:$0x0] =	sbarrier.arrive $0xFFFF  }
0x1e7: {  	s21 =	rddreg [dreg:$0xc]  }
0x1e8: {  	[tilespmem:s23], [sflag:$0x11] =	stream.linear.gather [spmem:s21], $0x2800, $0x38;
	[tilespmem:$0x1DC80] =	vst v63  }
0x1e9: {  	_ =	swait.ge [sflag:s24], $0x2800  }
0x1ea: {  	s13 =	rddreg [dreg:$0xd]  }
0x1eb: {  	[sflag:s24] =	ssyncset.done $0x0;
	s29 =	sshrl.u32 s13, $0x3  }
.Ltmp15:
0x1ec: {  	[sflag:s24] =	ssyncadd.s32 $0xFFFFD800;
	s0 =	sadd.s32 s8, s29;
	(pc) =	sbr.rel @!p0 .LBB2_27-.Ltmp15, $4  }
0x1ed: {  	[hbm4b:s0+s3] =	stream.linear.scatter [tilespmem:s23], [sflag:$0x11], $0x2800, $0x38;
	[tilespmem:$0x1DC80] =	vst v63  }
0x1ee: {  	_ =	swait.ge [sflag:s24], $0x2800  }
0x1ef: {  	s28 =	rddreg [dreg:$0x4]  }
0x1f0: {  	[sflag:s24] =	ssyncset.done $0x0;
	s0 =	sadd.s32 $0xFFFFFFFF, s28  }
.LBB2_26:
0x1f1: {  	[sflag:s24] =	ssyncadd.s32 $0xFFFFD800;
	s13 =	sadd.s32 $0x2800, s13;
	s21 =	sadd.s32 $0x2800, s21  }
0x1f2: {  	[tilespmem:s23], [sflag:$0x11] =	stream.linear.gather [spmem:s21], $0x2800, $0x38;
	[tilespmem:$0x1DC80] =	vst v63  }
0x1f3: {  	p0 =	sne.s32 s0, $0x1;
	s0 =	sadd.s32 $0xFFFFFFFF, s0;
	_ =	swait.ge [sflag:s24], $0x2800  }
.Ltmp16:
0x1f4: {  	s14 =	sshrl.u32 s13, $0x3;
	[sflag:s24] =	ssyncset.done $0x0;
	(pc) =	sbr.rel @p0 .LBB2_26-.Ltmp16, $4  }
0x1f5: {  	s14 =	sadd.s32 s8, s14;
	[sflag:s24] =	ssyncadd.s32 $0xFFFFD800  }
0x1f6: {  	[hbm4b:s14+s3] =	stream.linear.scatter [tilespmem:s23], [sflag:$0x11], $0x2800, $0x38;
	[tilespmem:$0x1DC80] =	vst v63  }
0x1f7: {  	_ =	swait.ge [sflag:s24], $0x2800  }
0x1f8: {  	[sflag:s24] =	ssyncset.done $0x0  }
.LBB2_27:
0x1f9: {  	s13 =	rddreg [dreg:$0xe]  }
0x1fa: {  	s0 =	rddreg [dreg:$0xb];
	s13 =	sadd.s32 $0x1, s13  }
0x1fb: {  	p0 =	sne.s32 s13, s0  }
.Ltmp17:
0x1fc: {  	_ = 	snop;
	(pc) =	sbr.rel @p0 .LBB2_1-.Ltmp17, $2  }
0x1fd: {  	_ =	sdelay $0x2  }
0x1fe: {  	[sflag:s24] =	ssyncadd.s32 $0xFFFFD800  }
0x1ff: {  	_ =	sfence.sel $0x180000  }
0x200: {  	[bflag:$0x0] =	sbarrier.arrive $0xFFFF  }
0x201: {  	_ =	strace $0x90000047  }
0x202: {  	s0 =	stileid.u32;
	[bflag:$0x2] =	sbarrier.arrive $0xFFFF  }
0x203: {  	p0 =	sne.s32 s0, $0x0;
	s0 =	rddreg [dreg:$0x3]  }
0x204: {  	s0 =	sadd.s32 @!p0 $0x100000, s0  }
0x205: {  	[sflag:s0] =	ssyncadd.tile.s32 @!p0 $0x1;
	_ =	shalt  }
.Lfunc_end2:
_tile_overlayer_lowered:
.L_overlay_start_2:
0x206: {  	(tag) =	ssettag $0x2  }
0x207: {  	s0 =	rddreg [dreg:$0x0];
	s2 =	stileid.u32  }
0x208: {  	s1 =	rddreg [dreg:$0x1];
	p0 =	sne.s32 s2, $0x0  }
0x209: {  	s3 =	rddreg [dreg:$0x2];
	[bflag:$0x3] =	sbarrier.arrive $0xFFFF;
	s2 =	simm.s32 @!p0 $0x1C11  }
0x20a: {  	[timem:s3], [sflag:s2] =	dma.local @!p0 [hbm:s0], s1  }
0x20b: {  	s0 =	simm.s32 @!p0 $0x11  }
0x20c: {  	_ =	swait.ge @!p0 [sflag:s0], s1  }
0x20d: {  	s1 =	ssub.s32 @!p0 $0x0, s1;
	[sflag:s0] =	ssyncset.done @!p0 $0x0  }
0x20e: {  	[sflag:s0] =	ssyncadd.s32 @!p0 s1  }
0x20f: {  	[bflag:$0x3] =	sbarrier.arrive $0xFFFF  }
0x210: {  	_ =	shalt  }

</sc_bundles>
